<compile_context>
chip_gen: v7x
topology: tpu7x:2x2x1
jax: 0.10.2.dev20260603
libtpu: 0.0.44.dev20260713+nightly
codegen_flags: <defaults>
</compile_context>

<pallas_src>
import functools

import jax
import jax.numpy as jnp
from jax import lax
from jax.experimental import pallas as pl
from jax.experimental.pallas import tpu as pltpu
from jax.experimental.pallas import tpu_sc as plsc

N_NODES = 10000
D = 128
E_EDGES = 320000

NC = 2
NS = 16
NW = NC * NS

K = 128
E_PAD = 327680
NCHUNK = E_PAD // (NW * K)
TOT_CHUNKS = E_PAD // K
CF = 80
CS = 80
PHF = 40
PHS = 40
TOT_REAL = E_EDGES // K
N_PAD = 10240
RPT = N_PAD // NS

DEG_R = 8

BLK = 2048
GRID_M = N_PAD // BLK


def _mesh():
    return plsc.VectorSubcoreMesh(core_axis_name="c", subcore_axis_name="s")



def _deg_body(dsti_hbm, out_hbm, dst_idx, hist, comb, sh):
    c = lax.axis_index("c")
    s = lax.axis_index("s")
    wid = s * NC + c
    r0 = s * RPT
    pltpu.sync_copy(dsti_hbm.at[wid], dst_idx)
    z = jnp.zeros((16,), jnp.float32)

    def zb(i, carry):
        hist[pl.ds(i * 16, 16)] = z
        return carry

    lax.fori_loop(0, N_PAD // 16, zb, 0)
    ones = jnp.ones((16,), jnp.float32)

    def sb(j, carry):
        iv = dst_idx[j // 8, pl.ds((j % 8) * 16, 16)]
        plsc.addupdate_scatter(hist, [iv], ones)
        return carry

    lax.fori_loop(0, NCHUNK * 8, sb, 0)

    pltpu.sync_copy(hist, sh.at[s])
    plsc.subcore_barrier()
    pltpu.sync_copy(sh.at[0, pl.ds(r0, RPT)], comb)

    def cb(t, carry):
        pltpu.sync_copy(sh.at[t, pl.ds(r0, RPT)], hist.at[pl.ds(0, RPT)])

        def addb(i, carry2):
            comb[pl.ds(i * 16, 16)] += hist[pl.ds(i * 16, 16)]
            return carry2

        lax.fori_loop(0, RPT // 16, addb, 0)
        return carry

    lax.fori_loop(1, NS, cb, 0)
    pltpu.sync_copy(comb, out_hbm.at[c, pl.ds(r0, RPT)])


@functools.cache
def _deg_call():
    return pl.kernel(
        _deg_body,
        out_type=jax.ShapeDtypeStruct((NC, N_PAD), jnp.float32),
        mesh=_mesh(),
        compiler_params=pltpu.CompilerParams(needs_layout_passes=False),
        scratch_types=[
            pltpu.VMEM((NCHUNK, K), jnp.int32),
            pltpu.VMEM((N_PAD,), jnp.float32),
            pltpu.VMEM((RPT,), jnp.float32),
            pltpu.VMEM_SHARED((NS, N_PAD), jnp.float32),
        ],
    )


def _agg_body(g_hbm, srci_hbm, dsti_hbm, zeros_hbm, out_hbm,
              src_idx, dst_idx, rows0, rows1, acc, sem0, sem1):
    c = lax.axis_index("c")
    s = lax.axis_index("s")
    r0 = s * RPT

    @pl.when(c == 0)
    def _():
        pltpu.sync_copy(g_hbm.at[pl.ds(r0, RPT)], acc.at[pl.ds(r0, RPT)])

    @pl.when(c == 1)
    def _():
        pltpu.sync_copy(zeros_hbm.at[pl.ds(r0, RPT)], acc.at[pl.ds(r0, RPT)])

    plsc.subcore_barrier()

    rows = (rows0, rows1)
    sems = (sem0, sem1)

    def gather(j, b):
        return pltpu.make_async_copy(g_hbm.at[src_idx.at[j]], rows[b], sems[b])

    def run(base, hc, nph):
        for phase in range(nph):
            off = pl.multiple_of(base + phase * hc, 8)
            pltpu.sync_copy(srci_hbm.at[pl.ds(off, hc)],
                            src_idx.at[pl.ds(0, hc)])
            pltpu.sync_copy(dsti_hbm.at[pl.ds(off, hc)],
                            dst_idx.at[pl.ds(0, hc)])
            gather(0, 0).start()

            def step(j, b):
                @pl.when(j + 1 < hc)
                def _():
                    gather(j + 1, 1 - b).start()

                gather(j, b).wait()
                pltpu.sync_copy(rows[b], acc.at[dst_idx.at[j]], add=True)

            def body(j2, carry):
                step(2 * j2, 0)
                step(2 * j2 + 1, 1)
                return carry

            lax.fori_loop(0, hc // 2, body, 0)

    @pl.when(c == 0)
    def _():
        run(s * CF, PHF, CF // PHF)

    if CS:
        @pl.when(c == 1)
        def _():
            run(NS * CF + s * CS, PHS, CS // PHS)

    plsc.subcore_barrier()
    pltpu.sync_copy(acc.at[pl.ds(r0, RPT)], out_hbm.at[c, pl.ds(r0, RPT)])


@functools.cache
def _agg_call():
    return pl.kernel(
        _agg_body,
        out_type=jax.ShapeDtypeStruct((NC, N_PAD, D), jnp.float32),
        mesh=_mesh(),
        scratch_types=[
            pltpu.VMEM((PHF, K), jnp.int32),
            pltpu.VMEM((PHF, K), jnp.int32),
            pltpu.VMEM((K, D), jnp.float32),
            pltpu.VMEM((K, D), jnp.float32),
            pltpu.VMEM_SHARED((N_PAD, D), jnp.float32),
            pltpu.SemaphoreType.DMA,
            pltpu.SemaphoreType.DMA,
        ],
    )



def _pack_body(ei_ref, srcp_ref, dstp_ref):
    srcp_ref[0:TOT_REAL] = ei_ref[0]
    dstp_ref[0:TOT_REAL] = ei_ref[1]
    r = jax.lax.broadcasted_iota(jnp.int32, (TOT_CHUNKS - TOT_REAL, K), 0)
    cc = jax.lax.broadcasted_iota(jnp.int32, (TOT_CHUNKS - TOT_REAL, K), 1)
    g = r * K + cc
    srcp_ref[TOT_REAL:TOT_CHUNKS] = g % N_PAD
    dstp_ref[TOT_REAL:TOT_CHUNKS] = N_NODES + g % (N_PAD - N_NODES)


def _pack_call(ei3d):
    return pl.pallas_call(
        _pack_body,
        out_shape=[
            jax.ShapeDtypeStruct((TOT_CHUNKS, K), jnp.int32),
            jax.ShapeDtypeStruct((TOT_CHUNKS, K), jnp.int32),
        ],
    )(ei3d)

def _mm1_body(deg_ref, x_ref, w_ref, g_ref, dis_ref):
    deg = (deg_ref[0] + deg_ref[1]).reshape(BLK, 1)
    dis8 = jnp.broadcast_to(lax.rsqrt(deg + 1.0), (BLK, DEG_R))
    dis_ref[...] = dis8
    dis1 = dis8[:, 0:1]
    g_ref[...] = dis1 * jnp.dot(x_ref[...], w_ref[...],
                                preferred_element_type=jnp.float32)


def _mm1_call(deg2, x_pad, w):
    return pl.pallas_call(
        _mm1_body,
        grid=(GRID_M,),
        in_specs=[
            pl.BlockSpec((NC, BLK), lambda i: (0, i)),
            pl.BlockSpec((BLK, D), lambda i: (i, 0)),
            pl.BlockSpec((D, D), lambda i: (0, 0)),
        ],
        out_specs=[
            pl.BlockSpec((BLK, D), lambda i: (i, 0)),
            pl.BlockSpec((BLK, DEG_R), lambda i: (i, 0)),
        ],
        out_shape=[
            jax.ShapeDtypeStruct((N_PAD, D), jnp.float32),
            jax.ShapeDtypeStruct((N_PAD, DEG_R), jnp.float32),
        ],
    )(deg2, x_pad, w)


def _mid_body(acc_ref, dis_ref, b_ref, w_ref, g_ref):
    a = acc_ref[0] + acc_ref[1]
    dis1 = dis_ref[...][:, 0:1]
    h = jnp.maximum(dis1 * a + b_ref[...], 0.0)
    g_ref[...] = dis1 * jnp.dot(h, w_ref[...],
                                preferred_element_type=jnp.float32)


def _mid_call(acc, dis8, b, w):
    return pl.pallas_call(
        _mid_body,
        grid=(GRID_M,),
        in_specs=[
            pl.BlockSpec((NC, BLK, D), lambda i: (0, i, 0)),
            pl.BlockSpec((BLK, DEG_R), lambda i: (i, 0)),
            pl.BlockSpec((1, D), lambda i: (0, 0)),
            pl.BlockSpec((D, D), lambda i: (0, 0)),
        ],
        out_specs=pl.BlockSpec((BLK, D), lambda i: (i, 0)),
        out_shape=jax.ShapeDtypeStruct((N_PAD, D), jnp.float32),
    )(acc, dis8, b, w)


def _fin_body(acc_ref, dis_ref, b_ref, o_ref):
    a = acc_ref[0] + acc_ref[1]
    v = dis_ref[...][:, 0:1] * a + b_ref[...]
    m = jnp.max(v, axis=1, keepdims=True)
    z = v - m
    lse = jnp.log(jnp.sum(jnp.exp(z), axis=1, keepdims=True))
    o_ref[...] = z - lse


FBLK = 2000


def _fin_call(acc, dis8, b):
    return pl.pallas_call(
        _fin_body,
        grid=(N_NODES // FBLK,),
        in_specs=[
            pl.BlockSpec((NC, FBLK, D), lambda i: (0, i, 0)),
            pl.BlockSpec((FBLK, DEG_R), lambda i: (i, 0)),
            pl.BlockSpec((1, D), lambda i: (0, 0)),
        ],
        out_specs=pl.BlockSpec((FBLK, D), lambda i: (i, 0)),
        out_shape=jax.ShapeDtypeStruct((N_NODES, D), jnp.float32),
    )(acc, dis8, b)



def kernel(x, edge_index, W1, b1, W2, b2, W3, b3):
    srcp, dstp = _pack_call(edge_index.reshape(2, TOT_REAL, K))
    dstw = dstp.reshape(NW, NCHUNK, K)

    x_pad = jnp.pad(x, ((0, N_PAD - N_NODES), (0, 0)))
    zeros = jnp.zeros((N_PAD, D), jnp.float32)

    deg2 = _deg_call()(dstw)
    g, dis8 = _mm1_call(deg2, x_pad, W1)
    agg = _agg_call()
    acc = agg(g, srcp, dstp, zeros)
    g = _mid_call(acc, dis8, b1.reshape(1, D), W2)
    acc = agg(g, srcp, dstp, zeros)
    g = _mid_call(acc, dis8, b2.reshape(1, D), W3)
    acc = agg(g, srcp, dstp, zeros)
    return _fin_call(acc, dis8, b3.reshape(1, D))

# --- scband reference (transcript-rebuilt; emitter-appended) ---
"""Pipeline reference for scband-gcn-hidden-6090263626387 (READ-ONLY COPY).

The authoritative reference and input builder live on the scoring server;
editing this copy changes nothing except your own understanding.
"""

import jax, jax.numpy as jnp
import numpy as np

N = 10000
E = 320000
D_IN = 128
D_HID = 128
D_OUT = 128


def setup_inputs(seed: int = 0) -> dict:
    key = jax.random.key(seed)
    ks = jax.random.split(key, 8)
    x = jax.random.normal(ks[0], (N, D_IN), dtype=jnp.float32)
    edge_index = jax.random.randint(ks[1], (2, E), 0, N, dtype=jnp.int32)
    W1 = jax.random.normal(ks[2], (D_IN, D_HID), dtype=jnp.float32) * 0.05
    b1 = jnp.zeros((D_HID,), dtype=jnp.float32)
    W2 = jax.random.normal(ks[3], (D_HID, D_HID), dtype=jnp.float32) * 0.05
    b2 = jnp.zeros((D_HID,), dtype=jnp.float32)
    W3 = jax.random.normal(ks[4], (D_HID, D_OUT), dtype=jnp.float32) * 0.05
    b3 = jnp.zeros((D_OUT,), dtype=jnp.float32)
    return {"x": x, "edge_index": edge_index, "W1": W1, "b1": b1, "W2": W2, "b2": b2, "W3": W3, "b3": b3}


def _gcn_conv(x, src, dst, W, b):
    # PyG GCNConv: out = D^{-1/2} (A + I) D^{-1/2} X W + b
    n = x.shape[0]
    deg = jnp.zeros((n,), dtype=x.dtype).at[dst].add(1.0)
    dis = jnp.where(deg > 0, 1.0 / jnp.sqrt(deg), 0.0)
    norm = dis[src] * dis[dst]
    h = x @ W
    msgs = h[src] * norm[:, None]
    out = jnp.zeros((n, W.shape[1]), dtype=x.dtype).at[dst].add(msgs)
    return out + b


def reference(x, edge_index, W1, b1, W2, b2, W3, b3):
    n = x.shape[0]
    loop = jnp.arange(n, dtype=edge_index.dtype)
    src = jnp.concatenate([edge_index[0], loop])
    dst = jnp.concatenate([edge_index[1], loop])
    h = jax.nn.relu(_gcn_conv(x, src, dst, W1, b1))
    h = jax.nn.relu(_gcn_conv(h, src, dst, W2, b2))
    h = _gcn_conv(h, src, dst, W3, b3)
    return jax.nn.log_softmax(h, axis=1)

if __name__ == "__main__":
    import jax
    _d = setup_inputs()
    print(jax.jit(kernel)(*tuple(_d.values())))

</pallas_src>

<mosaic_0001>
#map = affine_map<(d0, d1) -> (0, 0)>
#map1 = affine_map<(d0, d1) -> (0, 0, 0)>
module attributes {stable_mosaic.version = 14 : i64} {
  func.func @_agg_body(%arg0: i32, %arg1: i32, %arg2: memref<10240x128xf32, #tpu.memory_space<hbm>>, %arg3: memref<2560x128xi32, #tpu.memory_space<hbm>>, %arg4: memref<2560x128xi32, #tpu.memory_space<hbm>>, %arg5: memref<10240x128xf32, #tpu.memory_space<hbm>>, %arg6: memref<2x10240x128xf32, #tpu.memory_space<hbm>>, %arg7: memref<40x128xi32, #tpu.memory_space<vmem>>, %arg8: memref<40x128xi32, #tpu.memory_space<vmem>>, %arg9: memref<128x128xf32, #tpu.memory_space<vmem>>, %arg10: memref<128x128xf32, #tpu.memory_space<vmem>>, %arg11: memref<10240x128xf32, #tpu.memory_space<vmem_shared>>, %arg12: memref<!tpu.dma_semaphore, #tpu.memory_space<semaphore_mem>>, %arg13: memref<!tpu.dma_semaphore, #tpu.memory_space<semaphore_mem>>) attributes {dimension_semantics = [#tpu.dimension_semantics<core_parallel>, #tpu.dimension_semantics<subcore_parallel>], iteration_bounds = array<i64: 2, 16>, scalar_prefetch = 0 : i64, scratch_operands = 7 : i64, tpu.core_type = #tpu.core_type<sc_vector_subcore>, window_params = [{transform_indices = #map}, {transform_indices = #map}, {transform_indices = #map}, {transform_indices = #map}, {transform_indices = #map1}]} {
    %mul3A = arith.constant 640 : i32
    %mul3A_0 = arith.muli %arg1, %mul3A : i32
    %eq3A = arith.constant 0 : i32
    %eq3A_1 = arith.cmpi eq, %arg0, %eq3A : i32
    %convert_element_type3A = arith.extui %eq3A_1 : i1 to i32
    %cond3A = arith.constant 0 : i32
    %cond3A_2 = arith.cmpi ne, %convert_element_type3A, %cond3A : i32
    scf.if %cond3A_2 {
      "tpu.region"() ({
        %run_scoped3A = tpu.sem_alloc : memref<!tpu.dma_semaphore, #tpu.memory_space<semaphore_mem>>
        %dma_start3A = arith.constant 0 : i32
        %dma_start3A_19 = tpu.memref_slice %arg11[%mul3A_0, %dma_start3A] : memref<10240x128xf32, #tpu.memory_space<vmem_shared>> -> memref<640x128xf32, #tpu.memory_space<vmem_shared>>
        %dma_start3A_20 = arith.constant 0 : i32
        %dma_start3A_21 = tpu.memref_slice %arg2[%mul3A_0, %dma_start3A_20] : memref<10240x128xf32, #tpu.memory_space<hbm>> -> memref<640x128xf32, #tpu.memory_space<hbm>>
        tpu.enqueue_dma source(%dma_start3A_21 : memref<640x128xf32, #tpu.memory_space<hbm>>) target(%dma_start3A_19 : memref<640x128xf32, #tpu.memory_space<vmem_shared>>) target_semaphore(%run_scoped3A : memref<!tpu.dma_semaphore, #tpu.memory_space<semaphore_mem>>)
        %dma_wait3A = arith.constant 0 : i32
        %dma_wait3A_22 = tpu.memref_slice %arg11[%mul3A_0, %dma_wait3A] : memref<10240x128xf32, #tpu.memory_space<vmem_shared>> -> memref<640x128xf32, #tpu.memory_space<vmem_shared>>
        %dma_wait3A_23 = arith.constant 0 : i32
        %dma_wait3A_24 = tpu.memref_slice %arg2[%mul3A_0, %dma_wait3A_23] : memref<10240x128xf32, #tpu.memory_space<hbm>> -> memref<640x128xf32, #tpu.memory_space<hbm>>
        tpu.wait_dma2 semaphore(%run_scoped3A : memref<!tpu.dma_semaphore, #tpu.memory_space<semaphore_mem>>) src(%dma_wait3A_24 : memref<640x128xf32, #tpu.memory_space<hbm>>) dst(%dma_wait3A_22 : memref<640x128xf32, #tpu.memory_space<vmem_shared>>)
        tpu.yield
      }) : () -> ()
    } else {
    }
    %eq3A_3 = arith.constant 1 : i32
    %eq3A_4 = arith.cmpi eq, %arg0, %eq3A_3 : i32
    %convert_element_type3A_5 = arith.extui %eq3A_4 : i1 to i32
    %cond3A_6 = arith.constant 0 : i32
    %cond3A_7 = arith.cmpi ne, %convert_element_type3A_5, %cond3A_6 : i32
    scf.if %cond3A_7 {
      "tpu.region"() ({
        %run_scoped3A = tpu.sem_alloc : memref<!tpu.dma_semaphore, #tpu.memory_space<semaphore_mem>>
        %dma_start3A = arith.constant 0 : i32
        %dma_start3A_19 = tpu.memref_slice %arg11[%mul3A_0, %dma_start3A] : memref<10240x128xf32, #tpu.memory_space<vmem_shared>> -> memref<640x128xf32, #tpu.memory_space<vmem_shared>>
        %dma_start3A_20 = arith.constant 0 : i32
        %dma_start3A_21 = tpu.memref_slice %arg5[%mul3A_0, %dma_start3A_20] : memref<10240x128xf32, #tpu.memory_space<hbm>> -> memref<640x128xf32, #tpu.memory_space<hbm>>
        tpu.enqueue_dma source(%dma_start3A_21 : memref<640x128xf32, #tpu.memory_space<hbm>>) target(%dma_start3A_19 : memref<640x128xf32, #tpu.memory_space<vmem_shared>>) target_semaphore(%run_scoped3A : memref<!tpu.dma_semaphore, #tpu.memory_space<semaphore_mem>>)
        %dma_wait3A = arith.constant 0 : i32
        %dma_wait3A_22 = tpu.memref_slice %arg11[%mul3A_0, %dma_wait3A] : memref<10240x128xf32, #tpu.memory_space<vmem_shared>> -> memref<640x128xf32, #tpu.memory_space<vmem_shared>>
        %dma_wait3A_23 = arith.constant 0 : i32
        %dma_wait3A_24 = tpu.memref_slice %arg5[%mul3A_0, %dma_wait3A_23] : memref<10240x128xf32, #tpu.memory_space<hbm>> -> memref<640x128xf32, #tpu.memory_space<hbm>>
        tpu.wait_dma2 semaphore(%run_scoped3A : memref<!tpu.dma_semaphore, #tpu.memory_space<semaphore_mem>>) src(%dma_wait3A_24 : memref<640x128xf32, #tpu.memory_space<hbm>>) dst(%dma_wait3A_22 : memref<640x128xf32, #tpu.memory_space<vmem_shared>>)
        tpu.yield
      }) : () -> ()
    } else {
    }
    %barrier3A = arith.constant 0 : index
    tpu.barrier barrier_id(%barrier3A)
    %eq3A_8 = arith.constant 0 : i32
    %eq3A_9 = arith.cmpi eq, %arg0, %eq3A_8 : i32
    %convert_element_type3A_10 = arith.extui %eq3A_9 : i1 to i32
    %cond3A_11 = arith.constant 0 : i32
    %cond3A_12 = arith.cmpi ne, %convert_element_type3A_10, %cond3A_11 : i32
    scf.if %cond3A_12 {
      %mul3A_19 = arith.constant 80 : i32
      %mul3A_20 = arith.muli %arg1, %mul3A_19 : i32
      %add3A = arith.constant 0 : i32
      %add3A_21 = arith.addi %mul3A_20, %add3A : i32
      %multiple_of3A = tpu.assume_multiple %add3A_21, 8 : i32
      "tpu.region"() ({
        %run_scoped3A = tpu.sem_alloc : memref<!tpu.dma_semaphore, #tpu.memory_space<semaphore_mem>>
        %dma_start3A_49 = arith.constant 0 : i32
        %dma_start3A_50 = arith.constant 0 : i32
        %dma_start3A_51 = tpu.memref_slice %arg7[%dma_start3A_49, %dma_start3A_50] : memref<40x128xi32, #tpu.memory_space<vmem>> -> memref<40x128xi32, #tpu.memory_space<vmem>>
        %dma_start3A_52 = arith.constant 0 : i32
        %dma_start3A_53 = tpu.memref_slice %arg3[%multiple_of3A, %dma_start3A_52] : memref<2560x128xi32, #tpu.memory_space<hbm>> -> memref<40x128xi32, #tpu.memory_space<hbm>>
        %dma_start3A_54 = arith.constant 0 : i32
        %dma_start3A_55 = arith.constant 0 : i32
        %dma_start3A_56 = tpu.memref_slice %arg7[%dma_start3A_54, %dma_start3A_55] : memref<40x128xi32, #tpu.memory_space<vmem>> -> memref<40x128xi32, #tpu.memory_space<vmem>>
        %dma_start3A_57 = arith.constant 0 : i32
        %dma_start3A_58 = tpu.memref_slice %arg3[%multiple_of3A, %dma_start3A_57] : memref<2560x128xi32, #tpu.memory_space<hbm>> -> memref<40x128xi32, #tpu.memory_space<hbm>>
        tpu.enqueue_dma source(%dma_start3A_58 : memref<40x128xi32, #tpu.memory_space<hbm>>) target(%dma_start3A_56 : memref<40x128xi32, #tpu.memory_space<vmem>>) target_semaphore(%run_scoped3A : memref<!tpu.dma_semaphore, #tpu.memory_space<semaphore_mem>>)
        %dma_wait3A = arith.constant 0 : i32
        %dma_wait3A_59 = arith.constant 0 : i32
        %dma_wait3A_60 = tpu.memref_slice %arg7[%dma_wait3A, %dma_wait3A_59] : memref<40x128xi32, #tpu.memory_space<vmem>> -> memref<40x128xi32, #tpu.memory_space<vmem>>
        %dma_wait3A_61 = arith.constant 0 : i32
        %dma_wait3A_62 = tpu.memref_slice %arg3[%multiple_of3A, %dma_wait3A_61] : memref<2560x128xi32, #tpu.memory_space<hbm>> -> memref<40x128xi32, #tpu.memory_space<hbm>>
        %dma_wait3A_63 = arith.constant 0 : i32
        %dma_wait3A_64 = arith.constant 0 : i32
        %dma_wait3A_65 = tpu.memref_slice %arg7[%dma_wait3A_63, %dma_wait3A_64] : memref<40x128xi32, #tpu.memory_space<vmem>> -> memref<40x128xi32, #tpu.memory_space<vmem>>
        %dma_wait3A_66 = arith.constant 0 : i32
        %dma_wait3A_67 = tpu.memref_slice %arg3[%multiple_of3A, %dma_wait3A_66] : memref<2560x128xi32, #tpu.memory_space<hbm>> -> memref<40x128xi32, #tpu.memory_space<hbm>>
        tpu.wait_dma2 semaphore(%run_scoped3A : memref<!tpu.dma_semaphore, #tpu.memory_space<semaphore_mem>>) src(%dma_wait3A_67 : memref<40x128xi32, #tpu.memory_space<hbm>>) dst(%dma_wait3A_65 : memref<40x128xi32, #tpu.memory_space<vmem>>)
        tpu.yield
      }) : () -> ()
      "tpu.region"() ({
        %run_scoped3A = tpu.sem_alloc : memref<!tpu.dma_semaphore, #tpu.memory_space<semaphore_mem>>
        %dma_start3A_49 = arith.constant 0 : i32
        %dma_start3A_50 = arith.constant 0 : i32
        %dma_start3A_51 = tpu.memref_slice %arg8[%dma_start3A_49, %dma_start3A_50] : memref<40x128xi32, #tpu.memory_space<vmem>> -> memref<40x128xi32, #tpu.memory_space<vmem>>
        %dma_start3A_52 = arith.constant 0 : i32
        %dma_start3A_53 = tpu.memref_slice %arg4[%multiple_of3A, %dma_start3A_52] : memref<2560x128xi32, #tpu.memory_space<hbm>> -> memref<40x128xi32, #tpu.memory_space<hbm>>
        %dma_start3A_54 = arith.constant 0 : i32
        %dma_start3A_55 = arith.constant 0 : i32
        %dma_start3A_56 = tpu.memref_slice %arg8[%dma_start3A_54, %dma_start3A_55] : memref<40x128xi32, #tpu.memory_space<vmem>> -> memref<40x128xi32, #tpu.memory_space<vmem>>
        %dma_start3A_57 = arith.constant 0 : i32
        %dma_start3A_58 = tpu.memref_slice %arg4[%multiple_of3A, %dma_start3A_57] : memref<2560x128xi32, #tpu.memory_space<hbm>> -> memref<40x128xi32, #tpu.memory_space<hbm>>
        tpu.enqueue_dma source(%dma_start3A_58 : memref<40x128xi32, #tpu.memory_space<hbm>>) target(%dma_start3A_56 : memref<40x128xi32, #tpu.memory_space<vmem>>) target_semaphore(%run_scoped3A : memref<!tpu.dma_semaphore, #tpu.memory_space<semaphore_mem>>)
        %dma_wait3A = arith.constant 0 : i32
        %dma_wait3A_59 = arith.constant 0 : i32
        %dma_wait3A_60 = tpu.memref_slice %arg8[%dma_wait3A, %dma_wait3A_59] : memref<40x128xi32, #tpu.memory_space<vmem>> -> memref<40x128xi32, #tpu.memory_space<vmem>>
        %dma_wait3A_61 = arith.constant 0 : i32
        %dma_wait3A_62 = tpu.memref_slice %arg4[%multiple_of3A, %dma_wait3A_61] : memref<2560x128xi32, #tpu.memory_space<hbm>> -> memref<40x128xi32, #tpu.memory_space<hbm>>
        %dma_wait3A_63 = arith.constant 0 : i32
        %dma_wait3A_64 = arith.constant 0 : i32
        %dma_wait3A_65 = tpu.memref_slice %arg8[%dma_wait3A_63, %dma_wait3A_64] : memref<40x128xi32, #tpu.memory_space<vmem>> -> memref<40x128xi32, #tpu.memory_space<vmem>>
        %dma_wait3A_66 = arith.constant 0 : i32
        %dma_wait3A_67 = tpu.memref_slice %arg4[%multiple_of3A, %dma_wait3A_66] : memref<2560x128xi32, #tpu.memory_space<hbm>> -> memref<40x128xi32, #tpu.memory_space<hbm>>
        tpu.wait_dma2 semaphore(%run_scoped3A : memref<!tpu.dma_semaphore, #tpu.memory_space<semaphore_mem>>) src(%dma_wait3A_67 : memref<40x128xi32, #tpu.memory_space<hbm>>) dst(%dma_wait3A_65 : memref<40x128xi32, #tpu.memory_space<vmem>>)
        tpu.yield
      }) : () -> ()
      %dma_start3A = arith.constant 0 : i32
      %dma_start3A_22 = arith.constant 0 : i32
      %dma_start3A_23 = tpu.memref_slice %arg7[%dma_start3A, %dma_start3A_22] : memref<40x128xi32, #tpu.memory_space<vmem>> -> memref<1x128xi32, #tpu.memory_space<vmem>>
      %dma_start3A_24 = tpu.memref_squeeze %dma_start3A_23 : memref<1x128xi32, #tpu.memory_space<vmem>> -> memref<128xi32, #tpu.memory_space<vmem>>
      %dma_start3A_25 = arith.constant 0 : i32
      %dma_start3A_26 = arith.constant 0 : i32
      %dma_start3A_27 = tpu.memref_slice %arg2[%dma_start3A_25, %dma_start3A_26] : memref<10240x128xf32, #tpu.memory_space<hbm>> -> memref<10240x128xf32, #tpu.memory_space<hbm>>
      tpu.enqueue_indirect_dma source(%dma_start3A_27 : memref<10240x128xf32, #tpu.memory_space<hbm>>) target(%arg9 : memref<128x128xf32, #tpu.memory_space<vmem>>) offsets(%dma_start3A_24 : memref<128xi32, #tpu.memory_space<vmem>>) semaphore(%arg12 : memref<!tpu.dma_semaphore, #tpu.memory_space<semaphore_mem>>)
      %scan3A = arith.constant 0 : i32
      %scan3A_28 = arith.constant 0 : i32
      %scan3A_29 = arith.constant 20 : i32
      %scan3A_30 = arith.addi %scan3A_28, %scan3A_29 : i32
      %scan3A_31 = arith.constant 1 : i32
      scf.for %scan3A_49 = %scan3A_28 to %scan3A_30 step %scan3A_31  : i32 {
        %mul3A_50 = arith.constant 2 : i32
        %mul3A_51 = arith.muli %mul3A_50, %scan3A_49 : i32
        %add3A_52 = arith.constant 1 : i32
        %add3A_53 = arith.addi %mul3A_51, %add3A_52 : i32
        %lt3A = arith.constant 40 : i32
        %lt3A_54 = arith.cmpi slt, %add3A_53, %lt3A : i32
        %convert_element_type3A_55 = arith.extui %lt3A_54 : i1 to i32
        %cond3A_56 = arith.constant 0 : i32
        %cond3A_57 = arith.cmpi ne, %convert_element_type3A_55, %cond3A_56 : i32
        scf.if %cond3A_57 {
          %add3A_80 = arith.constant 1 : i32
          %add3A_81 = arith.addi %mul3A_51, %add3A_80 : i32
          %dma_start3A_82 = arith.constant 0 : i32
          %dma_start3A_83 = tpu.memref_slice %arg7[%add3A_81, %dma_start3A_82] : memref<40x128xi32, #tpu.memory_space<vmem>> -> memref<1x128xi32, #tpu.memory_space<vmem>>
          %dma_start3A_84 = tpu.memref_squeeze %dma_start3A_83 : memref<1x128xi32, #tpu.memory_space<vmem>> -> memref<128xi32, #tpu.memory_space<vmem>>
          %dma_start3A_85 = arith.constant 0 : i32
          %dma_start3A_86 = arith.constant 0 : i32
          %dma_start3A_87 = tpu.memref_slice %arg2[%dma_start3A_85, %dma_start3A_86] : memref<10240x128xf32, #tpu.memory_space<hbm>> -> memref<10240x128xf32, #tpu.memory_space<hbm>>
          tpu.enqueue_indirect_dma source(%dma_start3A_87 : memref<10240x128xf32, #tpu.memory_space<hbm>>) target(%arg10 : memref<128x128xf32, #tpu.memory_space<vmem>>) offsets(%dma_start3A_84 : memref<128xi32, #tpu.memory_space<vmem>>) semaphore(%arg13 : memref<!tpu.dma_semaphore, #tpu.memory_space<semaphore_mem>>)
        } else {
        }
        %dma_wait3A = arith.constant 0 : i32
        %dma_wait3A_58 = tpu.memref_slice %arg7[%mul3A_51, %dma_wait3A] : memref<40x128xi32, #tpu.memory_space<vmem>> -> memref<1x128xi32, #tpu.memory_space<vmem>>
        %dma_wait3A_59 = tpu.memref_squeeze %dma_wait3A_58 : memref<1x128xi32, #tpu.memory_space<vmem>> -> memref<128xi32, #tpu.memory_space<vmem>>
        %dma_wait3A_60 = arith.constant 0 : i32
        %dma_wait3A_61 = arith.constant 0 : i32
        %dma_wait3A_62 = tpu.memref_slice %arg2[%dma_wait3A_60, %dma_wait3A_61] : memref<10240x128xf32, #tpu.memory_space<hbm>> -> memref<10240x128xf32, #tpu.memory_space<hbm>>
        tpu.wait_indirect_dma semaphore(%arg12 : memref<!tpu.dma_semaphore, #tpu.memory_space<semaphore_mem>>) src(%dma_wait3A_62 : memref<10240x128xf32, #tpu.memory_space<hbm>>) dst(%arg9 : memref<128x128xf32, #tpu.memory_space<vmem>>)
        "tpu.region"() ({
          %run_scoped3A = tpu.sem_alloc : memref<!tpu.dma_semaphore, #tpu.memory_space<semaphore_mem>>
          %dma_start3A_80 = arith.constant 0 : i32
          %dma_start3A_81 = tpu.memref_slice %arg8[%mul3A_51, %dma_start3A_80] : memref<40x128xi32, #tpu.memory_space<vmem>> -> memref<1x128xi32, #tpu.memory_space<vmem>>
          %dma_start3A_82 = tpu.memref_squeeze %dma_start3A_81 : memref<1x128xi32, #tpu.memory_space<vmem>> -> memref<128xi32, #tpu.memory_space<vmem>>
          %dma_start3A_83 = arith.constant 0 : i32
          %dma_start3A_84 = arith.constant 0 : i32
          %dma_start3A_85 = tpu.memref_slice %arg11[%dma_start3A_83, %dma_start3A_84] : memref<10240x128xf32, #tpu.memory_space<vmem_shared>> -> memref<10240x128xf32, #tpu.memory_space<vmem_shared>>
          tpu.enqueue_indirect_dma source(%arg9 : memref<128x128xf32, #tpu.memory_space<vmem>>) target(%dma_start3A_85 : memref<10240x128xf32, #tpu.memory_space<vmem_shared>>) offsets(%dma_start3A_82 : memref<128xi32, #tpu.memory_space<vmem>>) semaphore(%run_scoped3A : memref<!tpu.dma_semaphore, #tpu.memory_space<semaphore_mem>>) {add = true}
          %dma_wait3A_86 = arith.constant 0 : i32
          %dma_wait3A_87 = tpu.memref_slice %arg8[%mul3A_51, %dma_wait3A_86] : memref<40x128xi32, #tpu.memory_space<vmem>> -> memref<1x128xi32, #tpu.memory_space<vmem>>
          %dma_wait3A_88 = tpu.memref_squeeze %dma_wait3A_87 : memref<1x128xi32, #tpu.memory_space<vmem>> -> memref<128xi32, #tpu.memory_space<vmem>>
          %dma_wait3A_89 = arith.constant 0 : i32
          %dma_wait3A_90 = arith.constant 0 : i32
          %dma_wait3A_91 = tpu.memref_slice %arg11[%dma_wait3A_89, %dma_wait3A_90] : memref<10240x128xf32, #tpu.memory_space<vmem_shared>> -> memref<10240x128xf32, #tpu.memory_space<vmem_shared>>
          tpu.wait_indirect_dma semaphore(%run_scoped3A : memref<!tpu.dma_semaphore, #tpu.memory_space<semaphore_mem>>) src(%arg9 : memref<128x128xf32, #tpu.memory_space<vmem>>) dst(%dma_wait3A_91 : memref<10240x128xf32, #tpu.memory_space<vmem_shared>>)
          tpu.yield
        }) : () -> ()
        %mul3A_63 = arith.constant 2 : i32
        %mul3A_64 = arith.muli %mul3A_63, %scan3A_49 : i32
        %add3A_65 = arith.constant 1 : i32
        %add3A_66 = arith.addi %mul3A_64, %add3A_65 : i32
        %add3A_67 = arith.constant 1 : i32
        %add3A_68 = arith.addi %add3A_66, %add3A_67 : i32
        %lt3A_69 = arith.constant 40 : i32
        %lt3A_70 = arith.cmpi slt, %add3A_68, %lt3A_69 : i32
        %convert_element_type3A_71 = arith.extui %lt3A_70 : i1 to i32
        %cond3A_72 = arith.constant 0 : i32
        %cond3A_73 = arith.cmpi ne, %convert_element_type3A_71, %cond3A_72 : i32
        scf.if %cond3A_73 {
          %add3A_80 = arith.constant 1 : i32
          %add3A_81 = arith.addi %add3A_66, %add3A_80 : i32
          %dma_start3A_82 = arith.constant 0 : i32
          %dma_start3A_83 = tpu.memref_slice %arg7[%add3A_81, %dma_start3A_82] : memref<40x128xi32, #tpu.memory_space<vmem>> -> memref<1x128xi32, #tpu.memory_space<vmem>>
          %dma_start3A_84 = tpu.memref_squeeze %dma_start3A_83 : memref<1x128xi32, #tpu.memory_space<vmem>> -> memref<128xi32, #tpu.memory_space<vmem>>
          %dma_start3A_85 = arith.constant 0 : i32
          %dma_start3A_86 = arith.constant 0 : i32
          %dma_start3A_87 = tpu.memref_slice %arg2[%dma_start3A_85, %dma_start3A_86] : memref<10240x128xf32, #tpu.memory_space<hbm>> -> memref<10240x128xf32, #tpu.memory_space<hbm>>
          tpu.enqueue_indirect_dma source(%dma_start3A_87 : memref<10240x128xf32, #tpu.memory_space<hbm>>) target(%arg9 : memref<128x128xf32, #tpu.memory_space<vmem>>) offsets(%dma_start3A_84 : memref<128xi32, #tpu.memory_space<vmem>>) semaphore(%arg12 : memref<!tpu.dma_semaphore, #tpu.memory_space<semaphore_mem>>)
        } else {
        }
        %dma_wait3A_74 = arith.constant 0 : i32
        %dma_wait3A_75 = tpu.memref_slice %arg7[%add3A_66, %dma_wait3A_74] : memref<40x128xi32, #tpu.memory_space<vmem>> -> memref<1x128xi32, #tpu.memory_space<vmem>>
        %dma_wait3A_76 = tpu.memref_squeeze %dma_wait3A_75 : memref<1x128xi32, #tpu.memory_space<vmem>> -> memref<128xi32, #tpu.memory_space<vmem>>
        %dma_wait3A_77 = arith.constant 0 : i32
        %dma_wait3A_78 = arith.constant 0 : i32
        %dma_wait3A_79 = tpu.memref_slice %arg2[%dma_wait3A_77, %dma_wait3A_78] : memref<10240x128xf32, #tpu.memory_space<hbm>> -> memref<10240x128xf32, #tpu.memory_space<hbm>>
        tpu.wait_indirect_dma semaphore(%arg13 : memref<!tpu.dma_semaphore, #tpu.memory_space<semaphore_mem>>) src(%dma_wait3A_79 : memref<10240x128xf32, #tpu.memory_space<hbm>>) dst(%arg10 : memref<128x128xf32, #tpu.memory_space<vmem>>)
        "tpu.region"() ({
          %run_scoped3A = tpu.sem_alloc : memref<!tpu.dma_semaphore, #tpu.memory_space<semaphore_mem>>
          %dma_start3A_80 = arith.constant 0 : i32
          %dma_start3A_81 = tpu.memref_slice %arg8[%add3A_66, %dma_start3A_80] : memref<40x128xi32, #tpu.memory_space<vmem>> -> memref<1x128xi32, #tpu.memory_space<vmem>>
          %dma_start3A_82 = tpu.memref_squeeze %dma_start3A_81 : memref<1x128xi32, #tpu.memory_space<vmem>> -> memref<128xi32, #tpu.memory_space<vmem>>
          %dma_start3A_83 = arith.constant 0 : i32
          %dma_start3A_84 = arith.constant 0 : i32
          %dma_start3A_85 = tpu.memref_slice %arg11[%dma_start3A_83, %dma_start3A_84] : memref<10240x128xf32, #tpu.memory_space<vmem_shared>> -> memref<10240x128xf32, #tpu.memory_space<vmem_shared>>
          tpu.enqueue_indirect_dma source(%arg10 : memref<128x128xf32, #tpu.memory_space<vmem>>) target(%dma_start3A_85 : memref<10240x128xf32, #tpu.memory_space<vmem_shared>>) offsets(%dma_start3A_82 : memref<128xi32, #tpu.memory_space<vmem>>) semaphore(%run_scoped3A : memref<!tpu.dma_semaphore, #tpu.memory_space<semaphore_mem>>) {add = true}
          %dma_wait3A_86 = arith.constant 0 : i32
          %dma_wait3A_87 = tpu.memref_slice %arg8[%add3A_66, %dma_wait3A_86] : memref<40x128xi32, #tpu.memory_space<vmem>> -> memref<1x128xi32, #tpu.memory_space<vmem>>
          %dma_wait3A_88 = tpu.memref_squeeze %dma_wait3A_87 : memref<1x128xi32, #tpu.memory_space<vmem>> -> memref<128xi32, #tpu.memory_space<vmem>>
          %dma_wait3A_89 = arith.constant 0 : i32
          %dma_wait3A_90 = arith.constant 0 : i32
          %dma_wait3A_91 = tpu.memref_slice %arg11[%dma_wait3A_89, %dma_wait3A_90] : memref<10240x128xf32, #tpu.memory_space<vmem_shared>> -> memref<10240x128xf32, #tpu.memory_space<vmem_shared>>
          tpu.wait_indirect_dma semaphore(%run_scoped3A : memref<!tpu.dma_semaphore, #tpu.memory_space<semaphore_mem>>) src(%arg10 : memref<128x128xf32, #tpu.memory_space<vmem>>) dst(%dma_wait3A_91 : memref<10240x128xf32, #tpu.memory_space<vmem_shared>>)
          tpu.yield
        }) : () -> ()
      }
      %scan3A_32 = arith.constant 20 : i32
      %add3A_33 = arith.constant 40 : i32
      %add3A_34 = arith.addi %mul3A_20, %add3A_33 : i32
      %multiple_of3A_35 = tpu.assume_multiple %add3A_34, 8 : i32
      "tpu.region"() ({
        %run_scoped3A = tpu.sem_alloc : memref<!tpu.dma_semaphore, #tpu.memory_space<semaphore_mem>>
        %dma_start3A_49 = arith.constant 0 : i32
        %dma_start3A_50 = arith.constant 0 : i32
        %dma_start3A_51 = tpu.memref_slice %arg7[%dma_start3A_49, %dma_start3A_50] : memref<40x128xi32, #tpu.memory_space<vmem>> -> memref<40x128xi32, #tpu.memory_space<vmem>>
        %dma_start3A_52 = arith.constant 0 : i32
        %dma_start3A_53 = tpu.memref_slice %arg3[%multiple_of3A_35, %dma_start3A_52] : memref<2560x128xi32, #tpu.memory_space<hbm>> -> memref<40x128xi32, #tpu.memory_space<hbm>>
        %dma_start3A_54 = arith.constant 0 : i32
        %dma_start3A_55 = arith.constant 0 : i32
        %dma_start3A_56 = tpu.memref_slice %arg7[%dma_start3A_54, %dma_start3A_55] : memref<40x128xi32, #tpu.memory_space<vmem>> -> memref<40x128xi32, #tpu.memory_space<vmem>>
        %dma_start3A_57 = arith.constant 0 : i32
        %dma_start3A_58 = tpu.memref_slice %arg3[%multiple_of3A_35, %dma_start3A_57] : memref<2560x128xi32, #tpu.memory_space<hbm>> -> memref<40x128xi32, #tpu.memory_space<hbm>>
        tpu.enqueue_dma source(%dma_start3A_58 : memref<40x128xi32, #tpu.memory_space<hbm>>) target(%dma_start3A_56 : memref<40x128xi32, #tpu.memory_space<vmem>>) target_semaphore(%run_scoped3A : memref<!tpu.dma_semaphore, #tpu.memory_space<semaphore_mem>>)
        %dma_wait3A = arith.constant 0 : i32
        %dma_wait3A_59 = arith.constant 0 : i32
        %dma_wait3A_60 = tpu.memref_slice %arg7[%dma_wait3A, %dma_wait3A_59] : memref<40x128xi32, #tpu.memory_space<vmem>> -> memref<40x128xi32, #tpu.memory_space<vmem>>
        %dma_wait3A_61 = arith.constant 0 : i32
        %dma_wait3A_62 = tpu.memref_slice %arg3[%multiple_of3A_35, %dma_wait3A_61] : memref<2560x128xi32, #tpu.memory_space<hbm>> -> memref<40x128xi32, #tpu.memory_space<hbm>>
        %dma_wait3A_63 = arith.constant 0 : i32
        %dma_wait3A_64 = arith.constant 0 : i32
        %dma_wait3A_65 = tpu.memref_slice %arg7[%dma_wait3A_63, %dma_wait3A_64] : memref<40x128xi32, #tpu.memory_space<vmem>> -> memref<40x128xi32, #tpu.memory_space<vmem>>
        %dma_wait3A_66 = arith.constant 0 : i32
        %dma_wait3A_67 = tpu.memref_slice %arg3[%multiple_of3A_35, %dma_wait3A_66] : memref<2560x128xi32, #tpu.memory_space<hbm>> -> memref<40x128xi32, #tpu.memory_space<hbm>>
        tpu.wait_dma2 semaphore(%run_scoped3A : memref<!tpu.dma_semaphore, #tpu.memory_space<semaphore_mem>>) src(%dma_wait3A_67 : memref<40x128xi32, #tpu.memory_space<hbm>>) dst(%dma_wait3A_65 : memref<40x128xi32, #tpu.memory_space<vmem>>)
        tpu.yield
      }) : () -> ()
      "tpu.region"() ({
        %run_scoped3A = tpu.sem_alloc : memref<!tpu.dma_semaphore, #tpu.memory_space<semaphore_mem>>
        %dma_start3A_49 = arith.constant 0 : i32
        %dma_start3A_50 = arith.constant 0 : i32
        %dma_start3A_51 = tpu.memref_slice %arg8[%dma_start3A_49, %dma_start3A_50] : memref<40x128xi32, #tpu.memory_space<vmem>> -> memref<40x128xi32, #tpu.memory_space<vmem>>
        %dma_start3A_52 = arith.constant 0 : i32
        %dma_start3A_53 = tpu.memref_slice %arg4[%multiple_of3A_35, %dma_start3A_52] : memref<2560x128xi32, #tpu.memory_space<hbm>> -> memref<40x128xi32, #tpu.memory_space<hbm>>
        %dma_start3A_54 = arith.constant 0 : i32
        %dma_start3A_55 = arith.constant 0 : i32
        %dma_start3A_56 = tpu.memref_slice %arg8[%dma_start3A_54, %dma_start3A_55] : memref<40x128xi32, #tpu.memory_space<vmem>> -> memref<40x128xi32, #tpu.memory_space<vmem>>
        %dma_start3A_57 = arith.constant 0 : i32
        %dma_start3A_58 = tpu.memref_slice %arg4[%multiple_of3A_35, %dma_start3A_57] : memref<2560x128xi32, #tpu.memory_space<hbm>> -> memref<40x128xi32, #tpu.memory_space<hbm>>
        tpu.enqueue_dma source(%dma_start3A_58 : memref<40x128xi32, #tpu.memory_space<hbm>>) target(%dma_start3A_56 : memref<40x128xi32, #tpu.memory_space<vmem>>) target_semaphore(%run_scoped3A : memref<!tpu.dma_semaphore, #tpu.memory_space<semaphore_mem>>)
        %dma_wait3A = arith.constant 0 : i32
        %dma_wait3A_59 = arith.constant 0 : i32
        %dma_wait3A_60 = tpu.memref_slice %arg8[%dma_wait3A, %dma_wait3A_59] : memref<40x128xi32, #tpu.memory_space<vmem>> -> memref<40x128xi32, #tpu.memory_space<vmem>>
        %dma_wait3A_61 = arith.constant 0 : i32
        %dma_wait3A_62 = tpu.memref_slice %arg4[%multiple_of3A_35, %dma_wait3A_61] : memref<2560x128xi32, #tpu.memory_space<hbm>> -> memref<40x128xi32, #tpu.memory_space<hbm>>
        %dma_wait3A_63 = arith.constant 0 : i32
        %dma_wait3A_64 = arith.constant 0 : i32
        %dma_wait3A_65 = tpu.memref_slice %arg8[%dma_wait3A_63, %dma_wait3A_64] : memref<40x128xi32, #tpu.memory_space<vmem>> -> memref<40x128xi32, #tpu.memory_space<vmem>>
        %dma_wait3A_66 = arith.constant 0 : i32
        %dma_wait3A_67 = tpu.memref_slice %arg4[%multiple_of3A_35, %dma_wait3A_66] : memref<2560x128xi32, #tpu.memory_space<hbm>> -> memref<40x128xi32, #tpu.memory_space<hbm>>
        tpu.wait_dma2 semaphore(%run_scoped3A : memref<!tpu.dma_semaphore, #tpu.memory_space<semaphore_mem>>) src(%dma_wait3A_67 : memref<40x128xi32, #tpu.memory_space<hbm>>) dst(%dma_wait3A_65 : memref<40x128xi32, #tpu.memory_space<vmem>>)
        tpu.yield
      }) : () -> ()
      %dma_start3A_36 = arith.constant 0 : i32
      %dma_start3A_37 = arith.constant 0 : i32
      %dma_start3A_38 = tpu.memref_slice %arg7[%dma_start3A_36, %dma_start3A_37] : memref<40x128xi32, #tpu.memory_space<vmem>> -> memref<1x128xi32, #tpu.memory_space<vmem>>
      %dma_start3A_39 = tpu.memref_squeeze %dma_start3A_38 : memref<1x128xi32, #tpu.memory_space<vmem>> -> memref<128xi32, #tpu.memory_space<vmem>>
      %dma_start3A_40 = arith.constant 0 : i32
      %dma_start3A_41 = arith.constant 0 : i32
      %dma_start3A_42 = tpu.memref_slice %arg2[%dma_start3A_40, %dma_start3A_41] : memref<10240x128xf32, #tpu.memory_space<hbm>> -> memref<10240x128xf32, #tpu.memory_space<hbm>>
      tpu.enqueue_indirect_dma source(%dma_start3A_42 : memref<10240x128xf32, #tpu.memory_space<hbm>>) target(%arg9 : memref<128x128xf32, #tpu.memory_space<vmem>>) offsets(%dma_start3A_39 : memref<128xi32, #tpu.memory_space<vmem>>) semaphore(%arg12 : memref<!tpu.dma_semaphore, #tpu.memory_space<semaphore_mem>>)
      %scan3A_43 = arith.constant 0 : i32
      %scan3A_44 = arith.constant 0 : i32
      %scan3A_45 = arith.constant 20 : i32
      %scan3A_46 = arith.addi %scan3A_44, %scan3A_45 : i32
      %scan3A_47 = arith.constant 1 : i32
      scf.for %scan3A_49 = %scan3A_44 to %scan3A_46 step %scan3A_47  : i32 {
        %mul3A_50 = arith.constant 2 : i32
        %mul3A_51 = arith.muli %mul3A_50, %scan3A_49 : i32
        %add3A_52 = arith.constant 1 : i32
        %add3A_53 = arith.addi %mul3A_51, %add3A_52 : i32
        %lt3A = arith.constant 40 : i32
        %lt3A_54 = arith.cmpi slt, %add3A_53, %lt3A : i32
        %convert_element_type3A_55 = arith.extui %lt3A_54 : i1 to i32
        %cond3A_56 = arith.constant 0 : i32
        %cond3A_57 = arith.cmpi ne, %convert_element_type3A_55, %cond3A_56 : i32
        scf.if %cond3A_57 {
          %add3A_80 = arith.constant 1 : i32
          %add3A_81 = arith.addi %mul3A_51, %add3A_80 : i32
          %dma_start3A_82 = arith.constant 0 : i32
          %dma_start3A_83 = tpu.memref_slice %arg7[%add3A_81, %dma_start3A_82] : memref<40x128xi32, #tpu.memory_space<vmem>> -> memref<1x128xi32, #tpu.memory_space<vmem>>
          %dma_start3A_84 = tpu.memref_squeeze %dma_start3A_83 : memref<1x128xi32, #tpu.memory_space<vmem>> -> memref<128xi32, #tpu.memory_space<vmem>>
          %dma_start3A_85 = arith.constant 0 : i32
          %dma_start3A_86 = arith.constant 0 : i32
          %dma_start3A_87 = tpu.memref_slice %arg2[%dma_start3A_85, %dma_start3A_86] : memref<10240x128xf32, #tpu.memory_space<hbm>> -> memref<10240x128xf32, #tpu.memory_space<hbm>>
          tpu.enqueue_indirect_dma source(%dma_start3A_87 : memref<10240x128xf32, #tpu.memory_space<hbm>>) target(%arg10 : memref<128x128xf32, #tpu.memory_space<vmem>>) offsets(%dma_start3A_84 : memref<128xi32, #tpu.memory_space<vmem>>) semaphore(%arg13 : memref<!tpu.dma_semaphore, #tpu.memory_space<semaphore_mem>>)
        } else {
        }
        %dma_wait3A = arith.constant 0 : i32
        %dma_wait3A_58 = tpu.memref_slice %arg7[%mul3A_51, %dma_wait3A] : memref<40x128xi32, #tpu.memory_space<vmem>> -> memref<1x128xi32, #tpu.memory_space<vmem>>
        %dma_wait3A_59 = tpu.memref_squeeze %dma_wait3A_58 : memref<1x128xi32, #tpu.memory_space<vmem>> -> memref<128xi32, #tpu.memory_space<vmem>>
        %dma_wait3A_60 = arith.constant 0 : i32
        %dma_wait3A_61 = arith.constant 0 : i32
        %dma_wait3A_62 = tpu.memref_slice %arg2[%dma_wait3A_60, %dma_wait3A_61] : memref<10240x128xf32, #tpu.memory_space<hbm>> -> memref<10240x128xf32, #tpu.memory_space<hbm>>
        tpu.wait_indirect_dma semaphore(%arg12 : memref<!tpu.dma_semaphore, #tpu.memory_space<semaphore_mem>>) src(%dma_wait3A_62 : memref<10240x128xf32, #tpu.memory_space<hbm>>) dst(%arg9 : memref<128x128xf32, #tpu.memory_space<vmem>>)
        "tpu.region"() ({
          %run_scoped3A = tpu.sem_alloc : memref<!tpu.dma_semaphore, #tpu.memory_space<semaphore_mem>>
          %dma_start3A_80 = arith.constant 0 : i32
          %dma_start3A_81 = tpu.memref_slice %arg8[%mul3A_51, %dma_start3A_80] : memref<40x128xi32, #tpu.memory_space<vmem>> -> memref<1x128xi32, #tpu.memory_space<vmem>>
          %dma_start3A_82 = tpu.memref_squeeze %dma_start3A_81 : memref<1x128xi32, #tpu.memory_space<vmem>> -> memref<128xi32, #tpu.memory_space<vmem>>
          %dma_start3A_83 = arith.constant 0 : i32
          %dma_start3A_84 = arith.constant 0 : i32
          %dma_start3A_85 = tpu.memref_slice %arg11[%dma_start3A_83, %dma_start3A_84] : memref<10240x128xf32, #tpu.memory_space<vmem_shared>> -> memref<10240x128xf32, #tpu.memory_space<vmem_shared>>
          tpu.enqueue_indirect_dma source(%arg9 : memref<128x128xf32, #tpu.memory_space<vmem>>) target(%dma_start3A_85 : memref<10240x128xf32, #tpu.memory_space<vmem_shared>>) offsets(%dma_start3A_82 : memref<128xi32, #tpu.memory_space<vmem>>) semaphore(%run_scoped3A : memref<!tpu.dma_semaphore, #tpu.memory_space<semaphore_mem>>) {add = true}
          %dma_wait3A_86 = arith.constant 0 : i32
          %dma_wait3A_87 = tpu.memref_slice %arg8[%mul3A_51, %dma_wait3A_86] : memref<40x128xi32, #tpu.memory_space<vmem>> -> memref<1x128xi32, #tpu.memory_space<vmem>>
          %dma_wait3A_88 = tpu.memref_squeeze %dma_wait3A_87 : memref<1x128xi32, #tpu.memory_space<vmem>> -> memref<128xi32, #tpu.memory_space<vmem>>
          %dma_wait3A_89 = arith.constant 0 : i32
          %dma_wait3A_90 = arith.constant 0 : i32
          %dma_wait3A_91 = tpu.memref_slice %arg11[%dma_wait3A_89, %dma_wait3A_90] : memref<10240x128xf32, #tpu.memory_space<vmem_shared>> -> memref<10240x128xf32, #tpu.memory_space<vmem_shared>>
          tpu.wait_indirect_dma semaphore(%run_scoped3A : memref<!tpu.dma_semaphore, #tpu.memory_space<semaphore_mem>>) src(%arg9 : memref<128x128xf32, #tpu.memory_space<vmem>>) dst(%dma_wait3A_91 : memref<10240x128xf32, #tpu.memory_space<vmem_shared>>)
          tpu.yield
        }) : () -> ()
        %mul3A_63 = arith.constant 2 : i32
        %mul3A_64 = arith.muli %mul3A_63, %scan3A_49 : i32
        %add3A_65 = arith.constant 1 : i32
        %add3A_66 = arith.addi %mul3A_64, %add3A_65 : i32
        %add3A_67 = arith.constant 1 : i32
        %add3A_68 = arith.addi %add3A_66, %add3A_67 : i32
        %lt3A_69 = arith.constant 40 : i32
        %lt3A_70 = arith.cmpi slt, %add3A_68, %lt3A_69 : i32
        %convert_element_type3A_71 = arith.extui %lt3A_70 : i1 to i32
        %cond3A_72 = arith.constant 0 : i32
        %cond3A_73 = arith.cmpi ne, %convert_element_type3A_71, %cond3A_72 : i32
        scf.if %cond3A_73 {
          %add3A_80 = arith.constant 1 : i32
          %add3A_81 = arith.addi %add3A_66, %add3A_80 : i32
          %dma_start3A_82 = arith.constant 0 : i32
          %dma_start3A_83 = tpu.memref_slice %arg7[%add3A_81, %dma_start3A_82] : memref<40x128xi32, #tpu.memory_space<vmem>> -> memref<1x128xi32, #tpu.memory_space<vmem>>
          %dma_start3A_84 = tpu.memref_squeeze %dma_start3A_83 : memref<1x128xi32, #tpu.memory_space<vmem>> -> memref<128xi32, #tpu.memory_space<vmem>>
          %dma_start3A_85 = arith.constant 0 : i32
          %dma_start3A_86 = arith.constant 0 : i32
          %dma_start3A_87 = tpu.memref_slice %arg2[%dma_start3A_85, %dma_start3A_86] : memref<10240x128xf32, #tpu.memory_space<hbm>> -> memref<10240x128xf32, #tpu.memory_space<hbm>>
          tpu.enqueue_indirect_dma source(%dma_start3A_87 : memref<10240x128xf32, #tpu.memory_space<hbm>>) target(%arg9 : memref<128x128xf32, #tpu.memory_space<vmem>>) offsets(%dma_start3A_84 : memref<128xi32, #tpu.memory_space<vmem>>) semaphore(%arg12 : memref<!tpu.dma_semaphore, #tpu.memory_space<semaphore_mem>>)
        } else {
        }
        %dma_wait3A_74 = arith.constant 0 : i32
        %dma_wait3A_75 = tpu.memref_slice %arg7[%add3A_66, %dma_wait3A_74] : memref<40x128xi32, #tpu.memory_space<vmem>> -> memref<1x128xi32, #tpu.memory_space<vmem>>
        %dma_wait3A_76 = tpu.memref_squeeze %dma_wait3A_75 : memref<1x128xi32, #tpu.memory_space<vmem>> -> memref<128xi32, #tpu.memory_space<vmem>>
        %dma_wait3A_77 = arith.constant 0 : i32
        %dma_wait3A_78 = arith.constant 0 : i32
        %dma_wait3A_79 = tpu.memref_slice %arg2[%dma_wait3A_77, %dma_wait3A_78] : memref<10240x128xf32, #tpu.memory_space<hbm>> -> memref<10240x128xf32, #tpu.memory_space<hbm>>
        tpu.wait_indirect_dma semaphore(%arg13 : memref<!tpu.dma_semaphore, #tpu.memory_space<semaphore_mem>>) src(%dma_wait3A_79 : memref<10240x128xf32, #tpu.memory_space<hbm>>) dst(%arg10 : memref<128x128xf32, #tpu.memory_space<vmem>>)
        "tpu.region"() ({
          %run_scoped3A = tpu.sem_alloc : memref<!tpu.dma_semaphore, #tpu.memory_space<semaphore_mem>>
          %dma_start3A_80 = arith.constant 0 : i32
          %dma_start3A_81 = tpu.memref_slice %arg8[%add3A_66, %dma_start3A_80] : memref<40x128xi32, #tpu.memory_space<vmem>> -> memref<1x128xi32, #tpu.memory_space<vmem>>
          %dma_start3A_82 = tpu.memref_squeeze %dma_start3A_81 : memref<1x128xi32, #tpu.memory_space<vmem>> -> memref<128xi32, #tpu.memory_space<vmem>>
          %dma_start3A_83 = arith.constant 0 : i32
          %dma_start3A_84 = arith.constant 0 : i32
          %dma_start3A_85 = tpu.memref_slice %arg11[%dma_start3A_83, %dma_start3A_84] : memref<10240x128xf32, #tpu.memory_space<vmem_shared>> -> memref<10240x128xf32, #tpu.memory_space<vmem_shared>>
          tpu.enqueue_indirect_dma source(%arg10 : memref<128x128xf32, #tpu.memory_space<vmem>>) target(%dma_start3A_85 : memref<10240x128xf32, #tpu.memory_space<vmem_shared>>) offsets(%dma_start3A_82 : memref<128xi32, #tpu.memory_space<vmem>>) semaphore(%run_scoped3A : memref<!tpu.dma_semaphore, #tpu.memory_space<semaphore_mem>>) {add = true}
          %dma_wait3A_86 = arith.constant 0 : i32
          %dma_wait3A_87 = tpu.memref_slice %arg8[%add3A_66, %dma_wait3A_86] : memref<40x128xi32, #tpu.memory_space<vmem>> -> memref<1x128xi32, #tpu.memory_space<vmem>>
          %dma_wait3A_88 = tpu.memref_squeeze %dma_wait3A_87 : memref<1x128xi32, #tpu.memory_space<vmem>> -> memref<128xi32, #tpu.memory_space<vmem>>
          %dma_wait3A_89 = arith.constant 0 : i32
          %dma_wait3A_90 = arith.constant 0 : i32
          %dma_wait3A_91 = tpu.memref_slice %arg11[%dma_wait3A_89, %dma_wait3A_90] : memref<10240x128xf32, #tpu.memory_space<vmem_shared>> -> memref<10240x128xf32, #tpu.memory_space<vmem_shared>>
          tpu.wait_indirect_dma semaphore(%run_scoped3A : memref<!tpu.dma_semaphore, #tpu.memory_space<semaphore_mem>>) src(%arg10 : memref<128x128xf32, #tpu.memory_space<vmem>>) dst(%dma_wait3A_91 : memref<10240x128xf32, #tpu.memory_space<vmem_shared>>)
          tpu.yield
        }) : () -> ()
      }
      %scan3A_48 = arith.constant 20 : i32
    } else {
    }
    %eq3A_13 = arith.constant 1 : i32
    %eq3A_14 = arith.cmpi eq, %arg0, %eq3A_13 : i32
    %convert_element_type3A_15 = arith.extui %eq3A_14 : i1 to i32
    %cond3A_16 = arith.constant 0 : i32
    %cond3A_17 = arith.cmpi ne, %convert_element_type3A_15, %cond3A_16 : i32
    scf.if %cond3A_17 {
      %mul3A_19 = arith.constant 80 : i32
      %mul3A_20 = arith.muli %arg1, %mul3A_19 : i32
      %add3A = arith.constant 1280 : i32
      %add3A_21 = arith.addi %add3A, %mul3A_20 : i32
      %add3A_22 = arith.constant 0 : i32
      %add3A_23 = arith.addi %add3A_21, %add3A_22 : i32
      %multiple_of3A = tpu.assume_multiple %add3A_23, 8 : i32
      "tpu.region"() ({
        %run_scoped3A = tpu.sem_alloc : memref<!tpu.dma_semaphore, #tpu.memory_space<semaphore_mem>>
        %dma_start3A_51 = arith.constant 0 : i32
        %dma_start3A_52 = arith.constant 0 : i32
        %dma_start3A_53 = tpu.memref_slice %arg7[%dma_start3A_51, %dma_start3A_52] : memref<40x128xi32, #tpu.memory_space<vmem>> -> memref<40x128xi32, #tpu.memory_space<vmem>>
        %dma_start3A_54 = arith.constant 0 : i32
        %dma_start3A_55 = tpu.memref_slice %arg3[%multiple_of3A, %dma_start3A_54] : memref<2560x128xi32, #tpu.memory_space<hbm>> -> memref<40x128xi32, #tpu.memory_space<hbm>>
        %dma_start3A_56 = arith.constant 0 : i32
        %dma_start3A_57 = arith.constant 0 : i32
        %dma_start3A_58 = tpu.memref_slice %arg7[%dma_start3A_56, %dma_start3A_57] : memref<40x128xi32, #tpu.memory_space<vmem>> -> memref<40x128xi32, #tpu.memory_space<vmem>>
        %dma_start3A_59 = arith.constant 0 : i32
        %dma_start3A_60 = tpu.memref_slice %arg3[%multiple_of3A, %dma_start3A_59] : memref<2560x128xi32, #tpu.memory_space<hbm>> -> memref<40x128xi32, #tpu.memory_space<hbm>>
        tpu.enqueue_dma source(%dma_start3A_60 : memref<40x128xi32, #tpu.memory_space<hbm>>) target(%dma_start3A_58 : memref<40x128xi32, #tpu.memory_space<vmem>>) target_semaphore(%run_scoped3A : memref<!tpu.dma_semaphore, #tpu.memory_space<semaphore_mem>>)
        %dma_wait3A = arith.constant 0 : i32
        %dma_wait3A_61 = arith.constant 0 : i32
        %dma_wait3A_62 = tpu.memref_slice %arg7[%dma_wait3A, %dma_wait3A_61] : memref<40x128xi32, #tpu.memory_space<vmem>> -> memref<40x128xi32, #tpu.memory_space<vmem>>
        %dma_wait3A_63 = arith.constant 0 : i32
        %dma_wait3A_64 = tpu.memref_slice %arg3[%multiple_of3A, %dma_wait3A_63] : memref<2560x128xi32, #tpu.memory_space<hbm>> -> memref<40x128xi32, #tpu.memory_space<hbm>>
        %dma_wait3A_65 = arith.constant 0 : i32
        %dma_wait3A_66 = arith.constant 0 : i32
        %dma_wait3A_67 = tpu.memref_slice %arg7[%dma_wait3A_65, %dma_wait3A_66] : memref<40x128xi32, #tpu.memory_space<vmem>> -> memref<40x128xi32, #tpu.memory_space<vmem>>
        %dma_wait3A_68 = arith.constant 0 : i32
        %dma_wait3A_69 = tpu.memref_slice %arg3[%multiple_of3A, %dma_wait3A_68] : memref<2560x128xi32, #tpu.memory_space<hbm>> -> memref<40x128xi32, #tpu.memory_space<hbm>>
        tpu.wait_dma2 semaphore(%run_scoped3A : memref<!tpu.dma_semaphore, #tpu.memory_space<semaphore_mem>>) src(%dma_wait3A_69 : memref<40x128xi32, #tpu.memory_space<hbm>>) dst(%dma_wait3A_67 : memref<40x128xi32, #tpu.memory_space<vmem>>)
        tpu.yield
      }) : () -> ()
      "tpu.region"() ({
        %run_scoped3A = tpu.sem_alloc : memref<!tpu.dma_semaphore, #tpu.memory_space<semaphore_mem>>
        %dma_start3A_51 = arith.constant 0 : i32
        %dma_start3A_52 = arith.constant 0 : i32
        %dma_start3A_53 = tpu.memref_slice %arg8[%dma_start3A_51, %dma_start3A_52] : memref<40x128xi32, #tpu.memory_space<vmem>> -> memref<40x128xi32, #tpu.memory_space<vmem>>
        %dma_start3A_54 = arith.constant 0 : i32
        %dma_start3A_55 = tpu.memref_slice %arg4[%multiple_of3A, %dma_start3A_54] : memref<2560x128xi32, #tpu.memory_space<hbm>> -> memref<40x128xi32, #tpu.memory_space<hbm>>
        %dma_start3A_56 = arith.constant 0 : i32
        %dma_start3A_57 = arith.constant 0 : i32
        %dma_start3A_58 = tpu.memref_slice %arg8[%dma_start3A_56, %dma_start3A_57] : memref<40x128xi32, #tpu.memory_space<vmem>> -> memref<40x128xi32, #tpu.memory_space<vmem>>
        %dma_start3A_59 = arith.constant 0 : i32
        %dma_start3A_60 = tpu.memref_slice %arg4[%multiple_of3A, %dma_start3A_59] : memref<2560x128xi32, #tpu.memory_space<hbm>> -> memref<40x128xi32, #tpu.memory_space<hbm>>
        tpu.enqueue_dma source(%dma_start3A_60 : memref<40x128xi32, #tpu.memory_space<hbm>>) target(%dma_start3A_58 : memref<40x128xi32, #tpu.memory_space<vmem>>) target_semaphore(%run_scoped3A : memref<!tpu.dma_semaphore, #tpu.memory_space<semaphore_mem>>)
        %dma_wait3A = arith.constant 0 : i32
        %dma_wait3A_61 = arith.constant 0 : i32
        %dma_wait3A_62 = tpu.memref_slice %arg8[%dma_wait3A, %dma_wait3A_61] : memref<40x128xi32, #tpu.memory_space<vmem>> -> memref<40x128xi32, #tpu.memory_space<vmem>>
        %dma_wait3A_63 = arith.constant 0 : i32
        %dma_wait3A_64 = tpu.memref_slice %arg4[%multiple_of3A, %dma_wait3A_63] : memref<2560x128xi32, #tpu.memory_space<hbm>> -> memref<40x128xi32, #tpu.memory_space<hbm>>
        %dma_wait3A_65 = arith.constant 0 : i32
        %dma_wait3A_66 = arith.constant 0 : i32
        %dma_wait3A_67 = tpu.memref_slice %arg8[%dma_wait3A_65, %dma_wait3A_66] : memref<40x128xi32, #tpu.memory_space<vmem>> -> memref<40x128xi32, #tpu.memory_space<vmem>>
        %dma_wait3A_68 = arith.constant 0 : i32
        %dma_wait3A_69 = tpu.memref_slice %arg4[%multiple_of3A, %dma_wait3A_68] : memref<2560x128xi32, #tpu.memory_space<hbm>> -> memref<40x128xi32, #tpu.memory_space<hbm>>
        tpu.wait_dma2 semaphore(%run_scoped3A : memref<!tpu.dma_semaphore, #tpu.memory_space<semaphore_mem>>) src(%dma_wait3A_69 : memref<40x128xi32, #tpu.memory_space<hbm>>) dst(%dma_wait3A_67 : memref<40x128xi32, #tpu.memory_space<vmem>>)
        tpu.yield
      }) : () -> ()
      %dma_start3A = arith.constant 0 : i32
      %dma_start3A_24 = arith.constant 0 : i32
      %dma_start3A_25 = tpu.memref_slice %arg7[%dma_start3A, %dma_start3A_24] : memref<40x128xi32, #tpu.memory_space<vmem>> -> memref<1x128xi32, #tpu.memory_space<vmem>>
      %dma_start3A_26 = tpu.memref_squeeze %dma_start3A_25 : memref<1x128xi32, #tpu.memory_space<vmem>> -> memref<128xi32, #tpu.memory_space<vmem>>
      %dma_start3A_27 = arith.constant 0 : i32
      %dma_start3A_28 = arith.constant 0 : i32
      %dma_start3A_29 = tpu.memref_slice %arg2[%dma_start3A_27, %dma_start3A_28] : memref<10240x128xf32, #tpu.memory_space<hbm>> -> memref<10240x128xf32, #tpu.memory_space<hbm>>
      tpu.enqueue_indirect_dma source(%dma_start3A_29 : memref<10240x128xf32, #tpu.memory_space<hbm>>) target(%arg9 : memref<128x128xf32, #tpu.memory_space<vmem>>) offsets(%dma_start3A_26 : memref<128xi32, #tpu.memory_space<vmem>>) semaphore(%arg12 : memref<!tpu.dma_semaphore, #tpu.memory_space<semaphore_mem>>)
      %scan3A = arith.constant 0 : i32
      %scan3A_30 = arith.constant 0 : i32
      %scan3A_31 = arith.constant 20 : i32
      %scan3A_32 = arith.addi %scan3A_30, %scan3A_31 : i32
      %scan3A_33 = arith.constant 1 : i32
      scf.for %scan3A_51 = %scan3A_30 to %scan3A_32 step %scan3A_33  : i32 {
        %mul3A_52 = arith.constant 2 : i32
        %mul3A_53 = arith.muli %mul3A_52, %scan3A_51 : i32
        %add3A_54 = arith.constant 1 : i32
        %add3A_55 = arith.addi %mul3A_53, %add3A_54 : i32
        %lt3A = arith.constant 40 : i32
        %lt3A_56 = arith.cmpi slt, %add3A_55, %lt3A : i32
        %convert_element_type3A_57 = arith.extui %lt3A_56 : i1 to i32
        %cond3A_58 = arith.constant 0 : i32
        %cond3A_59 = arith.cmpi ne, %convert_element_type3A_57, %cond3A_58 : i32
        scf.if %cond3A_59 {
          %add3A_82 = arith.constant 1 : i32
          %add3A_83 = arith.addi %mul3A_53, %add3A_82 : i32
          %dma_start3A_84 = arith.constant 0 : i32
          %dma_start3A_85 = tpu.memref_slice %arg7[%add3A_83, %dma_start3A_84] : memref<40x128xi32, #tpu.memory_space<vmem>> -> memref<1x128xi32, #tpu.memory_space<vmem>>
          %dma_start3A_86 = tpu.memref_squeeze %dma_start3A_85 : memref<1x128xi32, #tpu.memory_space<vmem>> -> memref<128xi32, #tpu.memory_space<vmem>>
          %dma_start3A_87 = arith.constant 0 : i32
          %dma_start3A_88 = arith.constant 0 : i32
          %dma_start3A_89 = tpu.memref_slice %arg2[%dma_start3A_87, %dma_start3A_88] : memref<10240x128xf32, #tpu.memory_space<hbm>> -> memref<10240x128xf32, #tpu.memory_space<hbm>>
          tpu.enqueue_indirect_dma source(%dma_start3A_89 : memref<10240x128xf32, #tpu.memory_space<hbm>>) target(%arg10 : memref<128x128xf32, #tpu.memory_space<vmem>>) offsets(%dma_start3A_86 : memref<128xi32, #tpu.memory_space<vmem>>) semaphore(%arg13 : memref<!tpu.dma_semaphore, #tpu.memory_space<semaphore_mem>>)
        } else {
        }
        %dma_wait3A = arith.constant 0 : i32
        %dma_wait3A_60 = tpu.memref_slice %arg7[%mul3A_53, %dma_wait3A] : memref<40x128xi32, #tpu.memory_space<vmem>> -> memref<1x128xi32, #tpu.memory_space<vmem>>
        %dma_wait3A_61 = tpu.memref_squeeze %dma_wait3A_60 : memref<1x128xi32, #tpu.memory_space<vmem>> -> memref<128xi32, #tpu.memory_space<vmem>>
        %dma_wait3A_62 = arith.constant 0 : i32
        %dma_wait3A_63 = arith.constant 0 : i32
        %dma_wait3A_64 = tpu.memref_slice %arg2[%dma_wait3A_62, %dma_wait3A_63] : memref<10240x128xf32, #tpu.memory_space<hbm>> -> memref<10240x128xf32, #tpu.memory_space<hbm>>
        tpu.wait_indirect_dma semaphore(%arg12 : memref<!tpu.dma_semaphore, #tpu.memory_space<semaphore_mem>>) src(%dma_wait3A_64 : memref<10240x128xf32, #tpu.memory_space<hbm>>) dst(%arg9 : memref<128x128xf32, #tpu.memory_space<vmem>>)
        "tpu.region"() ({
          %run_scoped3A = tpu.sem_alloc : memref<!tpu.dma_semaphore, #tpu.memory_space<semaphore_mem>>
          %dma_start3A_82 = arith.constant 0 : i32
          %dma_start3A_83 = tpu.memref_slice %arg8[%mul3A_53, %dma_start3A_82] : memref<40x128xi32, #tpu.memory_space<vmem>> -> memref<1x128xi32, #tpu.memory_space<vmem>>
          %dma_start3A_84 = tpu.memref_squeeze %dma_start3A_83 : memref<1x128xi32, #tpu.memory_space<vmem>> -> memref<128xi32, #tpu.memory_space<vmem>>
          %dma_start3A_85 = arith.constant 0 : i32
          %dma_start3A_86 = arith.constant 0 : i32
          %dma_start3A_87 = tpu.memref_slice %arg11[%dma_start3A_85, %dma_start3A_86] : memref<10240x128xf32, #tpu.memory_space<vmem_shared>> -> memref<10240x128xf32, #tpu.memory_space<vmem_shared>>
          tpu.enqueue_indirect_dma source(%arg9 : memref<128x128xf32, #tpu.memory_space<vmem>>) target(%dma_start3A_87 : memref<10240x128xf32, #tpu.memory_space<vmem_shared>>) offsets(%dma_start3A_84 : memref<128xi32, #tpu.memory_space<vmem>>) semaphore(%run_scoped3A : memref<!tpu.dma_semaphore, #tpu.memory_space<semaphore_mem>>) {add = true}
          %dma_wait3A_88 = arith.constant 0 : i32
          %dma_wait3A_89 = tpu.memref_slice %arg8[%mul3A_53, %dma_wait3A_88] : memref<40x128xi32, #tpu.memory_space<vmem>> -> memref<1x128xi32, #tpu.memory_space<vmem>>
          %dma_wait3A_90 = tpu.memref_squeeze %dma_wait3A_89 : memref<1x128xi32, #tpu.memory_space<vmem>> -> memref<128xi32, #tpu.memory_space<vmem>>
          %dma_wait3A_91 = arith.constant 0 : i32
          %dma_wait3A_92 = arith.constant 0 : i32
          %dma_wait3A_93 = tpu.memref_slice %arg11[%dma_wait3A_91, %dma_wait3A_92] : memref<10240x128xf32, #tpu.memory_space<vmem_shared>> -> memref<10240x128xf32, #tpu.memory_space<vmem_shared>>
          tpu.wait_indirect_dma semaphore(%run_scoped3A : memref<!tpu.dma_semaphore, #tpu.memory_space<semaphore_mem>>) src(%arg9 : memref<128x128xf32, #tpu.memory_space<vmem>>) dst(%dma_wait3A_93 : memref<10240x128xf32, #tpu.memory_space<vmem_shared>>)
          tpu.yield
        }) : () -> ()
        %mul3A_65 = arith.constant 2 : i32
        %mul3A_66 = arith.muli %mul3A_65, %scan3A_51 : i32
        %add3A_67 = arith.constant 1 : i32
        %add3A_68 = arith.addi %mul3A_66, %add3A_67 : i32
        %add3A_69 = arith.constant 1 : i32
        %add3A_70 = arith.addi %add3A_68, %add3A_69 : i32
        %lt3A_71 = arith.constant 40 : i32
        %lt3A_72 = arith.cmpi slt, %add3A_70, %lt3A_71 : i32
        %convert_element_type3A_73 = arith.extui %lt3A_72 : i1 to i32
        %cond3A_74 = arith.constant 0 : i32
        %cond3A_75 = arith.cmpi ne, %convert_element_type3A_73, %cond3A_74 : i32
        scf.if %cond3A_75 {
          %add3A_82 = arith.constant 1 : i32
          %add3A_83 = arith.addi %add3A_68, %add3A_82 : i32
          %dma_start3A_84 = arith.constant 0 : i32
          %dma_start3A_85 = tpu.memref_slice %arg7[%add3A_83, %dma_start3A_84] : memref<40x128xi32, #tpu.memory_space<vmem>> -> memref<1x128xi32, #tpu.memory_space<vmem>>
          %dma_start3A_86 = tpu.memref_squeeze %dma_start3A_85 : memref<1x128xi32, #tpu.memory_space<vmem>> -> memref<128xi32, #tpu.memory_space<vmem>>
          %dma_start3A_87 = arith.constant 0 : i32
          %dma_start3A_88 = arith.constant 0 : i32
          %dma_start3A_89 = tpu.memref_slice %arg2[%dma_start3A_87, %dma_start3A_88] : memref<10240x128xf32, #tpu.memory_space<hbm>> -> memref<10240x128xf32, #tpu.memory_space<hbm>>
          tpu.enqueue_indirect_dma source(%dma_start3A_89 : memref<10240x128xf32, #tpu.memory_space<hbm>>) target(%arg9 : memref<128x128xf32, #tpu.memory_space<vmem>>) offsets(%dma_start3A_86 : memref<128xi32, #tpu.memory_space<vmem>>) semaphore(%arg12 : memref<!tpu.dma_semaphore, #tpu.memory_space<semaphore_mem>>)
        } else {
        }
        %dma_wait3A_76 = arith.constant 0 : i32
        %dma_wait3A_77 = tpu.memref_slice %arg7[%add3A_68, %dma_wait3A_76] : memref<40x128xi32, #tpu.memory_space<vmem>> -> memref<1x128xi32, #tpu.memory_space<vmem>>
        %dma_wait3A_78 = tpu.memref_squeeze %dma_wait3A_77 : memref<1x128xi32, #tpu.memory_space<vmem>> -> memref<128xi32, #tpu.memory_space<vmem>>
        %dma_wait3A_79 = arith.constant 0 : i32
        %dma_wait3A_80 = arith.constant 0 : i32
        %dma_wait3A_81 = tpu.memref_slice %arg2[%dma_wait3A_79, %dma_wait3A_80] : memref<10240x128xf32, #tpu.memory_space<hbm>> -> memref<10240x128xf32, #tpu.memory_space<hbm>>
        tpu.wait_indirect_dma semaphore(%arg13 : memref<!tpu.dma_semaphore, #tpu.memory_space<semaphore_mem>>) src(%dma_wait3A_81 : memref<10240x128xf32, #tpu.memory_space<hbm>>) dst(%arg10 : memref<128x128xf32, #tpu.memory_space<vmem>>)
        "tpu.region"() ({
          %run_scoped3A = tpu.sem_alloc : memref<!tpu.dma_semaphore, #tpu.memory_space<semaphore_mem>>
          %dma_start3A_82 = arith.constant 0 : i32
          %dma_start3A_83 = tpu.memref_slice %arg8[%add3A_68, %dma_start3A_82] : memref<40x128xi32, #tpu.memory_space<vmem>> -> memref<1x128xi32, #tpu.memory_space<vmem>>
          %dma_start3A_84 = tpu.memref_squeeze %dma_start3A_83 : memref<1x128xi32, #tpu.memory_space<vmem>> -> memref<128xi32, #tpu.memory_space<vmem>>
          %dma_start3A_85 = arith.constant 0 : i32
          %dma_start3A_86 = arith.constant 0 : i32
          %dma_start3A_87 = tpu.memref_slice %arg11[%dma_start3A_85, %dma_start3A_86] : memref<10240x128xf32, #tpu.memory_space<vmem_shared>> -> memref<10240x128xf32, #tpu.memory_space<vmem_shared>>
          tpu.enqueue_indirect_dma source(%arg10 : memref<128x128xf32, #tpu.memory_space<vmem>>) target(%dma_start3A_87 : memref<10240x128xf32, #tpu.memory_space<vmem_shared>>) offsets(%dma_start3A_84 : memref<128xi32, #tpu.memory_space<vmem>>) semaphore(%run_scoped3A : memref<!tpu.dma_semaphore, #tpu.memory_space<semaphore_mem>>) {add = true}
          %dma_wait3A_88 = arith.constant 0 : i32
          %dma_wait3A_89 = tpu.memref_slice %arg8[%add3A_68, %dma_wait3A_88] : memref<40x128xi32, #tpu.memory_space<vmem>> -> memref<1x128xi32, #tpu.memory_space<vmem>>
          %dma_wait3A_90 = tpu.memref_squeeze %dma_wait3A_89 : memref<1x128xi32, #tpu.memory_space<vmem>> -> memref<128xi32, #tpu.memory_space<vmem>>
          %dma_wait3A_91 = arith.constant 0 : i32
          %dma_wait3A_92 = arith.constant 0 : i32
          %dma_wait3A_93 = tpu.memref_slice %arg11[%dma_wait3A_91, %dma_wait3A_92] : memref<10240x128xf32, #tpu.memory_space<vmem_shared>> -> memref<10240x128xf32, #tpu.memory_space<vmem_shared>>
          tpu.wait_indirect_dma semaphore(%run_scoped3A : memref<!tpu.dma_semaphore, #tpu.memory_space<semaphore_mem>>) src(%arg10 : memref<128x128xf32, #tpu.memory_space<vmem>>) dst(%dma_wait3A_93 : memref<10240x128xf32, #tpu.memory_space<vmem_shared>>)
          tpu.yield
        }) : () -> ()
      }
      %scan3A_34 = arith.constant 20 : i32
      %add3A_35 = arith.constant 40 : i32
      %add3A_36 = arith.addi %add3A_21, %add3A_35 : i32
      %multiple_of3A_37 = tpu.assume_multiple %add3A_36, 8 : i32
      "tpu.region"() ({
        %run_scoped3A = tpu.sem_alloc : memref<!tpu.dma_semaphore, #tpu.memory_space<semaphore_mem>>
        %dma_start3A_51 = arith.constant 0 : i32
        %dma_start3A_52 = arith.constant 0 : i32
        %dma_start3A_53 = tpu.memref_slice %arg7[%dma_start3A_51, %dma_start3A_52] : memref<40x128xi32, #tpu.memory_space<vmem>> -> memref<40x128xi32, #tpu.memory_space<vmem>>
        %dma_start3A_54 = arith.constant 0 : i32
        %dma_start3A_55 = tpu.memref_slice %arg3[%multiple_of3A_37, %dma_start3A_54] : memref<2560x128xi32, #tpu.memory_space<hbm>> -> memref<40x128xi32, #tpu.memory_space<hbm>>
        %dma_start3A_56 = arith.constant 0 : i32
        %dma_start3A_57 = arith.constant 0 : i32
        %dma_start3A_58 = tpu.memref_slice %arg7[%dma_start3A_56, %dma_start3A_57] : memref<40x128xi32, #tpu.memory_space<vmem>> -> memref<40x128xi32, #tpu.memory_space<vmem>>
        %dma_start3A_59 = arith.constant 0 : i32
        %dma_start3A_60 = tpu.memref_slice %arg3[%multiple_of3A_37, %dma_start3A_59] : memref<2560x128xi32, #tpu.memory_space<hbm>> -> memref<40x128xi32, #tpu.memory_space<hbm>>
        tpu.enqueue_dma source(%dma_start3A_60 : memref<40x128xi32, #tpu.memory_space<hbm>>) target(%dma_start3A_58 : memref<40x128xi32, #tpu.memory_space<vmem>>) target_semaphore(%run_scoped3A : memref<!tpu.dma_semaphore, #tpu.memory_space<semaphore_mem>>)
        %dma_wait3A = arith.constant 0 : i32
        %dma_wait3A_61 = arith.constant 0 : i32
        %dma_wait3A_62 = tpu.memref_slice %arg7[%dma_wait3A, %dma_wait3A_61] : memref<40x128xi32, #tpu.memory_space<vmem>> -> memref<40x128xi32, #tpu.memory_space<vmem>>
        %dma_wait3A_63 = arith.constant 0 : i32
        %dma_wait3A_64 = tpu.memref_slice %arg3[%multiple_of3A_37, %dma_wait3A_63] : memref<2560x128xi32, #tpu.memory_space<hbm>> -> memref<40x128xi32, #tpu.memory_space<hbm>>
        %dma_wait3A_65 = arith.constant 0 : i32
        %dma_wait3A_66 = arith.constant 0 : i32
        %dma_wait3A_67 = tpu.memref_slice %arg7[%dma_wait3A_65, %dma_wait3A_66] : memref<40x128xi32, #tpu.memory_space<vmem>> -> memref<40x128xi32, #tpu.memory_space<vmem>>
        %dma_wait3A_68 = arith.constant 0 : i32
        %dma_wait3A_69 = tpu.memref_slice %arg3[%multiple_of3A_37, %dma_wait3A_68] : memref<2560x128xi32, #tpu.memory_space<hbm>> -> memref<40x128xi32, #tpu.memory_space<hbm>>
        tpu.wait_dma2 semaphore(%run_scoped3A : memref<!tpu.dma_semaphore, #tpu.memory_space<semaphore_mem>>) src(%dma_wait3A_69 : memref<40x128xi32, #tpu.memory_space<hbm>>) dst(%dma_wait3A_67 : memref<40x128xi32, #tpu.memory_space<vmem>>)
        tpu.yield
      }) : () -> ()
      "tpu.region"() ({
        %run_scoped3A = tpu.sem_alloc : memref<!tpu.dma_semaphore, #tpu.memory_space<semaphore_mem>>
        %dma_start3A_51 = arith.constant 0 : i32
        %dma_start3A_52 = arith.constant 0 : i32
        %dma_start3A_53 = tpu.memref_slice %arg8[%dma_start3A_51, %dma_start3A_52] : memref<40x128xi32, #tpu.memory_space<vmem>> -> memref<40x128xi32, #tpu.memory_space<vmem>>
        %dma_start3A_54 = arith.constant 0 : i32
        %dma_start3A_55 = tpu.memref_slice %arg4[%multiple_of3A_37, %dma_start3A_54] : memref<2560x128xi32, #tpu.memory_space<hbm>> -> memref<40x128xi32, #tpu.memory_space<hbm>>
        %dma_start3A_56 = arith.constant 0 : i32
        %dma_start3A_57 = arith.constant 0 : i32
        %dma_start3A_58 = tpu.memref_slice %arg8[%dma_start3A_56, %dma_start3A_57] : memref<40x128xi32, #tpu.memory_space<vmem>> -> memref<40x128xi32, #tpu.memory_space<vmem>>
        %dma_start3A_59 = arith.constant 0 : i32
        %dma_start3A_60 = tpu.memref_slice %arg4[%multiple_of3A_37, %dma_start3A_59] : memref<2560x128xi32, #tpu.memory_space<hbm>> -> memref<40x128xi32, #tpu.memory_space<hbm>>
        tpu.enqueue_dma source(%dma_start3A_60 : memref<40x128xi32, #tpu.memory_space<hbm>>) target(%dma_start3A_58 : memref<40x128xi32, #tpu.memory_space<vmem>>) target_semaphore(%run_scoped3A : memref<!tpu.dma_semaphore, #tpu.memory_space<semaphore_mem>>)
        %dma_wait3A = arith.constant 0 : i32
        %dma_wait3A_61 = arith.constant 0 : i32
        %dma_wait3A_62 = tpu.memref_slice %arg8[%dma_wait3A, %dma_wait3A_61] : memref<40x128xi32, #tpu.memory_space<vmem>> -> memref<40x128xi32, #tpu.memory_space<vmem>>
        %dma_wait3A_63 = arith.constant 0 : i32
        %dma_wait3A_64 = tpu.memref_slice %arg4[%multiple_of3A_37, %dma_wait3A_63] : memref<2560x128xi32, #tpu.memory_space<hbm>> -> memref<40x128xi32, #tpu.memory_space<hbm>>
        %dma_wait3A_65 = arith.constant 0 : i32
        %dma_wait3A_66 = arith.constant 0 : i32
        %dma_wait3A_67 = tpu.memref_slice %arg8[%dma_wait3A_65, %dma_wait3A_66] : memref<40x128xi32, #tpu.memory_space<vmem>> -> memref<40x128xi32, #tpu.memory_space<vmem>>
        %dma_wait3A_68 = arith.constant 0 : i32
        %dma_wait3A_69 = tpu.memref_slice %arg4[%multiple_of3A_37, %dma_wait3A_68] : memref<2560x128xi32, #tpu.memory_space<hbm>> -> memref<40x128xi32, #tpu.memory_space<hbm>>
        tpu.wait_dma2 semaphore(%run_scoped3A : memref<!tpu.dma_semaphore, #tpu.memory_space<semaphore_mem>>) src(%dma_wait3A_69 : memref<40x128xi32, #tpu.memory_space<hbm>>) dst(%dma_wait3A_67 : memref<40x128xi32, #tpu.memory_space<vmem>>)
        tpu.yield
      }) : () -> ()
      %dma_start3A_38 = arith.constant 0 : i32
      %dma_start3A_39 = arith.constant 0 : i32
      %dma_start3A_40 = tpu.memref_slice %arg7[%dma_start3A_38, %dma_start3A_39] : memref<40x128xi32, #tpu.memory_space<vmem>> -> memref<1x128xi32, #tpu.memory_space<vmem>>
      %dma_start3A_41 = tpu.memref_squeeze %dma_start3A_40 : memref<1x128xi32, #tpu.memory_space<vmem>> -> memref<128xi32, #tpu.memory_space<vmem>>
      %dma_start3A_42 = arith.constant 0 : i32
      %dma_start3A_43 = arith.constant 0 : i32
      %dma_start3A_44 = tpu.memref_slice %arg2[%dma_start3A_42, %dma_start3A_43] : memref<10240x128xf32, #tpu.memory_space<hbm>> -> memref<10240x128xf32, #tpu.memory_space<hbm>>
      tpu.enqueue_indirect_dma source(%dma_start3A_44 : memref<10240x128xf32, #tpu.memory_space<hbm>>) target(%arg9 : memref<128x128xf32, #tpu.memory_space<vmem>>) offsets(%dma_start3A_41 : memref<128xi32, #tpu.memory_space<vmem>>) semaphore(%arg12 : memref<!tpu.dma_semaphore, #tpu.memory_space<semaphore_mem>>)
      %scan3A_45 = arith.constant 0 : i32
      %scan3A_46 = arith.constant 0 : i32
      %scan3A_47 = arith.constant 20 : i32
      %scan3A_48 = arith.addi %scan3A_46, %scan3A_47 : i32
      %scan3A_49 = arith.constant 1 : i32
      scf.for %scan3A_51 = %scan3A_46 to %scan3A_48 step %scan3A_49  : i32 {
        %mul3A_52 = arith.constant 2 : i32
        %mul3A_53 = arith.muli %mul3A_52, %scan3A_51 : i32
        %add3A_54 = arith.constant 1 : i32
        %add3A_55 = arith.addi %mul3A_53, %add3A_54 : i32
        %lt3A = arith.constant 40 : i32
        %lt3A_56 = arith.cmpi slt, %add3A_55, %lt3A : i32
        %convert_element_type3A_57 = arith.extui %lt3A_56 : i1 to i32
        %cond3A_58 = arith.constant 0 : i32
        %cond3A_59 = arith.cmpi ne, %convert_element_type3A_57, %cond3A_58 : i32
        scf.if %cond3A_59 {
          %add3A_82 = arith.constant 1 : i32
          %add3A_83 = arith.addi %mul3A_53, %add3A_82 : i32
          %dma_start3A_84 = arith.constant 0 : i32
          %dma_start3A_85 = tpu.memref_slice %arg7[%add3A_83, %dma_start3A_84] : memref<40x128xi32, #tpu.memory_space<vmem>> -> memref<1x128xi32, #tpu.memory_space<vmem>>
          %dma_start3A_86 = tpu.memref_squeeze %dma_start3A_85 : memref<1x128xi32, #tpu.memory_space<vmem>> -> memref<128xi32, #tpu.memory_space<vmem>>
          %dma_start3A_87 = arith.constant 0 : i32
          %dma_start3A_88 = arith.constant 0 : i32
          %dma_start3A_89 = tpu.memref_slice %arg2[%dma_start3A_87, %dma_start3A_88] : memref<10240x128xf32, #tpu.memory_space<hbm>> -> memref<10240x128xf32, #tpu.memory_space<hbm>>
          tpu.enqueue_indirect_dma source(%dma_start3A_89 : memref<10240x128xf32, #tpu.memory_space<hbm>>) target(%arg10 : memref<128x128xf32, #tpu.memory_space<vmem>>) offsets(%dma_start3A_86 : memref<128xi32, #tpu.memory_space<vmem>>) semaphore(%arg13 : memref<!tpu.dma_semaphore, #tpu.memory_space<semaphore_mem>>)
        } else {
        }
        %dma_wait3A = arith.constant 0 : i32
        %dma_wait3A_60 = tpu.memref_slice %arg7[%mul3A_53, %dma_wait3A] : memref<40x128xi32, #tpu.memory_space<vmem>> -> memref<1x128xi32, #tpu.memory_space<vmem>>
        %dma_wait3A_61 = tpu.memref_squeeze %dma_wait3A_60 : memref<1x128xi32, #tpu.memory_space<vmem>> -> memref<128xi32, #tpu.memory_space<vmem>>
        %dma_wait3A_62 = arith.constant 0 : i32
        %dma_wait3A_63 = arith.constant 0 : i32
        %dma_wait3A_64 = tpu.memref_slice %arg2[%dma_wait3A_62, %dma_wait3A_63] : memref<10240x128xf32, #tpu.memory_space<hbm>> -> memref<10240x128xf32, #tpu.memory_space<hbm>>
        tpu.wait_indirect_dma semaphore(%arg12 : memref<!tpu.dma_semaphore, #tpu.memory_space<semaphore_mem>>) src(%dma_wait3A_64 : memref<10240x128xf32, #tpu.memory_space<hbm>>) dst(%arg9 : memref<128x128xf32, #tpu.memory_space<vmem>>)
        "tpu.region"() ({
          %run_scoped3A = tpu.sem_alloc : memref<!tpu.dma_semaphore, #tpu.memory_space<semaphore_mem>>
          %dma_start3A_82 = arith.constant 0 : i32
          %dma_start3A_83 = tpu.memref_slice %arg8[%mul3A_53, %dma_start3A_82] : memref<40x128xi32, #tpu.memory_space<vmem>> -> memref<1x128xi32, #tpu.memory_space<vmem>>
          %dma_start3A_84 = tpu.memref_squeeze %dma_start3A_83 : memref<1x128xi32, #tpu.memory_space<vmem>> -> memref<128xi32, #tpu.memory_space<vmem>>
          %dma_start3A_85 = arith.constant 0 : i32
          %dma_start3A_86 = arith.constant 0 : i32
          %dma_start3A_87 = tpu.memref_slice %arg11[%dma_start3A_85, %dma_start3A_86] : memref<10240x128xf32, #tpu.memory_space<vmem_shared>> -> memref<10240x128xf32, #tpu.memory_space<vmem_shared>>
          tpu.enqueue_indirect_dma source(%arg9 : memref<128x128xf32, #tpu.memory_space<vmem>>) target(%dma_start3A_87 : memref<10240x128xf32, #tpu.memory_space<vmem_shared>>) offsets(%dma_start3A_84 : memref<128xi32, #tpu.memory_space<vmem>>) semaphore(%run_scoped3A : memref<!tpu.dma_semaphore, #tpu.memory_space<semaphore_mem>>) {add = true}
          %dma_wait3A_88 = arith.constant 0 : i32
          %dma_wait3A_89 = tpu.memref_slice %arg8[%mul3A_53, %dma_wait3A_88] : memref<40x128xi32, #tpu.memory_space<vmem>> -> memref<1x128xi32, #tpu.memory_space<vmem>>
          %dma_wait3A_90 = tpu.memref_squeeze %dma_wait3A_89 : memref<1x128xi32, #tpu.memory_space<vmem>> -> memref<128xi32, #tpu.memory_space<vmem>>
          %dma_wait3A_91 = arith.constant 0 : i32
          %dma_wait3A_92 = arith.constant 0 : i32
          %dma_wait3A_93 = tpu.memref_slice %arg11[%dma_wait3A_91, %dma_wait3A_92] : memref<10240x128xf32, #tpu.memory_space<vmem_shared>> -> memref<10240x128xf32, #tpu.memory_space<vmem_shared>>
          tpu.wait_indirect_dma semaphore(%run_scoped3A : memref<!tpu.dma_semaphore, #tpu.memory_space<semaphore_mem>>) src(%arg9 : memref<128x128xf32, #tpu.memory_space<vmem>>) dst(%dma_wait3A_93 : memref<10240x128xf32, #tpu.memory_space<vmem_shared>>)
          tpu.yield
        }) : () -> ()
        %mul3A_65 = arith.constant 2 : i32
        %mul3A_66 = arith.muli %mul3A_65, %scan3A_51 : i32
        %add3A_67 = arith.constant 1 : i32
        %add3A_68 = arith.addi %mul3A_66, %add3A_67 : i32
        %add3A_69 = arith.constant 1 : i32
        %add3A_70 = arith.addi %add3A_68, %add3A_69 : i32
        %lt3A_71 = arith.constant 40 : i32
        %lt3A_72 = arith.cmpi slt, %add3A_70, %lt3A_71 : i32
        %convert_element_type3A_73 = arith.extui %lt3A_72 : i1 to i32
        %cond3A_74 = arith.constant 0 : i32
        %cond3A_75 = arith.cmpi ne, %convert_element_type3A_73, %cond3A_74 : i32
        scf.if %cond3A_75 {
          %add3A_82 = arith.constant 1 : i32
          %add3A_83 = arith.addi %add3A_68, %add3A_82 : i32
          %dma_start3A_84 = arith.constant 0 : i32
          %dma_start3A_85 = tpu.memref_slice %arg7[%add3A_83, %dma_start3A_84] : memref<40x128xi32, #tpu.memory_space<vmem>> -> memref<1x128xi32, #tpu.memory_space<vmem>>
          %dma_start3A_86 = tpu.memref_squeeze %dma_start3A_85 : memref<1x128xi32, #tpu.memory_space<vmem>> -> memref<128xi32, #tpu.memory_space<vmem>>
          %dma_start3A_87 = arith.constant 0 : i32
          %dma_start3A_88 = arith.constant 0 : i32
          %dma_start3A_89 = tpu.memref_slice %arg2[%dma_start3A_87, %dma_start3A_88] : memref<10240x128xf32, #tpu.memory_space<hbm>> -> memref<10240x128xf32, #tpu.memory_space<hbm>>
          tpu.enqueue_indirect_dma source(%dma_start3A_89 : memref<10240x128xf32, #tpu.memory_space<hbm>>) target(%arg9 : memref<128x128xf32, #tpu.memory_space<vmem>>) offsets(%dma_start3A_86 : memref<128xi32, #tpu.memory_space<vmem>>) semaphore(%arg12 : memref<!tpu.dma_semaphore, #tpu.memory_space<semaphore_mem>>)
        } else {
        }
        %dma_wait3A_76 = arith.constant 0 : i32
        %dma_wait3A_77 = tpu.memref_slice %arg7[%add3A_68, %dma_wait3A_76] : memref<40x128xi32, #tpu.memory_space<vmem>> -> memref<1x128xi32, #tpu.memory_space<vmem>>
        %dma_wait3A_78 = tpu.memref_squeeze %dma_wait3A_77 : memref<1x128xi32, #tpu.memory_space<vmem>> -> memref<128xi32, #tpu.memory_space<vmem>>
        %dma_wait3A_79 = arith.constant 0 : i32
        %dma_wait3A_80 = arith.constant 0 : i32
        %dma_wait3A_81 = tpu.memref_slice %arg2[%dma_wait3A_79, %dma_wait3A_80] : memref<10240x128xf32, #tpu.memory_space<hbm>> -> memref<10240x128xf32, #tpu.memory_space<hbm>>
        tpu.wait_indirect_dma semaphore(%arg13 : memref<!tpu.dma_semaphore, #tpu.memory_space<semaphore_mem>>) src(%dma_wait3A_81 : memref<10240x128xf32, #tpu.memory_space<hbm>>) dst(%arg10 : memref<128x128xf32, #tpu.memory_space<vmem>>)
        "tpu.region"() ({
          %run_scoped3A = tpu.sem_alloc : memref<!tpu.dma_semaphore, #tpu.memory_space<semaphore_mem>>
          %dma_start3A_82 = arith.constant 0 : i32
          %dma_start3A_83 = tpu.memref_slice %arg8[%add3A_68, %dma_start3A_82] : memref<40x128xi32, #tpu.memory_space<vmem>> -> memref<1x128xi32, #tpu.memory_space<vmem>>
          %dma_start3A_84 = tpu.memref_squeeze %dma_start3A_83 : memref<1x128xi32, #tpu.memory_space<vmem>> -> memref<128xi32, #tpu.memory_space<vmem>>
          %dma_start3A_85 = arith.constant 0 : i32
          %dma_start3A_86 = arith.constant 0 : i32
          %dma_start3A_87 = tpu.memref_slice %arg11[%dma_start3A_85, %dma_start3A_86] : memref<10240x128xf32, #tpu.memory_space<vmem_shared>> -> memref<10240x128xf32, #tpu.memory_space<vmem_shared>>
          tpu.enqueue_indirect_dma source(%arg10 : memref<128x128xf32, #tpu.memory_space<vmem>>) target(%dma_start3A_87 : memref<10240x128xf32, #tpu.memory_space<vmem_shared>>) offsets(%dma_start3A_84 : memref<128xi32, #tpu.memory_space<vmem>>) semaphore(%run_scoped3A : memref<!tpu.dma_semaphore, #tpu.memory_space<semaphore_mem>>) {add = true}
          %dma_wait3A_88 = arith.constant 0 : i32
          %dma_wait3A_89 = tpu.memref_slice %arg8[%add3A_68, %dma_wait3A_88] : memref<40x128xi32, #tpu.memory_space<vmem>> -> memref<1x128xi32, #tpu.memory_space<vmem>>
          %dma_wait3A_90 = tpu.memref_squeeze %dma_wait3A_89 : memref<1x128xi32, #tpu.memory_space<vmem>> -> memref<128xi32, #tpu.memory_space<vmem>>
          %dma_wait3A_91 = arith.constant 0 : i32
          %dma_wait3A_92 = arith.constant 0 : i32
          %dma_wait3A_93 = tpu.memref_slice %arg11[%dma_wait3A_91, %dma_wait3A_92] : memref<10240x128xf32, #tpu.memory_space<vmem_shared>> -> memref<10240x128xf32, #tpu.memory_space<vmem_shared>>
          tpu.wait_indirect_dma semaphore(%run_scoped3A : memref<!tpu.dma_semaphore, #tpu.memory_space<semaphore_mem>>) src(%arg10 : memref<128x128xf32, #tpu.memory_space<vmem>>) dst(%dma_wait3A_93 : memref<10240x128xf32, #tpu.memory_space<vmem_shared>>)
          tpu.yield
        }) : () -> ()
      }
      %scan3A_50 = arith.constant 20 : i32
    } else {
    }
    %barrier3A_18 = arith.constant 0 : index
    tpu.barrier barrier_id(%barrier3A_18)
    "tpu.region"() ({
      %run_scoped3A = tpu.sem_alloc : memref<!tpu.dma_semaphore, #tpu.memory_space<semaphore_mem>>
      %dma_start3A = arith.constant 0 : i32
      %dma_start3A_19 = tpu.memref_slice %arg6[%arg0, %mul3A_0, %dma_start3A] : memref<2x10240x128xf32, #tpu.memory_space<hbm>> -> memref<1x640x128xf32, #tpu.memory_space<hbm>>
      %dma_start3A_20 = tpu.memref_squeeze %dma_start3A_19 : memref<1x640x128xf32, #tpu.memory_space<hbm>> -> memref<640x128xf32, #tpu.memory_space<hbm>>
      %dma_start3A_21 = arith.constant 0 : i32
      %dma_start3A_22 = tpu.memref_slice %arg11[%mul3A_0, %dma_start3A_21] : memref<10240x128xf32, #tpu.memory_space<vmem_shared>> -> memref<640x128xf32, #tpu.memory_space<vmem_shared>>
      tpu.enqueue_dma source(%dma_start3A_22 : memref<640x128xf32, #tpu.memory_space<vmem_shared>>) target(%dma_start3A_20 : memref<640x128xf32, #tpu.memory_space<hbm>>) target_semaphore(%run_scoped3A : memref<!tpu.dma_semaphore, #tpu.memory_space<semaphore_mem>>)
      %dma_wait3A = arith.constant 0 : i32
      %dma_wait3A_23 = tpu.memref_slice %arg6[%arg0, %mul3A_0, %dma_wait3A] : memref<2x10240x128xf32, #tpu.memory_space<hbm>> -> memref<1x640x128xf32, #tpu.memory_space<hbm>>
      %dma_wait3A_24 = tpu.memref_squeeze %dma_wait3A_23 : memref<1x640x128xf32, #tpu.memory_space<hbm>> -> memref<640x128xf32, #tpu.memory_space<hbm>>
      %dma_wait3A_25 = arith.constant 0 : i32
      %dma_wait3A_26 = tpu.memref_slice %arg11[%mul3A_0, %dma_wait3A_25] : memref<10240x128xf32, #tpu.memory_space<vmem_shared>> -> memref<640x128xf32, #tpu.memory_space<vmem_shared>>
      tpu.wait_dma2 semaphore(%run_scoped3A : memref<!tpu.dma_semaphore, #tpu.memory_space<semaphore_mem>>) src(%dma_wait3A_26 : memref<640x128xf32, #tpu.memory_space<vmem_shared>>) dst(%dma_wait3A_24 : memref<640x128xf32, #tpu.memory_space<hbm>>)
      tpu.yield
    }) : () -> ()
    return
  }
}

#map = affine_map<(d0, d1) -> (0, 0)>
#map1 = affine_map<(d0, d1) -> (0, 0, 0)>
module attributes {stable_mosaic.version = 14 : i64} {
  func.func @_agg_body(%arg0: i32, %arg1: i32, %arg2: memref<10240x128xf32, #tpu.memory_space<hbm>>, %arg3: memref<2560x128xi32, #tpu.memory_space<hbm>>, %arg4: memref<2560x128xi32, #tpu.memory_space<hbm>>, %arg5: memref<10240x128xf32, #tpu.memory_space<hbm>>, %arg6: memref<2x10240x128xf32, #tpu.memory_space<hbm>>, %arg7: memref<40x128xi32, #tpu.memory_space<vmem>>, %arg8: memref<40x128xi32, #tpu.memory_space<vmem>>, %arg9: memref<128x128xf32, #tpu.memory_space<vmem>>, %arg10: memref<128x128xf32, #tpu.memory_space<vmem>>, %arg11: memref<10240x128xf32, #tpu.memory_space<vmem_shared>>, %arg12: memref<!tpu.dma_semaphore, #tpu.memory_space<semaphore_mem>>, %arg13: memref<!tpu.dma_semaphore, #tpu.memory_space<semaphore_mem>>) attributes {dimension_semantics = [#tpu.dimension_semantics<core_parallel>, #tpu.dimension_semantics<subcore_parallel>], iteration_bounds = array<i64: 2, 16>, scalar_prefetch = 0 : i64, scratch_operands = 7 : i64, tpu.core_type = #tpu.core_type<sc_vector_subcore>, window_params = [{transform_indices = #map}, {transform_indices = #map}, {transform_indices = #map}, {transform_indices = #map}, {transform_indices = #map1}]} {
    %mul3A = arith.constant 640 : i32
    %mul3A_0 = arith.muli %arg1, %mul3A : i32
    %eq3A = arith.constant 0 : i32
    %eq3A_1 = arith.cmpi eq, %arg0, %eq3A : i32
    %convert_element_type3A = arith.extui %eq3A_1 : i1 to i32
    %cond3A = arith.constant 0 : i32
    %cond3A_2 = arith.cmpi ne, %convert_element_type3A, %cond3A : i32
    scf.if %cond3A_2 {
      "tpu.region"() ({
        %run_scoped3A = tpu.sem_alloc : memref<!tpu.dma_semaphore, #tpu.memory_space<semaphore_mem>>
        %dma_start3A = arith.constant 0 : i32
        %dma_start3A_19 = tpu.memref_slice %arg11[%mul3A_0, %dma_start3A] : memref<10240x128xf32, #tpu.memory_space<vmem_shared>> -> memref<640x128xf32, #tpu.memory_space<vmem_shared>>
        %dma_start3A_20 = arith.constant 0 : i32
        %dma_start3A_21 = tpu.memref_slice %arg2[%mul3A_0, %dma_start3A_20] : memref<10240x128xf32, #tpu.memory_space<hbm>> -> memref<640x128xf32, #tpu.memory_space<hbm>>
        tpu.enqueue_dma source(%dma_start3A_21 : memref<640x128xf32, #tpu.memory_space<hbm>>) target(%dma_start3A_19 : memref<640x128xf32, #tpu.memory_space<vmem_shared>>) target_semaphore(%run_scoped3A : memref<!tpu.dma_semaphore, #tpu.memory_space<semaphore_mem>>)
        %dma_wait3A = arith.constant 0 : i32
        %dma_wait3A_22 = tpu.memref_slice %arg11[%mul3A_0, %dma_wait3A] : memref<10240x128xf32, #tpu.memory_space<vmem_shared>> -> memref<640x128xf32, #tpu.memory_space<vmem_shared>>
        %dma_wait3A_23 = arith.constant 0 : i32
        %dma_wait3A_24 = tpu.memref_slice %arg2[%mul3A_0, %dma_wait3A_23] : memref<10240x128xf32, #tpu.memory_space<hbm>> -> memref<640x128xf32, #tpu.memory_space<hbm>>
        tpu.wait_dma2 semaphore(%run_scoped3A : memref<!tpu.dma_semaphore, #tpu.memory_space<semaphore_mem>>) src(%dma_wait3A_24 : memref<640x128xf32, #tpu.memory_space<hbm>>) dst(%dma_wait3A_22 : memref<640x128xf32, #tpu.memory_space<vmem_shared>>)
        tpu.yield
      }) : () -> ()
    } else {
    }
    %eq3A_3 = arith.constant 1 : i32
    %eq3A_4 = arith.cmpi eq, %arg0, %eq3A_3 : i32
    %convert_element_type3A_5 = arith.extui %eq3A_4 : i1 to i32
    %cond3A_6 = arith.constant 0 : i32
    %cond3A_7 = arith.cmpi ne, %convert_element_type3A_5, %cond3A_6 : i32
    scf.if %cond3A_7 {
      "tpu.region"() ({
        %run_scoped3A = tpu.sem_alloc : memref<!tpu.dma_semaphore, #tpu.memory_space<semaphore_mem>>
        %dma_start3A = arith.constant 0 : i32
        %dma_start3A_19 = tpu.memref_slice %arg11[%mul3A_0, %dma_start3A] : memref<10240x128xf32, #tpu.memory_space<vmem_shared>> -> memref<640x128xf32, #tpu.memory_space<vmem_shared>>
        %dma_start3A_20 = arith.constant 0 : i32
        %dma_start3A_21 = tpu.memref_slice %arg5[%mul3A_0, %dma_start3A_20] : memref<10240x128xf32, #tpu.memory_space<hbm>> -> memref<640x128xf32, #tpu.memory_space<hbm>>
        tpu.enqueue_dma source(%dma_start3A_21 : memref<640x128xf32, #tpu.memory_space<hbm>>) target(%dma_start3A_19 : memref<640x128xf32, #tpu.memory_space<vmem_shared>>) target_semaphore(%run_scoped3A : memref<!tpu.dma_semaphore, #tpu.memory_space<semaphore_mem>>)
        %dma_wait3A = arith.constant 0 : i32
        %dma_wait3A_22 = tpu.memref_slice %arg11[%mul3A_0, %dma_wait3A] : memref<10240x128xf32, #tpu.memory_space<vmem_shared>> -> memref<640x128xf32, #tpu.memory_space<vmem_shared>>
        %dma_wait3A_23 = arith.constant 0 : i32
        %dma_wait3A_24 = tpu.memref_slice %arg5[%mul3A_0, %dma_wait3A_23] : memref<10240x128xf32, #tpu.memory_space<hbm>> -> memref<640x128xf32, #tpu.memory_space<hbm>>
        tpu.wait_dma2 semaphore(%run_scoped3A : memref<!tpu.dma_semaphore, #tpu.memory_space<semaphore_mem>>) src(%dma_wait3A_24 : memref<640x128xf32, #tpu.memory_space<hbm>>) dst(%dma_wait3A_22 : memref<640x128xf32, #tpu.memory_space<vmem_shared>>)
        tpu.yield
      }) : () -> ()
    } else {
    }
    %barrier3A = arith.constant 0 : index
    tpu.barrier barrier_id(%barrier3A)
    %eq3A_8 = arith.constant 0 : i32
    %eq3A_9 = arith.cmpi eq, %arg0, %eq3A_8 : i32
    %convert_element_type3A_10 = arith.extui %eq3A_9 : i1 to i32
    %cond3A_11 = arith.constant 0 : i32
    %cond3A_12 = arith.cmpi ne, %convert_element_type3A_10, %cond3A_11 : i32
    scf.if %cond3A_12 {
      %mul3A_19 = arith.constant 80 : i32
      %mul3A_20 = arith.muli %arg1, %mul3A_19 : i32
      %add3A = arith.constant 0 : i32
      %add3A_21 = arith.addi %mul3A_20, %add3A : i32
      %multiple_of3A = tpu.assume_multiple %add3A_21, 8 : i32
      "tpu.region"() ({
        %run_scoped3A = tpu.sem_alloc : memref<!tpu.dma_semaphore, #tpu.memory_space<semaphore_mem>>
        %dma_start3A_49 = arith.constant 0 : i32
        %dma_start3A_50 = arith.constant 0 : i32
        %dma_start3A_51 = tpu.memref_slice %arg7[%dma_start3A_49, %dma_start3A_50] : memref<40x128xi32, #tpu.memory_space<vmem>> -> memref<40x128xi32, #tpu.memory_space<vmem>>
        %dma_start3A_52 = arith.constant 0 : i32
        %dma_start3A_53 = tpu.memref_slice %arg3[%multiple_of3A, %dma_start3A_52] : memref<2560x128xi32, #tpu.memory_space<hbm>> -> memref<40x128xi32, #tpu.memory_space<hbm>>
        %dma_start3A_54 = arith.constant 0 : i32
        %dma_start3A_55 = arith.constant 0 : i32
        %dma_start3A_56 = tpu.memref_slice %arg7[%dma_start3A_54, %dma_start3A_55] : memref<40x128xi32, #tpu.memory_space<vmem>> -> memref<40x128xi32, #tpu.memory_space<vmem>>
        %dma_start3A_57 = arith.constant 0 : i32
        %dma_start3A_58 = tpu.memref_slice %arg3[%multiple_of3A, %dma_start3A_57] : memref<2560x128xi32, #tpu.memory_space<hbm>> -> memref<40x128xi32, #tpu.memory_space<hbm>>
        tpu.enqueue_dma source(%dma_start3A_58 : memref<40x128xi32, #tpu.memory_space<hbm>>) target(%dma_start3A_56 : memref<40x128xi32, #tpu.memory_space<vmem>>) target_semaphore(%run_scoped3A : memref<!tpu.dma_semaphore, #tpu.memory_space<semaphore_mem>>)
        %dma_wait3A = arith.constant 0 : i32
        %dma_wait3A_59 = arith.constant 0 : i32
        %dma_wait3A_60 = tpu.memref_slice %arg7[%dma_wait3A, %dma_wait3A_59] : memref<40x128xi32, #tpu.memory_space<vmem>> -> memref<40x128xi32, #tpu.memory_space<vmem>>
        %dma_wait3A_61 = arith.constant 0 : i32
        %dma_wait3A_62 = tpu.memref_slice %arg3[%multiple_of3A, %dma_wait3A_61] : memref<2560x128xi32, #tpu.memory_space<hbm>> -> memref<40x128xi32, #tpu.memory_space<hbm>>
        %dma_wait3A_63 = arith.constant 0 : i32
        %dma_wait3A_64 = arith.constant 0 : i32
        %dma_wait3A_65 = tpu.memref_slice %arg7[%dma_wait3A_63, %dma_wait3A_64] : memref<40x128xi32, #tpu.memory_space<vmem>> -> memref<40x128xi32, #tpu.memory_space<vmem>>
        %dma_wait3A_66 = arith.constant 0 : i32
        %dma_wait3A_67 = tpu.memref_slice %arg3[%multiple_of3A, %dma_wait3A_66] : memref<2560x128xi32, #tpu.memory_space<hbm>> -> memref<40x128xi32, #tpu.memory_space<hbm>>
        tpu.wait_dma2 semaphore(%run_scoped3A : memref<!tpu.dma_semaphore, #tpu.memory_space<semaphore_mem>>) src(%dma_wait3A_67 : memref<40x128xi32, #tpu.memory_space<hbm>>) dst(%dma_wait3A_65 : memref<40x128xi32, #tpu.memory_space<vmem>>)
        tpu.yield
      }) : () -> ()
      "tpu.region"() ({
        %run_scoped3A = tpu.sem_alloc : memref<!tpu.dma_semaphore, #tpu.memory_space<semaphore_mem>>
        %dma_start3A_49 = arith.constant 0 : i32
        %dma_start3A_50 = arith.constant 0 : i32
        %dma_start3A_51 = tpu.memref_slice %arg8[%dma_start3A_49, %dma_start3A_50] : memref<40x128xi32, #tpu.memory_space<vmem>> -> memref<40x128xi32, #tpu.memory_space<vmem>>
        %dma_start3A_52 = arith.constant 0 : i32
        %dma_start3A_53 = tpu.memref_slice %arg4[%multiple_of3A, %dma_start3A_52] : memref<2560x128xi32, #tpu.memory_space<hbm>> -> memref<40x128xi32, #tpu.memory_space<hbm>>
        %dma_start3A_54 = arith.constant 0 : i32
        %dma_start3A_55 = arith.constant 0 : i32
        %dma_start3A_56 = tpu.memref_slice %arg8[%dma_start3A_54, %dma_start3A_55] : memref<40x128xi32, #tpu.memory_space<vmem>> -> memref<40x128xi32, #tpu.memory_space<vmem>>
        %dma_start3A_57 = arith.constant 0 : i32
        %dma_start3A_58 = tpu.memref_slice %arg4[%multiple_of3A, %dma_start3A_57] : memref<2560x128xi32, #tpu.memory_space<hbm>> -> memref<40x128xi32, #tpu.memory_space<hbm>>
        tpu.enqueue_dma source(%dma_start3A_58 : memref<40x128xi32, #tpu.memory_space<hbm>>) target(%dma_start3A_56 : memref<40x128xi32, #tpu.memory_space<vmem>>) target_semaphore(%run_scoped3A : memref<!tpu.dma_semaphore, #tpu.memory_space<semaphore_mem>>)
        %dma_wait3A = arith.constant 0 : i32
        %dma_wait3A_59 = arith.constant 0 : i32
        %dma_wait3A_60 = tpu.memref_slice %arg8[%dma_wait3A, %dma_wait3A_59] : memref<40x128xi32, #tpu.memory_space<vmem>> -> memref<40x128xi32, #tpu.memory_space<vmem>>
        %dma_wait3A_61 = arith.constant 0 : i32
        %dma_wait3A_62 = tpu.memref_slice %arg4[%multiple_of3A, %dma_wait3A_61] : memref<2560x128xi32, #tpu.memory_space<hbm>> -> memref<40x128xi32, #tpu.memory_space<hbm>>
        %dma_wait3A_63 = arith.constant 0 : i32
        %dma_wait3A_64 = arith.constant 0 : i32
        %dma_wait3A_65 = tpu.memref_slice %arg8[%dma_wait3A_63, %dma_wait3A_64] : memref<40x128xi32, #tpu.memory_space<vmem>> -> memref<40x128xi32, #tpu.memory_space<vmem>>
        %dma_wait3A_66 = arith.constant 0 : i32
        %dma_wait3A_67 = tpu.memref_slice %arg4[%multiple_of3A, %dma_wait3A_66] : memref<2560x128xi32, #tpu.memory_space<hbm>> -> memref<40x128xi32, #tpu.memory_space<hbm>>
        tpu.wait_dma2 semaphore(%run_scoped3A : memref<!tpu.dma_semaphore, #tpu.memory_space<semaphore_mem>>) src(%dma_wait3A_67 : memref<40x128xi32, #tpu.memory_space<hbm>>) dst(%dma_wait3A_65 : memref<40x128xi32, #tpu.memory_space<vmem>>)
        tpu.yield
      }) : () -> ()
      %dma_start3A = arith.constant 0 : i32
      %dma_start3A_22 = arith.constant 0 : i32
      %dma_start3A_23 = tpu.memref_slice %arg7[%dma_start3A, %dma_start3A_22] : memref<40x128xi32, #tpu.memory_space<vmem>> -> memref<1x128xi32, #tpu.memory_space<vmem>>
      %dma_start3A_24 = tpu.memref_squeeze %dma_start3A_23 : memref<1x128xi32, #tpu.memory_space<vmem>> -> memref<128xi32, #tpu.memory_space<vmem>>
      %dma_start3A_25 = arith.constant 0 : i32
      %dma_start3A_26 = arith.constant 0 : i32
      %dma_start3A_27 = tpu.memref_slice %arg2[%dma_start3A_25, %dma_start3A_26] : memref<10240x128xf32, #tpu.memory_space<hbm>> -> memref<10240x128xf32, #tpu.memory_space<hbm>>
      tpu.enqueue_indirect_dma source(%dma_start3A_27 : memref<10240x128xf32, #tpu.memory_space<hbm>>) target(%arg9 : memref<128x128xf32, #tpu.memory_space<vmem>>) offsets(%dma_start3A_24 : memref<128xi32, #tpu.memory_space<vmem>>) semaphore(%arg12 : memref<!tpu.dma_semaphore, #tpu.memory_space<semaphore_mem>>)
      %scan3A = arith.constant 0 : i32
      %scan3A_28 = arith.constant 0 : i32
      %scan3A_29 = arith.constant 20 : i32
      %scan3A_30 = arith.addi %scan3A_28, %scan3A_29 : i32
      %scan3A_31 = arith.constant 1 : i32
      scf.for %scan3A_49 = %scan3A_28 to %scan3A_30 step %scan3A_31  : i32 {
        %mul3A_50 = arith.constant 2 : i32
        %mul3A_51 = arith.muli %mul3A_50, %scan3A_49 : i32
        %add3A_52 = arith.constant 1 : i32
        %add3A_53 = arith.addi %mul3A_51, %add3A_52 : i32
        %lt3A = arith.constant 40 : i32
        %lt3A_54 = arith.cmpi slt, %add3A_53, %lt3A : i32
        %convert_element_type3A_55 = arith.extui %lt3A_54 : i1 to i32
        %cond3A_56 = arith.constant 0 : i32
        %cond3A_57 = arith.cmpi ne, %convert_element_type3A_55, %cond3A_56 : i32
        scf.if %cond3A_57 {
          %add3A_80 = arith.constant 1 : i32
          %add3A_81 = arith.addi %mul3A_51, %add3A_80 : i32
          %dma_start3A_82 = arith.constant 0 : i32
          %dma_start3A_83 = tpu.memref_slice %arg7[%add3A_81, %dma_start3A_82] : memref<40x128xi32, #tpu.memory_space<vmem>> -> memref<1x128xi32, #tpu.memory_space<vmem>>
          %dma_start3A_84 = tpu.memref_squeeze %dma_start3A_83 : memref<1x128xi32, #tpu.memory_space<vmem>> -> memref<128xi32, #tpu.memory_space<vmem>>
          %dma_start3A_85 = arith.constant 0 : i32
          %dma_start3A_86 = arith.constant 0 : i32
          %dma_start3A_87 = tpu.memref_slice %arg2[%dma_start3A_85, %dma_start3A_86] : memref<10240x128xf32, #tpu.memory_space<hbm>> -> memref<10240x128xf32, #tpu.memory_space<hbm>>
          tpu.enqueue_indirect_dma source(%dma_start3A_87 : memref<10240x128xf32, #tpu.memory_space<hbm>>) target(%arg10 : memref<128x128xf32, #tpu.memory_space<vmem>>) offsets(%dma_start3A_84 : memref<128xi32, #tpu.memory_space<vmem>>) semaphore(%arg13 : memref<!tpu.dma_semaphore, #tpu.memory_space<semaphore_mem>>)
        } else {
        }
        %dma_wait3A = arith.constant 0 : i32
        %dma_wait3A_58 = tpu.memref_slice %arg7[%mul3A_51, %dma_wait3A] : memref<40x128xi32, #tpu.memory_space<vmem>> -> memref<1x128xi32, #tpu.memory_space<vmem>>
        %dma_wait3A_59 = tpu.memref_squeeze %dma_wait3A_58 : memref<1x128xi32, #tpu.memory_space<vmem>> -> memref<128xi32, #tpu.memory_space<vmem>>
        %dma_wait3A_60 = arith.constant 0 : i32
        %dma_wait3A_61 = arith.constant 0 : i32
        %dma_wait3A_62 = tpu.memref_slice %arg2[%dma_wait3A_60, %dma_wait3A_61] : memref<10240x128xf32, #tpu.memory_space<hbm>> -> memref<10240x128xf32, #tpu.memory_space<hbm>>
        tpu.wait_indirect_dma semaphore(%arg12 : memref<!tpu.dma_semaphore, #tpu.memory_space<semaphore_mem>>) src(%dma_wait3A_62 : memref<10240x128xf32, #tpu.memory_space<hbm>>) dst(%arg9 : memref<128x128xf32, #tpu.memory_space<vmem>>)
        "tpu.region"() ({
          %run_scoped3A = tpu.sem_alloc : memref<!tpu.dma_semaphore, #tpu.memory_space<semaphore_mem>>
          %dma_start3A_80 = arith.constant 0 : i32
          %dma_start3A_81 = tpu.memref_slice %arg8[%mul3A_51, %dma_start3A_80] : memref<40x128xi32, #tpu.memory_space<vmem>> -> memref<1x128xi32, #tpu.memory_space<vmem>>
          %dma_start3A_82 = tpu.memref_squeeze %dma_start3A_81 : memref<1x128xi32, #tpu.memory_space<vmem>> -> memref<128xi32, #tpu.memory_space<vmem>>
          %dma_start3A_83 = arith.constant 0 : i32
          %dma_start3A_84 = arith.constant 0 : i32
          %dma_start3A_85 = tpu.memref_slice %arg11[%dma_start3A_83, %dma_start3A_84] : memref<10240x128xf32, #tpu.memory_space<vmem_shared>> -> memref<10240x128xf32, #tpu.memory_space<vmem_shared>>
          tpu.enqueue_indirect_dma source(%arg9 : memref<128x128xf32, #tpu.memory_space<vmem>>) target(%dma_start3A_85 : memref<10240x128xf32, #tpu.memory_space<vmem_shared>>) offsets(%dma_start3A_82 : memref<128xi32, #tpu.memory_space<vmem>>) semaphore(%run_scoped3A : memref<!tpu.dma_semaphore, #tpu.memory_space<semaphore_mem>>) {add = true}
          %dma_wait3A_86 = arith.constant 0 : i32
          %dma_wait3A_87 = tpu.memref_slice %arg8[%mul3A_51, %dma_wait3A_86] : memref<40x128xi32, #tpu.memory_space<vmem>> -> memref<1x128xi32, #tpu.memory_space<vmem>>
          %dma_wait3A_88 = tpu.memref_squeeze %dma_wait3A_87 : memref<1x128xi32, #tpu.memory_space<vmem>> -> memref<128xi32, #tpu.memory_space<vmem>>
          %dma_wait3A_89 = arith.constant 0 : i32
          %dma_wait3A_90 = arith.constant 0 : i32
          %dma_wait3A_91 = tpu.memref_slice %arg11[%dma_wait3A_89, %dma_wait3A_90] : memref<10240x128xf32, #tpu.memory_space<vmem_shared>> -> memref<10240x128xf32, #tpu.memory_space<vmem_shared>>
          tpu.wait_indirect_dma semaphore(%run_scoped3A : memref<!tpu.dma_semaphore, #tpu.memory_space<semaphore_mem>>) src(%arg9 : memref<128x128xf32, #tpu.memory_space<vmem>>) dst(%dma_wait3A_91 : memref<10240x128xf32, #tpu.memory_space<vmem_shared>>)
          tpu.yield
        }) : () -> ()
        %mul3A_63 = arith.constant 2 : i32
        %mul3A_64 = arith.muli %mul3A_63, %scan3A_49 : i32
        %add3A_65 = arith.constant 1 : i32
        %add3A_66 = arith.addi %mul3A_64, %add3A_65 : i32
        %add3A_67 = arith.constant 1 : i32
        %add3A_68 = arith.addi %add3A_66, %add3A_67 : i32
        %lt3A_69 = arith.constant 40 : i32
        %lt3A_70 = arith.cmpi slt, %add3A_68, %lt3A_69 : i32
        %convert_element_type3A_71 = arith.extui %lt3A_70 : i1 to i32
        %cond3A_72 = arith.constant 0 : i32
        %cond3A_73 = arith.cmpi ne, %convert_element_type3A_71, %cond3A_72 : i32
        scf.if %cond3A_73 {
          %add3A_80 = arith.constant 1 : i32
          %add3A_81 = arith.addi %add3A_66, %add3A_80 : i32
          %dma_start3A_82 = arith.constant 0 : i32
          %dma_start3A_83 = tpu.memref_slice %arg7[%add3A_81, %dma_start3A_82] : memref<40x128xi32, #tpu.memory_space<vmem>> -> memref<1x128xi32, #tpu.memory_space<vmem>>
          %dma_start3A_84 = tpu.memref_squeeze %dma_start3A_83 : memref<1x128xi32, #tpu.memory_space<vmem>> -> memref<128xi32, #tpu.memory_space<vmem>>
          %dma_start3A_85 = arith.constant 0 : i32
          %dma_start3A_86 = arith.constant 0 : i32
          %dma_start3A_87 = tpu.memref_slice %arg2[%dma_start3A_85, %dma_start3A_86] : memref<10240x128xf32, #tpu.memory_space<hbm>> -> memref<10240x128xf32, #tpu.memory_space<hbm>>
          tpu.enqueue_indirect_dma source(%dma_start3A_87 : memref<10240x128xf32, #tpu.memory_space<hbm>>) target(%arg9 : memref<128x128xf32, #tpu.memory_space<vmem>>) offsets(%dma_start3A_84 : memref<128xi32, #tpu.memory_space<vmem>>) semaphore(%arg12 : memref<!tpu.dma_semaphore, #tpu.memory_space<semaphore_mem>>)
        } else {
        }
        %dma_wait3A_74 = arith.constant 0 : i32
        %dma_wait3A_75 = tpu.memref_slice %arg7[%add3A_66, %dma_wait3A_74] : memref<40x128xi32, #tpu.memory_space<vmem>> -> memref<1x128xi32, #tpu.memory_space<vmem>>
        %dma_wait3A_76 = tpu.memref_squeeze %dma_wait3A_75 : memref<1x128xi32, #tpu.memory_space<vmem>> -> memref<128xi32, #tpu.memory_space<vmem>>
        %dma_wait3A_77 = arith.constant 0 : i32
        %dma_wait3A_78 = arith.constant 0 : i32
        %dma_wait3A_79 = tpu.memref_slice %arg2[%dma_wait3A_77, %dma_wait3A_78] : memref<10240x128xf32, #tpu.memory_space<hbm>> -> memref<10240x128xf32, #tpu.memory_space<hbm>>
        tpu.wait_indirect_dma semaphore(%arg13 : memref<!tpu.dma_semaphore, #tpu.memory_space<semaphore_mem>>) src(%dma_wait3A_79 : memref<10240x128xf32, #tpu.memory_space<hbm>>) dst(%arg10 : memref<128x128xf32, #tpu.memory_space<vmem>>)
        "tpu.region"() ({
          %run_scoped3A = tpu.sem_alloc : memref<!tpu.dma_semaphore, #tpu.memory_space<semaphore_mem>>
          %dma_start3A_80 = arith.constant 0 : i32
          %dma_start3A_81 = tpu.memref_slice %arg8[%add3A_66, %dma_start3A_80] : memref<40x128xi32, #tpu.memory_space<vmem>> -> memref<1x128xi32, #tpu.memory_space<vmem>>
          %dma_start3A_82 = tpu.memref_squeeze %dma_start3A_81 : memref<1x128xi32, #tpu.memory_space<vmem>> -> memref<128xi32, #tpu.memory_space<vmem>>
          %dma_start3A_83 = arith.constant 0 : i32
          %dma_start3A_84 = arith.constant 0 : i32
          %dma_start3A_85 = tpu.memref_slice %arg11[%dma_start3A_83, %dma_start3A_84] : memref<10240x128xf32, #tpu.memory_space<vmem_shared>> -> memref<10240x128xf32, #tpu.memory_space<vmem_shared>>
          tpu.enqueue_indirect_dma source(%arg10 : memref<128x128xf32, #tpu.memory_space<vmem>>) target(%dma_start3A_85 : memref<10240x128xf32, #tpu.memory_space<vmem_shared>>) offsets(%dma_start3A_82 : memref<128xi32, #tpu.memory_space<vmem>>) semaphore(%run_scoped3A : memref<!tpu.dma_semaphore, #tpu.memory_space<semaphore_mem>>) {add = true}
          %dma_wait3A_86 = arith.constant 0 : i32
          %dma_wait3A_87 = tpu.memref_slice %arg8[%add3A_66, %dma_wait3A_86] : memref<40x128xi32, #tpu.memory_space<vmem>> -> memref<1x128xi32, #tpu.memory_space<vmem>>
          %dma_wait3A_88 = tpu.memref_squeeze %dma_wait3A_87 : memref<1x128xi32, #tpu.memory_space<vmem>> -> memref<128xi32, #tpu.memory_space<vmem>>
          %dma_wait3A_89 = arith.constant 0 : i32
          %dma_wait3A_90 = arith.constant 0 : i32
          %dma_wait3A_91 = tpu.memref_slice %arg11[%dma_wait3A_89, %dma_wait3A_90] : memref<10240x128xf32, #tpu.memory_space<vmem_shared>> -> memref<10240x128xf32, #tpu.memory_space<vmem_shared>>
          tpu.wait_indirect_dma semaphore(%run_scoped3A : memref<!tpu.dma_semaphore, #tpu.memory_space<semaphore_mem>>) src(%arg10 : memref<128x128xf32, #tpu.memory_space<vmem>>) dst(%dma_wait3A_91 : memref<10240x128xf32, #tpu.memory_space<vmem_shared>>)
          tpu.yield
        }) : () -> ()
      }
      %scan3A_32 = arith.constant 20 : i32
      %add3A_33 = arith.constant 40 : i32
      %add3A_34 = arith.addi %mul3A_20, %add3A_33 : i32
      %multiple_of3A_35 = tpu.assume_multiple %add3A_34, 8 : i32
      "tpu.region"() ({
        %run_scoped3A = tpu.sem_alloc : memref<!tpu.dma_semaphore, #tpu.memory_space<semaphore_mem>>
        %dma_start3A_49 = arith.constant 0 : i32
        %dma_start3A_50 = arith.constant 0 : i32
        %dma_start3A_51 = tpu.memref_slice %arg7[%dma_start3A_49, %dma_start3A_50] : memref<40x128xi32, #tpu.memory_space<vmem>> -> memref<40x128xi32, #tpu.memory_space<vmem>>
        %dma_start3A_52 = arith.constant 0 : i32
        %dma_start3A_53 = tpu.memref_slice %arg3[%multiple_of3A_35, %dma_start3A_52] : memref<2560x128xi32, #tpu.memory_space<hbm>> -> memref<40x128xi32, #tpu.memory_space<hbm>>
        %dma_start3A_54 = arith.constant 0 : i32
        %dma_start3A_55 = arith.constant 0 : i32
        %dma_start3A_56 = tpu.memref_slice %arg7[%dma_start3A_54, %dma_start3A_55] : memref<40x128xi32, #tpu.memory_space<vmem>> -> memref<40x128xi32, #tpu.memory_space<vmem>>
        %dma_start3A_57 = arith.constant 0 : i32
        %dma_start3A_58 = tpu.memref_slice %arg3[%multiple_of3A_35, %dma_start3A_57] : memref<2560x128xi32, #tpu.memory_space<hbm>> -> memref<40x128xi32, #tpu.memory_space<hbm>>
        tpu.enqueue_dma source(%dma_start3A_58 : memref<40x128xi32, #tpu.memory_space<hbm>>) target(%dma_start3A_56 : memref<40x128xi32, #tpu.memory_space<vmem>>) target_semaphore(%run_scoped3A : memref<!tpu.dma_semaphore, #tpu.memory_space<semaphore_mem>>)
        %dma_wait3A = arith.constant 0 : i32
        %dma_wait3A_59 = arith.constant 0 : i32
        %dma_wait3A_60 = tpu.memref_slice %arg7[%dma_wait3A, %dma_wait3A_59] : memref<40x128xi32, #tpu.memory_space<vmem>> -> memref<40x128xi32, #tpu.memory_space<vmem>>
        %dma_wait3A_61 = arith.constant 0 : i32
        %dma_wait3A_62 = tpu.memref_slice %arg3[%multiple_of3A_35, %dma_wait3A_61] : memref<2560x128xi32, #tpu.memory_space<hbm>> -> memref<40x128xi32, #tpu.memory_space<hbm>>
        %dma_wait3A_63 = arith.constant 0 : i32
        %dma_wait3A_64 = arith.constant 0 : i32
        %dma_wait3A_65 = tpu.memref_slice %arg7[%dma_wait3A_63, %dma_wait3A_64] : memref<40x128xi32, #tpu.memory_space<vmem>> -> memref<40x128xi32, #tpu.memory_space<vmem>>
        %dma_wait3A_66 = arith.constant 0 : i32
        %dma_wait3A_67 = tpu.memref_slice %arg3[%multiple_of3A_35, %dma_wait3A_66] : memref<2560x128xi32, #tpu.memory_space<hbm>> -> memref<40x128xi32, #tpu.memory_space<hbm>>
        tpu.wait_dma2 semaphore(%run_scoped3A : memref<!tpu.dma_semaphore, #tpu.memory_space<semaphore_mem>>) src(%dma_wait3A_67 : memref<40x128xi32, #tpu.memory_space<hbm>>) dst(%dma_wait3A_65 : memref<40x128xi32, #tpu.memory_space<vmem>>)
        tpu.yield
      }) : () -> ()
      "tpu.region"() ({
        %run_scoped3A = tpu.sem_alloc : memref<!tpu.dma_semaphore, #tpu.memory_space<semaphore_mem>>
        %dma_start3A_49 = arith.constant 0 : i32
        %dma_start3A_50 = arith.constant 0 : i32
        %dma_start3A_51 = tpu.memref_slice %arg8[%dma_start3A_49, %dma_start3A_50] : memref<40x128xi32, #tpu.memory_space<vmem>> -> memref<40x128xi32, #tpu.memory_space<vmem>>
        %dma_start3A_52 = arith.constant 0 : i32
        %dma_start3A_53 = tpu.memref_slice %arg4[%multiple_of3A_35, %dma_start3A_52] : memref<2560x128xi32, #tpu.memory_space<hbm>> -> memref<40x128xi32, #tpu.memory_space<hbm>>
        %dma_start3A_54 = arith.constant 0 : i32
        %dma_start3A_55 = arith.constant 0 : i32
        %dma_start3A_56 = tpu.memref_slice %arg8[%dma_start3A_54, %dma_start3A_55] : memref<40x128xi32, #tpu.memory_space<vmem>> -> memref<40x128xi32, #tpu.memory_space<vmem>>
        %dma_start3A_57 = arith.constant 0 : i32
        %dma_start3A_58 = tpu.memref_slice %arg4[%multiple_of3A_35, %dma_start3A_57] : memref<2560x128xi32, #tpu.memory_space<hbm>> -> memref<40x128xi32, #tpu.memory_space<hbm>>
        tpu.enqueue_dma source(%dma_start3A_58 : memref<40x128xi32, #tpu.memory_space<hbm>>) target(%dma_start3A_56 : memref<40x128xi32, #tpu.memory_space<vmem>>) target_semaphore(%run_scoped3A : memref<!tpu.dma_semaphore, #tpu.memory_space<semaphore_mem>>)
        %dma_wait3A = arith.constant 0 : i32
        %dma_wait3A_59 = arith.constant 0 : i32
        %dma_wait3A_60 = tpu.memref_slice %arg8[%dma_wait3A, %dma_wait3A_59] : memref<40x128xi32, #tpu.memory_space<vmem>> -> memref<40x128xi32, #tpu.memory_space<vmem>>
        %dma_wait3A_61 = arith.constant 0 : i32
        %dma_wait3A_62 = tpu.memref_slice %arg4[%multiple_of3A_35, %dma_wait3A_61] : memref<2560x128xi32, #tpu.memory_space<hbm>> -> memref<40x128xi32, #tpu.memory_space<hbm>>
        %dma_wait3A_63 = arith.constant 0 : i32
        %dma_wait3A_64 = arith.constant 0 : i32
        %dma_wait3A_65 = tpu.memref_slice %arg8[%dma_wait3A_63, %dma_wait3A_64] : memref<40x128xi32, #tpu.memory_space<vmem>> -> memref<40x128xi32, #tpu.memory_space<vmem>>
        %dma_wait3A_66 = arith.constant 0 : i32
        %dma_wait3A_67 = tpu.memref_slice %arg4[%multiple_of3A_35, %dma_wait3A_66] : memref<2560x128xi32, #tpu.memory_space<hbm>> -> memref<40x128xi32, #tpu.memory_space<hbm>>
        tpu.wait_dma2 semaphore(%run_scoped3A : memref<!tpu.dma_semaphore, #tpu.memory_space<semaphore_mem>>) src(%dma_wait3A_67 : memref<40x128xi32, #tpu.memory_space<hbm>>) dst(%dma_wait3A_65 : memref<40x128xi32, #tpu.memory_space<vmem>>)
        tpu.yield
      }) : () -> ()
      %dma_start3A_36 = arith.constant 0 : i32
      %dma_start3A_37 = arith.constant 0 : i32
      %dma_start3A_38 = tpu.memref_slice %arg7[%dma_start3A_36, %dma_start3A_37] : memref<40x128xi32, #tpu.memory_space<vmem>> -> memref<1x128xi32, #tpu.memory_space<vmem>>
      %dma_start3A_39 = tpu.memref_squeeze %dma_start3A_38 : memref<1x128xi32, #tpu.memory_space<vmem>> -> memref<128xi32, #tpu.memory_space<vmem>>
      %dma_start3A_40 = arith.constant 0 : i32
      %dma_start3A_41 = arith.constant 0 : i32
      %dma_start3A_42 = tpu.memref_slice %arg2[%dma_start3A_40, %dma_start3A_41] : memref<10240x128xf32, #tpu.memory_space<hbm>> -> memref<10240x128xf32, #tpu.memory_space<hbm>>
      tpu.enqueue_indirect_dma source(%dma_start3A_42 : memref<10240x128xf32, #tpu.memory_space<hbm>>) target(%arg9 : memref<128x128xf32, #tpu.memory_space<vmem>>) offsets(%dma_start3A_39 : memref<128xi32, #tpu.memory_space<vmem>>) semaphore(%arg12 : memref<!tpu.dma_semaphore, #tpu.memory_space<semaphore_mem>>)
      %scan3A_43 = arith.constant 0 : i32
      %scan3A_44 = arith.constant 0 : i32
      %scan3A_45 = arith.constant 20 : i32
      %scan3A_46 = arith.addi %scan3A_44, %scan3A_45 : i32
      %scan3A_47 = arith.constant 1 : i32
      scf.for %scan3A_49 = %scan3A_44 to %scan3A_46 step %scan3A_47  : i32 {
        %mul3A_50 = arith.constant 2 : i32
        %mul3A_51 = arith.muli %mul3A_50, %scan3A_49 : i32
        %add3A_52 = arith.constant 1 : i32
        %add3A_53 = arith.addi %mul3A_51, %add3A_52 : i32
        %lt3A = arith.constant 40 : i32
        %lt3A_54 = arith.cmpi slt, %add3A_53, %lt3A : i32
        %convert_element_type3A_55 = arith.extui %lt3A_54 : i1 to i32
        %cond3A_56 = arith.constant 0 : i32
        %cond3A_57 = arith.cmpi ne, %convert_element_type3A_55, %cond3A_56 : i32
        scf.if %cond3A_57 {
          %add3A_80 = arith.constant 1 : i32
          %add3A_81 = arith.addi %mul3A_51, %add3A_80 : i32
          %dma_start3A_82 = arith.constant 0 : i32
          %dma_start3A_83 = tpu.memref_slice %arg7[%add3A_81, %dma_start3A_82] : memref<40x128xi32, #tpu.memory_space<vmem>> -> memref<1x128xi32, #tpu.memory_space<vmem>>
          %dma_start3A_84 = tpu.memref_squeeze %dma_start3A_83 : memref<1x128xi32, #tpu.memory_space<vmem>> -> memref<128xi32, #tpu.memory_space<vmem>>
          %dma_start3A_85 = arith.constant 0 : i32
          %dma_start3A_86 = arith.constant 0 : i32
          %dma_start3A_87 = tpu.memref_slice %arg2[%dma_start3A_85, %dma_start3A_86] : memref<10240x128xf32, #tpu.memory_space<hbm>> -> memref<10240x128xf32, #tpu.memory_space<hbm>>
          tpu.enqueue_indirect_dma source(%dma_start3A_87 : memref<10240x128xf32, #tpu.memory_space<hbm>>) target(%arg10 : memref<128x128xf32, #tpu.memory_space<vmem>>) offsets(%dma_start3A_84 : memref<128xi32, #tpu.memory_space<vmem>>) semaphore(%arg13 : memref<!tpu.dma_semaphore, #tpu.memory_space<semaphore_mem>>)
        } else {
        }
        %dma_wait3A = arith.constant 0 : i32
        %dma_wait3A_58 = tpu.memref_slice %arg7[%mul3A_51, %dma_wait3A] : memref<40x128xi32, #tpu.memory_space<vmem>> -> memref<1x128xi32, #tpu.memory_space<vmem>>
        %dma_wait3A_59 = tpu.memref_squeeze %dma_wait3A_58 : memref<1x128xi32, #tpu.memory_space<vmem>> -> memref<128xi32, #tpu.memory_space<vmem>>
        %dma_wait3A_60 = arith.constant 0 : i32
        %dma_wait3A_61 = arith.constant 0 : i32
        %dma_wait3A_62 = tpu.memref_slice %arg2[%dma_wait3A_60, %dma_wait3A_61] : memref<10240x128xf32, #tpu.memory_space<hbm>> -> memref<10240x128xf32, #tpu.memory_space<hbm>>
        tpu.wait_indirect_dma semaphore(%arg12 : memref<!tpu.dma_semaphore, #tpu.memory_space<semaphore_mem>>) src(%dma_wait3A_62 : memref<10240x128xf32, #tpu.memory_space<hbm>>) dst(%arg9 : memref<128x128xf32, #tpu.memory_space<vmem>>)
        "tpu.region"() ({
          %run_scoped3A = tpu.sem_alloc : memref<!tpu.dma_semaphore, #tpu.memory_space<semaphore_mem>>
          %dma_start3A_80 = arith.constant 0 : i32
          %dma_start3A_81 = tpu.memref_slice %arg8[%mul3A_51, %dma_start3A_80] : memref<40x128xi32, #tpu.memory_space<vmem>> -> memref<1x128xi32, #tpu.memory_space<vmem>>
          %dma_start3A_82 = tpu.memref_squeeze %dma_start3A_81 : memref<1x128xi32, #tpu.memory_space<vmem>> -> memref<128xi32, #tpu.memory_space<vmem>>
          %dma_start3A_83 = arith.constant 0 : i32
          %dma_start3A_84 = arith.constant 0 : i32
          %dma_start3A_85 = tpu.memref_slice %arg11[%dma_start3A_83, %dma_start3A_84] : memref<10240x128xf32, #tpu.memory_space<vmem_shared>> -> memref<10240x128xf32, #tpu.memory_space<vmem_shared>>
          tpu.enqueue_indirect_dma source(%arg9 : memref<128x128xf32, #tpu.memory_space<vmem>>) target(%dma_start3A_85 : memref<10240x128xf32, #tpu.memory_space<vmem_shared>>) offsets(%dma_start3A_82 : memref<128xi32, #tpu.memory_space<vmem>>) semaphore(%run_scoped3A : memref<!tpu.dma_semaphore, #tpu.memory_space<semaphore_mem>>) {add = true}
          %dma_wait3A_86 = arith.constant 0 : i32
          %dma_wait3A_87 = tpu.memref_slice %arg8[%mul3A_51, %dma_wait3A_86] : memref<40x128xi32, #tpu.memory_space<vmem>> -> memref<1x128xi32, #tpu.memory_space<vmem>>
          %dma_wait3A_88 = tpu.memref_squeeze %dma_wait3A_87 : memref<1x128xi32, #tpu.memory_space<vmem>> -> memref<128xi32, #tpu.memory_space<vmem>>
          %dma_wait3A_89 = arith.constant 0 : i32
          %dma_wait3A_90 = arith.constant 0 : i32
          %dma_wait3A_91 = tpu.memref_slice %arg11[%dma_wait3A_89, %dma_wait3A_90] : memref<10240x128xf32, #tpu.memory_space<vmem_shared>> -> memref<10240x128xf32, #tpu.memory_space<vmem_shared>>
          tpu.wait_indirect_dma semaphore(%run_scoped3A : memref<!tpu.dma_semaphore, #tpu.memory_space<semaphore_mem>>) src(%arg9 : memref<128x128xf32, #tpu.memory_space<vmem>>) dst(%dma_wait3A_91 : memref<10240x128xf32, #tpu.memory_space<vmem_shared>>)
          tpu.yield
        }) : () -> ()
        %mul3A_63 = arith.constant 2 : i32
        %mul3A_64 = arith.muli %mul3A_63, %scan3A_49 : i32
        %add3A_65 = arith.constant 1 : i32
        %add3A_66 = arith.addi %mul3A_64, %add3A_65 : i32
        %add3A_67 = arith.constant 1 : i32
        %add3A_68 = arith.addi %add3A_66, %add3A_67 : i32
        %lt3A_69 = arith.constant 40 : i32
        %lt3A_70 = arith.cmpi slt, %add3A_68, %lt3A_69 : i32
        %convert_element_type3A_71 = arith.extui %lt3A_70 : i1 to i32
        %cond3A_72 = arith.constant 0 : i32
        %cond3A_73 = arith.cmpi ne, %convert_element_type3A_71, %cond3A_72 : i32
        scf.if %cond3A_73 {
          %add3A_80 = arith.constant 1 : i32
          %add3A_81 = arith.addi %add3A_66, %add3A_80 : i32
          %dma_start3A_82 = arith.constant 0 : i32
          %dma_start3A_83 = tpu.memref_slice %arg7[%add3A_81, %dma_start3A_82] : memref<40x128xi32, #tpu.memory_space<vmem>> -> memref<1x128xi32, #tpu.memory_space<vmem>>
          %dma_start3A_84 = tpu.memref_squeeze %dma_start3A_83 : memref<1x128xi32, #tpu.memory_space<vmem>> -> memref<128xi32, #tpu.memory_space<vmem>>
          %dma_start3A_85 = arith.constant 0 : i32
          %dma_start3A_86 = arith.constant 0 : i32
          %dma_start3A_87 = tpu.memref_slice %arg2[%dma_start3A_85, %dma_start3A_86] : memref<10240x128xf32, #tpu.memory_space<hbm>> -> memref<10240x128xf32, #tpu.memory_space<hbm>>
          tpu.enqueue_indirect_dma source(%dma_start3A_87 : memref<10240x128xf32, #tpu.memory_space<hbm>>) target(%arg9 : memref<128x128xf32, #tpu.memory_space<vmem>>) offsets(%dma_start3A_84 : memref<128xi32, #tpu.memory_space<vmem>>) semaphore(%arg12 : memref<!tpu.dma_semaphore, #tpu.memory_space<semaphore_mem>>)
        } else {
        }
        %dma_wait3A_74 = arith.constant 0 : i32
        %dma_wait3A_75 = tpu.memref_slice %arg7[%add3A_66, %dma_wait3A_74] : memref<40x128xi32, #tpu.memory_space<vmem>> -> memref<1x128xi32, #tpu.memory_space<vmem>>
        %dma_wait3A_76 = tpu.memref_squeeze %dma_wait3A_75 : memref<1x128xi32, #tpu.memory_space<vmem>> -> memref<128xi32, #tpu.memory_space<vmem>>
        %dma_wait3A_77 = arith.constant 0 : i32
        %dma_wait3A_78 = arith.constant 0 : i32
        %dma_wait3A_79 = tpu.memref_slice %arg2[%dma_wait3A_77, %dma_wait3A_78] : memref<10240x128xf32, #tpu.memory_space<hbm>> -> memref<10240x128xf32, #tpu.memory_space<hbm>>
        tpu.wait_indirect_dma semaphore(%arg13 : memref<!tpu.dma_semaphore, #tpu.memory_space<semaphore_mem>>) src(%dma_wait3A_79 : memref<10240x128xf32, #tpu.memory_space<hbm>>) dst(%arg10 : memref<128x128xf32, #tpu.memory_space<vmem>>)
        "tpu.region"() ({
          %run_scoped3A = tpu.sem_alloc : memref<!tpu.dma_semaphore, #tpu.memory_space<semaphore_mem>>
          %dma_start3A_80 = arith.constant 0 : i32
          %dma_start3A_81 = tpu.memref_slice %arg8[%add3A_66, %dma_start3A_80] : memref<40x128xi32, #tpu.memory_space<vmem>> -> memref<1x128xi32, #tpu.memory_space<vmem>>
          %dma_start3A_82 = tpu.memref_squeeze %dma_start3A_81 : memref<1x128xi32, #tpu.memory_space<vmem>> -> memref<128xi32, #tpu.memory_space<vmem>>
          %dma_start3A_83 = arith.constant 0 : i32
          %dma_start3A_84 = arith.constant 0 : i32
          %dma_start3A_85 = tpu.memref_slice %arg11[%dma_start3A_83, %dma_start3A_84] : memref<10240x128xf32, #tpu.memory_space<vmem_shared>> -> memref<10240x128xf32, #tpu.memory_space<vmem_shared>>
          tpu.enqueue_indirect_dma source(%arg10 : memref<128x128xf32, #tpu.memory_space<vmem>>) target(%dma_start3A_85 : memref<10240x128xf32, #tpu.memory_space<vmem_shared>>) offsets(%dma_start3A_82 : memref<128xi32, #tpu.memory_space<vmem>>) semaphore(%run_scoped3A : memref<!tpu.dma_semaphore, #tpu.memory_space<semaphore_mem>>) {add = true}
          %dma_wait3A_86 = arith.constant 0 : i32
          %dma_wait3A_87 = tpu.memref_slice %arg8[%add3A_66, %dma_wait3A_86] : memref<40x128xi32, #tpu.memory_space<vmem>> -> memref<1x128xi32, #tpu.memory_space<vmem>>
          %dma_wait3A_88 = tpu.memref_squeeze %dma_wait3A_87 : memref<1x128xi32, #tpu.memory_space<vmem>> -> memref<128xi32, #tpu.memory_space<vmem>>
          %dma_wait3A_89 = arith.constant 0 : i32
          %dma_wait3A_90 = arith.constant 0 : i32
          %dma_wait3A_91 = tpu.memref_slice %arg11[%dma_wait3A_89, %dma_wait3A_90] : memref<10240x128xf32, #tpu.memory_space<vmem_shared>> -> memref<10240x128xf32, #tpu.memory_space<vmem_shared>>
          tpu.wait_indirect_dma semaphore(%run_scoped3A : memref<!tpu.dma_semaphore, #tpu.memory_space<semaphore_mem>>) src(%arg10 : memref<128x128xf32, #tpu.memory_space<vmem>>) dst(%dma_wait3A_91 : memref<10240x128xf32, #tpu.memory_space<vmem_shared>>)
          tpu.yield
        }) : () -> ()
      }
      %scan3A_48 = arith.constant 20 : i32
    } else {
    }
    %eq3A_13 = arith.constant 1 : i32
    %eq3A_14 = arith.cmpi eq, %arg0, %eq3A_13 : i32
    %convert_element_type3A_15 = arith.extui %eq3A_14 : i1 to i32
    %cond3A_16 = arith.constant 0 : i32
    %cond3A_17 = arith.cmpi ne, %convert_element_type3A_15, %cond3A_16 : i32
    scf.if %cond3A_17 {
      %mul3A_19 = arith.constant 80 : i32
      %mul3A_20 = arith.muli %arg1, %mul3A_19 : i32
      %add3A = arith.constant 1280 : i32
      %add3A_21 = arith.addi %add3A, %mul3A_20 : i32
      %add3A_22 = arith.constant 0 : i32
      %add3A_23 = arith.addi %add3A_21, %add3A_22 : i32
      %multiple_of3A = tpu.assume_multiple %add3A_23, 8 : i32
      "tpu.region"() ({
        %run_scoped3A = tpu.sem_alloc : memref<!tpu.dma_semaphore, #tpu.memory_space<semaphore_mem>>
        %dma_start3A_51 = arith.constant 0 : i32
        %dma_start3A_52 = arith.constant 0 : i32
        %dma_start3A_53 = tpu.memref_slice %arg7[%dma_start3A_51, %dma_start3A_52] : memref<40x128xi32, #tpu.memory_space<vmem>> -> memref<40x128xi32, #tpu.memory_space<vmem>>
        %dma_start3A_54 = arith.constant 0 : i32
        %dma_start3A_55 = tpu.memref_slice %arg3[%multiple_of3A, %dma_start3A_54] : memref<2560x128xi32, #tpu.memory_space<hbm>> -> memref<40x128xi32, #tpu.memory_space<hbm>>
        %dma_start3A_56 = arith.constant 0 : i32
        %dma_start3A_57 = arith.constant 0 : i32
        %dma_start3A_58 = tpu.memref_slice %arg7[%dma_start3A_56, %dma_start3A_57] : memref<40x128xi32, #tpu.memory_space<vmem>> -> memref<40x128xi32, #tpu.memory_space<vmem>>
        %dma_start3A_59 = arith.constant 0 : i32
        %dma_start3A_60 = tpu.memref_slice %arg3[%multiple_of3A, %dma_start3A_59] : memref<2560x128xi32, #tpu.memory_space<hbm>> -> memref<40x128xi32, #tpu.memory_space<hbm>>
        tpu.enqueue_dma source(%dma_start3A_60 : memref<40x128xi32, #tpu.memory_space<hbm>>) target(%dma_start3A_58 : memref<40x128xi32, #tpu.memory_space<vmem>>) target_semaphore(%run_scoped3A : memref<!tpu.dma_semaphore, #tpu.memory_space<semaphore_mem>>)
        %dma_wait3A = arith.constant 0 : i32
        %dma_wait3A_61 = arith.constant 0 : i32
        %dma_wait3A_62 = tpu.memref_slice %arg7[%dma_wait3A, %dma_wait3A_61] : memref<40x128xi32, #tpu.memory_space<vmem>> -> memref<40x128xi32, #tpu.memory_space<vmem>>
        %dma_wait3A_63 = arith.constant 0 : i32
        %dma_wait3A_64 = tpu.memref_slice %arg3[%multiple_of3A, %dma_wait3A_63] : memref<2560x128xi32, #tpu.memory_space<hbm>> -> memref<40x128xi32, #tpu.memory_space<hbm>>
        %dma_wait3A_65 = arith.constant 0 : i32
        %dma_wait3A_66 = arith.constant 0 : i32
        %dma_wait3A_67 = tpu.memref_slice %arg7[%dma_wait3A_65, %dma_wait3A_66] : memref<40x128xi32, #tpu.memory_space<vmem>> -> memref<40x128xi32, #tpu.memory_space<vmem>>
        %dma_wait3A_68 = arith.constant 0 : i32
        %dma_wait3A_69 = tpu.memref_slice %arg3[%multiple_of3A, %dma_wait3A_68] : memref<2560x128xi32, #tpu.memory_space<hbm>> -> memref<40x128xi32, #tpu.memory_space<hbm>>
        tpu.wait_dma2 semaphore(%run_scoped3A : memref<!tpu.dma_semaphore, #tpu.memory_space<semaphore_mem>>) src(%dma_wait3A_69 : memref<40x128xi32, #tpu.memory_space<hbm>>) dst(%dma_wait3A_67 : memref<40x128xi32, #tpu.memory_space<vmem>>)
        tpu.yield
      }) : () -> ()
      "tpu.region"() ({
        %run_scoped3A = tpu.sem_alloc : memref<!tpu.dma_semaphore, #tpu.memory_space<semaphore_mem>>
        %dma_start3A_51 = arith.constant 0 : i32
        %dma_start3A_52 = arith.constant 0 : i32
        %dma_start3A_53 = tpu.memref_slice %arg8[%dma_start3A_51, %dma_start3A_52] : memref<40x128xi32, #tpu.memory_space<vmem>> -> memref<40x128xi32, #tpu.memory_space<vmem>>
        %dma_start3A_54 = arith.constant 0 : i32
        %dma_start3A_55 = tpu.memref_slice %arg4[%multiple_of3A, %dma_start3A_54] : memref<2560x128xi32, #tpu.memory_space<hbm>> -> memref<40x128xi32, #tpu.memory_space<hbm>>
        %dma_start3A_56 = arith.constant 0 : i32
        %dma_start3A_57 = arith.constant 0 : i32
        %dma_start3A_58 = tpu.memref_slice %arg8[%dma_start3A_56, %dma_start3A_57] : memref<40x128xi32, #tpu.memory_space<vmem>> -> memref<40x128xi32, #tpu.memory_space<vmem>>
        %dma_start3A_59 = arith.constant 0 : i32
        %dma_start3A_60 = tpu.memref_slice %arg4[%multiple_of3A, %dma_start3A_59] : memref<2560x128xi32, #tpu.memory_space<hbm>> -> memref<40x128xi32, #tpu.memory_space<hbm>>
        tpu.enqueue_dma source(%dma_start3A_60 : memref<40x128xi32, #tpu.memory_space<hbm>>) target(%dma_start3A_58 : memref<40x128xi32, #tpu.memory_space<vmem>>) target_semaphore(%run_scoped3A : memref<!tpu.dma_semaphore, #tpu.memory_space<semaphore_mem>>)
        %dma_wait3A = arith.constant 0 : i32
        %dma_wait3A_61 = arith.constant 0 : i32
        %dma_wait3A_62 = tpu.memref_slice %arg8[%dma_wait3A, %dma_wait3A_61] : memref<40x128xi32, #tpu.memory_space<vmem>> -> memref<40x128xi32, #tpu.memory_space<vmem>>
        %dma_wait3A_63 = arith.constant 0 : i32
        %dma_wait3A_64 = tpu.memref_slice %arg4[%multiple_of3A, %dma_wait3A_63] : memref<2560x128xi32, #tpu.memory_space<hbm>> -> memref<40x128xi32, #tpu.memory_space<hbm>>
        %dma_wait3A_65 = arith.constant 0 : i32
        %dma_wait3A_66 = arith.constant 0 : i32
        %dma_wait3A_67 = tpu.memref_slice %arg8[%dma_wait3A_65, %dma_wait3A_66] : memref<40x128xi32, #tpu.memory_space<vmem>> -> memref<40x128xi32, #tpu.memory_space<vmem>>
        %dma_wait3A_68 = arith.constant 0 : i32
        %dma_wait3A_69 = tpu.memref_slice %arg4[%multiple_of3A, %dma_wait3A_68] : memref<2560x128xi32, #tpu.memory_space<hbm>> -> memref<40x128xi32, #tpu.memory_space<hbm>>
        tpu.wait_dma2 semaphore(%run_scoped3A : memref<!tpu.dma_semaphore, #tpu.memory_space<semaphore_mem>>) src(%dma_wait3A_69 : memref<40x128xi32, #tpu.memory_space<hbm>>) dst(%dma_wait3A_67 : memref<40x128xi32, #tpu.memory_space<vmem>>)
        tpu.yield
      }) : () -> ()
      %dma_start3A = arith.constant 0 : i32
      %dma_start3A_24 = arith.constant 0 : i32
      %dma_start3A_25 = tpu.memref_slice %arg7[%dma_start3A, %dma_start3A_24] : memref<40x128xi32, #tpu.memory_space<vmem>> -> memref<1x128xi32, #tpu.memory_space<vmem>>
      %dma_start3A_26 = tpu.memref_squeeze %dma_start3A_25 : memref<1x128xi32, #tpu.memory_space<vmem>> -> memref<128xi32, #tpu.memory_space<vmem>>
      %dma_start3A_27 = arith.constant 0 : i32
      %dma_start3A_28 = arith.constant 0 : i32
      %dma_start3A_29 = tpu.memref_slice %arg2[%dma_start3A_27, %dma_start3A_28] : memref<10240x128xf32, #tpu.memory_space<hbm>> -> memref<10240x128xf32, #tpu.memory_space<hbm>>
      tpu.enqueue_indirect_dma source(%dma_start3A_29 : memref<10240x128xf32, #tpu.memory_space<hbm>>) target(%arg9 : memref<128x128xf32, #tpu.memory_space<vmem>>) offsets(%dma_start3A_26 : memref<128xi32, #tpu.memory_space<vmem>>) semaphore(%arg12 : memref<!tpu.dma_semaphore, #tpu.memory_space<semaphore_mem>>)
      %scan3A = arith.constant 0 : i32
      %scan3A_30 = arith.constant 0 : i32
      %scan3A_31 = arith.constant 20 : i32
      %scan3A_32 = arith.addi %scan3A_30, %scan3A_31 : i32
      %scan3A_33 = arith.constant 1 : i32
      scf.for %scan3A_51 = %scan3A_30 to %scan3A_32 step %scan3A_33  : i32 {
        %mul3A_52 = arith.constant 2 : i32
        %mul3A_53 = arith.muli %mul3A_52, %scan3A_51 : i32
        %add3A_54 = arith.constant 1 : i32
        %add3A_55 = arith.addi %mul3A_53, %add3A_54 : i32
        %lt3A = arith.constant 40 : i32
        %lt3A_56 = arith.cmpi slt, %add3A_55, %lt3A : i32
        %convert_element_type3A_57 = arith.extui %lt3A_56 : i1 to i32
        %cond3A_58 = arith.constant 0 : i32
        %cond3A_59 = arith.cmpi ne, %convert_element_type3A_57, %cond3A_58 : i32
        scf.if %cond3A_59 {
          %add3A_82 = arith.constant 1 : i32
          %add3A_83 = arith.addi %mul3A_53, %add3A_82 : i32
          %dma_start3A_84 = arith.constant 0 : i32
          %dma_start3A_85 = tpu.memref_slice %arg7[%add3A_83, %dma_start3A_84] : memref<40x128xi32, #tpu.memory_space<vmem>> -> memref<1x128xi32, #tpu.memory_space<vmem>>
          %dma_start3A_86 = tpu.memref_squeeze %dma_start3A_85 : memref<1x128xi32, #tpu.memory_space<vmem>> -> memref<128xi32, #tpu.memory_space<vmem>>
          %dma_start3A_87 = arith.constant 0 : i32
          %dma_start3A_88 = arith.constant 0 : i32
          %dma_start3A_89 = tpu.memref_slice %arg2[%dma_start3A_87, %dma_start3A_88] : memref<10240x128xf32, #tpu.memory_space<hbm>> -> memref<10240x128xf32, #tpu.memory_space<hbm>>
          tpu.enqueue_indirect_dma source(%dma_start3A_89 : memref<10240x128xf32, #tpu.memory_space<hbm>>) target(%arg10 : memref<128x128xf32, #tpu.memory_space<vmem>>) offsets(%dma_start3A_86 : memref<128xi32, #tpu.memory_space<vmem>>) semaphore(%arg13 : memref<!tpu.dma_semaphore, #tpu.memory_space<semaphore_mem>>)
        } else {
        }
        %dma_wait3A = arith.constant 0 : i32
        %dma_wait3A_60 = tpu.memref_slice %arg7[%mul3A_53, %dma_wait3A] : memref<40x128xi32, #tpu.memory_space<vmem>> -> memref<1x128xi32, #tpu.memory_space<vmem>>
        %dma_wait3A_61 = tpu.memref_squeeze %dma_wait3A_60 : memref<1x128xi32, #tpu.memory_space<vmem>> -> memref<128xi32, #tpu.memory_space<vmem>>
        %dma_wait3A_62 = arith.constant 0 : i32
        %dma_wait3A_63 = arith.constant 0 : i32
        %dma_wait3A_64 = tpu.memref_slice %arg2[%dma_wait3A_62, %dma_wait3A_63] : memref<10240x128xf32, #tpu.memory_space<hbm>> -> memref<10240x128xf32, #tpu.memory_space<hbm>>
        tpu.wait_indirect_dma semaphore(%arg12 : memref<!tpu.dma_semaphore, #tpu.memory_space<semaphore_mem>>) src(%dma_wait3A_64 : memref<10240x128xf32, #tpu.memory_space<hbm>>) dst(%arg9 : memref<128x128xf32, #tpu.memory_space<vmem>>)
        "tpu.region"() ({
          %run_scoped3A = tpu.sem_alloc : memref<!tpu.dma_semaphore, #tpu.memory_space<semaphore_mem>>
          %dma_start3A_82 = arith.constant 0 : i32
          %dma_start3A_83 = tpu.memref_slice %arg8[%mul3A_53, %dma_start3A_82] : memref<40x128xi32, #tpu.memory_space<vmem>> -> memref<1x128xi32, #tpu.memory_space<vmem>>
          %dma_start3A_84 = tpu.memref_squeeze %dma_start3A_83 : memref<1x128xi32, #tpu.memory_space<vmem>> -> memref<128xi32, #tpu.memory_space<vmem>>
          %dma_start3A_85 = arith.constant 0 : i32
          %dma_start3A_86 = arith.constant 0 : i32
          %dma_start3A_87 = tpu.memref_slice %arg11[%dma_start3A_85, %dma_start3A_86] : memref<10240x128xf32, #tpu.memory_space<vmem_shared>> -> memref<10240x128xf32, #tpu.memory_space<vmem_shared>>
          tpu.enqueue_indirect_dma source(%arg9 : memref<128x128xf32, #tpu.memory_space<vmem>>) target(%dma_start3A_87 : memref<10240x128xf32, #tpu.memory_space<vmem_shared>>) offsets(%dma_start3A_84 : memref<128xi32, #tpu.memory_space<vmem>>) semaphore(%run_scoped3A : memref<!tpu.dma_semaphore, #tpu.memory_space<semaphore_mem>>) {add = true}
          %dma_wait3A_88 = arith.constant 0 : i32
          %dma_wait3A_89 = tpu.memref_slice %arg8[%mul3A_53, %dma_wait3A_88] : memref<40x128xi32, #tpu.memory_space<vmem>> -> memref<1x128xi32, #tpu.memory_space<vmem>>
          %dma_wait3A_90 = tpu.memref_squeeze %dma_wait3A_89 : memref<1x128xi32, #tpu.memory_space<vmem>> -> memref<128xi32, #tpu.memory_space<vmem>>
          %dma_wait3A_91 = arith.constant 0 : i32
          %dma_wait3A_92 = arith.constant 0 : i32
          %dma_wait3A_93 = tpu.memref_slice %arg11[%dma_wait3A_91, %dma_wait3A_92] : memref<10240x128xf32, #tpu.memory_space<vmem_shared>> -> memref<10240x128xf32, #tpu.memory_space<vmem_shared>>
          tpu.wait_indirect_dma semaphore(%run_scoped3A : memref<!tpu.dma_semaphore, #tpu.memory_space<semaphore_mem>>) src(%arg9 : memref<128x128xf32, #tpu.memory_space<vmem>>) dst(%dma_wait3A_93 : memref<10240x128xf32, #tpu.memory_space<vmem_shared>>)
          tpu.yield
        }) : () -> ()
        %mul3A_65 = arith.constant 2 : i32
        %mul3A_66 = arith.muli %mul3A_65, %scan3A_51 : i32
        %add3A_67 = arith.constant 1 : i32
        %add3A_68 = arith.addi %mul3A_66, %add3A_67 : i32
        %add3A_69 = arith.constant 1 : i32
        %add3A_70 = arith.addi %add3A_68, %add3A_69 : i32
        %lt3A_71 = arith.constant 40 : i32
        %lt3A_72 = arith.cmpi slt, %add3A_70, %lt3A_71 : i32
        %convert_element_type3A_73 = arith.extui %lt3A_72 : i1 to i32
        %cond3A_74 = arith.constant 0 : i32
        %cond3A_75 = arith.cmpi ne, %convert_element_type3A_73, %cond3A_74 : i32
        scf.if %cond3A_75 {
          %add3A_82 = arith.constant 1 : i32
          %add3A_83 = arith.addi %add3A_68, %add3A_82 : i32
          %dma_start3A_84 = arith.constant 0 : i32
          %dma_start3A_85 = tpu.memref_slice %arg7[%add3A_83, %dma_start3A_84] : memref<40x128xi32, #tpu.memory_space<vmem>> -> memref<1x128xi32, #tpu.memory_space<vmem>>
          %dma_start3A_86 = tpu.memref_squeeze %dma_start3A_85 : memref<1x128xi32, #tpu.memory_space<vmem>> -> memref<128xi32, #tpu.memory_space<vmem>>
          %dma_start3A_87 = arith.constant 0 : i32
          %dma_start3A_88 = arith.constant 0 : i32
          %dma_start3A_89 = tpu.memref_slice %arg2[%dma_start3A_87, %dma_start3A_88] : memref<10240x128xf32, #tpu.memory_space<hbm>> -> memref<10240x128xf32, #tpu.memory_space<hbm>>
          tpu.enqueue_indirect_dma source(%dma_start3A_89 : memref<10240x128xf32, #tpu.memory_space<hbm>>) target(%arg9 : memref<128x128xf32, #tpu.memory_space<vmem>>) offsets(%dma_start3A_86 : memref<128xi32, #tpu.memory_space<vmem>>) semaphore(%arg12 : memref<!tpu.dma_semaphore, #tpu.memory_space<semaphore_mem>>)
        } else {
        }
        %dma_wait3A_76 = arith.constant 0 : i32
        %dma_wait3A_77 = tpu.memref_slice %arg7[%add3A_68, %dma_wait3A_76] : memref<40x128xi32, #tpu.memory_space<vmem>> -> memref<1x128xi32, #tpu.memory_space<vmem>>
        %dma_wait3A_78 = tpu.memref_squeeze %dma_wait3A_77 : memref<1x128xi32, #tpu.memory_space<vmem>> -> memref<128xi32, #tpu.memory_space<vmem>>
        %dma_wait3A_79 = arith.constant 0 : i32
        %dma_wait3A_80 = arith.constant 0 : i32
        %dma_wait3A_81 = tpu.memref_slice %arg2[%dma_wait3A_79, %dma_wait3A_80] : memref<10240x128xf32, #tpu.memory_space<hbm>> -> memref<10240x128xf32, #tpu.memory_space<hbm>>
        tpu.wait_indirect_dma semaphore(%arg13 : memref<!tpu.dma_semaphore, #tpu.memory_space<semaphore_mem>>) src(%dma_wait3A_81 : memref<10240x128xf32, #tpu.memory_space<hbm>>) dst(%arg10 : memref<128x128xf32, #tpu.memory_space<vmem>>)
        "tpu.region"() ({
          %run_scoped3A = tpu.sem_alloc : memref<!tpu.dma_semaphore, #tpu.memory_space<semaphore_mem>>
          %dma_start3A_82 = arith.constant 0 : i32
          %dma_start3A_83 = tpu.memref_slice %arg8[%add3A_68, %dma_start3A_82] : memref<40x128xi32, #tpu.memory_space<vmem>> -> memref<1x128xi32, #tpu.memory_space<vmem>>
          %dma_start3A_84 = tpu.memref_squeeze %dma_start3A_83 : memref<1x128xi32, #tpu.memory_space<vmem>> -> memref<128xi32, #tpu.memory_space<vmem>>
          %dma_start3A_85 = arith.constant 0 : i32
          %dma_start3A_86 = arith.constant 0 : i32
          %dma_start3A_87 = tpu.memref_slice %arg11[%dma_start3A_85, %dma_start3A_86] : memref<10240x128xf32, #tpu.memory_space<vmem_shared>> -> memref<10240x128xf32, #tpu.memory_space<vmem_shared>>
          tpu.enqueue_indirect_dma source(%arg10 : memref<128x128xf32, #tpu.memory_space<vmem>>) target(%dma_start3A_87 : memref<10240x128xf32, #tpu.memory_space<vmem_shared>>) offsets(%dma_start3A_84 : memref<128xi32, #tpu.memory_space<vmem>>) semaphore(%run_scoped3A : memref<!tpu.dma_semaphore, #tpu.memory_space<semaphore_mem>>) {add = true}
          %dma_wait3A_88 = arith.constant 0 : i32
          %dma_wait3A_89 = tpu.memref_slice %arg8[%add3A_68, %dma_wait3A_88] : memref<40x128xi32, #tpu.memory_space<vmem>> -> memref<1x128xi32, #tpu.memory_space<vmem>>
          %dma_wait3A_90 = tpu.memref_squeeze %dma_wait3A_89 : memref<1x128xi32, #tpu.memory_space<vmem>> -> memref<128xi32, #tpu.memory_space<vmem>>
          %dma_wait3A_91 = arith.constant 0 : i32
          %dma_wait3A_92 = arith.constant 0 : i32
          %dma_wait3A_93 = tpu.memref_slice %arg11[%dma_wait3A_91, %dma_wait3A_92] : memref<10240x128xf32, #tpu.memory_space<vmem_shared>> -> memref<10240x128xf32, #tpu.memory_space<vmem_shared>>
          tpu.wait_indirect_dma semaphore(%run_scoped3A : memref<!tpu.dma_semaphore, #tpu.memory_space<semaphore_mem>>) src(%arg10 : memref<128x128xf32, #tpu.memory_space<vmem>>) dst(%dma_wait3A_93 : memref<10240x128xf32, #tpu.memory_space<vmem_shared>>)
          tpu.yield
        }) : () -> ()
      }
      %scan3A_34 = arith.constant 20 : i32
      %add3A_35 = arith.constant 40 : i32
      %add3A_36 = arith.addi %add3A_21, %add3A_35 : i32
      %multiple_of3A_37 = tpu.assume_multiple %add3A_36, 8 : i32
      "tpu.region"() ({
        %run_scoped3A = tpu.sem_alloc : memref<!tpu.dma_semaphore, #tpu.memory_space<semaphore_mem>>
        %dma_start3A_51 = arith.constant 0 : i32
        %dma_start3A_52 = arith.constant 0 : i32
        %dma_start3A_53 = tpu.memref_slice %arg7[%dma_start3A_51, %dma_start3A_52] : memref<40x128xi32, #tpu.memory_space<vmem>> -> memref<40x128xi32, #tpu.memory_space<vmem>>
        %dma_start3A_54 = arith.constant 0 : i32
        %dma_start3A_55 = tpu.memref_slice %arg3[%multiple_of3A_37, %dma_start3A_54] : memref<2560x128xi32, #tpu.memory_space<hbm>> -> memref<40x128xi32, #tpu.memory_space<hbm>>
        %dma_start3A_56 = arith.constant 0 : i32
        %dma_start3A_57 = arith.constant 0 : i32
        %dma_start3A_58 = tpu.memref_slice %arg7[%dma_start3A_56, %dma_start3A_57] : memref<40x128xi32, #tpu.memory_space<vmem>> -> memref<40x128xi32, #tpu.memory_space<vmem>>
        %dma_start3A_59 = arith.constant 0 : i32
        %dma_start3A_60 = tpu.memref_slice %arg3[%multiple_of3A_37, %dma_start3A_59] : memref<2560x128xi32, #tpu.memory_space<hbm>> -> memref<40x128xi32, #tpu.memory_space<hbm>>
        tpu.enqueue_dma source(%dma_start3A_60 : memref<40x128xi32, #tpu.memory_space<hbm>>) target(%dma_start3A_58 : memref<40x128xi32, #tpu.memory_space<vmem>>) target_semaphore(%run_scoped3A : memref<!tpu.dma_semaphore, #tpu.memory_space<semaphore_mem>>)
        %dma_wait3A = arith.constant 0 : i32
        %dma_wait3A_61 = arith.constant 0 : i32
        %dma_wait3A_62 = tpu.memref_slice %arg7[%dma_wait3A, %dma_wait3A_61] : memref<40x128xi32, #tpu.memory_space<vmem>> -> memref<40x128xi32, #tpu.memory_space<vmem>>
        %dma_wait3A_63 = arith.constant 0 : i32
        %dma_wait3A_64 = tpu.memref_slice %arg3[%multiple_of3A_37, %dma_wait3A_63] : memref<2560x128xi32, #tpu.memory_space<hbm>> -> memref<40x128xi32, #tpu.memory_space<hbm>>
        %dma_wait3A_65 = arith.constant 0 : i32
        %dma_wait3A_66 = arith.constant 0 : i32
        %dma_wait3A_67 = tpu.memref_slice %arg7[%dma_wait3A_65, %dma_wait3A_66] : memref<40x128xi32, #tpu.memory_space<vmem>> -> memref<40x128xi32, #tpu.memory_space<vmem>>
        %dma_wait3A_68 = arith.constant 0 : i32
        %dma_wait3A_69 = tpu.memref_slice %arg3[%multiple_of3A_37, %dma_wait3A_68] : memref<2560x128xi32, #tpu.memory_space<hbm>> -> memref<40x128xi32, #tpu.memory_space<hbm>>
        tpu.wait_dma2 semaphore(%run_scoped3A : memref<!tpu.dma_semaphore, #tpu.memory_space<semaphore_mem>>) src(%dma_wait3A_69 : memref<40x128xi32, #tpu.memory_space<hbm>>) dst(%dma_wait3A_67 : memref<40x128xi32, #tpu.memory_space<vmem>>)
        tpu.yield
      }) : () -> ()
      "tpu.region"() ({
        %run_scoped3A = tpu.sem_alloc : memref<!tpu.dma_semaphore, #tpu.memory_space<semaphore_mem>>
        %dma_start3A_51 = arith.constant 0 : i32
        %dma_start3A_52 = arith.constant 0 : i32
        %dma_start3A_53 = tpu.memref_slice %arg8[%dma_start3A_51, %dma_start3A_52] : memref<40x128xi32, #tpu.memory_space<vmem>> -> memref<40x128xi32, #tpu.memory_space<vmem>>
        %dma_start3A_54 = arith.constant 0 : i32
        %dma_start3A_55 = tpu.memref_slice %arg4[%multiple_of3A_37, %dma_start3A_54] : memref<2560x128xi32, #tpu.memory_space<hbm>> -> memref<40x128xi32, #tpu.memory_space<hbm>>
        %dma_start3A_56 = arith.constant 0 : i32
        %dma_start3A_57 = arith.constant 0 : i32
        %dma_start3A_58 = tpu.memref_slice %arg8[%dma_start3A_56, %dma_start3A_57] : memref<40x128xi32, #tpu.memory_space<vmem>> -> memref<40x128xi32, #tpu.memory_space<vmem>>
        %dma_start3A_59 = arith.constant 0 : i32
        %dma_start3A_60 = tpu.memref_slice %arg4[%multiple_of3A_37, %dma_start3A_59] : memref<2560x128xi32, #tpu.memory_space<hbm>> -> memref<40x128xi32, #tpu.memory_space<hbm>>
        tpu.enqueue_dma source(%dma_start3A_60 : memref<40x128xi32, #tpu.memory_space<hbm>>) target(%dma_start3A_58 : memref<40x128xi32, #tpu.memory_space<vmem>>) target_semaphore(%run_scoped3A : memref<!tpu.dma_semaphore, #tpu.memory_space<semaphore_mem>>)
        %dma_wait3A = arith.constant 0 : i32
        %dma_wait3A_61 = arith.constant 0 : i32
        %dma_wait3A_62 = tpu.memref_slice %arg8[%dma_wait3A, %dma_wait3A_61] : memref<40x128xi32, #tpu.memory_space<vmem>> -> memref<40x128xi32, #tpu.memory_space<vmem>>
        %dma_wait3A_63 = arith.constant 0 : i32
        %dma_wait3A_64 = tpu.memref_slice %arg4[%multiple_of3A_37, %dma_wait3A_63] : memref<2560x128xi32, #tpu.memory_space<hbm>> -> memref<40x128xi32, #tpu.memory_space<hbm>>
        %dma_wait3A_65 = arith.constant 0 : i32
        %dma_wait3A_66 = arith.constant 0 : i32
        %dma_wait3A_67 = tpu.memref_slice %arg8[%dma_wait3A_65, %dma_wait3A_66] : memref<40x128xi32, #tpu.memory_space<vmem>> -> memref<40x128xi32, #tpu.memory_space<vmem>>
        %dma_wait3A_68 = arith.constant 0 : i32
        %dma_wait3A_69 = tpu.memref_slice %arg4[%multiple_of3A_37, %dma_wait3A_68] : memref<2560x128xi32, #tpu.memory_space<hbm>> -> memref<40x128xi32, #tpu.memory_space<hbm>>
        tpu.wait_dma2 semaphore(%run_scoped3A : memref<!tpu.dma_semaphore, #tpu.memory_space<semaphore_mem>>) src(%dma_wait3A_69 : memref<40x128xi32, #tpu.memory_space<hbm>>) dst(%dma_wait3A_67 : memref<40x128xi32, #tpu.memory_space<vmem>>)
        tpu.yield
      }) : () -> ()
      %dma_start3A_38 = arith.constant 0 : i32
      %dma_start3A_39 = arith.constant 0 : i32
      %dma_start3A_40 = tpu.memref_slice %arg7[%dma_start3A_38, %dma_start3A_39] : memref<40x128xi32, #tpu.memory_space<vmem>> -> memref<1x128xi32, #tpu.memory_space<vmem>>
      %dma_start3A_41 = tpu.memref_squeeze %dma_start3A_40 : memref<1x128xi32, #tpu.memory_space<vmem>> -> memref<128xi32, #tpu.memory_space<vmem>>
      %dma_start3A_42 = arith.constant 0 : i32
      %dma_start3A_43 = arith.constant 0 : i32
      %dma_start3A_44 = tpu.memref_slice %arg2[%dma_start3A_42, %dma_start3A_43] : memref<10240x128xf32, #tpu.memory_space<hbm>> -> memref<10240x128xf32, #tpu.memory_space<hbm>>
      tpu.enqueue_indirect_dma source(%dma_start3A_44 : memref<10240x128xf32, #tpu.memory_space<hbm>>) target(%arg9 : memref<128x128xf32, #tpu.memory_space<vmem>>) offsets(%dma_start3A_41 : memref<128xi32, #tpu.memory_space<vmem>>) semaphore(%arg12 : memref<!tpu.dma_semaphore, #tpu.memory_space<semaphore_mem>>)
      %scan3A_45 = arith.constant 0 : i32
      %scan3A_46 = arith.constant 0 : i32
      %scan3A_47 = arith.constant 20 : i32
      %scan3A_48 = arith.addi %scan3A_46, %scan3A_47 : i32
      %scan3A_49 = arith.constant 1 : i32
      scf.for %scan3A_51 = %scan3A_46 to %scan3A_48 step %scan3A_49  : i32 {
        %mul3A_52 = arith.constant 2 : i32
        %mul3A_53 = arith.muli %mul3A_52, %scan3A_51 : i32
        %add3A_54 = arith.constant 1 : i32
        %add3A_55 = arith.addi %mul3A_53, %add3A_54 : i32
        %lt3A = arith.constant 40 : i32
        %lt3A_56 = arith.cmpi slt, %add3A_55, %lt3A : i32
        %convert_element_type3A_57 = arith.extui %lt3A_56 : i1 to i32
        %cond3A_58 = arith.constant 0 : i32
        %cond3A_59 = arith.cmpi ne, %convert_element_type3A_57, %cond3A_58 : i32
        scf.if %cond3A_59 {
          %add3A_82 = arith.constant 1 : i32
          %add3A_83 = arith.addi %mul3A_53, %add3A_82 : i32
          %dma_start3A_84 = arith.constant 0 : i32
          %dma_start3A_85 = tpu.memref_slice %arg7[%add3A_83, %dma_start3A_84] : memref<40x128xi32, #tpu.memory_space<vmem>> -> memref<1x128xi32, #tpu.memory_space<vmem>>
          %dma_start3A_86 = tpu.memref_squeeze %dma_start3A_85 : memref<1x128xi32, #tpu.memory_space<vmem>> -> memref<128xi32, #tpu.memory_space<vmem>>
          %dma_start3A_87 = arith.constant 0 : i32
          %dma_start3A_88 = arith.constant 0 : i32
          %dma_start3A_89 = tpu.memref_slice %arg2[%dma_start3A_87, %dma_start3A_88] : memref<10240x128xf32, #tpu.memory_space<hbm>> -> memref<10240x128xf32, #tpu.memory_space<hbm>>
          tpu.enqueue_indirect_dma source(%dma_start3A_89 : memref<10240x128xf32, #tpu.memory_space<hbm>>) target(%arg10 : memref<128x128xf32, #tpu.memory_space<vmem>>) offsets(%dma_start3A_86 : memref<128xi32, #tpu.memory_space<vmem>>) semaphore(%arg13 : memref<!tpu.dma_semaphore, #tpu.memory_space<semaphore_mem>>)
        } else {
        }
        %dma_wait3A = arith.constant 0 : i32
        %dma_wait3A_60 = tpu.memref_slice %arg7[%mul3A_53, %dma_wait3A] : memref<40x128xi32, #tpu.memory_space<vmem>> -> memref<1x128xi32, #tpu.memory_space<vmem>>
        %dma_wait3A_61 = tpu.memref_squeeze %dma_wait3A_60 : memref<1x128xi32, #tpu.memory_space<vmem>> -> memref<128xi32, #tpu.memory_space<vmem>>
        %dma_wait3A_62 = arith.constant 0 : i32
        %dma_wait3A_63 = arith.constant 0 : i32
        %dma_wait3A_64 = tpu.memref_slice %arg2[%dma_wait3A_62, %dma_wait3A_63] : memref<10240x128xf32, #tpu.memory_space<hbm>> -> memref<10240x128xf32, #tpu.memory_space<hbm>>
        tpu.wait_indirect_dma semaphore(%arg12 : memref<!tpu.dma_semaphore, #tpu.memory_space<semaphore_mem>>) src(%dma_wait3A_64 : memref<10240x128xf32, #tpu.memory_space<hbm>>) dst(%arg9 : memref<128x128xf32, #tpu.memory_space<vmem>>)
        "tpu.region"() ({
          %run_scoped3A = tpu.sem_alloc : memref<!tpu.dma_semaphore, #tpu.memory_space<semaphore_mem>>
          %dma_start3A_82 = arith.constant 0 : i32
          %dma_start3A_83 = tpu.memref_slice %arg8[%mul3A_53, %dma_start3A_82] : memref<40x128xi32, #tpu.memory_space<vmem>> -> memref<1x128xi32, #tpu.memory_space<vmem>>
          %dma_start3A_84 = tpu.memref_squeeze %dma_start3A_83 : memref<1x128xi32, #tpu.memory_space<vmem>> -> memref<128xi32, #tpu.memory_space<vmem>>
          %dma_start3A_85 = arith.constant 0 : i32
          %dma_start3A_86 = arith.constant 0 : i32
          %dma_start3A_87 = tpu.memref_slice %arg11[%dma_start3A_85, %dma_start3A_86] : memref<10240x128xf32, #tpu.memory_space<vmem_shared>> -> memref<10240x128xf32, #tpu.memory_space<vmem_shared>>
          tpu.enqueue_indirect_dma source(%arg9 : memref<128x128xf32, #tpu.memory_space<vmem>>) target(%dma_start3A_87 : memref<10240x128xf32, #tpu.memory_space<vmem_shared>>) offsets(%dma_start3A_84 : memref<128xi32, #tpu.memory_space<vmem>>) semaphore(%run_scoped3A : memref<!tpu.dma_semaphore, #tpu.memory_space<semaphore_mem>>) {add = true}
          %dma_wait3A_88 = arith.constant 0 : i32
          %dma_wait3A_89 = tpu.memref_slice %arg8[%mul3A_53, %dma_wait3A_88] : memref<40x128xi32, #tpu.memory_space<vmem>> -> memref<1x128xi32, #tpu.memory_space<vmem>>
          %dma_wait3A_90 = tpu.memref_squeeze %dma_wait3A_89 : memref<1x128xi32, #tpu.memory_space<vmem>> -> memref<128xi32, #tpu.memory_space<vmem>>
          %dma_wait3A_91 = arith.constant 0 : i32
          %dma_wait3A_92 = arith.constant 0 : i32
          %dma_wait3A_93 = tpu.memref_slice %arg11[%dma_wait3A_91, %dma_wait3A_92] : memref<10240x128xf32, #tpu.memory_space<vmem_shared>> -> memref<10240x128xf32, #tpu.memory_space<vmem_shared>>
          tpu.wait_indirect_dma semaphore(%run_scoped3A : memref<!tpu.dma_semaphore, #tpu.memory_space<semaphore_mem>>) src(%arg9 : memref<128x128xf32, #tpu.memory_space<vmem>>) dst(%dma_wait3A_93 : memref<10240x128xf32, #tpu.memory_space<vmem_shared>>)
          tpu.yield
        }) : () -> ()
        %mul3A_65 = arith.constant 2 : i32
        %mul3A_66 = arith.muli %mul3A_65, %scan3A_51 : i32
        %add3A_67 = arith.constant 1 : i32
        %add3A_68 = arith.addi %mul3A_66, %add3A_67 : i32
        %add3A_69 = arith.constant 1 : i32
        %add3A_70 = arith.addi %add3A_68, %add3A_69 : i32
        %lt3A_71 = arith.constant 40 : i32
        %lt3A_72 = arith.cmpi slt, %add3A_70, %lt3A_71 : i32
        %convert_element_type3A_73 = arith.extui %lt3A_72 : i1 to i32
        %cond3A_74 = arith.constant 0 : i32
        %cond3A_75 = arith.cmpi ne, %convert_element_type3A_73, %cond3A_74 : i32
        scf.if %cond3A_75 {
          %add3A_82 = arith.constant 1 : i32
          %add3A_83 = arith.addi %add3A_68, %add3A_82 : i32
          %dma_start3A_84 = arith.constant 0 : i32
          %dma_start3A_85 = tpu.memref_slice %arg7[%add3A_83, %dma_start3A_84] : memref<40x128xi32, #tpu.memory_space<vmem>> -> memref<1x128xi32, #tpu.memory_space<vmem>>
          %dma_start3A_86 = tpu.memref_squeeze %dma_start3A_85 : memref<1x128xi32, #tpu.memory_space<vmem>> -> memref<128xi32, #tpu.memory_space<vmem>>
          %dma_start3A_87 = arith.constant 0 : i32
          %dma_start3A_88 = arith.constant 0 : i32
          %dma_start3A_89 = tpu.memref_slice %arg2[%dma_start3A_87, %dma_start3A_88] : memref<10240x128xf32, #tpu.memory_space<hbm>> -> memref<10240x128xf32, #tpu.memory_space<hbm>>
          tpu.enqueue_indirect_dma source(%dma_start3A_89 : memref<10240x128xf32, #tpu.memory_space<hbm>>) target(%arg9 : memref<128x128xf32, #tpu.memory_space<vmem>>) offsets(%dma_start3A_86 : memref<128xi32, #tpu.memory_space<vmem>>) semaphore(%arg12 : memref<!tpu.dma_semaphore, #tpu.memory_space<semaphore_mem>>)
        } else {
        }
        %dma_wait3A_76 = arith.constant 0 : i32
        %dma_wait3A_77 = tpu.memref_slice %arg7[%add3A_68, %dma_wait3A_76] : memref<40x128xi32, #tpu.memory_space<vmem>> -> memref<1x128xi32, #tpu.memory_space<vmem>>
        %dma_wait3A_78 = tpu.memref_squeeze %dma_wait3A_77 : memref<1x128xi32, #tpu.memory_space<vmem>> -> memref<128xi32, #tpu.memory_space<vmem>>
        %dma_wait3A_79 = arith.constant 0 : i32
        %dma_wait3A_80 = arith.constant 0 : i32
        %dma_wait3A_81 = tpu.memref_slice %arg2[%dma_wait3A_79, %dma_wait3A_80] : memref<10240x128xf32, #tpu.memory_space<hbm>> -> memref<10240x128xf32, #tpu.memory_space<hbm>>
        tpu.wait_indirect_dma semaphore(%arg13 : memref<!tpu.dma_semaphore, #tpu.memory_space<semaphore_mem>>) src(%dma_wait3A_81 : memref<10240x128xf32, #tpu.memory_space<hbm>>) dst(%arg10 : memref<128x128xf32, #tpu.memory_space<vmem>>)
        "tpu.region"() ({
          %run_scoped3A = tpu.sem_alloc : memref<!tpu.dma_semaphore, #tpu.memory_space<semaphore_mem>>
          %dma_start3A_82 = arith.constant 0 : i32
          %dma_start3A_83 = tpu.memref_slice %arg8[%add3A_68, %dma_start3A_82] : memref<40x128xi32, #tpu.memory_space<vmem>> -> memref<1x128xi32, #tpu.memory_space<vmem>>
          %dma_start3A_84 = tpu.memref_squeeze %dma_start3A_83 : memref<1x128xi32, #tpu.memory_space<vmem>> -> memref<128xi32, #tpu.memory_space<vmem>>
          %dma_start3A_85 = arith.constant 0 : i32
          %dma_start3A_86 = arith.constant 0 : i32
          %dma_start3A_87 = tpu.memref_slice %arg11[%dma_start3A_85, %dma_start3A_86] : memref<10240x128xf32, #tpu.memory_space<vmem_shared>> -> memref<10240x128xf32, #tpu.memory_space<vmem_shared>>
          tpu.enqueue_indirect_dma source(%arg10 : memref<128x128xf32, #tpu.memory_space<vmem>>) target(%dma_start3A_87 : memref<10240x128xf32, #tpu.memory_space<vmem_shared>>) offsets(%dma_start3A_84 : memref<128xi32, #tpu.memory_space<vmem>>) semaphore(%run_scoped3A : memref<!tpu.dma_semaphore, #tpu.memory_space<semaphore_mem>>) {add = true}
          %dma_wait3A_88 = arith.constant 0 : i32
          %dma_wait3A_89 = tpu.memref_slice %arg8[%add3A_68, %dma_wait3A_88] : memref<40x128xi32, #tpu.memory_space<vmem>> -> memref<1x128xi32, #tpu.memory_space<vmem>>
          %dma_wait3A_90 = tpu.memref_squeeze %dma_wait3A_89 : memref<1x128xi32, #tpu.memory_space<vmem>> -> memref<128xi32, #tpu.memory_space<vmem>>
          %dma_wait3A_91 = arith.constant 0 : i32
          %dma_wait3A_92 = arith.constant 0 : i32
          %dma_wait3A_93 = tpu.memref_slice %arg11[%dma_wait3A_91, %dma_wait3A_92] : memref<10240x128xf32, #tpu.memory_space<vmem_shared>> -> memref<10240x128xf32, #tpu.memory_space<vmem_shared>>
          tpu.wait_indirect_dma semaphore(%run_scoped3A : memref<!tpu.dma_semaphore, #tpu.memory_space<semaphore_mem>>) src(%arg10 : memref<128x128xf32, #tpu.memory_space<vmem>>) dst(%dma_wait3A_93 : memref<10240x128xf32, #tpu.memory_space<vmem_shared>>)
          tpu.yield
        }) : () -> ()
      }
      %scan3A_50 = arith.constant 20 : i32
    } else {
    }
    %barrier3A_18 = arith.constant 0 : index
    tpu.barrier barrier_id(%barrier3A_18)
    "tpu.region"() ({
      %run_scoped3A = tpu.sem_alloc : memref<!tpu.dma_semaphore, #tpu.memory_space<semaphore_mem>>
      %dma_start3A = arith.constant 0 : i32
      %dma_start3A_19 = tpu.memref_slice %arg6[%arg0, %mul3A_0, %dma_start3A] : memref<2x10240x128xf32, #tpu.memory_space<hbm>> -> memref<1x640x128xf32, #tpu.memory_space<hbm>>
      %dma_start3A_20 = tpu.memref_squeeze %dma_start3A_19 : memref<1x640x128xf32, #tpu.memory_space<hbm>> -> memref<640x128xf32, #tpu.memory_space<hbm>>
      %dma_start3A_21 = arith.constant 0 : i32
      %dma_start3A_22 = tpu.memref_slice %arg11[%mul3A_0, %dma_start3A_21] : memref<10240x128xf32, #tpu.memory_space<vmem_shared>> -> memref<640x128xf32, #tpu.memory_space<vmem_shared>>
      tpu.enqueue_dma source(%dma_start3A_22 : memref<640x128xf32, #tpu.memory_space<vmem_shared>>) target(%dma_start3A_20 : memref<640x128xf32, #tpu.memory_space<hbm>>) target_semaphore(%run_scoped3A : memref<!tpu.dma_semaphore, #tpu.memory_space<semaphore_mem>>)
      %dma_wait3A = arith.constant 0 : i32
      %dma_wait3A_23 = tpu.memref_slice %arg6[%arg0, %mul3A_0, %dma_wait3A] : memref<2x10240x128xf32, #tpu.memory_space<hbm>> -> memref<1x640x128xf32, #tpu.memory_space<hbm>>
      %dma_wait3A_24 = tpu.memref_squeeze %dma_wait3A_23 : memref<1x640x128xf32, #tpu.memory_space<hbm>> -> memref<640x128xf32, #tpu.memory_space<hbm>>
      %dma_wait3A_25 = arith.constant 0 : i32
      %dma_wait3A_26 = tpu.memref_slice %arg11[%mul3A_0, %dma_wait3A_25] : memref<10240x128xf32, #tpu.memory_space<vmem_shared>> -> memref<640x128xf32, #tpu.memory_space<vmem_shared>>
      tpu.wait_dma2 semaphore(%run_scoped3A : memref<!tpu.dma_semaphore, #tpu.memory_space<semaphore_mem>>) src(%dma_wait3A_26 : memref<640x128xf32, #tpu.memory_space<vmem_shared>>) dst(%dma_wait3A_24 : memref<640x128xf32, #tpu.memory_space<hbm>>)
      tpu.yield
    }) : () -> ()
    return
  }
}

#map = affine_map<(d0, d1) -> (0, 0, 0)>
#map1 = affine_map<(d0, d1) -> (0, 0)>
module attributes {stable_mosaic.version = 14 : i64} {
  func.func @_deg_body(%arg0: i32, %arg1: i32, %arg2: memref<32x80x128xi32, #tpu.memory_space<hbm>>, %arg3: memref<2x10240xf32, #tpu.memory_space<hbm>>, %arg4: memref<80x128xi32, #tpu.memory_space<vmem>>, %arg5: memref<10240xf32, #tpu.memory_space<vmem>>, %arg6: memref<640xf32, #tpu.memory_space<vmem>>, %arg7: memref<16x10240xf32, #tpu.memory_space<vmem_shared>>) attributes {dimension_semantics = [#tpu.dimension_semantics<core_parallel>, #tpu.dimension_semantics<subcore_parallel>], iteration_bounds = array<i64: 2, 16>, scalar_prefetch = 0 : i64, scratch_operands = 4 : i64, tpu.core_type = #tpu.core_type<sc_vector_subcore>, window_params = [{transform_indices = #map}, {transform_indices = #map1}]} {
    %mul3A = arith.constant 2 : i32
    %mul3A_0 = arith.muli %arg1, %mul3A : i32
    %add3A = arith.addi %mul3A_0, %arg0 : i32
    %mul3A_1 = arith.constant 640 : i32
    %mul3A_2 = arith.muli %arg1, %mul3A_1 : i32
    "tpu.region"() ({
      %run_scoped3A_23 = tpu.sem_alloc : memref<!tpu.dma_semaphore, #tpu.memory_space<semaphore_mem>>
      %dma_start3A = arith.constant 0 : i32
      %dma_start3A_24 = arith.constant 0 : i32
      %dma_start3A_25 = tpu.memref_slice %arg2[%add3A, %dma_start3A, %dma_start3A_24] : memref<32x80x128xi32, #tpu.memory_space<hbm>> -> memref<1x80x128xi32, #tpu.memory_space<hbm>>
      %dma_start3A_26 = tpu.memref_squeeze %dma_start3A_25 : memref<1x80x128xi32, #tpu.memory_space<hbm>> -> memref<80x128xi32, #tpu.memory_space<hbm>>
      %dma_start3A_27 = arith.constant 0 : i32
      %dma_start3A_28 = arith.constant 0 : i32
      %dma_start3A_29 = tpu.memref_slice %arg2[%add3A, %dma_start3A_27, %dma_start3A_28] : memref<32x80x128xi32, #tpu.memory_space<hbm>> -> memref<1x80x128xi32, #tpu.memory_space<hbm>>
      %dma_start3A_30 = tpu.memref_squeeze %dma_start3A_29 : memref<1x80x128xi32, #tpu.memory_space<hbm>> -> memref<80x128xi32, #tpu.memory_space<hbm>>
      tpu.enqueue_dma source(%dma_start3A_30 : memref<80x128xi32, #tpu.memory_space<hbm>>) target(%arg4 : memref<80x128xi32, #tpu.memory_space<vmem>>) target_semaphore(%run_scoped3A_23 : memref<!tpu.dma_semaphore, #tpu.memory_space<semaphore_mem>>)
      %dma_wait3A = arith.constant 0 : i32
      %dma_wait3A_31 = arith.constant 0 : i32
      %dma_wait3A_32 = tpu.memref_slice %arg2[%add3A, %dma_wait3A, %dma_wait3A_31] : memref<32x80x128xi32, #tpu.memory_space<hbm>> -> memref<1x80x128xi32, #tpu.memory_space<hbm>>
      %dma_wait3A_33 = tpu.memref_squeeze %dma_wait3A_32 : memref<1x80x128xi32, #tpu.memory_space<hbm>> -> memref<80x128xi32, #tpu.memory_space<hbm>>
      %dma_wait3A_34 = arith.constant 0 : i32
      %dma_wait3A_35 = arith.constant 0 : i32
      %dma_wait3A_36 = tpu.memref_slice %arg2[%add3A, %dma_wait3A_34, %dma_wait3A_35] : memref<32x80x128xi32, #tpu.memory_space<hbm>> -> memref<1x80x128xi32, #tpu.memory_space<hbm>>
      %dma_wait3A_37 = tpu.memref_squeeze %dma_wait3A_36 : memref<1x80x128xi32, #tpu.memory_space<hbm>> -> memref<80x128xi32, #tpu.memory_space<hbm>>
      tpu.wait_dma2 semaphore(%run_scoped3A_23 : memref<!tpu.dma_semaphore, #tpu.memory_space<semaphore_mem>>) src(%dma_wait3A_37 : memref<80x128xi32, #tpu.memory_space<hbm>>) dst(%arg4 : memref<80x128xi32, #tpu.memory_space<vmem>>)
      tpu.yield
    }) : () -> ()
    %broadcast_in_dim3A = arith.constant 0.000000e+00 : f32
    %broadcast_in_dim3A_3 = vector.broadcast %broadcast_in_dim3A : f32 to vector<16xf32>
    %scan3A = arith.constant 0 : i32
    %scan3A_4 = arith.constant 0 : i32
    %scan3A_5 = arith.constant 640 : i32
    %scan3A_6 = arith.addi %scan3A_4, %scan3A_5 : i32
    %scan3A_7 = arith.constant 1 : i32
    scf.for %scan3A_23 = %scan3A_4 to %scan3A_6 step %scan3A_7  : i32 {
      %mul3A_24 = arith.constant 16 : i32
      %mul3A_25 = arith.muli %scan3A_23, %mul3A_24 : i32
      %swap3A = arith.index_cast %mul3A_25 : i32 to index
      %swap3A_26 = tpu.vector_load %arg5[%swap3A] {strides = array<i32>} : memref<10240xf32, #tpu.memory_space<vmem>>, vector<16xf32>,
      tpu.vector_store %arg5[%swap3A], %broadcast_in_dim3A_3 {strides = array<i32>} : memref<10240xf32, #tpu.memory_space<vmem>>, vector<16xf32>,
    }
    %scan3A_8 = arith.constant 640 : i32
    %broadcast_in_dim3A_9 = arith.constant 1.000000e+00 : f32
    %broadcast_in_dim3A_10 = vector.broadcast %broadcast_in_dim3A_9 : f32 to vector<16xf32>
    %scan3A_11 = arith.constant 0 : i32
    %scan3A_12 = arith.constant 0 : i32
    %scan3A_13 = arith.constant 640 : i32
    %scan3A_14 = arith.addi %scan3A_12, %scan3A_13 : i32
    %scan3A_15 = arith.constant 1 : i32
    scf.for %scan3A_23 = %scan3A_12 to %scan3A_14 step %scan3A_15  : i32 {
      %jit3A = arith.constant 8 : i32
      %div3A = arith.divsi %scan3A_23, %jit3A : i32
      %sign3A = arith.constant 0 : i32
      %sign3A_24 = arith.cmpi sgt, %scan3A_23, %sign3A : i32
      %sign3A_25 = arith.extui %sign3A_24 : i1 to i32
      %sign3A_26 = arith.constant 0 : i32
      %sign3A_27 = arith.cmpi slt, %scan3A_23, %sign3A_26 : i32
      %sign3A_28 = arith.extui %sign3A_27 : i1 to i32
      %sign3A_29 = arith.subi %sign3A_25, %sign3A_28 : i32
      %sign3A_30 = arith.constant 0 : i32
      %sign3A_31 = arith.cmpi sgt, %jit3A, %sign3A_30 : i32
      %sign3A_32 = arith.extui %sign3A_31 : i1 to i32
      %sign3A_33 = arith.constant 0 : i32
      %sign3A_34 = arith.cmpi slt, %jit3A, %sign3A_33 : i32
      %sign3A_35 = arith.extui %sign3A_34 : i1 to i32
      %sign3A_36 = arith.subi %sign3A_32, %sign3A_35 : i32
      %ne3A = arith.cmpi ne, %sign3A_29, %sign3A_36 : i32
      %rem3A = arith.remsi %scan3A_23, %jit3A : i32
      %ne3A_37 = arith.constant 0 : i32
      %ne3A_38 = arith.cmpi ne, %rem3A, %ne3A_37 : i32
      %and3A = arith.andi %ne3A, %ne3A_38 : i1
      %sub3A = arith.constant 1 : i32
      %sub3A_39 = arith.subi %div3A, %sub3A : i32
      %select_n3A = arith.select %and3A, %sub3A_39, %div3A : i32
      %jit3A_40 = arith.constant 8 : i32
      %eq3A = arith.constant 0 : i32
      %eq3A_41 = arith.cmpi eq, %jit3A_40, %eq3A : i32
      %jit3A_42 = arith.constant 1 : i32
      %select_n3A_43 = arith.select %eq3A_41, %jit3A_42, %jit3A_40 : i32
      %rem3A_44 = arith.remsi %scan3A_23, %select_n3A_43 : i32
      %ne3A_45 = arith.constant 0 : i32
      %ne3A_46 = arith.cmpi ne, %rem3A_44, %ne3A_45 : i32
      %lt3A = arith.constant 0 : i32
      %lt3A_47 = arith.cmpi slt, %rem3A_44, %lt3A : i32
      %lt3A_48 = arith.constant 0 : i32
      %lt3A_49 = arith.cmpi slt, %select_n3A_43, %lt3A_48 : i32
      %ne3A_50 = arith.xori %lt3A_47, %lt3A_49 : i1
      %and3A_51 = arith.andi %ne3A_50, %ne3A_46 : i1
      %add3A_52 = arith.addi %rem3A_44, %select_n3A_43 : i32
      %select_n3A_53 = arith.select %and3A_51, %add3A_52, %rem3A_44 : i32
      %mul3A_54 = arith.constant 16 : i32
      %mul3A_55 = arith.muli %select_n3A_53, %mul3A_54 : i32
      %get3A = arith.index_cast %select_n3A : i32 to index
      %get3A_56 = arith.index_cast %mul3A_55 : i32 to index
      %get3A_57 = tpu.vector_load %arg4[%get3A, %get3A_56] {strides = array<i32>} : memref<80x128xi32, #tpu.memory_space<vmem>>, vector<16xi32>,
      tpu.vector_store_idx %arg5[%get3A_57], %broadcast_in_dim3A_10 {add = true} : memref<10240xf32, #tpu.memory_space<vmem>>[vector<16xi32>], vector<16xf32>,
    }
    %scan3A_16 = arith.constant 640 : i32
    "tpu.region"() ({
      %run_scoped3A_23 = tpu.sem_alloc : memref<!tpu.dma_semaphore, #tpu.memory_space<semaphore_mem>>
      %dma_start3A = arith.constant 0 : i32
      %dma_start3A_24 = tpu.memref_slice %arg7[%arg1, %dma_start3A] : memref<16x10240xf32, #tpu.memory_space<vmem_shared>> -> memref<1x10240xf32, #tpu.memory_space<vmem_shared>>
      %dma_start3A_25 = tpu.memref_squeeze %dma_start3A_24 : memref<1x10240xf32, #tpu.memory_space<vmem_shared>> -> memref<10240xf32, #tpu.memory_space<vmem_shared>>
      %dma_start3A_26 = arith.constant 0 : i32
      %dma_start3A_27 = tpu.memref_slice %arg7[%arg1, %dma_start3A_26] : memref<16x10240xf32, #tpu.memory_space<vmem_shared>> -> memref<1x10240xf32, #tpu.memory_space<vmem_shared>>
      %dma_start3A_28 = tpu.memref_squeeze %dma_start3A_27 : memref<1x10240xf32, #tpu.memory_space<vmem_shared>> -> memref<10240xf32, #tpu.memory_space<vmem_shared>>
      tpu.enqueue_dma source(%arg5 : memref<10240xf32, #tpu.memory_space<vmem>>) target(%dma_start3A_28 : memref<10240xf32, #tpu.memory_space<vmem_shared>>) target_semaphore(%run_scoped3A_23 : memref<!tpu.dma_semaphore, #tpu.memory_space<semaphore_mem>>)
      %dma_wait3A = arith.constant 0 : i32
      %dma_wait3A_29 = tpu.memref_slice %arg7[%arg1, %dma_wait3A] : memref<16x10240xf32, #tpu.memory_space<vmem_shared>> -> memref<1x10240xf32, #tpu.memory_space<vmem_shared>>
      %dma_wait3A_30 = tpu.memref_squeeze %dma_wait3A_29 : memref<1x10240xf32, #tpu.memory_space<vmem_shared>> -> memref<10240xf32, #tpu.memory_space<vmem_shared>>
      %dma_wait3A_31 = arith.constant 0 : i32
      %dma_wait3A_32 = tpu.memref_slice %arg7[%arg1, %dma_wait3A_31] : memref<16x10240xf32, #tpu.memory_space<vmem_shared>> -> memref<1x10240xf32, #tpu.memory_space<vmem_shared>>
      %dma_wait3A_33 = tpu.memref_squeeze %dma_wait3A_32 : memref<1x10240xf32, #tpu.memory_space<vmem_shared>> -> memref<10240xf32, #tpu.memory_space<vmem_shared>>
      tpu.wait_dma2 semaphore(%run_scoped3A_23 : memref<!tpu.dma_semaphore, #tpu.memory_space<semaphore_mem>>) src(%arg5 : memref<10240xf32, #tpu.memory_space<vmem>>) dst(%dma_wait3A_33 : memref<10240xf32, #tpu.memory_space<vmem_shared>>)
      tpu.yield
    }) : () -> ()
    %barrier3A = arith.constant 0 : index
    tpu.barrier barrier_id(%barrier3A)
    %run_scoped3A = arith.constant 0 : i32
    "tpu.region"() ({
      %run_scoped3A_23 = tpu.sem_alloc : memref<!tpu.dma_semaphore, #tpu.memory_space<semaphore_mem>>
      %dma_start3A = tpu.memref_slice %arg7[%run_scoped3A, %mul3A_2] : memref<16x10240xf32, #tpu.memory_space<vmem_shared>> -> memref<1x640xf32, #tpu.memory_space<vmem_shared>>
      %dma_start3A_24 = tpu.memref_squeeze %dma_start3A : memref<1x640xf32, #tpu.memory_space<vmem_shared>> -> memref<640xf32, #tpu.memory_space<vmem_shared>>
      %dma_start3A_25 = tpu.memref_slice %arg7[%run_scoped3A, %mul3A_2] : memref<16x10240xf32, #tpu.memory_space<vmem_shared>> -> memref<1x640xf32, #tpu.memory_space<vmem_shared>>
      %dma_start3A_26 = tpu.memref_squeeze %dma_start3A_25 : memref<1x640xf32, #tpu.memory_space<vmem_shared>> -> memref<640xf32, #tpu.memory_space<vmem_shared>>
      tpu.enqueue_dma source(%dma_start3A_26 : memref<640xf32, #tpu.memory_space<vmem_shared>>) target(%arg6 : memref<640xf32, #tpu.memory_space<vmem>>) target_semaphore(%run_scoped3A_23 : memref<!tpu.dma_semaphore, #tpu.memory_space<semaphore_mem>>)
      %dma_wait3A = tpu.memref_slice %arg7[%run_scoped3A, %mul3A_2] : memref<16x10240xf32, #tpu.memory_space<vmem_shared>> -> memref<1x640xf32, #tpu.memory_space<vmem_shared>>
      %dma_wait3A_27 = tpu.memref_squeeze %dma_wait3A : memref<1x640xf32, #tpu.memory_space<vmem_shared>> -> memref<640xf32, #tpu.memory_space<vmem_shared>>
      %dma_wait3A_28 = tpu.memref_slice %arg7[%run_scoped3A, %mul3A_2] : memref<16x10240xf32, #tpu.memory_space<vmem_shared>> -> memref<1x640xf32, #tpu.memory_space<vmem_shared>>
      %dma_wait3A_29 = tpu.memref_squeeze %dma_wait3A_28 : memref<1x640xf32, #tpu.memory_space<vmem_shared>> -> memref<640xf32, #tpu.memory_space<vmem_shared>>
      tpu.wait_dma2 semaphore(%run_scoped3A_23 : memref<!tpu.dma_semaphore, #tpu.memory_space<semaphore_mem>>) src(%dma_wait3A_29 : memref<640xf32, #tpu.memory_space<vmem_shared>>) dst(%arg6 : memref<640xf32, #tpu.memory_space<vmem>>)
      tpu.yield
    }) : () -> ()
    %scan3A_17 = arith.constant 0 : i32
    %scan3A_18 = arith.constant 1 : i32
    %scan3A_19 = arith.constant 15 : i32
    %scan3A_20 = arith.addi %scan3A_18, %scan3A_19 : i32
    %scan3A_21 = arith.constant 1 : i32
    scf.for %scan3A_23 = %scan3A_18 to %scan3A_20 step %scan3A_21  : i32 {
      "tpu.region"() ({
        %run_scoped3A_30 = tpu.sem_alloc : memref<!tpu.dma_semaphore, #tpu.memory_space<semaphore_mem>>
        %dma_start3A = arith.constant 0 : i32
        %dma_start3A_31 = tpu.memref_slice %arg5[%dma_start3A] : memref<10240xf32, #tpu.memory_space<vmem>> -> memref<640xf32, #tpu.memory_space<vmem>>
        %dma_start3A_32 = tpu.memref_slice %arg7[%scan3A_23, %mul3A_2] : memref<16x10240xf32, #tpu.memory_space<vmem_shared>> -> memref<1x640xf32, #tpu.memory_space<vmem_shared>>
        %dma_start3A_33 = tpu.memref_squeeze %dma_start3A_32 : memref<1x640xf32, #tpu.memory_space<vmem_shared>> -> memref<640xf32, #tpu.memory_space<vmem_shared>>
        %dma_start3A_34 = arith.constant 0 : i32
        %dma_start3A_35 = tpu.memref_slice %arg5[%dma_start3A_34] : memref<10240xf32, #tpu.memory_space<vmem>> -> memref<640xf32, #tpu.memory_space<vmem>>
        %dma_start3A_36 = tpu.memref_slice %arg7[%scan3A_23, %mul3A_2] : memref<16x10240xf32, #tpu.memory_space<vmem_shared>> -> memref<1x640xf32, #tpu.memory_space<vmem_shared>>
        %dma_start3A_37 = tpu.memref_squeeze %dma_start3A_36 : memref<1x640xf32, #tpu.memory_space<vmem_shared>> -> memref<640xf32, #tpu.memory_space<vmem_shared>>
        tpu.enqueue_dma source(%dma_start3A_37 : memref<640xf32, #tpu.memory_space<vmem_shared>>) target(%dma_start3A_35 : memref<640xf32, #tpu.memory_space<vmem>>) target_semaphore(%run_scoped3A_30 : memref<!tpu.dma_semaphore, #tpu.memory_space<semaphore_mem>>)
        %dma_wait3A = arith.constant 0 : i32
        %dma_wait3A_38 = tpu.memref_slice %arg5[%dma_wait3A] : memref<10240xf32, #tpu.memory_space<vmem>> -> memref<640xf32, #tpu.memory_space<vmem>>
        %dma_wait3A_39 = tpu.memref_slice %arg7[%scan3A_23, %mul3A_2] : memref<16x10240xf32, #tpu.memory_space<vmem_shared>> -> memref<1x640xf32, #tpu.memory_space<vmem_shared>>
        %dma_wait3A_40 = tpu.memref_squeeze %dma_wait3A_39 : memref<1x640xf32, #tpu.memory_space<vmem_shared>> -> memref<640xf32, #tpu.memory_space<vmem_shared>>
        %dma_wait3A_41 = arith.constant 0 : i32
        %dma_wait3A_42 = tpu.memref_slice %arg5[%dma_wait3A_41] : memref<10240xf32, #tpu.memory_space<vmem>> -> memref<640xf32, #tpu.memory_space<vmem>>
        %dma_wait3A_43 = tpu.memref_slice %arg7[%scan3A_23, %mul3A_2] : memref<16x10240xf32, #tpu.memory_space<vmem_shared>> -> memref<1x640xf32, #tpu.memory_space<vmem_shared>>
        %dma_wait3A_44 = tpu.memref_squeeze %dma_wait3A_43 : memref<1x640xf32, #tpu.memory_space<vmem_shared>> -> memref<640xf32, #tpu.memory_space<vmem_shared>>
        tpu.wait_dma2 semaphore(%run_scoped3A_30 : memref<!tpu.dma_semaphore, #tpu.memory_space<semaphore_mem>>) src(%dma_wait3A_44 : memref<640xf32, #tpu.memory_space<vmem_shared>>) dst(%dma_wait3A_42 : memref<640xf32, #tpu.memory_space<vmem>>)
        tpu.yield
      }) : () -> ()
      %scan3A_24 = arith.constant 0 : i32
      %scan3A_25 = arith.constant 0 : i32
      %scan3A_26 = arith.constant 40 : i32
      %scan3A_27 = arith.addi %scan3A_25, %scan3A_26 : i32
      %scan3A_28 = arith.constant 1 : i32
      scf.for %scan3A_30 = %scan3A_25 to %scan3A_27 step %scan3A_28  : i32 {
        %mul3A_31 = arith.constant 16 : i32
        %mul3A_32 = arith.muli %scan3A_30, %mul3A_31 : i32
        %get3A = arith.index_cast %mul3A_32 : i32 to index
        %get3A_33 = tpu.vector_load %arg6[%get3A] {strides = array<i32>} : memref<640xf32, #tpu.memory_space<vmem>>, vector<16xf32>,
        %mul3A_34 = arith.constant 16 : i32
        %mul3A_35 = arith.muli %scan3A_30, %mul3A_34 : i32
        %get3A_36 = arith.index_cast %mul3A_35 : i32 to index
        %get3A_37 = tpu.vector_load %arg5[%get3A_36] {strides = array<i32>} : memref<10240xf32, #tpu.memory_space<vmem>>, vector<16xf32>,
        %add3A_38 = arith.addf %get3A_33, %get3A_37 : vector<16xf32>
        %swap3A = arith.index_cast %mul3A_32 : i32 to index
        %swap3A_39 = tpu.vector_load %arg6[%swap3A] {strides = array<i32>} : memref<640xf32, #tpu.memory_space<vmem>>, vector<16xf32>,
        tpu.vector_store %arg6[%swap3A], %add3A_38 {strides = array<i32>} : memref<640xf32, #tpu.memory_space<vmem>>, vector<16xf32>,
      }
      %scan3A_29 = arith.constant 40 : i32
    }
    %scan3A_22 = arith.constant 15 : i32
    "tpu.region"() ({
      %run_scoped3A_23 = tpu.sem_alloc : memref<!tpu.dma_semaphore, #tpu.memory_space<semaphore_mem>>
      %dma_start3A = tpu.memref_slice %arg3[%arg0, %mul3A_2] : memref<2x10240xf32, #tpu.memory_space<hbm>> -> memref<1x640xf32, #tpu.memory_space<hbm>>
      %dma_start3A_24 = tpu.memref_squeeze %dma_start3A : memref<1x640xf32, #tpu.memory_space<hbm>> -> memref<640xf32, #tpu.memory_space<hbm>>
      %dma_start3A_25 = tpu.memref_slice %arg3[%arg0, %mul3A_2] : memref<2x10240xf32, #tpu.memory_space<hbm>> -> memref<1x640xf32, #tpu.memory_space<hbm>>
      %dma_start3A_26 = tpu.memref_squeeze %dma_start3A_25 : memref<1x640xf32, #tpu.memory_space<hbm>> -> memref<640xf32, #tpu.memory_space<hbm>>
      tpu.enqueue_dma source(%arg6 : memref<640xf32, #tpu.memory_space<vmem>>) target(%dma_start3A_26 : memref<640xf32, #tpu.memory_space<hbm>>) target_semaphore(%run_scoped3A_23 : memref<!tpu.dma_semaphore, #tpu.memory_space<semaphore_mem>>)
      %dma_wait3A = tpu.memref_slice %arg3[%arg0, %mul3A_2] : memref<2x10240xf32, #tpu.memory_space<hbm>> -> memref<1x640xf32, #tpu.memory_space<hbm>>
      %dma_wait3A_27 = tpu.memref_squeeze %dma_wait3A : memref<1x640xf32, #tpu.memory_space<hbm>> -> memref<640xf32, #tpu.memory_space<hbm>>
      %dma_wait3A_28 = tpu.memref_slice %arg3[%arg0, %mul3A_2] : memref<2x10240xf32, #tpu.memory_space<hbm>> -> memref<1x640xf32, #tpu.memory_space<hbm>>
      %dma_wait3A_29 = tpu.memref_squeeze %dma_wait3A_28 : memref<1x640xf32, #tpu.memory_space<hbm>> -> memref<640xf32, #tpu.memory_space<hbm>>
      tpu.wait_dma2 semaphore(%run_scoped3A_23 : memref<!tpu.dma_semaphore, #tpu.memory_space<semaphore_mem>>) src(%arg6 : memref<640xf32, #tpu.memory_space<vmem>>) dst(%dma_wait3A_29 : memref<640xf32, #tpu.memory_space<hbm>>)
      tpu.yield
    }) : () -> ()
    return
  }
}

#map = affine_map<(d0, d1) -> (0, 0)>
#map1 = affine_map<(d0, d1) -> (0, 0, 0)>
module attributes {stable_mosaic.version = 14 : i64} {
  func.func @_agg_body(%arg0: i32, %arg1: i32, %arg2: memref<10240x128xf32, #tpu.memory_space<hbm>>, %arg3: memref<2560x128xi32, #tpu.memory_space<hbm>>, %arg4: memref<2560x128xi32, #tpu.memory_space<hbm>>, %arg5: memref<10240x128xf32, #tpu.memory_space<hbm>>, %arg6: memref<2x10240x128xf32, #tpu.memory_space<hbm>>, %arg7: memref<40x128xi32, #tpu.memory_space<vmem>>, %arg8: memref<40x128xi32, #tpu.memory_space<vmem>>, %arg9: memref<128x128xf32, #tpu.memory_space<vmem>>, %arg10: memref<128x128xf32, #tpu.memory_space<vmem>>, %arg11: memref<10240x128xf32, #tpu.memory_space<vmem_shared>>, %arg12: memref<!tpu.dma_semaphore, #tpu.memory_space<semaphore_mem>>, %arg13: memref<!tpu.dma_semaphore, #tpu.memory_space<semaphore_mem>>) attributes {dimension_semantics = [#tpu.dimension_semantics<core_parallel>, #tpu.dimension_semantics<subcore_parallel>], iteration_bounds = array<i64: 2, 16>, scalar_prefetch = 0 : i64, scratch_operands = 7 : i64, tpu.core_type = #tpu.core_type<sc_vector_subcore>, window_params = [{transform_indices = #map}, {transform_indices = #map}, {transform_indices = #map}, {transform_indices = #map}, {transform_indices = #map1}]} {
    %mul3A = arith.constant 640 : i32
    %mul3A_0 = arith.muli %arg1, %mul3A : i32
    %eq3A = arith.constant 0 : i32
    %eq3A_1 = arith.cmpi eq, %arg0, %eq3A : i32
    %convert_element_type3A = arith.extui %eq3A_1 : i1 to i32
    %cond3A = arith.constant 0 : i32
    %cond3A_2 = arith.cmpi ne, %convert_element_type3A, %cond3A : i32
    scf.if %cond3A_2 {
      "tpu.region"() ({
        %run_scoped3A = tpu.sem_alloc : memref<!tpu.dma_semaphore, #tpu.memory_space<semaphore_mem>>
        %dma_start3A = arith.constant 0 : i32
        %dma_start3A_19 = tpu.memref_slice %arg11[%mul3A_0, %dma_start3A] : memref<10240x128xf32, #tpu.memory_space<vmem_shared>> -> memref<640x128xf32, #tpu.memory_space<vmem_shared>>
        %dma_start3A_20 = arith.constant 0 : i32
        %dma_start3A_21 = tpu.memref_slice %arg2[%mul3A_0, %dma_start3A_20] : memref<10240x128xf32, #tpu.memory_space<hbm>> -> memref<640x128xf32, #tpu.memory_space<hbm>>
        tpu.enqueue_dma source(%dma_start3A_21 : memref<640x128xf32, #tpu.memory_space<hbm>>) target(%dma_start3A_19 : memref<640x128xf32, #tpu.memory_space<vmem_shared>>) target_semaphore(%run_scoped3A : memref<!tpu.dma_semaphore, #tpu.memory_space<semaphore_mem>>)
        %dma_wait3A = arith.constant 0 : i32
        %dma_wait3A_22 = tpu.memref_slice %arg11[%mul3A_0, %dma_wait3A] : memref<10240x128xf32, #tpu.memory_space<vmem_shared>> -> memref<640x128xf32, #tpu.memory_space<vmem_shared>>
        %dma_wait3A_23 = arith.constant 0 : i32
        %dma_wait3A_24 = tpu.memref_slice %arg2[%mul3A_0, %dma_wait3A_23] : memref<10240x128xf32, #tpu.memory_space<hbm>> -> memref<640x128xf32, #tpu.memory_space<hbm>>
        tpu.wait_dma2 semaphore(%run_scoped3A : memref<!tpu.dma_semaphore, #tpu.memory_space<semaphore_mem>>) src(%dma_wait3A_24 : memref<640x128xf32, #tpu.memory_space<hbm>>) dst(%dma_wait3A_22 : memref<640x128xf32, #tpu.memory_space<vmem_shared>>)
        tpu.yield
      }) : () -> ()
    } else {
    }
    %eq3A_3 = arith.constant 1 : i32
    %eq3A_4 = arith.cmpi eq, %arg0, %eq3A_3 : i32
    %convert_element_type3A_5 = arith.extui %eq3A_4 : i1 to i32
    %cond3A_6 = arith.constant 0 : i32
    %cond3A_7 = arith.cmpi ne, %convert_element_type3A_5, %cond3A_6 : i32
    scf.if %cond3A_7 {
      "tpu.region"() ({
        %run_scoped3A = tpu.sem_alloc : memref<!tpu.dma_semaphore, #tpu.memory_space<semaphore_mem>>
        %dma_start3A = arith.constant 0 : i32
        %dma_start3A_19 = tpu.memref_slice %arg11[%mul3A_0, %dma_start3A] : memref<10240x128xf32, #tpu.memory_space<vmem_shared>> -> memref<640x128xf32, #tpu.memory_space<vmem_shared>>
        %dma_start3A_20 = arith.constant 0 : i32
        %dma_start3A_21 = tpu.memref_slice %arg5[%mul3A_0, %dma_start3A_20] : memref<10240x128xf32, #tpu.memory_space<hbm>> -> memref<640x128xf32, #tpu.memory_space<hbm>>
        tpu.enqueue_dma source(%dma_start3A_21 : memref<640x128xf32, #tpu.memory_space<hbm>>) target(%dma_start3A_19 : memref<640x128xf32, #tpu.memory_space<vmem_shared>>) target_semaphore(%run_scoped3A : memref<!tpu.dma_semaphore, #tpu.memory_space<semaphore_mem>>)
        %dma_wait3A = arith.constant 0 : i32
        %dma_wait3A_22 = tpu.memref_slice %arg11[%mul3A_0, %dma_wait3A] : memref<10240x128xf32, #tpu.memory_space<vmem_shared>> -> memref<640x128xf32, #tpu.memory_space<vmem_shared>>
        %dma_wait3A_23 = arith.constant 0 : i32
        %dma_wait3A_24 = tpu.memref_slice %arg5[%mul3A_0, %dma_wait3A_23] : memref<10240x128xf32, #tpu.memory_space<hbm>> -> memref<640x128xf32, #tpu.memory_space<hbm>>
        tpu.wait_dma2 semaphore(%run_scoped3A : memref<!tpu.dma_semaphore, #tpu.memory_space<semaphore_mem>>) src(%dma_wait3A_24 : memref<640x128xf32, #tpu.memory_space<hbm>>) dst(%dma_wait3A_22 : memref<640x128xf32, #tpu.memory_space<vmem_shared>>)
        tpu.yield
      }) : () -> ()
    } else {
    }
    %barrier3A = arith.constant 0 : index
    tpu.barrier barrier_id(%barrier3A)
    %eq3A_8 = arith.constant 0 : i32
    %eq3A_9 = arith.cmpi eq, %arg0, %eq3A_8 : i32
    %convert_element_type3A_10 = arith.extui %eq3A_9 : i1 to i32
    %cond3A_11 = arith.constant 0 : i32
    %cond3A_12 = arith.cmpi ne, %convert_element_type3A_10, %cond3A_11 : i32
    scf.if %cond3A_12 {
      %mul3A_19 = arith.constant 80 : i32
      %mul3A_20 = arith.muli %arg1, %mul3A_19 : i32
      %add3A = arith.constant 0 : i32
      %add3A_21 = arith.addi %mul3A_20, %add3A : i32
      %multiple_of3A = tpu.assume_multiple %add3A_21, 8 : i32
      "tpu.region"() ({
        %run_scoped3A = tpu.sem_alloc : memref<!tpu.dma_semaphore, #tpu.memory_space<semaphore_mem>>
        %dma_start3A_49 = arith.constant 0 : i32
        %dma_start3A_50 = arith.constant 0 : i32
        %dma_start3A_51 = tpu.memref_slice %arg7[%dma_start3A_49, %dma_start3A_50] : memref<40x128xi32, #tpu.memory_space<vmem>> -> memref<40x128xi32, #tpu.memory_space<vmem>>
        %dma_start3A_52 = arith.constant 0 : i32
        %dma_start3A_53 = tpu.memref_slice %arg3[%multiple_of3A, %dma_start3A_52] : memref<2560x128xi32, #tpu.memory_space<hbm>> -> memref<40x128xi32, #tpu.memory_space<hbm>>
        %dma_start3A_54 = arith.constant 0 : i32
        %dma_start3A_55 = arith.constant 0 : i32
        %dma_start3A_56 = tpu.memref_slice %arg7[%dma_start3A_54, %dma_start3A_55] : memref<40x128xi32, #tpu.memory_space<vmem>> -> memref<40x128xi32, #tpu.memory_space<vmem>>
        %dma_start3A_57 = arith.constant 0 : i32
        %dma_start3A_58 = tpu.memref_slice %arg3[%multiple_of3A, %dma_start3A_57] : memref<2560x128xi32, #tpu.memory_space<hbm>> -> memref<40x128xi32, #tpu.memory_space<hbm>>
        tpu.enqueue_dma source(%dma_start3A_58 : memref<40x128xi32, #tpu.memory_space<hbm>>) target(%dma_start3A_56 : memref<40x128xi32, #tpu.memory_space<vmem>>) target_semaphore(%run_scoped3A : memref<!tpu.dma_semaphore, #tpu.memory_space<semaphore_mem>>)
        %dma_wait3A = arith.constant 0 : i32
        %dma_wait3A_59 = arith.constant 0 : i32
        %dma_wait3A_60 = tpu.memref_slice %arg7[%dma_wait3A, %dma_wait3A_59] : memref<40x128xi32, #tpu.memory_space<vmem>> -> memref<40x128xi32, #tpu.memory_space<vmem>>
        %dma_wait3A_61 = arith.constant 0 : i32
        %dma_wait3A_62 = tpu.memref_slice %arg3[%multiple_of3A, %dma_wait3A_61] : memref<2560x128xi32, #tpu.memory_space<hbm>> -> memref<40x128xi32, #tpu.memory_space<hbm>>
        %dma_wait3A_63 = arith.constant 0 : i32
        %dma_wait3A_64 = arith.constant 0 : i32
        %dma_wait3A_65 = tpu.memref_slice %arg7[%dma_wait3A_63, %dma_wait3A_64] : memref<40x128xi32, #tpu.memory_space<vmem>> -> memref<40x128xi32, #tpu.memory_space<vmem>>
        %dma_wait3A_66 = arith.constant 0 : i32
        %dma_wait3A_67 = tpu.memref_slice %arg3[%multiple_of3A, %dma_wait3A_66] : memref<2560x128xi32, #tpu.memory_space<hbm>> -> memref<40x128xi32, #tpu.memory_space<hbm>>
        tpu.wait_dma2 semaphore(%run_scoped3A : memref<!tpu.dma_semaphore, #tpu.memory_space<semaphore_mem>>) src(%dma_wait3A_67 : memref<40x128xi32, #tpu.memory_space<hbm>>) dst(%dma_wait3A_65 : memref<40x128xi32, #tpu.memory_space<vmem>>)
        tpu.yield
      }) : () -> ()
      "tpu.region"() ({
        %run_scoped3A = tpu.sem_alloc : memref<!tpu.dma_semaphore, #tpu.memory_space<semaphore_mem>>
        %dma_start3A_49 = arith.constant 0 : i32
        %dma_start3A_50 = arith.constant 0 : i32
        %dma_start3A_51 = tpu.memref_slice %arg8[%dma_start3A_49, %dma_start3A_50] : memref<40x128xi32, #tpu.memory_space<vmem>> -> memref<40x128xi32, #tpu.memory_space<vmem>>
        %dma_start3A_52 = arith.constant 0 : i32
        %dma_start3A_53 = tpu.memref_slice %arg4[%multiple_of3A, %dma_start3A_52] : memref<2560x128xi32, #tpu.memory_space<hbm>> -> memref<40x128xi32, #tpu.memory_space<hbm>>
        %dma_start3A_54 = arith.constant 0 : i32
        %dma_start3A_55 = arith.constant 0 : i32
        %dma_start3A_56 = tpu.memref_slice %arg8[%dma_start3A_54, %dma_start3A_55] : memref<40x128xi32, #tpu.memory_space<vmem>> -> memref<40x128xi32, #tpu.memory_space<vmem>>
        %dma_start3A_57 = arith.constant 0 : i32
        %dma_start3A_58 = tpu.memref_slice %arg4[%multiple_of3A, %dma_start3A_57] : memref<2560x128xi32, #tpu.memory_space<hbm>> -> memref<40x128xi32, #tpu.memory_space<hbm>>
        tpu.enqueue_dma source(%dma_start3A_58 : memref<40x128xi32, #tpu.memory_space<hbm>>) target(%dma_start3A_56 : memref<40x128xi32, #tpu.memory_space<vmem>>) target_semaphore(%run_scoped3A : memref<!tpu.dma_semaphore, #tpu.memory_space<semaphore_mem>>)
        %dma_wait3A = arith.constant 0 : i32
        %dma_wait3A_59 = arith.constant 0 : i32
        %dma_wait3A_60 = tpu.memref_slice %arg8[%dma_wait3A, %dma_wait3A_59] : memref<40x128xi32, #tpu.memory_space<vmem>> -> memref<40x128xi32, #tpu.memory_space<vmem>>
        %dma_wait3A_61 = arith.constant 0 : i32
        %dma_wait3A_62 = tpu.memref_slice %arg4[%multiple_of3A, %dma_wait3A_61] : memref<2560x128xi32, #tpu.memory_space<hbm>> -> memref<40x128xi32, #tpu.memory_space<hbm>>
        %dma_wait3A_63 = arith.constant 0 : i32
        %dma_wait3A_64 = arith.constant 0 : i32
        %dma_wait3A_65 = tpu.memref_slice %arg8[%dma_wait3A_63, %dma_wait3A_64] : memref<40x128xi32, #tpu.memory_space<vmem>> -> memref<40x128xi32, #tpu.memory_space<vmem>>
        %dma_wait3A_66 = arith.constant 0 : i32
        %dma_wait3A_67 = tpu.memref_slice %arg4[%multiple_of3A, %dma_wait3A_66] : memref<2560x128xi32, #tpu.memory_space<hbm>> -> memref<40x128xi32, #tpu.memory_space<hbm>>
        tpu.wait_dma2 semaphore(%run_scoped3A : memref<!tpu.dma_semaphore, #tpu.memory_space<semaphore_mem>>) src(%dma_wait3A_67 : memref<40x128xi32, #tpu.memory_space<hbm>>) dst(%dma_wait3A_65 : memref<40x128xi32, #tpu.memory_space<vmem>>)
        tpu.yield
      }) : () -> ()
      %dma_start3A = arith.constant 0 : i32
      %dma_start3A_22 = arith.constant 0 : i32
      %dma_start3A_23 = tpu.memref_slice %arg7[%dma_start3A, %dma_start3A_22] : memref<40x128xi32, #tpu.memory_space<vmem>> -> memref<1x128xi32, #tpu.memory_space<vmem>>
      %dma_start3A_24 = tpu.memref_squeeze %dma_start3A_23 : memref<1x128xi32, #tpu.memory_space<vmem>> -> memref<128xi32, #tpu.memory_space<vmem>>
      %dma_start3A_25 = arith.constant 0 : i32
      %dma_start3A_26 = arith.constant 0 : i32
      %dma_start3A_27 = tpu.memref_slice %arg2[%dma_start3A_25, %dma_start3A_26] : memref<10240x128xf32, #tpu.memory_space<hbm>> -> memref<10240x128xf32, #tpu.memory_space<hbm>>
      tpu.enqueue_indirect_dma source(%dma_start3A_27 : memref<10240x128xf32, #tpu.memory_space<hbm>>) target(%arg9 : memref<128x128xf32, #tpu.memory_space<vmem>>) offsets(%dma_start3A_24 : memref<128xi32, #tpu.memory_space<vmem>>) semaphore(%arg12 : memref<!tpu.dma_semaphore, #tpu.memory_space<semaphore_mem>>)
      %scan3A = arith.constant 0 : i32
      %scan3A_28 = arith.constant 0 : i32
      %scan3A_29 = arith.constant 20 : i32
      %scan3A_30 = arith.addi %scan3A_28, %scan3A_29 : i32
      %scan3A_31 = arith.constant 1 : i32
      scf.for %scan3A_49 = %scan3A_28 to %scan3A_30 step %scan3A_31  : i32 {
        %mul3A_50 = arith.constant 2 : i32
        %mul3A_51 = arith.muli %mul3A_50, %scan3A_49 : i32
        %add3A_52 = arith.constant 1 : i32
        %add3A_53 = arith.addi %mul3A_51, %add3A_52 : i32
        %lt3A = arith.constant 40 : i32
        %lt3A_54 = arith.cmpi slt, %add3A_53, %lt3A : i32
        %convert_element_type3A_55 = arith.extui %lt3A_54 : i1 to i32
        %cond3A_56 = arith.constant 0 : i32
        %cond3A_57 = arith.cmpi ne, %convert_element_type3A_55, %cond3A_56 : i32
        scf.if %cond3A_57 {
          %add3A_80 = arith.constant 1 : i32
          %add3A_81 = arith.addi %mul3A_51, %add3A_80 : i32
          %dma_start3A_82 = arith.constant 0 : i32
          %dma_start3A_83 = tpu.memref_slice %arg7[%add3A_81, %dma_start3A_82] : memref<40x128xi32, #tpu.memory_space<vmem>> -> memref<1x128xi32, #tpu.memory_space<vmem>>
          %dma_start3A_84 = tpu.memref_squeeze %dma_start3A_83 : memref<1x128xi32, #tpu.memory_space<vmem>> -> memref<128xi32, #tpu.memory_space<vmem>>
          %dma_start3A_85 = arith.constant 0 : i32
          %dma_start3A_86 = arith.constant 0 : i32
          %dma_start3A_87 = tpu.memref_slice %arg2[%dma_start3A_85, %dma_start3A_86] : memref<10240x128xf32, #tpu.memory_space<hbm>> -> memref<10240x128xf32, #tpu.memory_space<hbm>>
          tpu.enqueue_indirect_dma source(%dma_start3A_87 : memref<10240x128xf32, #tpu.memory_space<hbm>>) target(%arg10 : memref<128x128xf32, #tpu.memory_space<vmem>>) offsets(%dma_start3A_84 : memref<128xi32, #tpu.memory_space<vmem>>) semaphore(%arg13 : memref<!tpu.dma_semaphore, #tpu.memory_space<semaphore_mem>>)
        } else {
        }
        %dma_wait3A = arith.constant 0 : i32
        %dma_wait3A_58 = tpu.memref_slice %arg7[%mul3A_51, %dma_wait3A] : memref<40x128xi32, #tpu.memory_space<vmem>> -> memref<1x128xi32, #tpu.memory_space<vmem>>
        %dma_wait3A_59 = tpu.memref_squeeze %dma_wait3A_58 : memref<1x128xi32, #tpu.memory_space<vmem>> -> memref<128xi32, #tpu.memory_space<vmem>>
        %dma_wait3A_60 = arith.constant 0 : i32
        %dma_wait3A_61 = arith.constant 0 : i32
        %dma_wait3A_62 = tpu.memref_slice %arg2[%dma_wait3A_60, %dma_wait3A_61] : memref<10240x128xf32, #tpu.memory_space<hbm>> -> memref<10240x128xf32, #tpu.memory_space<hbm>>
        tpu.wait_indirect_dma semaphore(%arg12 : memref<!tpu.dma_semaphore, #tpu.memory_space<semaphore_mem>>) src(%dma_wait3A_62 : memref<10240x128xf32, #tpu.memory_space<hbm>>) dst(%arg9 : memref<128x128xf32, #tpu.memory_space<vmem>>)
        "tpu.region"() ({
          %run_scoped3A = tpu.sem_alloc : memref<!tpu.dma_semaphore, #tpu.memory_space<semaphore_mem>>
          %dma_start3A_80 = arith.constant 0 : i32
          %dma_start3A_81 = tpu.memref_slice %arg8[%mul3A_51, %dma_start3A_80] : memref<40x128xi32, #tpu.memory_space<vmem>> -> memref<1x128xi32, #tpu.memory_space<vmem>>
          %dma_start3A_82 = tpu.memref_squeeze %dma_start3A_81 : memref<1x128xi32, #tpu.memory_space<vmem>> -> memref<128xi32, #tpu.memory_space<vmem>>
          %dma_start3A_83 = arith.constant 0 : i32
          %dma_start3A_84 = arith.constant 0 : i32
          %dma_start3A_85 = tpu.memref_slice %arg11[%dma_start3A_83, %dma_start3A_84] : memref<10240x128xf32, #tpu.memory_space<vmem_shared>> -> memref<10240x128xf32, #tpu.memory_space<vmem_shared>>
          tpu.enqueue_indirect_dma source(%arg9 : memref<128x128xf32, #tpu.memory_space<vmem>>) target(%dma_start3A_85 : memref<10240x128xf32, #tpu.memory_space<vmem_shared>>) offsets(%dma_start3A_82 : memref<128xi32, #tpu.memory_space<vmem>>) semaphore(%run_scoped3A : memref<!tpu.dma_semaphore, #tpu.memory_space<semaphore_mem>>) {add = true}
          %dma_wait3A_86 = arith.constant 0 : i32
          %dma_wait3A_87 = tpu.memref_slice %arg8[%mul3A_51, %dma_wait3A_86] : memref<40x128xi32, #tpu.memory_space<vmem>> -> memref<1x128xi32, #tpu.memory_space<vmem>>
          %dma_wait3A_88 = tpu.memref_squeeze %dma_wait3A_87 : memref<1x128xi32, #tpu.memory_space<vmem>> -> memref<128xi32, #tpu.memory_space<vmem>>
          %dma_wait3A_89 = arith.constant 0 : i32
          %dma_wait3A_90 = arith.constant 0 : i32
          %dma_wait3A_91 = tpu.memref_slice %arg11[%dma_wait3A_89, %dma_wait3A_90] : memref<10240x128xf32, #tpu.memory_space<vmem_shared>> -> memref<10240x128xf32, #tpu.memory_space<vmem_shared>>
          tpu.wait_indirect_dma semaphore(%run_scoped3A : memref<!tpu.dma_semaphore, #tpu.memory_space<semaphore_mem>>) src(%arg9 : memref<128x128xf32, #tpu.memory_space<vmem>>) dst(%dma_wait3A_91 : memref<10240x128xf32, #tpu.memory_space<vmem_shared>>)
          tpu.yield
        }) : () -> ()
        %mul3A_63 = arith.constant 2 : i32
        %mul3A_64 = arith.muli %mul3A_63, %scan3A_49 : i32
        %add3A_65 = arith.constant 1 : i32
        %add3A_66 = arith.addi %mul3A_64, %add3A_65 : i32
        %add3A_67 = arith.constant 1 : i32
        %add3A_68 = arith.addi %add3A_66, %add3A_67 : i32
        %lt3A_69 = arith.constant 40 : i32
        %lt3A_70 = arith.cmpi slt, %add3A_68, %lt3A_69 : i32
        %convert_element_type3A_71 = arith.extui %lt3A_70 : i1 to i32
        %cond3A_72 = arith.constant 0 : i32
        %cond3A_73 = arith.cmpi ne, %convert_element_type3A_71, %cond3A_72 : i32
        scf.if %cond3A_73 {
          %add3A_80 = arith.constant 1 : i32
          %add3A_81 = arith.addi %add3A_66, %add3A_80 : i32
          %dma_start3A_82 = arith.constant 0 : i32
          %dma_start3A_83 = tpu.memref_slice %arg7[%add3A_81, %dma_start3A_82] : memref<40x128xi32, #tpu.memory_space<vmem>> -> memref<1x128xi32, #tpu.memory_space<vmem>>
          %dma_start3A_84 = tpu.memref_squeeze %dma_start3A_83 : memref<1x128xi32, #tpu.memory_space<vmem>> -> memref<128xi32, #tpu.memory_space<vmem>>
          %dma_start3A_85 = arith.constant 0 : i32
          %dma_start3A_86 = arith.constant 0 : i32
          %dma_start3A_87 = tpu.memref_slice %arg2[%dma_start3A_85, %dma_start3A_86] : memref<10240x128xf32, #tpu.memory_space<hbm>> -> memref<10240x128xf32, #tpu.memory_space<hbm>>
          tpu.enqueue_indirect_dma source(%dma_start3A_87 : memref<10240x128xf32, #tpu.memory_space<hbm>>) target(%arg9 : memref<128x128xf32, #tpu.memory_space<vmem>>) offsets(%dma_start3A_84 : memref<128xi32, #tpu.memory_space<vmem>>) semaphore(%arg12 : memref<!tpu.dma_semaphore, #tpu.memory_space<semaphore_mem>>)
        } else {
        }
        %dma_wait3A_74 = arith.constant 0 : i32
        %dma_wait3A_75 = tpu.memref_slice %arg7[%add3A_66, %dma_wait3A_74] : memref<40x128xi32, #tpu.memory_space<vmem>> -> memref<1x128xi32, #tpu.memory_space<vmem>>
        %dma_wait3A_76 = tpu.memref_squeeze %dma_wait3A_75 : memref<1x128xi32, #tpu.memory_space<vmem>> -> memref<128xi32, #tpu.memory_space<vmem>>
        %dma_wait3A_77 = arith.constant 0 : i32
        %dma_wait3A_78 = arith.constant 0 : i32
        %dma_wait3A_79 = tpu.memref_slice %arg2[%dma_wait3A_77, %dma_wait3A_78] : memref<10240x128xf32, #tpu.memory_space<hbm>> -> memref<10240x128xf32, #tpu.memory_space<hbm>>
        tpu.wait_indirect_dma semaphore(%arg13 : memref<!tpu.dma_semaphore, #tpu.memory_space<semaphore_mem>>) src(%dma_wait3A_79 : memref<10240x128xf32, #tpu.memory_space<hbm>>) dst(%arg10 : memref<128x128xf32, #tpu.memory_space<vmem>>)
        "tpu.region"() ({
          %run_scoped3A = tpu.sem_alloc : memref<!tpu.dma_semaphore, #tpu.memory_space<semaphore_mem>>
          %dma_start3A_80 = arith.constant 0 : i32
          %dma_start3A_81 = tpu.memref_slice %arg8[%add3A_66, %dma_start3A_80] : memref<40x128xi32, #tpu.memory_space<vmem>> -> memref<1x128xi32, #tpu.memory_space<vmem>>
          %dma_start3A_82 = tpu.memref_squeeze %dma_start3A_81 : memref<1x128xi32, #tpu.memory_space<vmem>> -> memref<128xi32, #tpu.memory_space<vmem>>
          %dma_start3A_83 = arith.constant 0 : i32
          %dma_start3A_84 = arith.constant 0 : i32
          %dma_start3A_85 = tpu.memref_slice %arg11[%dma_start3A_83, %dma_start3A_84] : memref<10240x128xf32, #tpu.memory_space<vmem_shared>> -> memref<10240x128xf32, #tpu.memory_space<vmem_shared>>
          tpu.enqueue_indirect_dma source(%arg10 : memref<128x128xf32, #tpu.memory_space<vmem>>) target(%dma_start3A_85 : memref<10240x128xf32, #tpu.memory_space<vmem_shared>>) offsets(%dma_start3A_82 : memref<128xi32, #tpu.memory_space<vmem>>) semaphore(%run_scoped3A : memref<!tpu.dma_semaphore, #tpu.memory_space<semaphore_mem>>) {add = true}
          %dma_wait3A_86 = arith.constant 0 : i32
          %dma_wait3A_87 = tpu.memref_slice %arg8[%add3A_66, %dma_wait3A_86] : memref<40x128xi32, #tpu.memory_space<vmem>> -> memref<1x128xi32, #tpu.memory_space<vmem>>
          %dma_wait3A_88 = tpu.memref_squeeze %dma_wait3A_87 : memref<1x128xi32, #tpu.memory_space<vmem>> -> memref<128xi32, #tpu.memory_space<vmem>>
          %dma_wait3A_89 = arith.constant 0 : i32
          %dma_wait3A_90 = arith.constant 0 : i32
          %dma_wait3A_91 = tpu.memref_slice %arg11[%dma_wait3A_89, %dma_wait3A_90] : memref<10240x128xf32, #tpu.memory_space<vmem_shared>> -> memref<10240x128xf32, #tpu.memory_space<vmem_shared>>
          tpu.wait_indirect_dma semaphore(%run_scoped3A : memref<!tpu.dma_semaphore, #tpu.memory_space<semaphore_mem>>) src(%arg10 : memref<128x128xf32, #tpu.memory_space<vmem>>) dst(%dma_wait3A_91 : memref<10240x128xf32, #tpu.memory_space<vmem_shared>>)
          tpu.yield
        }) : () -> ()
      }
      %scan3A_32 = arith.constant 20 : i32
      %add3A_33 = arith.constant 40 : i32
      %add3A_34 = arith.addi %mul3A_20, %add3A_33 : i32
      %multiple_of3A_35 = tpu.assume_multiple %add3A_34, 8 : i32
      "tpu.region"() ({
        %run_scoped3A = tpu.sem_alloc : memref<!tpu.dma_semaphore, #tpu.memory_space<semaphore_mem>>
        %dma_start3A_49 = arith.constant 0 : i32
        %dma_start3A_50 = arith.constant 0 : i32
        %dma_start3A_51 = tpu.memref_slice %arg7[%dma_start3A_49, %dma_start3A_50] : memref<40x128xi32, #tpu.memory_space<vmem>> -> memref<40x128xi32, #tpu.memory_space<vmem>>
        %dma_start3A_52 = arith.constant 0 : i32
        %dma_start3A_53 = tpu.memref_slice %arg3[%multiple_of3A_35, %dma_start3A_52] : memref<2560x128xi32, #tpu.memory_space<hbm>> -> memref<40x128xi32, #tpu.memory_space<hbm>>
        %dma_start3A_54 = arith.constant 0 : i32
        %dma_start3A_55 = arith.constant 0 : i32
        %dma_start3A_56 = tpu.memref_slice %arg7[%dma_start3A_54, %dma_start3A_55] : memref<40x128xi32, #tpu.memory_space<vmem>> -> memref<40x128xi32, #tpu.memory_space<vmem>>
        %dma_start3A_57 = arith.constant 0 : i32
        %dma_start3A_58 = tpu.memref_slice %arg3[%multiple_of3A_35, %dma_start3A_57] : memref<2560x128xi32, #tpu.memory_space<hbm>> -> memref<40x128xi32, #tpu.memory_space<hbm>>
        tpu.enqueue_dma source(%dma_start3A_58 : memref<40x128xi32, #tpu.memory_space<hbm>>) target(%dma_start3A_56 : memref<40x128xi32, #tpu.memory_space<vmem>>) target_semaphore(%run_scoped3A : memref<!tpu.dma_semaphore, #tpu.memory_space<semaphore_mem>>)
        %dma_wait3A = arith.constant 0 : i32
        %dma_wait3A_59 = arith.constant 0 : i32
        %dma_wait3A_60 = tpu.memref_slice %arg7[%dma_wait3A, %dma_wait3A_59] : memref<40x128xi32, #tpu.memory_space<vmem>> -> memref<40x128xi32, #tpu.memory_space<vmem>>
        %dma_wait3A_61 = arith.constant 0 : i32
        %dma_wait3A_62 = tpu.memref_slice %arg3[%multiple_of3A_35, %dma_wait3A_61] : memref<2560x128xi32, #tpu.memory_space<hbm>> -> memref<40x128xi32, #tpu.memory_space<hbm>>
        %dma_wait3A_63 = arith.constant 0 : i32
        %dma_wait3A_64 = arith.constant 0 : i32
        %dma_wait3A_65 = tpu.memref_slice %arg7[%dma_wait3A_63, %dma_wait3A_64] : memref<40x128xi32, #tpu.memory_space<vmem>> -> memref<40x128xi32, #tpu.memory_space<vmem>>
        %dma_wait3A_66 = arith.constant 0 : i32
        %dma_wait3A_67 = tpu.memref_slice %arg3[%multiple_of3A_35, %dma_wait3A_66] : memref<2560x128xi32, #tpu.memory_space<hbm>> -> memref<40x128xi32, #tpu.memory_space<hbm>>
        tpu.wait_dma2 semaphore(%run_scoped3A : memref<!tpu.dma_semaphore, #tpu.memory_space<semaphore_mem>>) src(%dma_wait3A_67 : memref<40x128xi32, #tpu.memory_space<hbm>>) dst(%dma_wait3A_65 : memref<40x128xi32, #tpu.memory_space<vmem>>)
        tpu.yield
      }) : () -> ()
      "tpu.region"() ({
        %run_scoped3A = tpu.sem_alloc : memref<!tpu.dma_semaphore, #tpu.memory_space<semaphore_mem>>
        %dma_start3A_49 = arith.constant 0 : i32
        %dma_start3A_50 = arith.constant 0 : i32
        %dma_start3A_51 = tpu.memref_slice %arg8[%dma_start3A_49, %dma_start3A_50] : memref<40x128xi32, #tpu.memory_space<vmem>> -> memref<40x128xi32, #tpu.memory_space<vmem>>
        %dma_start3A_52 = arith.constant 0 : i32
        %dma_start3A_53 = tpu.memref_slice %arg4[%multiple_of3A_35, %dma_start3A_52] : memref<2560x128xi32, #tpu.memory_space<hbm>> -> memref<40x128xi32, #tpu.memory_space<hbm>>
        %dma_start3A_54 = arith.constant 0 : i32
        %dma_start3A_55 = arith.constant 0 : i32
        %dma_start3A_56 = tpu.memref_slice %arg8[%dma_start3A_54, %dma_start3A_55] : memref<40x128xi32, #tpu.memory_space<vmem>> -> memref<40x128xi32, #tpu.memory_space<vmem>>
        %dma_start3A_57 = arith.constant 0 : i32
        %dma_start3A_58 = tpu.memref_slice %arg4[%multiple_of3A_35, %dma_start3A_57] : memref<2560x128xi32, #tpu.memory_space<hbm>> -> memref<40x128xi32, #tpu.memory_space<hbm>>
        tpu.enqueue_dma source(%dma_start3A_58 : memref<40x128xi32, #tpu.memory_space<hbm>>) target(%dma_start3A_56 : memref<40x128xi32, #tpu.memory_space<vmem>>) target_semaphore(%run_scoped3A : memref<!tpu.dma_semaphore, #tpu.memory_space<semaphore_mem>>)
        %dma_wait3A = arith.constant 0 : i32
        %dma_wait3A_59 = arith.constant 0 : i32
        %dma_wait3A_60 = tpu.memref_slice %arg8[%dma_wait3A, %dma_wait3A_59] : memref<40x128xi32, #tpu.memory_space<vmem>> -> memref<40x128xi32, #tpu.memory_space<vmem>>
        %dma_wait3A_61 = arith.constant 0 : i32
        %dma_wait3A_62 = tpu.memref_slice %arg4[%multiple_of3A_35, %dma_wait3A_61] : memref<2560x128xi32, #tpu.memory_space<hbm>> -> memref<40x128xi32, #tpu.memory_space<hbm>>
        %dma_wait3A_63 = arith.constant 0 : i32
        %dma_wait3A_64 = arith.constant 0 : i32
        %dma_wait3A_65 = tpu.memref_slice %arg8[%dma_wait3A_63, %dma_wait3A_64] : memref<40x128xi32, #tpu.memory_space<vmem>> -> memref<40x128xi32, #tpu.memory_space<vmem>>
        %dma_wait3A_66 = arith.constant 0 : i32
        %dma_wait3A_67 = tpu.memref_slice %arg4[%multiple_of3A_35, %dma_wait3A_66] : memref<2560x128xi32, #tpu.memory_space<hbm>> -> memref<40x128xi32, #tpu.memory_space<hbm>>
        tpu.wait_dma2 semaphore(%run_scoped3A : memref<!tpu.dma_semaphore, #tpu.memory_space<semaphore_mem>>) src(%dma_wait3A_67 : memref<40x128xi32, #tpu.memory_space<hbm>>) dst(%dma_wait3A_65 : memref<40x128xi32, #tpu.memory_space<vmem>>)
        tpu.yield
      }) : () -> ()
      %dma_start3A_36 = arith.constant 0 : i32
      %dma_start3A_37 = arith.constant 0 : i32
      %dma_start3A_38 = tpu.memref_slice %arg7[%dma_start3A_36, %dma_start3A_37] : memref<40x128xi32, #tpu.memory_space<vmem>> -> memref<1x128xi32, #tpu.memory_space<vmem>>
      %dma_start3A_39 = tpu.memref_squeeze %dma_start3A_38 : memref<1x128xi32, #tpu.memory_space<vmem>> -> memref<128xi32, #tpu.memory_space<vmem>>
      %dma_start3A_40 = arith.constant 0 : i32
      %dma_start3A_41 = arith.constant 0 : i32
      %dma_start3A_42 = tpu.memref_slice %arg2[%dma_start3A_40, %dma_start3A_41] : memref<10240x128xf32, #tpu.memory_space<hbm>> -> memref<10240x128xf32, #tpu.memory_space<hbm>>
      tpu.enqueue_indirect_dma source(%dma_start3A_42 : memref<10240x128xf32, #tpu.memory_space<hbm>>) target(%arg9 : memref<128x128xf32, #tpu.memory_space<vmem>>) offsets(%dma_start3A_39 : memref<128xi32, #tpu.memory_space<vmem>>) semaphore(%arg12 : memref<!tpu.dma_semaphore, #tpu.memory_space<semaphore_mem>>)
      %scan3A_43 = arith.constant 0 : i32
      %scan3A_44 = arith.constant 0 : i32
      %scan3A_45 = arith.constant 20 : i32
      %scan3A_46 = arith.addi %scan3A_44, %scan3A_45 : i32
      %scan3A_47 = arith.constant 1 : i32
      scf.for %scan3A_49 = %scan3A_44 to %scan3A_46 step %scan3A_47  : i32 {
        %mul3A_50 = arith.constant 2 : i32
        %mul3A_51 = arith.muli %mul3A_50, %scan3A_49 : i32
        %add3A_52 = arith.constant 1 : i32
        %add3A_53 = arith.addi %mul3A_51, %add3A_52 : i32
        %lt3A = arith.constant 40 : i32
        %lt3A_54 = arith.cmpi slt, %add3A_53, %lt3A : i32
        %convert_element_type3A_55 = arith.extui %lt3A_54 : i1 to i32
        %cond3A_56 = arith.constant 0 : i32
        %cond3A_57 = arith.cmpi ne, %convert_element_type3A_55, %cond3A_56 : i32
        scf.if %cond3A_57 {
          %add3A_80 = arith.constant 1 : i32
          %add3A_81 = arith.addi %mul3A_51, %add3A_80 : i32
          %dma_start3A_82 = arith.constant 0 : i32
          %dma_start3A_83 = tpu.memref_slice %arg7[%add3A_81, %dma_start3A_82] : memref<40x128xi32, #tpu.memory_space<vmem>> -> memref<1x128xi32, #tpu.memory_space<vmem>>
          %dma_start3A_84 = tpu.memref_squeeze %dma_start3A_83 : memref<1x128xi32, #tpu.memory_space<vmem>> -> memref<128xi32, #tpu.memory_space<vmem>>
          %dma_start3A_85 = arith.constant 0 : i32
          %dma_start3A_86 = arith.constant 0 : i32
          %dma_start3A_87 = tpu.memref_slice %arg2[%dma_start3A_85, %dma_start3A_86] : memref<10240x128xf32, #tpu.memory_space<hbm>> -> memref<10240x128xf32, #tpu.memory_space<hbm>>
          tpu.enqueue_indirect_dma source(%dma_start3A_87 : memref<10240x128xf32, #tpu.memory_space<hbm>>) target(%arg10 : memref<128x128xf32, #tpu.memory_space<vmem>>) offsets(%dma_start3A_84 : memref<128xi32, #tpu.memory_space<vmem>>) semaphore(%arg13 : memref<!tpu.dma_semaphore, #tpu.memory_space<semaphore_mem>>)
        } else {
        }
        %dma_wait3A = arith.constant 0 : i32
        %dma_wait3A_58 = tpu.memref_slice %arg7[%mul3A_51, %dma_wait3A] : memref<40x128xi32, #tpu.memory_space<vmem>> -> memref<1x128xi32, #tpu.memory_space<vmem>>
        %dma_wait3A_59 = tpu.memref_squeeze %dma_wait3A_58 : memref<1x128xi32, #tpu.memory_space<vmem>> -> memref<128xi32, #tpu.memory_space<vmem>>
        %dma_wait3A_60 = arith.constant 0 : i32
        %dma_wait3A_61 = arith.constant 0 : i32
        %dma_wait3A_62 = tpu.memref_slice %arg2[%dma_wait3A_60, %dma_wait3A_61] : memref<10240x128xf32, #tpu.memory_space<hbm>> -> memref<10240x128xf32, #tpu.memory_space<hbm>>
        tpu.wait_indirect_dma semaphore(%arg12 : memref<!tpu.dma_semaphore, #tpu.memory_space<semaphore_mem>>) src(%dma_wait3A_62 : memref<10240x128xf32, #tpu.memory_space<hbm>>) dst(%arg9 : memref<128x128xf32, #tpu.memory_space<vmem>>)
        "tpu.region"() ({
          %run_scoped3A = tpu.sem_alloc : memref<!tpu.dma_semaphore, #tpu.memory_space<semaphore_mem>>
          %dma_start3A_80 = arith.constant 0 : i32
          %dma_start3A_81 = tpu.memref_slice %arg8[%mul3A_51, %dma_start3A_80] : memref<40x128xi32, #tpu.memory_space<vmem>> -> memref<1x128xi32, #tpu.memory_space<vmem>>
          %dma_start3A_82 = tpu.memref_squeeze %dma_start3A_81 : memref<1x128xi32, #tpu.memory_space<vmem>> -> memref<128xi32, #tpu.memory_space<vmem>>
          %dma_start3A_83 = arith.constant 0 : i32
          %dma_start3A_84 = arith.constant 0 : i32
          %dma_start3A_85 = tpu.memref_slice %arg11[%dma_start3A_83, %dma_start3A_84] : memref<10240x128xf32, #tpu.memory_space<vmem_shared>> -> memref<10240x128xf32, #tpu.memory_space<vmem_shared>>
          tpu.enqueue_indirect_dma source(%arg9 : memref<128x128xf32, #tpu.memory_space<vmem>>) target(%dma_start3A_85 : memref<10240x128xf32, #tpu.memory_space<vmem_shared>>) offsets(%dma_start3A_82 : memref<128xi32, #tpu.memory_space<vmem>>) semaphore(%run_scoped3A : memref<!tpu.dma_semaphore, #tpu.memory_space<semaphore_mem>>) {add = true}
          %dma_wait3A_86 = arith.constant 0 : i32
          %dma_wait3A_87 = tpu.memref_slice %arg8[%mul3A_51, %dma_wait3A_86] : memref<40x128xi32, #tpu.memory_space<vmem>> -> memref<1x128xi32, #tpu.memory_space<vmem>>
          %dma_wait3A_88 = tpu.memref_squeeze %dma_wait3A_87 : memref<1x128xi32, #tpu.memory_space<vmem>> -> memref<128xi32, #tpu.memory_space<vmem>>
          %dma_wait3A_89 = arith.constant 0 : i32
          %dma_wait3A_90 = arith.constant 0 : i32
          %dma_wait3A_91 = tpu.memref_slice %arg11[%dma_wait3A_89, %dma_wait3A_90] : memref<10240x128xf32, #tpu.memory_space<vmem_shared>> -> memref<10240x128xf32, #tpu.memory_space<vmem_shared>>
          tpu.wait_indirect_dma semaphore(%run_scoped3A : memref<!tpu.dma_semaphore, #tpu.memory_space<semaphore_mem>>) src(%arg9 : memref<128x128xf32, #tpu.memory_space<vmem>>) dst(%dma_wait3A_91 : memref<10240x128xf32, #tpu.memory_space<vmem_shared>>)
          tpu.yield
        }) : () -> ()
        %mul3A_63 = arith.constant 2 : i32
        %mul3A_64 = arith.muli %mul3A_63, %scan3A_49 : i32
        %add3A_65 = arith.constant 1 : i32
        %add3A_66 = arith.addi %mul3A_64, %add3A_65 : i32
        %add3A_67 = arith.constant 1 : i32
        %add3A_68 = arith.addi %add3A_66, %add3A_67 : i32
        %lt3A_69 = arith.constant 40 : i32
        %lt3A_70 = arith.cmpi slt, %add3A_68, %lt3A_69 : i32
        %convert_element_type3A_71 = arith.extui %lt3A_70 : i1 to i32
        %cond3A_72 = arith.constant 0 : i32
        %cond3A_73 = arith.cmpi ne, %convert_element_type3A_71, %cond3A_72 : i32
        scf.if %cond3A_73 {
          %add3A_80 = arith.constant 1 : i32
          %add3A_81 = arith.addi %add3A_66, %add3A_80 : i32
          %dma_start3A_82 = arith.constant 0 : i32
          %dma_start3A_83 = tpu.memref_slice %arg7[%add3A_81, %dma_start3A_82] : memref<40x128xi32, #tpu.memory_space<vmem>> -> memref<1x128xi32, #tpu.memory_space<vmem>>
          %dma_start3A_84 = tpu.memref_squeeze %dma_start3A_83 : memref<1x128xi32, #tpu.memory_space<vmem>> -> memref<128xi32, #tpu.memory_space<vmem>>
          %dma_start3A_85 = arith.constant 0 : i32
          %dma_start3A_86 = arith.constant 0 : i32
          %dma_start3A_87 = tpu.memref_slice %arg2[%dma_start3A_85, %dma_start3A_86] : memref<10240x128xf32, #tpu.memory_space<hbm>> -> memref<10240x128xf32, #tpu.memory_space<hbm>>
          tpu.enqueue_indirect_dma source(%dma_start3A_87 : memref<10240x128xf32, #tpu.memory_space<hbm>>) target(%arg9 : memref<128x128xf32, #tpu.memory_space<vmem>>) offsets(%dma_start3A_84 : memref<128xi32, #tpu.memory_space<vmem>>) semaphore(%arg12 : memref<!tpu.dma_semaphore, #tpu.memory_space<semaphore_mem>>)
        } else {
        }
        %dma_wait3A_74 = arith.constant 0 : i32
        %dma_wait3A_75 = tpu.memref_slice %arg7[%add3A_66, %dma_wait3A_74] : memref<40x128xi32, #tpu.memory_space<vmem>> -> memref<1x128xi32, #tpu.memory_space<vmem>>
        %dma_wait3A_76 = tpu.memref_squeeze %dma_wait3A_75 : memref<1x128xi32, #tpu.memory_space<vmem>> -> memref<128xi32, #tpu.memory_space<vmem>>
        %dma_wait3A_77 = arith.constant 0 : i32
        %dma_wait3A_78 = arith.constant 0 : i32
        %dma_wait3A_79 = tpu.memref_slice %arg2[%dma_wait3A_77, %dma_wait3A_78] : memref<10240x128xf32, #tpu.memory_space<hbm>> -> memref<10240x128xf32, #tpu.memory_space<hbm>>
        tpu.wait_indirect_dma semaphore(%arg13 : memref<!tpu.dma_semaphore, #tpu.memory_space<semaphore_mem>>) src(%dma_wait3A_79 : memref<10240x128xf32, #tpu.memory_space<hbm>>) dst(%arg10 : memref<128x128xf32, #tpu.memory_space<vmem>>)
        "tpu.region"() ({
          %run_scoped3A = tpu.sem_alloc : memref<!tpu.dma_semaphore, #tpu.memory_space<semaphore_mem>>
          %dma_start3A_80 = arith.constant 0 : i32
          %dma_start3A_81 = tpu.memref_slice %arg8[%add3A_66, %dma_start3A_80] : memref<40x128xi32, #tpu.memory_space<vmem>> -> memref<1x128xi32, #tpu.memory_space<vmem>>
          %dma_start3A_82 = tpu.memref_squeeze %dma_start3A_81 : memref<1x128xi32, #tpu.memory_space<vmem>> -> memref<128xi32, #tpu.memory_space<vmem>>
          %dma_start3A_83 = arith.constant 0 : i32
          %dma_start3A_84 = arith.constant 0 : i32
          %dma_start3A_85 = tpu.memref_slice %arg11[%dma_start3A_83, %dma_start3A_84] : memref<10240x128xf32, #tpu.memory_space<vmem_shared>> -> memref<10240x128xf32, #tpu.memory_space<vmem_shared>>
          tpu.enqueue_indirect_dma source(%arg10 : memref<128x128xf32, #tpu.memory_space<vmem>>) target(%dma_start3A_85 : memref<10240x128xf32, #tpu.memory_space<vmem_shared>>) offsets(%dma_start3A_82 : memref<128xi32, #tpu.memory_space<vmem>>) semaphore(%run_scoped3A : memref<!tpu.dma_semaphore, #tpu.memory_space<semaphore_mem>>) {add = true}
          %dma_wait3A_86 = arith.constant 0 : i32
          %dma_wait3A_87 = tpu.memref_slice %arg8[%add3A_66, %dma_wait3A_86] : memref<40x128xi32, #tpu.memory_space<vmem>> -> memref<1x128xi32, #tpu.memory_space<vmem>>
          %dma_wait3A_88 = tpu.memref_squeeze %dma_wait3A_87 : memref<1x128xi32, #tpu.memory_space<vmem>> -> memref<128xi32, #tpu.memory_space<vmem>>
          %dma_wait3A_89 = arith.constant 0 : i32
          %dma_wait3A_90 = arith.constant 0 : i32
          %dma_wait3A_91 = tpu.memref_slice %arg11[%dma_wait3A_89, %dma_wait3A_90] : memref<10240x128xf32, #tpu.memory_space<vmem_shared>> -> memref<10240x128xf32, #tpu.memory_space<vmem_shared>>
          tpu.wait_indirect_dma semaphore(%run_scoped3A : memref<!tpu.dma_semaphore, #tpu.memory_space<semaphore_mem>>) src(%arg10 : memref<128x128xf32, #tpu.memory_space<vmem>>) dst(%dma_wait3A_91 : memref<10240x128xf32, #tpu.memory_space<vmem_shared>>)
          tpu.yield
        }) : () -> ()
      }
      %scan3A_48 = arith.constant 20 : i32
    } else {
    }
    %eq3A_13 = arith.constant 1 : i32
    %eq3A_14 = arith.cmpi eq, %arg0, %eq3A_13 : i32
    %convert_element_type3A_15 = arith.extui %eq3A_14 : i1 to i32
    %cond3A_16 = arith.constant 0 : i32
    %cond3A_17 = arith.cmpi ne, %convert_element_type3A_15, %cond3A_16 : i32
    scf.if %cond3A_17 {
      %mul3A_19 = arith.constant 80 : i32
      %mul3A_20 = arith.muli %arg1, %mul3A_19 : i32
      %add3A = arith.constant 1280 : i32
      %add3A_21 = arith.addi %add3A, %mul3A_20 : i32
      %add3A_22 = arith.constant 0 : i32
      %add3A_23 = arith.addi %add3A_21, %add3A_22 : i32
      %multiple_of3A = tpu.assume_multiple %add3A_23, 8 : i32
      "tpu.region"() ({
        %run_scoped3A = tpu.sem_alloc : memref<!tpu.dma_semaphore, #tpu.memory_space<semaphore_mem>>
        %dma_start3A_51 = arith.constant 0 : i32
        %dma_start3A_52 = arith.constant 0 : i32
        %dma_start3A_53 = tpu.memref_slice %arg7[%dma_start3A_51, %dma_start3A_52] : memref<40x128xi32, #tpu.memory_space<vmem>> -> memref<40x128xi32, #tpu.memory_space<vmem>>
        %dma_start3A_54 = arith.constant 0 : i32
        %dma_start3A_55 = tpu.memref_slice %arg3[%multiple_of3A, %dma_start3A_54] : memref<2560x128xi32, #tpu.memory_space<hbm>> -> memref<40x128xi32, #tpu.memory_space<hbm>>
        %dma_start3A_56 = arith.constant 0 : i32
        %dma_start3A_57 = arith.constant 0 : i32
        %dma_start3A_58 = tpu.memref_slice %arg7[%dma_start3A_56, %dma_start3A_57] : memref<40x128xi32, #tpu.memory_space<vmem>> -> memref<40x128xi32, #tpu.memory_space<vmem>>
        %dma_start3A_59 = arith.constant 0 : i32
        %dma_start3A_60 = tpu.memref_slice %arg3[%multiple_of3A, %dma_start3A_59] : memref<2560x128xi32, #tpu.memory_space<hbm>> -> memref<40x128xi32, #tpu.memory_space<hbm>>
        tpu.enqueue_dma source(%dma_start3A_60 : memref<40x128xi32, #tpu.memory_space<hbm>>) target(%dma_start3A_58 : memref<40x128xi32, #tpu.memory_space<vmem>>) target_semaphore(%run_scoped3A : memref<!tpu.dma_semaphore, #tpu.memory_space<semaphore_mem>>)
        %dma_wait3A = arith.constant 0 : i32
        %dma_wait3A_61 = arith.constant 0 : i32
        %dma_wait3A_62 = tpu.memref_slice %arg7[%dma_wait3A, %dma_wait3A_61] : memref<40x128xi32, #tpu.memory_space<vmem>> -> memref<40x128xi32, #tpu.memory_space<vmem>>
        %dma_wait3A_63 = arith.constant 0 : i32
        %dma_wait3A_64 = tpu.memref_slice %arg3[%multiple_of3A, %dma_wait3A_63] : memref<2560x128xi32, #tpu.memory_space<hbm>> -> memref<40x128xi32, #tpu.memory_space<hbm>>
        %dma_wait3A_65 = arith.constant 0 : i32
        %dma_wait3A_66 = arith.constant 0 : i32
        %dma_wait3A_67 = tpu.memref_slice %arg7[%dma_wait3A_65, %dma_wait3A_66] : memref<40x128xi32, #tpu.memory_space<vmem>> -> memref<40x128xi32, #tpu.memory_space<vmem>>
        %dma_wait3A_68 = arith.constant 0 : i32
        %dma_wait3A_69 = tpu.memref_slice %arg3[%multiple_of3A, %dma_wait3A_68] : memref<2560x128xi32, #tpu.memory_space<hbm>> -> memref<40x128xi32, #tpu.memory_space<hbm>>
        tpu.wait_dma2 semaphore(%run_scoped3A : memref<!tpu.dma_semaphore, #tpu.memory_space<semaphore_mem>>) src(%dma_wait3A_69 : memref<40x128xi32, #tpu.memory_space<hbm>>) dst(%dma_wait3A_67 : memref<40x128xi32, #tpu.memory_space<vmem>>)
        tpu.yield
      }) : () -> ()
      "tpu.region"() ({
        %run_scoped3A = tpu.sem_alloc : memref<!tpu.dma_semaphore, #tpu.memory_space<semaphore_mem>>
        %dma_start3A_51 = arith.constant 0 : i32
        %dma_start3A_52 = arith.constant 0 : i32
        %dma_start3A_53 = tpu.memref_slice %arg8[%dma_start3A_51, %dma_start3A_52] : memref<40x128xi32, #tpu.memory_space<vmem>> -> memref<40x128xi32, #tpu.memory_space<vmem>>
        %dma_start3A_54 = arith.constant 0 : i32
        %dma_start3A_55 = tpu.memref_slice %arg4[%multiple_of3A, %dma_start3A_54] : memref<2560x128xi32, #tpu.memory_space<hbm>> -> memref<40x128xi32, #tpu.memory_space<hbm>>
        %dma_start3A_56 = arith.constant 0 : i32
        %dma_start3A_57 = arith.constant 0 : i32
        %dma_start3A_58 = tpu.memref_slice %arg8[%dma_start3A_56, %dma_start3A_57] : memref<40x128xi32, #tpu.memory_space<vmem>> -> memref<40x128xi32, #tpu.memory_space<vmem>>
        %dma_start3A_59 = arith.constant 0 : i32
        %dma_start3A_60 = tpu.memref_slice %arg4[%multiple_of3A, %dma_start3A_59] : memref<2560x128xi32, #tpu.memory_space<hbm>> -> memref<40x128xi32, #tpu.memory_space<hbm>>
        tpu.enqueue_dma source(%dma_start3A_60 : memref<40x128xi32, #tpu.memory_space<hbm>>) target(%dma_start3A_58 : memref<40x128xi32, #tpu.memory_space<vmem>>) target_semaphore(%run_scoped3A : memref<!tpu.dma_semaphore, #tpu.memory_space<semaphore_mem>>)
        %dma_wait3A = arith.constant 0 : i32
        %dma_wait3A_61 = arith.constant 0 : i32
        %dma_wait3A_62 = tpu.memref_slice %arg8[%dma_wait3A, %dma_wait3A_61] : memref<40x128xi32, #tpu.memory_space<vmem>> -> memref<40x128xi32, #tpu.memory_space<vmem>>
        %dma_wait3A_63 = arith.constant 0 : i32
        %dma_wait3A_64 = tpu.memref_slice %arg4[%multiple_of3A, %dma_wait3A_63] : memref<2560x128xi32, #tpu.memory_space<hbm>> -> memref<40x128xi32, #tpu.memory_space<hbm>>
        %dma_wait3A_65 = arith.constant 0 : i32
        %dma_wait3A_66 = arith.constant 0 : i32
        %dma_wait3A_67 = tpu.memref_slice %arg8[%dma_wait3A_65, %dma_wait3A_66] : memref<40x128xi32, #tpu.memory_space<vmem>> -> memref<40x128xi32, #tpu.memory_space<vmem>>
        %dma_wait3A_68 = arith.constant 0 : i32
        %dma_wait3A_69 = tpu.memref_slice %arg4[%multiple_of3A, %dma_wait3A_68] : memref<2560x128xi32, #tpu.memory_space<hbm>> -> memref<40x128xi32, #tpu.memory_space<hbm>>
        tpu.wait_dma2 semaphore(%run_scoped3A : memref<!tpu.dma_semaphore, #tpu.memory_space<semaphore_mem>>) src(%dma_wait3A_69 : memref<40x128xi32, #tpu.memory_space<hbm>>) dst(%dma_wait3A_67 : memref<40x128xi32, #tpu.memory_space<vmem>>)
        tpu.yield
      }) : () -> ()
      %dma_start3A = arith.constant 0 : i32
      %dma_start3A_24 = arith.constant 0 : i32
      %dma_start3A_25 = tpu.memref_slice %arg7[%dma_start3A, %dma_start3A_24] : memref<40x128xi32, #tpu.memory_space<vmem>> -> memref<1x128xi32, #tpu.memory_space<vmem>>
      %dma_start3A_26 = tpu.memref_squeeze %dma_start3A_25 : memref<1x128xi32, #tpu.memory_space<vmem>> -> memref<128xi32, #tpu.memory_space<vmem>>
      %dma_start3A_27 = arith.constant 0 : i32
      %dma_start3A_28 = arith.constant 0 : i32
      %dma_start3A_29 = tpu.memref_slice %arg2[%dma_start3A_27, %dma_start3A_28] : memref<10240x128xf32, #tpu.memory_space<hbm>> -> memref<10240x128xf32, #tpu.memory_space<hbm>>
      tpu.enqueue_indirect_dma source(%dma_start3A_29 : memref<10240x128xf32, #tpu.memory_space<hbm>>) target(%arg9 : memref<128x128xf32, #tpu.memory_space<vmem>>) offsets(%dma_start3A_26 : memref<128xi32, #tpu.memory_space<vmem>>) semaphore(%arg12 : memref<!tpu.dma_semaphore, #tpu.memory_space<semaphore_mem>>)
      %scan3A = arith.constant 0 : i32
      %scan3A_30 = arith.constant 0 : i32
      %scan3A_31 = arith.constant 20 : i32
      %scan3A_32 = arith.addi %scan3A_30, %scan3A_31 : i32
      %scan3A_33 = arith.constant 1 : i32
      scf.for %scan3A_51 = %scan3A_30 to %scan3A_32 step %scan3A_33  : i32 {
        %mul3A_52 = arith.constant 2 : i32
        %mul3A_53 = arith.muli %mul3A_52, %scan3A_51 : i32
        %add3A_54 = arith.constant 1 : i32
        %add3A_55 = arith.addi %mul3A_53, %add3A_54 : i32
        %lt3A = arith.constant 40 : i32
        %lt3A_56 = arith.cmpi slt, %add3A_55, %lt3A : i32
        %convert_element_type3A_57 = arith.extui %lt3A_56 : i1 to i32
        %cond3A_58 = arith.constant 0 : i32
        %cond3A_59 = arith.cmpi ne, %convert_element_type3A_57, %cond3A_58 : i32
        scf.if %cond3A_59 {
          %add3A_82 = arith.constant 1 : i32
          %add3A_83 = arith.addi %mul3A_53, %add3A_82 : i32
          %dma_start3A_84 = arith.constant 0 : i32
          %dma_start3A_85 = tpu.memref_slice %arg7[%add3A_83, %dma_start3A_84] : memref<40x128xi32, #tpu.memory_space<vmem>> -> memref<1x128xi32, #tpu.memory_space<vmem>>
          %dma_start3A_86 = tpu.memref_squeeze %dma_start3A_85 : memref<1x128xi32, #tpu.memory_space<vmem>> -> memref<128xi32, #tpu.memory_space<vmem>>
          %dma_start3A_87 = arith.constant 0 : i32
          %dma_start3A_88 = arith.constant 0 : i32
          %dma_start3A_89 = tpu.memref_slice %arg2[%dma_start3A_87, %dma_start3A_88] : memref<10240x128xf32, #tpu.memory_space<hbm>> -> memref<10240x128xf32, #tpu.memory_space<hbm>>
          tpu.enqueue_indirect_dma source(%dma_start3A_89 : memref<10240x128xf32, #tpu.memory_space<hbm>>) target(%arg10 : memref<128x128xf32, #tpu.memory_space<vmem>>) offsets(%dma_start3A_86 : memref<128xi32, #tpu.memory_space<vmem>>) semaphore(%arg13 : memref<!tpu.dma_semaphore, #tpu.memory_space<semaphore_mem>>)
        } else {
        }
        %dma_wait3A = arith.constant 0 : i32
        %dma_wait3A_60 = tpu.memref_slice %arg7[%mul3A_53, %dma_wait3A] : memref<40x128xi32, #tpu.memory_space<vmem>> -> memref<1x128xi32, #tpu.memory_space<vmem>>
        %dma_wait3A_61 = tpu.memref_squeeze %dma_wait3A_60 : memref<1x128xi32, #tpu.memory_space<vmem>> -> memref<128xi32, #tpu.memory_space<vmem>>
        %dma_wait3A_62 = arith.constant 0 : i32
        %dma_wait3A_63 = arith.constant 0 : i32
        %dma_wait3A_64 = tpu.memref_slice %arg2[%dma_wait3A_62, %dma_wait3A_63] : memref<10240x128xf32, #tpu.memory_space<hbm>> -> memref<10240x128xf32, #tpu.memory_space<hbm>>
        tpu.wait_indirect_dma semaphore(%arg12 : memref<!tpu.dma_semaphore, #tpu.memory_space<semaphore_mem>>) src(%dma_wait3A_64 : memref<10240x128xf32, #tpu.memory_space<hbm>>) dst(%arg9 : memref<128x128xf32, #tpu.memory_space<vmem>>)
        "tpu.region"() ({
          %run_scoped3A = tpu.sem_alloc : memref<!tpu.dma_semaphore, #tpu.memory_space<semaphore_mem>>
          %dma_start3A_82 = arith.constant 0 : i32
          %dma_start3A_83 = tpu.memref_slice %arg8[%mul3A_53, %dma_start3A_82] : memref<40x128xi32, #tpu.memory_space<vmem>> -> memref<1x128xi32, #tpu.memory_space<vmem>>
          %dma_start3A_84 = tpu.memref_squeeze %dma_start3A_83 : memref<1x128xi32, #tpu.memory_space<vmem>> -> memref<128xi32, #tpu.memory_space<vmem>>
          %dma_start3A_85 = arith.constant 0 : i32
          %dma_start3A_86 = arith.constant 0 : i32
          %dma_start3A_87 = tpu.memref_slice %arg11[%dma_start3A_85, %dma_start3A_86] : memref<10240x128xf32, #tpu.memory_space<vmem_shared>> -> memref<10240x128xf32, #tpu.memory_space<vmem_shared>>
          tpu.enqueue_indirect_dma source(%arg9 : memref<128x128xf32, #tpu.memory_space<vmem>>) target(%dma_start3A_87 : memref<10240x128xf32, #tpu.memory_space<vmem_shared>>) offsets(%dma_start3A_84 : memref<128xi32, #tpu.memory_space<vmem>>) semaphore(%run_scoped3A : memref<!tpu.dma_semaphore, #tpu.memory_space<semaphore_mem>>) {add = true}
          %dma_wait3A_88 = arith.constant 0 : i32
          %dma_wait3A_89 = tpu.memref_slice %arg8[%mul3A_53, %dma_wait3A_88] : memref<40x128xi32, #tpu.memory_space<vmem>> -> memref<1x128xi32, #tpu.memory_space<vmem>>
          %dma_wait3A_90 = tpu.memref_squeeze %dma_wait3A_89 : memref<1x128xi32, #tpu.memory_space<vmem>> -> memref<128xi32, #tpu.memory_space<vmem>>
          %dma_wait3A_91 = arith.constant 0 : i32
          %dma_wait3A_92 = arith.constant 0 : i32
          %dma_wait3A_93 = tpu.memref_slice %arg11[%dma_wait3A_91, %dma_wait3A_92] : memref<10240x128xf32, #tpu.memory_space<vmem_shared>> -> memref<10240x128xf32, #tpu.memory_space<vmem_shared>>
          tpu.wait_indirect_dma semaphore(%run_scoped3A : memref<!tpu.dma_semaphore, #tpu.memory_space<semaphore_mem>>) src(%arg9 : memref<128x128xf32, #tpu.memory_space<vmem>>) dst(%dma_wait3A_93 : memref<10240x128xf32, #tpu.memory_space<vmem_shared>>)
          tpu.yield
        }) : () -> ()
        %mul3A_65 = arith.constant 2 : i32
        %mul3A_66 = arith.muli %mul3A_65, %scan3A_51 : i32
        %add3A_67 = arith.constant 1 : i32
        %add3A_68 = arith.addi %mul3A_66, %add3A_67 : i32
        %add3A_69 = arith.constant 1 : i32
        %add3A_70 = arith.addi %add3A_68, %add3A_69 : i32
        %lt3A_71 = arith.constant 40 : i32
        %lt3A_72 = arith.cmpi slt, %add3A_70, %lt3A_71 : i32
        %convert_element_type3A_73 = arith.extui %lt3A_72 : i1 to i32
        %cond3A_74 = arith.constant 0 : i32
        %cond3A_75 = arith.cmpi ne, %convert_element_type3A_73, %cond3A_74 : i32
        scf.if %cond3A_75 {
          %add3A_82 = arith.constant 1 : i32
          %add3A_83 = arith.addi %add3A_68, %add3A_82 : i32
          %dma_start3A_84 = arith.constant 0 : i32
          %dma_start3A_85 = tpu.memref_slice %arg7[%add3A_83, %dma_start3A_84] : memref<40x128xi32, #tpu.memory_space<vmem>> -> memref<1x128xi32, #tpu.memory_space<vmem>>
          %dma_start3A_86 = tpu.memref_squeeze %dma_start3A_85 : memref<1x128xi32, #tpu.memory_space<vmem>> -> memref<128xi32, #tpu.memory_space<vmem>>
          %dma_start3A_87 = arith.constant 0 : i32
          %dma_start3A_88 = arith.constant 0 : i32
          %dma_start3A_89 = tpu.memref_slice %arg2[%dma_start3A_87, %dma_start3A_88] : memref<10240x128xf32, #tpu.memory_space<hbm>> -> memref<10240x128xf32, #tpu.memory_space<hbm>>
          tpu.enqueue_indirect_dma source(%dma_start3A_89 : memref<10240x128xf32, #tpu.memory_space<hbm>>) target(%arg9 : memref<128x128xf32, #tpu.memory_space<vmem>>) offsets(%dma_start3A_86 : memref<128xi32, #tpu.memory_space<vmem>>) semaphore(%arg12 : memref<!tpu.dma_semaphore, #tpu.memory_space<semaphore_mem>>)
        } else {
        }
        %dma_wait3A_76 = arith.constant 0 : i32
        %dma_wait3A_77 = tpu.memref_slice %arg7[%add3A_68, %dma_wait3A_76] : memref<40x128xi32, #tpu.memory_space<vmem>> -> memref<1x128xi32, #tpu.memory_space<vmem>>
        %dma_wait3A_78 = tpu.memref_squeeze %dma_wait3A_77 : memref<1x128xi32, #tpu.memory_space<vmem>> -> memref<128xi32, #tpu.memory_space<vmem>>
        %dma_wait3A_79 = arith.constant 0 : i32
        %dma_wait3A_80 = arith.constant 0 : i32
        %dma_wait3A_81 = tpu.memref_slice %arg2[%dma_wait3A_79, %dma_wait3A_80] : memref<10240x128xf32, #tpu.memory_space<hbm>> -> memref<10240x128xf32, #tpu.memory_space<hbm>>
        tpu.wait_indirect_dma semaphore(%arg13 : memref<!tpu.dma_semaphore, #tpu.memory_space<semaphore_mem>>) src(%dma_wait3A_81 : memref<10240x128xf32, #tpu.memory_space<hbm>>) dst(%arg10 : memref<128x128xf32, #tpu.memory_space<vmem>>)
        "tpu.region"() ({
          %run_scoped3A = tpu.sem_alloc : memref<!tpu.dma_semaphore, #tpu.memory_space<semaphore_mem>>
          %dma_start3A_82 = arith.constant 0 : i32
          %dma_start3A_83 = tpu.memref_slice %arg8[%add3A_68, %dma_start3A_82] : memref<40x128xi32, #tpu.memory_space<vmem>> -> memref<1x128xi32, #tpu.memory_space<vmem>>
          %dma_start3A_84 = tpu.memref_squeeze %dma_start3A_83 : memref<1x128xi32, #tpu.memory_space<vmem>> -> memref<128xi32, #tpu.memory_space<vmem>>
          %dma_start3A_85 = arith.constant 0 : i32
          %dma_start3A_86 = arith.constant 0 : i32
          %dma_start3A_87 = tpu.memref_slice %arg11[%dma_start3A_85, %dma_start3A_86] : memref<10240x128xf32, #tpu.memory_space<vmem_shared>> -> memref<10240x128xf32, #tpu.memory_space<vmem_shared>>
          tpu.enqueue_indirect_dma source(%arg10 : memref<128x128xf32, #tpu.memory_space<vmem>>) target(%dma_start3A_87 : memref<10240x128xf32, #tpu.memory_space<vmem_shared>>) offsets(%dma_start3A_84 : memref<128xi32, #tpu.memory_space<vmem>>) semaphore(%run_scoped3A : memref<!tpu.dma_semaphore, #tpu.memory_space<semaphore_mem>>) {add = true}
          %dma_wait3A_88 = arith.constant 0 : i32
          %dma_wait3A_89 = tpu.memref_slice %arg8[%add3A_68, %dma_wait3A_88] : memref<40x128xi32, #tpu.memory_space<vmem>> -> memref<1x128xi32, #tpu.memory_space<vmem>>
          %dma_wait3A_90 = tpu.memref_squeeze %dma_wait3A_89 : memref<1x128xi32, #tpu.memory_space<vmem>> -> memref<128xi32, #tpu.memory_space<vmem>>
          %dma_wait3A_91 = arith.constant 0 : i32
          %dma_wait3A_92 = arith.constant 0 : i32
          %dma_wait3A_93 = tpu.memref_slice %arg11[%dma_wait3A_91, %dma_wait3A_92] : memref<10240x128xf32, #tpu.memory_space<vmem_shared>> -> memref<10240x128xf32, #tpu.memory_space<vmem_shared>>
          tpu.wait_indirect_dma semaphore(%run_scoped3A : memref<!tpu.dma_semaphore, #tpu.memory_space<semaphore_mem>>) src(%arg10 : memref<128x128xf32, #tpu.memory_space<vmem>>) dst(%dma_wait3A_93 : memref<10240x128xf32, #tpu.memory_space<vmem_shared>>)
          tpu.yield
        }) : () -> ()
      }
      %scan3A_34 = arith.constant 20 : i32
      %add3A_35 = arith.constant 40 : i32
      %add3A_36 = arith.addi %add3A_21, %add3A_35 : i32
      %multiple_of3A_37 = tpu.assume_multiple %add3A_36, 8 : i32
      "tpu.region"() ({
        %run_scoped3A = tpu.sem_alloc : memref<!tpu.dma_semaphore, #tpu.memory_space<semaphore_mem>>
        %dma_start3A_51 = arith.constant 0 : i32
        %dma_start3A_52 = arith.constant 0 : i32
        %dma_start3A_53 = tpu.memref_slice %arg7[%dma_start3A_51, %dma_start3A_52] : memref<40x128xi32, #tpu.memory_space<vmem>> -> memref<40x128xi32, #tpu.memory_space<vmem>>
        %dma_start3A_54 = arith.constant 0 : i32
        %dma_start3A_55 = tpu.memref_slice %arg3[%multiple_of3A_37, %dma_start3A_54] : memref<2560x128xi32, #tpu.memory_space<hbm>> -> memref<40x128xi32, #tpu.memory_space<hbm>>
        %dma_start3A_56 = arith.constant 0 : i32
        %dma_start3A_57 = arith.constant 0 : i32
        %dma_start3A_58 = tpu.memref_slice %arg7[%dma_start3A_56, %dma_start3A_57] : memref<40x128xi32, #tpu.memory_space<vmem>> -> memref<40x128xi32, #tpu.memory_space<vmem>>
        %dma_start3A_59 = arith.constant 0 : i32
        %dma_start3A_60 = tpu.memref_slice %arg3[%multiple_of3A_37, %dma_start3A_59] : memref<2560x128xi32, #tpu.memory_space<hbm>> -> memref<40x128xi32, #tpu.memory_space<hbm>>
        tpu.enqueue_dma source(%dma_start3A_60 : memref<40x128xi32, #tpu.memory_space<hbm>>) target(%dma_start3A_58 : memref<40x128xi32, #tpu.memory_space<vmem>>) target_semaphore(%run_scoped3A : memref<!tpu.dma_semaphore, #tpu.memory_space<semaphore_mem>>)
        %dma_wait3A = arith.constant 0 : i32
        %dma_wait3A_61 = arith.constant 0 : i32
        %dma_wait3A_62 = tpu.memref_slice %arg7[%dma_wait3A, %dma_wait3A_61] : memref<40x128xi32, #tpu.memory_space<vmem>> -> memref<40x128xi32, #tpu.memory_space<vmem>>
        %dma_wait3A_63 = arith.constant 0 : i32
        %dma_wait3A_64 = tpu.memref_slice %arg3[%multiple_of3A_37, %dma_wait3A_63] : memref<2560x128xi32, #tpu.memory_space<hbm>> -> memref<40x128xi32, #tpu.memory_space<hbm>>
        %dma_wait3A_65 = arith.constant 0 : i32
        %dma_wait3A_66 = arith.constant 0 : i32
        %dma_wait3A_67 = tpu.memref_slice %arg7[%dma_wait3A_65, %dma_wait3A_66] : memref<40x128xi32, #tpu.memory_space<vmem>> -> memref<40x128xi32, #tpu.memory_space<vmem>>
        %dma_wait3A_68 = arith.constant 0 : i32
        %dma_wait3A_69 = tpu.memref_slice %arg3[%multiple_of3A_37, %dma_wait3A_68] : memref<2560x128xi32, #tpu.memory_space<hbm>> -> memref<40x128xi32, #tpu.memory_space<hbm>>
        tpu.wait_dma2 semaphore(%run_scoped3A : memref<!tpu.dma_semaphore, #tpu.memory_space<semaphore_mem>>) src(%dma_wait3A_69 : memref<40x128xi32, #tpu.memory_space<hbm>>) dst(%dma_wait3A_67 : memref<40x128xi32, #tpu.memory_space<vmem>>)
        tpu.yield
      }) : () -> ()
      "tpu.region"() ({
        %run_scoped3A = tpu.sem_alloc : memref<!tpu.dma_semaphore, #tpu.memory_space<semaphore_mem>>
        %dma_start3A_51 = arith.constant 0 : i32
        %dma_start3A_52 = arith.constant 0 : i32
        %dma_start3A_53 = tpu.memref_slice %arg8[%dma_start3A_51, %dma_start3A_52] : memref<40x128xi32, #tpu.memory_space<vmem>> -> memref<40x128xi32, #tpu.memory_space<vmem>>
        %dma_start3A_54 = arith.constant 0 : i32
        %dma_start3A_55 = tpu.memref_slice %arg4[%multiple_of3A_37, %dma_start3A_54] : memref<2560x128xi32, #tpu.memory_space<hbm>> -> memref<40x128xi32, #tpu.memory_space<hbm>>
        %dma_start3A_56 = arith.constant 0 : i32
        %dma_start3A_57 = arith.constant 0 : i32
        %dma_start3A_58 = tpu.memref_slice %arg8[%dma_start3A_56, %dma_start3A_57] : memref<40x128xi32, #tpu.memory_space<vmem>> -> memref<40x128xi32, #tpu.memory_space<vmem>>
        %dma_start3A_59 = arith.constant 0 : i32
        %dma_start3A_60 = tpu.memref_slice %arg4[%multiple_of3A_37, %dma_start3A_59] : memref<2560x128xi32, #tpu.memory_space<hbm>> -> memref<40x128xi32, #tpu.memory_space<hbm>>
        tpu.enqueue_dma source(%dma_start3A_60 : memref<40x128xi32, #tpu.memory_space<hbm>>) target(%dma_start3A_58 : memref<40x128xi32, #tpu.memory_space<vmem>>) target_semaphore(%run_scoped3A : memref<!tpu.dma_semaphore, #tpu.memory_space<semaphore_mem>>)
        %dma_wait3A = arith.constant 0 : i32
        %dma_wait3A_61 = arith.constant 0 : i32
        %dma_wait3A_62 = tpu.memref_slice %arg8[%dma_wait3A, %dma_wait3A_61] : memref<40x128xi32, #tpu.memory_space<vmem>> -> memref<40x128xi32, #tpu.memory_space<vmem>>
        %dma_wait3A_63 = arith.constant 0 : i32
        %dma_wait3A_64 = tpu.memref_slice %arg4[%multiple_of3A_37, %dma_wait3A_63] : memref<2560x128xi32, #tpu.memory_space<hbm>> -> memref<40x128xi32, #tpu.memory_space<hbm>>
        %dma_wait3A_65 = arith.constant 0 : i32
        %dma_wait3A_66 = arith.constant 0 : i32
        %dma_wait3A_67 = tpu.memref_slice %arg8[%dma_wait3A_65, %dma_wait3A_66] : memref<40x128xi32, #tpu.memory_space<vmem>> -> memref<40x128xi32, #tpu.memory_space<vmem>>
        %dma_wait3A_68 = arith.constant 0 : i32
        %dma_wait3A_69 = tpu.memref_slice %arg4[%multiple_of3A_37, %dma_wait3A_68] : memref<2560x128xi32, #tpu.memory_space<hbm>> -> memref<40x128xi32, #tpu.memory_space<hbm>>
        tpu.wait_dma2 semaphore(%run_scoped3A : memref<!tpu.dma_semaphore, #tpu.memory_space<semaphore_mem>>) src(%dma_wait3A_69 : memref<40x128xi32, #tpu.memory_space<hbm>>) dst(%dma_wait3A_67 : memref<40x128xi32, #tpu.memory_space<vmem>>)
        tpu.yield
      }) : () -> ()
      %dma_start3A_38 = arith.constant 0 : i32
      %dma_start3A_39 = arith.constant 0 : i32
      %dma_start3A_40 = tpu.memref_slice %arg7[%dma_start3A_38, %dma_start3A_39] : memref<40x128xi32, #tpu.memory_space<vmem>> -> memref<1x128xi32, #tpu.memory_space<vmem>>
      %dma_start3A_41 = tpu.memref_squeeze %dma_start3A_40 : memref<1x128xi32, #tpu.memory_space<vmem>> -> memref<128xi32, #tpu.memory_space<vmem>>
      %dma_start3A_42 = arith.constant 0 : i32
      %dma_start3A_43 = arith.constant 0 : i32
      %dma_start3A_44 = tpu.memref_slice %arg2[%dma_start3A_42, %dma_start3A_43] : memref<10240x128xf32, #tpu.memory_space<hbm>> -> memref<10240x128xf32, #tpu.memory_space<hbm>>
      tpu.enqueue_indirect_dma source(%dma_start3A_44 : memref<10240x128xf32, #tpu.memory_space<hbm>>) target(%arg9 : memref<128x128xf32, #tpu.memory_space<vmem>>) offsets(%dma_start3A_41 : memref<128xi32, #tpu.memory_space<vmem>>) semaphore(%arg12 : memref<!tpu.dma_semaphore, #tpu.memory_space<semaphore_mem>>)
      %scan3A_45 = arith.constant 0 : i32
      %scan3A_46 = arith.constant 0 : i32
      %scan3A_47 = arith.constant 20 : i32
      %scan3A_48 = arith.addi %scan3A_46, %scan3A_47 : i32
      %scan3A_49 = arith.constant 1 : i32
      scf.for %scan3A_51 = %scan3A_46 to %scan3A_48 step %scan3A_49  : i32 {
        %mul3A_52 = arith.constant 2 : i32
        %mul3A_53 = arith.muli %mul3A_52, %scan3A_51 : i32
        %add3A_54 = arith.constant 1 : i32
        %add3A_55 = arith.addi %mul3A_53, %add3A_54 : i32
        %lt3A = arith.constant 40 : i32
        %lt3A_56 = arith.cmpi slt, %add3A_55, %lt3A : i32
        %convert_element_type3A_57 = arith.extui %lt3A_56 : i1 to i32
        %cond3A_58 = arith.constant 0 : i32
        %cond3A_59 = arith.cmpi ne, %convert_element_type3A_57, %cond3A_58 : i32
        scf.if %cond3A_59 {
          %add3A_82 = arith.constant 1 : i32
          %add3A_83 = arith.addi %mul3A_53, %add3A_82 : i32
          %dma_start3A_84 = arith.constant 0 : i32
          %dma_start3A_85 = tpu.memref_slice %arg7[%add3A_83, %dma_start3A_84] : memref<40x128xi32, #tpu.memory_space<vmem>> -> memref<1x128xi32, #tpu.memory_space<vmem>>
          %dma_start3A_86 = tpu.memref_squeeze %dma_start3A_85 : memref<1x128xi32, #tpu.memory_space<vmem>> -> memref<128xi32, #tpu.memory_space<vmem>>
          %dma_start3A_87 = arith.constant 0 : i32
          %dma_start3A_88 = arith.constant 0 : i32
          %dma_start3A_89 = tpu.memref_slice %arg2[%dma_start3A_87, %dma_start3A_88] : memref<10240x128xf32, #tpu.memory_space<hbm>> -> memref<10240x128xf32, #tpu.memory_space<hbm>>
          tpu.enqueue_indirect_dma source(%dma_start3A_89 : memref<10240x128xf32, #tpu.memory_space<hbm>>) target(%arg10 : memref<128x128xf32, #tpu.memory_space<vmem>>) offsets(%dma_start3A_86 : memref<128xi32, #tpu.memory_space<vmem>>) semaphore(%arg13 : memref<!tpu.dma_semaphore, #tpu.memory_space<semaphore_mem>>)
        } else {
        }
        %dma_wait3A = arith.constant 0 : i32
        %dma_wait3A_60 = tpu.memref_slice %arg7[%mul3A_53, %dma_wait3A] : memref<40x128xi32, #tpu.memory_space<vmem>> -> memref<1x128xi32, #tpu.memory_space<vmem>>
        %dma_wait3A_61 = tpu.memref_squeeze %dma_wait3A_60 : memref<1x128xi32, #tpu.memory_space<vmem>> -> memref<128xi32, #tpu.memory_space<vmem>>
        %dma_wait3A_62 = arith.constant 0 : i32
        %dma_wait3A_63 = arith.constant 0 : i32
        %dma_wait3A_64 = tpu.memref_slice %arg2[%dma_wait3A_62, %dma_wait3A_63] : memref<10240x128xf32, #tpu.memory_space<hbm>> -> memref<10240x128xf32, #tpu.memory_space<hbm>>
        tpu.wait_indirect_dma semaphore(%arg12 : memref<!tpu.dma_semaphore, #tpu.memory_space<semaphore_mem>>) src(%dma_wait3A_64 : memref<10240x128xf32, #tpu.memory_space<hbm>>) dst(%arg9 : memref<128x128xf32, #tpu.memory_space<vmem>>)
        "tpu.region"() ({
          %run_scoped3A = tpu.sem_alloc : memref<!tpu.dma_semaphore, #tpu.memory_space<semaphore_mem>>
          %dma_start3A_82 = arith.constant 0 : i32
          %dma_start3A_83 = tpu.memref_slice %arg8[%mul3A_53, %dma_start3A_82] : memref<40x128xi32, #tpu.memory_space<vmem>> -> memref<1x128xi32, #tpu.memory_space<vmem>>
          %dma_start3A_84 = tpu.memref_squeeze %dma_start3A_83 : memref<1x128xi32, #tpu.memory_space<vmem>> -> memref<128xi32, #tpu.memory_space<vmem>>
          %dma_start3A_85 = arith.constant 0 : i32
          %dma_start3A_86 = arith.constant 0 : i32
          %dma_start3A_87 = tpu.memref_slice %arg11[%dma_start3A_85, %dma_start3A_86] : memref<10240x128xf32, #tpu.memory_space<vmem_shared>> -> memref<10240x128xf32, #tpu.memory_space<vmem_shared>>
          tpu.enqueue_indirect_dma source(%arg9 : memref<128x128xf32, #tpu.memory_space<vmem>>) target(%dma_start3A_87 : memref<10240x128xf32, #tpu.memory_space<vmem_shared>>) offsets(%dma_start3A_84 : memref<128xi32, #tpu.memory_space<vmem>>) semaphore(%run_scoped3A : memref<!tpu.dma_semaphore, #tpu.memory_space<semaphore_mem>>) {add = true}
          %dma_wait3A_88 = arith.constant 0 : i32
          %dma_wait3A_89 = tpu.memref_slice %arg8[%mul3A_53, %dma_wait3A_88] : memref<40x128xi32, #tpu.memory_space<vmem>> -> memref<1x128xi32, #tpu.memory_space<vmem>>
          %dma_wait3A_90 = tpu.memref_squeeze %dma_wait3A_89 : memref<1x128xi32, #tpu.memory_space<vmem>> -> memref<128xi32, #tpu.memory_space<vmem>>
          %dma_wait3A_91 = arith.constant 0 : i32
          %dma_wait3A_92 = arith.constant 0 : i32
          %dma_wait3A_93 = tpu.memref_slice %arg11[%dma_wait3A_91, %dma_wait3A_92] : memref<10240x128xf32, #tpu.memory_space<vmem_shared>> -> memref<10240x128xf32, #tpu.memory_space<vmem_shared>>
          tpu.wait_indirect_dma semaphore(%run_scoped3A : memref<!tpu.dma_semaphore, #tpu.memory_space<semaphore_mem>>) src(%arg9 : memref<128x128xf32, #tpu.memory_space<vmem>>) dst(%dma_wait3A_93 : memref<10240x128xf32, #tpu.memory_space<vmem_shared>>)
          tpu.yield
        }) : () -> ()
        %mul3A_65 = arith.constant 2 : i32
        %mul3A_66 = arith.muli %mul3A_65, %scan3A_51 : i32
        %add3A_67 = arith.constant 1 : i32
        %add3A_68 = arith.addi %mul3A_66, %add3A_67 : i32
        %add3A_69 = arith.constant 1 : i32
        %add3A_70 = arith.addi %add3A_68, %add3A_69 : i32
        %lt3A_71 = arith.constant 40 : i32
        %lt3A_72 = arith.cmpi slt, %add3A_70, %lt3A_71 : i32
        %convert_element_type3A_73 = arith.extui %lt3A_72 : i1 to i32
        %cond3A_74 = arith.constant 0 : i32
        %cond3A_75 = arith.cmpi ne, %convert_element_type3A_73, %cond3A_74 : i32
        scf.if %cond3A_75 {
          %add3A_82 = arith.constant 1 : i32
          %add3A_83 = arith.addi %add3A_68, %add3A_82 : i32
          %dma_start3A_84 = arith.constant 0 : i32
          %dma_start3A_85 = tpu.memref_slice %arg7[%add3A_83, %dma_start3A_84] : memref<40x128xi32, #tpu.memory_space<vmem>> -> memref<1x128xi32, #tpu.memory_space<vmem>>
          %dma_start3A_86 = tpu.memref_squeeze %dma_start3A_85 : memref<1x128xi32, #tpu.memory_space<vmem>> -> memref<128xi32, #tpu.memory_space<vmem>>
          %dma_start3A_87 = arith.constant 0 : i32
          %dma_start3A_88 = arith.constant 0 : i32
          %dma_start3A_89 = tpu.memref_slice %arg2[%dma_start3A_87, %dma_start3A_88] : memref<10240x128xf32, #tpu.memory_space<hbm>> -> memref<10240x128xf32, #tpu.memory_space<hbm>>
          tpu.enqueue_indirect_dma source(%dma_start3A_89 : memref<10240x128xf32, #tpu.memory_space<hbm>>) target(%arg9 : memref<128x128xf32, #tpu.memory_space<vmem>>) offsets(%dma_start3A_86 : memref<128xi32, #tpu.memory_space<vmem>>) semaphore(%arg12 : memref<!tpu.dma_semaphore, #tpu.memory_space<semaphore_mem>>)
        } else {
        }
        %dma_wait3A_76 = arith.constant 0 : i32
        %dma_wait3A_77 = tpu.memref_slice %arg7[%add3A_68, %dma_wait3A_76] : memref<40x128xi32, #tpu.memory_space<vmem>> -> memref<1x128xi32, #tpu.memory_space<vmem>>
        %dma_wait3A_78 = tpu.memref_squeeze %dma_wait3A_77 : memref<1x128xi32, #tpu.memory_space<vmem>> -> memref<128xi32, #tpu.memory_space<vmem>>
        %dma_wait3A_79 = arith.constant 0 : i32
        %dma_wait3A_80 = arith.constant 0 : i32
        %dma_wait3A_81 = tpu.memref_slice %arg2[%dma_wait3A_79, %dma_wait3A_80] : memref<10240x128xf32, #tpu.memory_space<hbm>> -> memref<10240x128xf32, #tpu.memory_space<hbm>>
        tpu.wait_indirect_dma semaphore(%arg13 : memref<!tpu.dma_semaphore, #tpu.memory_space<semaphore_mem>>) src(%dma_wait3A_81 : memref<10240x128xf32, #tpu.memory_space<hbm>>) dst(%arg10 : memref<128x128xf32, #tpu.memory_space<vmem>>)
        "tpu.region"() ({
          %run_scoped3A = tpu.sem_alloc : memref<!tpu.dma_semaphore, #tpu.memory_space<semaphore_mem>>
          %dma_start3A_82 = arith.constant 0 : i32
          %dma_start3A_83 = tpu.memref_slice %arg8[%add3A_68, %dma_start3A_82] : memref<40x128xi32, #tpu.memory_space<vmem>> -> memref<1x128xi32, #tpu.memory_space<vmem>>
          %dma_start3A_84 = tpu.memref_squeeze %dma_start3A_83 : memref<1x128xi32, #tpu.memory_space<vmem>> -> memref<128xi32, #tpu.memory_space<vmem>>
          %dma_start3A_85 = arith.constant 0 : i32
          %dma_start3A_86 = arith.constant 0 : i32
          %dma_start3A_87 = tpu.memref_slice %arg11[%dma_start3A_85, %dma_start3A_86] : memref<10240x128xf32, #tpu.memory_space<vmem_shared>> -> memref<10240x128xf32, #tpu.memory_space<vmem_shared>>
          tpu.enqueue_indirect_dma source(%arg10 : memref<128x128xf32, #tpu.memory_space<vmem>>) target(%dma_start3A_87 : memref<10240x128xf32, #tpu.memory_space<vmem_shared>>) offsets(%dma_start3A_84 : memref<128xi32, #tpu.memory_space<vmem>>) semaphore(%run_scoped3A : memref<!tpu.dma_semaphore, #tpu.memory_space<semaphore_mem>>) {add = true}
          %dma_wait3A_88 = arith.constant 0 : i32
          %dma_wait3A_89 = tpu.memref_slice %arg8[%add3A_68, %dma_wait3A_88] : memref<40x128xi32, #tpu.memory_space<vmem>> -> memref<1x128xi32, #tpu.memory_space<vmem>>
          %dma_wait3A_90 = tpu.memref_squeeze %dma_wait3A_89 : memref<1x128xi32, #tpu.memory_space<vmem>> -> memref<128xi32, #tpu.memory_space<vmem>>
          %dma_wait3A_91 = arith.constant 0 : i32
          %dma_wait3A_92 = arith.constant 0 : i32
          %dma_wait3A_93 = tpu.memref_slice %arg11[%dma_wait3A_91, %dma_wait3A_92] : memref<10240x128xf32, #tpu.memory_space<vmem_shared>> -> memref<10240x128xf32, #tpu.memory_space<vmem_shared>>
          tpu.wait_indirect_dma semaphore(%run_scoped3A : memref<!tpu.dma_semaphore, #tpu.memory_space<semaphore_mem>>) src(%arg10 : memref<128x128xf32, #tpu.memory_space<vmem>>) dst(%dma_wait3A_93 : memref<10240x128xf32, #tpu.memory_space<vmem_shared>>)
          tpu.yield
        }) : () -> ()
      }
      %scan3A_50 = arith.constant 20 : i32
    } else {
    }
    %barrier3A_18 = arith.constant 0 : index
    tpu.barrier barrier_id(%barrier3A_18)
    "tpu.region"() ({
      %run_scoped3A = tpu.sem_alloc : memref<!tpu.dma_semaphore, #tpu.memory_space<semaphore_mem>>
      %dma_start3A = arith.constant 0 : i32
      %dma_start3A_19 = tpu.memref_slice %arg6[%arg0, %mul3A_0, %dma_start3A] : memref<2x10240x128xf32, #tpu.memory_space<hbm>> -> memref<1x640x128xf32, #tpu.memory_space<hbm>>
      %dma_start3A_20 = tpu.memref_squeeze %dma_start3A_19 : memref<1x640x128xf32, #tpu.memory_space<hbm>> -> memref<640x128xf32, #tpu.memory_space<hbm>>
      %dma_start3A_21 = arith.constant 0 : i32
      %dma_start3A_22 = tpu.memref_slice %arg11[%mul3A_0, %dma_start3A_21] : memref<10240x128xf32, #tpu.memory_space<vmem_shared>> -> memref<640x128xf32, #tpu.memory_space<vmem_shared>>
      tpu.enqueue_dma source(%dma_start3A_22 : memref<640x128xf32, #tpu.memory_space<vmem_shared>>) target(%dma_start3A_20 : memref<640x128xf32, #tpu.memory_space<hbm>>) target_semaphore(%run_scoped3A : memref<!tpu.dma_semaphore, #tpu.memory_space<semaphore_mem>>)
      %dma_wait3A = arith.constant 0 : i32
      %dma_wait3A_23 = tpu.memref_slice %arg6[%arg0, %mul3A_0, %dma_wait3A] : memref<2x10240x128xf32, #tpu.memory_space<hbm>> -> memref<1x640x128xf32, #tpu.memory_space<hbm>>
      %dma_wait3A_24 = tpu.memref_squeeze %dma_wait3A_23 : memref<1x640x128xf32, #tpu.memory_space<hbm>> -> memref<640x128xf32, #tpu.memory_space<hbm>>
      %dma_wait3A_25 = arith.constant 0 : i32
      %dma_wait3A_26 = tpu.memref_slice %arg11[%mul3A_0, %dma_wait3A_25] : memref<10240x128xf32, #tpu.memory_space<vmem_shared>> -> memref<640x128xf32, #tpu.memory_space<vmem_shared>>
      tpu.wait_dma2 semaphore(%run_scoped3A : memref<!tpu.dma_semaphore, #tpu.memory_space<semaphore_mem>>) src(%dma_wait3A_26 : memref<640x128xf32, #tpu.memory_space<vmem_shared>>) dst(%dma_wait3A_24 : memref<640x128xf32, #tpu.memory_space<hbm>>)
      tpu.yield
    }) : () -> ()
    return
  }
}

module attributes {stable_mosaic.version = 14 : i64} {
  func.func @_mm1_body(%arg0: i32, %arg1: memref<2x2048xf32, #tpu.memory_space<vmem>>, %arg2: memref<2048x128xf32, #tpu.memory_space<vmem>>, %arg3: memref<128x128xf32, #tpu.memory_space<vmem>>, %arg4: memref<2048x128xf32, #tpu.memory_space<vmem>>, %arg5: memref<2048x8xf32, #tpu.memory_space<vmem>>) attributes {dimension_semantics = [#tpu.dimension_semantics<arbitrary>], iteration_bounds = array<i64: 5>, scalar_prefetch = 0 : i64, scratch_operands = 0 : i64, tpu.core_type = #tpu.core_type<tc>, window_params = [{transform_indices = @transform_0, window_bounds = array<i64: 2, 2048>}, {transform_indices = @transform_1, window_bounds = array<i64: 2048, 128>}, {pipeline_mode = #tpu.pipeline_mode<synchronous>, transform_indices = @transform_2, window_bounds = array<i64: 128, 128>}, {transform_indices = @transform_3, window_bounds = array<i64: 2048, 128>}, {transform_indices = @transform_4, window_bounds = array<i64: 2048, 8>}]} {
    %get3A = arith.constant 0 : index
    %get3A_0 = arith.constant 0 : index
    %get3A_1 = vector.load %arg1[%get3A, %get3A_0] : memref<2x2048xf32, #tpu.memory_space<vmem>>, vector<1x2048xf32>
    %get3A_2 = vector.shape_cast %get3A_1 : vector<1x2048xf32> to vector<2048xf32>
    %get3A_3 = arith.constant 1 : index
    %get3A_4 = arith.constant 0 : index
    %get3A_5 = vector.load %arg1[%get3A_3, %get3A_4] : memref<2x2048xf32, #tpu.memory_space<vmem>>, vector<1x2048xf32>
    %get3A_6 = vector.shape_cast %get3A_5 : vector<1x2048xf32> to vector<2048xf32>
    %add3A = arith.addf %get3A_2, %get3A_6 : vector<2048xf32>
    %reshape3A = vector.shape_cast %add3A : vector<2048xf32> to vector<2048x1xf32>
    %add3A_7 = arith.constant 1.000000e+00 : f32
    %add3A_8 = vector.broadcast %add3A_7 : f32 to vector<2048x1xf32>
    %add3A_9 = arith.addf %reshape3A, %add3A_8 : vector<2048x1xf32>
    %rsqrt3A = math.rsqrt %add3A_9 : vector<2048x1xf32>
    %broadcast_in_dim3A = vector.shape_cast %rsqrt3A : vector<2048x1xf32> to vector<2048x1xf32>
    %broadcast_in_dim3A_10 = vector.broadcast %broadcast_in_dim3A : vector<2048x1xf32> to vector<2048x8xf32>
    %swap3A = arith.constant 0 : index
    %swap3A_11 = arith.constant 0 : index
    %swap3A_12 = vector.load %arg5[%swap3A, %swap3A_11] : memref<2048x8xf32, #tpu.memory_space<vmem>>, vector<2048x8xf32>
    tpu.vector_store %arg5[%swap3A, %swap3A_11], %broadcast_in_dim3A_10 {strides = array<i32>} : memref<2048x8xf32, #tpu.memory_space<vmem>>, vector<2048x8xf32>,
    %slice3A = vector.extract_strided_slice %broadcast_in_dim3A_10 {offsets = [0, 0], sizes = [2048, 1], strides = [1, 1]} : vector<2048x8xf32> to vector<2048x1xf32>
    %get3A_13 = arith.constant 0 : index
    %get3A_14 = arith.constant 0 : index
    %get3A_15 = vector.load %arg2[%get3A_13, %get3A_14] : memref<2048x128xf32, #tpu.memory_space<vmem>>, vector<2048x128xf32>
    %get3A_16 = arith.constant 0 : index
    %get3A_17 = arith.constant 0 : index
    %get3A_18 = vector.load %arg3[%get3A_16, %get3A_17] : memref<128x128xf32, #tpu.memory_space<vmem>>, vector<128x128xf32>
    %dot_general3A = arith.constant dense<0.000000e+00> : vector<2048x128xf32>
    %dot_general3A_19 = tpu.matmul %get3A_15, %get3A_18, %dot_general3A {dimension_numbers = #tpu.dot_dimension_numbers<[1], [0], [0], [1], [0, 0, 1, 1], [], []>, transpose_lhs_hint = false} : vector<2048x128xf32>, vector<128x128xf32>, vector<2048x128xf32> -> vector<2048x128xf32>
    %mul3A = vector.broadcast %slice3A : vector<2048x1xf32> to vector<2048x128xf32>
    %mul3A_20 = arith.mulf %mul3A, %dot_general3A_19 : vector<2048x128xf32>
    %swap3A_21 = arith.constant 0 : index
    %swap3A_22 = arith.constant 0 : index
    %swap3A_23 = vector.load %arg4[%swap3A_21, %swap3A_22] : memref<2048x128xf32, #tpu.memory_space<vmem>>, vector<2048x128xf32>
    tpu.vector_store %arg4[%swap3A_21, %swap3A_22], %mul3A_20 {strides = array<i32>} : memref<2048x128xf32, #tpu.memory_space<vmem>>, vector<2048x128xf32>,
    return
  }
  func.func @transform_0(%arg0: i32) -> (i32, i32) {
    %c0_i32 = arith.constant 0 : i32
    %c0_i32_0 = arith.constant 0 : i32
    return %c0_i32, %arg0 : i32, i32
  }
  func.func @transform_1(%arg0: i32) -> (i32, i32) {
    %c0_i32 = arith.constant 0 : i32
    %c0_i32_0 = arith.constant 0 : i32
    return %arg0, %c0_i32 : i32, i32
  }
  func.func @transform_2(%arg0: i32) -> (i32, i32) {
    %c0_i32 = arith.constant 0 : i32
    %c0_i32_0 = arith.constant 0 : i32
    %c0_i32_1 = arith.constant 0 : i32
    return %c0_i32, %c0_i32_0 : i32, i32
  }
  func.func @transform_3(%arg0: i32) -> (i32, i32) {
    %c0_i32 = arith.constant 0 : i32
    %c0_i32_0 = arith.constant 0 : i32
    return %arg0, %c0_i32 : i32, i32
  }
  func.func @transform_4(%arg0: i32) -> (i32, i32) {
    %c0_i32 = arith.constant 0 : i32
    %c0_i32_0 = arith.constant 0 : i32
    return %arg0, %c0_i32 : i32, i32
  }
}

module attributes {stable_mosaic.version = 14 : i64} {
  func.func @_pack_body(%arg0: memref<2x2500x128xi32, #tpu.memory_space<vmem>>, %arg1: memref<2560x128xi32, #tpu.memory_space<vmem>>, %arg2: memref<2560x128xi32, #tpu.memory_space<vmem>>) attributes {dimension_semantics = [], scalar_prefetch = 0 : i64, scratch_operands = 0 : i64, tpu.core_type = #tpu.core_type<tc>} {
    %get3A = arith.constant 0 : index
    %get3A_0 = arith.constant 0 : index
    %get3A_1 = arith.constant 0 : index
    %get3A_2 = vector.load %arg0[%get3A, %get3A_0, %get3A_1] : memref<2x2500x128xi32, #tpu.memory_space<vmem>>, vector<1x2500x128xi32>
    %get3A_3 = vector.shape_cast %get3A_2 : vector<1x2500x128xi32> to vector<2500x128xi32>
    %swap3A = arith.constant 0 : index
    %swap3A_4 = arith.constant 0 : index
    %swap3A_5 = vector.load %arg1[%swap3A, %swap3A_4] : memref<2560x128xi32, #tpu.memory_space<vmem>>, vector<2500x128xi32>
    tpu.vector_store %arg1[%swap3A, %swap3A_4], %get3A_3 {strides = array<i32>} : memref<2560x128xi32, #tpu.memory_space<vmem>>, vector<2500x128xi32>,
    %get3A_6 = arith.constant 1 : index
    %get3A_7 = arith.constant 0 : index
    %get3A_8 = arith.constant 0 : index
    %get3A_9 = vector.load %arg0[%get3A_6, %get3A_7, %get3A_8] : memref<2x2500x128xi32, #tpu.memory_space<vmem>>, vector<1x2500x128xi32>
    %get3A_10 = vector.shape_cast %get3A_9 : vector<1x2500x128xi32> to vector<2500x128xi32>
    %swap3A_11 = arith.constant 0 : index
    %swap3A_12 = arith.constant 0 : index
    %swap3A_13 = vector.load %arg2[%swap3A_11, %swap3A_12] : memref<2560x128xi32, #tpu.memory_space<vmem>>, vector<2500x128xi32>
    tpu.vector_store %arg2[%swap3A_11, %swap3A_12], %get3A_10 {strides = array<i32>} : memref<2560x128xi32, #tpu.memory_space<vmem>>, vector<2500x128xi32>,
    %iota3A = tpu.iota {dimensions = array<i32: 0>} : vector<60x128xi32>
    %iota3A_14 = tpu.iota {dimensions = array<i32: 1>} : vector<60x128xi32>
    %mul3A = arith.constant 128 : i32
    %mul3A_15 = vector.broadcast %mul3A : i32 to vector<60x128xi32>
    %mul3A_16 = arith.muli %iota3A, %mul3A_15 : vector<60x128xi32>
    %add3A = arith.addi %mul3A_16, %iota3A_14 : vector<60x128xi32>
    %jit3A = arith.constant 10240 : i32
    %eq3A = arith.constant 0 : i32
    %eq3A_17 = arith.cmpi eq, %jit3A, %eq3A : i32
    %jit3A_18 = arith.constant 1 : i32
    %select_n3A = arith.select %eq3A_17, %jit3A_18, %jit3A : i32
    %rem3A = vector.broadcast %select_n3A : i32 to vector<60x128xi32>
    %rem3A_19 = arith.remsi %add3A, %rem3A : vector<60x128xi32>
    %ne3A = arith.constant 0 : i32
    %ne3A_20 = vector.broadcast %ne3A : i32 to vector<60x128xi32>
    %ne3A_21 = arith.cmpi ne, %rem3A_19, %ne3A_20 : vector<60x128xi32>
    %lt3A = arith.constant 0 : i32
    %lt3A_22 = vector.broadcast %lt3A : i32 to vector<60x128xi32>
    %lt3A_23 = arith.cmpi slt, %rem3A_19, %lt3A_22 : vector<60x128xi32>
    %lt3A_24 = arith.constant 0 : i32
    %lt3A_25 = arith.cmpi slt, %select_n3A, %lt3A_24 : i32
    %ne3A_26 = vector.broadcast %lt3A_25 : i1 to vector<60x128xi1>
    %ne3A_27 = vector.broadcast %ne3A_26 : vector<60x128xi1> to vector<60x128xi1>
    %ne3A_28 = arith.xori %lt3A_23, %ne3A_27 : vector<60x128xi1>
    %and3A = arith.andi %ne3A_28, %ne3A_21 : vector<60x128xi1>
    %add3A_29 = vector.broadcast %select_n3A : i32 to vector<60x128xi32>
    %add3A_30 = arith.addi %rem3A_19, %add3A_29 : vector<60x128xi32>
    %select_n3A_31 = arith.select %and3A, %add3A_30, %rem3A_19 : vector<60x128xi1>, vector<60x128xi32>
    %swap3A_32 = arith.constant 2500 : index
    %swap3A_33 = arith.constant 0 : index
    %swap3A_34 = vector.load %arg1[%swap3A_32, %swap3A_33] : memref<2560x128xi32, #tpu.memory_space<vmem>>, vector<60x128xi32>
    tpu.vector_store %arg1[%swap3A_32, %swap3A_33], %select_n3A_31 {strides = array<i32>} : memref<2560x128xi32, #tpu.memory_space<vmem>>, vector<60x128xi32>,
    %jit3A_35 = arith.constant 240 : i32
    %eq3A_36 = arith.constant 0 : i32
    %eq3A_37 = arith.cmpi eq, %jit3A_35, %eq3A_36 : i32
    %jit3A_38 = arith.constant 1 : i32
    %select_n3A_39 = arith.select %eq3A_37, %jit3A_38, %jit3A_35 : i32
    %rem3A_40 = vector.broadcast %select_n3A_39 : i32 to vector<60x128xi32>
    %rem3A_41 = arith.remsi %add3A, %rem3A_40 : vector<60x128xi32>
    %ne3A_42 = arith.constant 0 : i32
    %ne3A_43 = vector.broadcast %ne3A_42 : i32 to vector<60x128xi32>
    %ne3A_44 = arith.cmpi ne, %rem3A_41, %ne3A_43 : vector<60x128xi32>
    %lt3A_45 = arith.constant 0 : i32
    %lt3A_46 = vector.broadcast %lt3A_45 : i32 to vector<60x128xi32>
    %lt3A_47 = arith.cmpi slt, %rem3A_41, %lt3A_46 : vector<60x128xi32>
    %lt3A_48 = arith.constant 0 : i32
    %lt3A_49 = arith.cmpi slt, %select_n3A_39, %lt3A_48 : i32
    %ne3A_50 = vector.broadcast %lt3A_49 : i1 to vector<60x128xi1>
    %ne3A_51 = vector.broadcast %ne3A_50 : vector<60x128xi1> to vector<60x128xi1>
    %ne3A_52 = arith.xori %lt3A_47, %ne3A_51 : vector<60x128xi1>
    %and3A_53 = arith.andi %ne3A_52, %ne3A_44 : vector<60x128xi1>
    %add3A_54 = vector.broadcast %select_n3A_39 : i32 to vector<60x128xi32>
    %add3A_55 = arith.addi %rem3A_41, %add3A_54 : vector<60x128xi32>
    %select_n3A_56 = arith.select %and3A_53, %add3A_55, %rem3A_41 : vector<60x128xi1>, vector<60x128xi32>
    %add3A_57 = arith.constant 10000 : i32
    %add3A_58 = vector.broadcast %add3A_57 : i32 to vector<60x128xi32>
    %add3A_59 = arith.addi %add3A_58, %select_n3A_56 : vector<60x128xi32>
    %swap3A_60 = arith.constant 2500 : index
    %swap3A_61 = arith.constant 0 : index
    %swap3A_62 = vector.load %arg2[%swap3A_60, %swap3A_61] : memref<2560x128xi32, #tpu.memory_space<vmem>>, vector<60x128xi32>
    tpu.vector_store %arg2[%swap3A_60, %swap3A_61], %add3A_59 {strides = array<i32>} : memref<2560x128xi32, #tpu.memory_space<vmem>>, vector<60x128xi32>,
    return
  }
}

module attributes {stable_mosaic.version = 14 : i64} {
  func.func @_mid_body(%arg0: i32, %arg1: memref<2x2048x128xf32, #tpu.memory_space<vmem>>, %arg2: memref<2048x8xf32, #tpu.memory_space<vmem>>, %arg3: memref<1x128xf32, #tpu.memory_space<vmem>>, %arg4: memref<128x128xf32, #tpu.memory_space<vmem>>, %arg5: memref<2048x128xf32, #tpu.memory_space<vmem>>) attributes {dimension_semantics = [#tpu.dimension_semantics<arbitrary>], iteration_bounds = array<i64: 5>, scalar_prefetch = 0 : i64, scratch_operands = 0 : i64, tpu.core_type = #tpu.core_type<tc>, window_params = [{transform_indices = @transform_0, window_bounds = array<i64: 2, 2048, 128>}, {transform_indices = @transform_1, window_bounds = array<i64: 2048, 8>}, {pipeline_mode = #tpu.pipeline_mode<synchronous>, transform_indices = @transform_2, window_bounds = array<i64: 1, 128>}, {pipeline_mode = #tpu.pipeline_mode<synchronous>, transform_indices = @transform_3, window_bounds = array<i64: 128, 128>}, {transform_indices = @transform_4, window_bounds = array<i64: 2048, 128>}]} {
    %get3A = arith.constant 0 : index
    %get3A_0 = arith.constant 0 : index
    %get3A_1 = arith.constant 0 : index
    %get3A_2 = vector.load %arg1[%get3A, %get3A_0, %get3A_1] : memref<2x2048x128xf32, #tpu.memory_space<vmem>>, vector<1x2048x128xf32>
    %get3A_3 = vector.shape_cast %get3A_2 : vector<1x2048x128xf32> to vector<2048x128xf32>
    %get3A_4 = arith.constant 1 : index
    %get3A_5 = arith.constant 0 : index
    %get3A_6 = arith.constant 0 : index
    %get3A_7 = vector.load %arg1[%get3A_4, %get3A_5, %get3A_6] : memref<2x2048x128xf32, #tpu.memory_space<vmem>>, vector<1x2048x128xf32>
    %get3A_8 = vector.shape_cast %get3A_7 : vector<1x2048x128xf32> to vector<2048x128xf32>
    %add3A = arith.addf %get3A_3, %get3A_8 : vector<2048x128xf32>
    %get3A_9 = arith.constant 0 : index
    %get3A_10 = arith.constant 0 : index
    %get3A_11 = vector.load %arg2[%get3A_9, %get3A_10] : memref<2048x8xf32, #tpu.memory_space<vmem>>, vector<2048x8xf32>
    %slice3A = vector.extract_strided_slice %get3A_11 {offsets = [0, 0], sizes = [2048, 1], strides = [1, 1]} : vector<2048x8xf32> to vector<2048x1xf32>
    %mul3A = vector.broadcast %slice3A : vector<2048x1xf32> to vector<2048x128xf32>
    %mul3A_12 = arith.mulf %mul3A, %add3A : vector<2048x128xf32>
    %get3A_13 = arith.constant 0 : index
    %get3A_14 = arith.constant 0 : index
    %get3A_15 = vector.load %arg3[%get3A_13, %get3A_14] : memref<1x128xf32, #tpu.memory_space<vmem>>, vector<1x128xf32>
    %add3A_16 = vector.broadcast %get3A_15 : vector<1x128xf32> to vector<2048x128xf32>
    %add3A_17 = arith.addf %mul3A_12, %add3A_16 : vector<2048x128xf32>
    %max3A = arith.constant 0.000000e+00 : f32
    %max3A_18 = vector.broadcast %max3A : f32 to vector<2048x128xf32>
    %max3A_19 = arith.maximumf %add3A_17, %max3A_18 : vector<2048x128xf32>
    %get3A_20 = arith.constant 0 : index
    %get3A_21 = arith.constant 0 : index
    %get3A_22 = vector.load %arg4[%get3A_20, %get3A_21] : memref<128x128xf32, #tpu.memory_space<vmem>>, vector<128x128xf32>
    %dot_general3A = arith.constant dense<0.000000e+00> : vector<2048x128xf32>
    %dot_general3A_23 = tpu.matmul %max3A_19, %get3A_22, %dot_general3A {dimension_numbers = #tpu.dot_dimension_numbers<[1], [0], [0], [1], [0, 0, 1, 1], [], []>, transpose_lhs_hint = false} : vector<2048x128xf32>, vector<128x128xf32>, vector<2048x128xf32> -> vector<2048x128xf32>
    %mul3A_24 = vector.broadcast %slice3A : vector<2048x1xf32> to vector<2048x128xf32>
    %mul3A_25 = arith.mulf %mul3A_24, %dot_general3A_23 : vector<2048x128xf32>
    %swap3A = arith.constant 0 : index
    %swap3A_26 = arith.constant 0 : index
    %swap3A_27 = vector.load %arg5[%swap3A, %swap3A_26] : memref<2048x128xf32, #tpu.memory_space<vmem>>, vector<2048x128xf32>
    tpu.vector_store %arg5[%swap3A, %swap3A_26], %mul3A_25 {strides = array<i32>} : memref<2048x128xf32, #tpu.memory_space<vmem>>, vector<2048x128xf32>,
    return
  }
  func.func @transform_0(%arg0: i32) -> (i32, i32, i32) {
    %c0_i32 = arith.constant 0 : i32
    %c0_i32_0 = arith.constant 0 : i32
    %c0_i32_1 = arith.constant 0 : i32
    return %c0_i32, %arg0, %c0_i32_0 : i32, i32, i32
  }
  func.func @transform_1(%arg0: i32) -> (i32, i32) {
    %c0_i32 = arith.constant 0 : i32
    %c0_i32_0 = arith.constant 0 : i32
    return %arg0, %c0_i32 : i32, i32
  }
  func.func @transform_2(%arg0: i32) -> (i32, i32) {
    %c0_i32 = arith.constant 0 : i32
    %c0_i32_0 = arith.constant 0 : i32
    %c0_i32_1 = arith.constant 0 : i32
    return %c0_i32, %c0_i32_0 : i32, i32
  }
  func.func @transform_3(%arg0: i32) -> (i32, i32) {
    %c0_i32 = arith.constant 0 : i32
    %c0_i32_0 = arith.constant 0 : i32
    %c0_i32_1 = arith.constant 0 : i32
    return %c0_i32, %c0_i32_0 : i32, i32
  }
  func.func @transform_4(%arg0: i32) -> (i32, i32) {
    %c0_i32 = arith.constant 0 : i32
    %c0_i32_0 = arith.constant 0 : i32
    return %arg0, %c0_i32 : i32, i32
  }
}

module attributes {stable_mosaic.version = 14 : i64} {
  func.func @_fin_body(%arg0: i32, %arg1: memref<2x2000x128xf32, #tpu.memory_space<vmem>>, %arg2: memref<2000x8xf32, #tpu.memory_space<vmem>>, %arg3: memref<1x128xf32, #tpu.memory_space<vmem>>, %arg4: memref<2000x128xf32, #tpu.memory_space<vmem>>) attributes {dimension_semantics = [#tpu.dimension_semantics<arbitrary>], iteration_bounds = array<i64: 5>, scalar_prefetch = 0 : i64, scratch_operands = 0 : i64, tpu.core_type = #tpu.core_type<tc>, window_params = [{transform_indices = @transform_0, window_bounds = array<i64: 2, 2000, 128>}, {transform_indices = @transform_1, window_bounds = array<i64: 2000, 8>}, {pipeline_mode = #tpu.pipeline_mode<synchronous>, transform_indices = @transform_2, window_bounds = array<i64: 1, 128>}, {transform_indices = @transform_3, window_bounds = array<i64: 2000, 128>}]} {
    %get3A = arith.constant 0 : index
    %get3A_0 = arith.constant 0 : index
    %get3A_1 = arith.constant 0 : index
    %get3A_2 = vector.load %arg1[%get3A, %get3A_0, %get3A_1] : memref<2x2000x128xf32, #tpu.memory_space<vmem>>, vector<1x2000x128xf32>
    %get3A_3 = vector.shape_cast %get3A_2 : vector<1x2000x128xf32> to vector<2000x128xf32>
    %get3A_4 = arith.constant 1 : index
    %get3A_5 = arith.constant 0 : index
    %get3A_6 = arith.constant 0 : index
    %get3A_7 = vector.load %arg1[%get3A_4, %get3A_5, %get3A_6] : memref<2x2000x128xf32, #tpu.memory_space<vmem>>, vector<1x2000x128xf32>
    %get3A_8 = vector.shape_cast %get3A_7 : vector<1x2000x128xf32> to vector<2000x128xf32>
    %add3A = arith.addf %get3A_3, %get3A_8 : vector<2000x128xf32>
    %get3A_9 = arith.constant 0 : index
    %get3A_10 = arith.constant 0 : index
    %get3A_11 = vector.load %arg2[%get3A_9, %get3A_10] : memref<2000x8xf32, #tpu.memory_space<vmem>>, vector<2000x8xf32>
    %slice3A = vector.extract_strided_slice %get3A_11 {offsets = [0, 0], sizes = [2000, 1], strides = [1, 1]} : vector<2000x8xf32> to vector<2000x1xf32>
    %mul3A = vector.broadcast %slice3A : vector<2000x1xf32> to vector<2000x128xf32>
    %mul3A_12 = arith.mulf %mul3A, %add3A : vector<2000x128xf32>
    %get3A_13 = arith.constant 0 : index
    %get3A_14 = arith.constant 0 : index
    %get3A_15 = vector.load %arg3[%get3A_13, %get3A_14] : memref<1x128xf32, #tpu.memory_space<vmem>>, vector<1x128xf32>
    %add3A_16 = vector.broadcast %get3A_15 : vector<1x128xf32> to vector<2000x128xf32>
    %add3A_17 = arith.addf %mul3A_12, %add3A_16 : vector<2000x128xf32>
    %reduce_max3A = arith.constant dense<0xFF800000> : vector<2000xf32>
    %reduce_max3A_18 = vector.multi_reduction <maximumf>, %add3A_17, %reduce_max3A [1] : vector<2000x128xf32> to vector<2000xf32>
    %broadcast_in_dim3A = vector.shape_cast %reduce_max3A_18 : vector<2000xf32> to vector<2000x1xf32>
    %sub3A = vector.broadcast %broadcast_in_dim3A : vector<2000x1xf32> to vector<2000x128xf32>
    %sub3A_19 = arith.subf %add3A_17, %sub3A : vector<2000x128xf32>
    %exp3A = math.exp %sub3A_19 : vector<2000x128xf32>
    %reduce_sum3A = arith.constant dense<0.000000e+00> : vector<2000xf32>
    %reduce_sum3A_20 = vector.multi_reduction <add>, %exp3A, %reduce_sum3A [1] : vector<2000x128xf32> to vector<2000xf32>
    %broadcast_in_dim3A_21 = vector.shape_cast %reduce_sum3A_20 : vector<2000xf32> to vector<2000x1xf32>
    %log3A = math.log %broadcast_in_dim3A_21 : vector<2000x1xf32>
    %sub3A_22 = vector.broadcast %log3A : vector<2000x1xf32> to vector<2000x128xf32>
    %sub3A_23 = arith.subf %sub3A_19, %sub3A_22 : vector<2000x128xf32>
    %swap3A = arith.constant 0 : index
    %swap3A_24 = arith.constant 0 : index
    %swap3A_25 = vector.load %arg4[%swap3A, %swap3A_24] : memref<2000x128xf32, #tpu.memory_space<vmem>>, vector<2000x128xf32>
    tpu.vector_store %arg4[%swap3A, %swap3A_24], %sub3A_23 {strides = array<i32>} : memref<2000x128xf32, #tpu.memory_space<vmem>>, vector<2000x128xf32>,
    return
  }
  func.func @transform_0(%arg0: i32) -> (i32, i32, i32) {
    %c0_i32 = arith.constant 0 : i32
    %c0_i32_0 = arith.constant 0 : i32
    %c0_i32_1 = arith.constant 0 : i32
    return %c0_i32, %arg0, %c0_i32_0 : i32, i32, i32
  }
  func.func @transform_1(%arg0: i32) -> (i32, i32) {
    %c0_i32 = arith.constant 0 : i32
    %c0_i32_0 = arith.constant 0 : i32
    return %arg0, %c0_i32 : i32, i32
  }
  func.func @transform_2(%arg0: i32) -> (i32, i32) {
    %c0_i32 = arith.constant 0 : i32
    %c0_i32_0 = arith.constant 0 : i32
    %c0_i32_1 = arith.constant 0 : i32
    return %c0_i32, %c0_i32_0 : i32, i32
  }
  func.func @transform_3(%arg0: i32) -> (i32, i32) {
    %c0_i32 = arith.constant 0 : i32
    %c0_i32_0 = arith.constant 0 : i32
    return %arg0, %c0_i32 : i32, i32
  }
}

</mosaic_0001>

<sc_bundles>
// kernel: kernel.11.cloned.1.call-start
scs
__scs_entry_jumppad:
0x0: {  	(pc) =	sbr.rel $0x88, $3  }
0x1: {  	(tag) =	ssettag $0x0;
	lr =	simm.s32 $0x1  }
0x2: {  	[smem:$0x3F99] =	sst lr;
	_ =	strace $0xD0000000  }
0x3: {  	_ = 	snop  }
0x4: {  	_ = 	snop  }
0x5: {  	_ = 	snop  }
0x6: {  	_ = 	snop  }
0x7: {  	_ = 	snop  }
__scs_overlays_trampoline_lowered:
0x8: {  	[smem:$0x3FA8] =	sst s0  }
0x9: {  	[smem:$0x3FA9] =	sst s1  }
0xa: {  	[smem:$0x3FAA] =	sst s2  }
0xb: {  	[smem:$0x3FAB] =	sst s3  }
0xc: {  	[smem:$0x3FAC] =	sst s4  }
0xd: {  	[smem:$0x3FAD] =	sst s5  }
0xe: {  	[smem:$0x3FAE] =	sst s6  }
0xf: {  	[smem:$0x3FAF] =	sst s7  }
0x10: {  	[smem:$0x3FB0] =	sst s8  }
0x11: {  	[smem:$0x3FB1] =	sst s9;
	s0 =	simm.s32 @!p0 $0x0  }
0x12: {  	s1 =	sld [smem:$0x3F97];
	s0 =	simm.s32 @p0 $0x1  }
0x13: {  	[smem:$0x3FB2] =	sst s0;
	s0 =	simm.s32 @!p1 $0x0  }
0x14: {  	s2 =	sld [smem:$0x3F96];
	s0 =	simm.s32 @p1 $0x1  }
0x15: {  	[smem:$0x3FB3] =	sst s0;
	s0 =	simm.s32 @!p2 $0x0  }
0x16: {  	s3 =	sld [smem:$0x3FDB];
	s0 =	simm.s32 @p2 $0x1  }
0x17: {  	s4 =	simm.s32 $0x1BF5;
	[smem:$0x3FB5] =	sst s0  }
0x18: {  	s0 =	sld [smem:$0x3F98];
	_ =	swait.ge [sflag:s4], $0x0  }
0x19: {  	s7 =	sld [smem:$0x3F99]  }
0x1a: {  	s8 =	sadd.s32 $0xFFFFE003, lr  }
0x1b: {  	s9 =	sadd.s32 $0xFFFFFEF7, lr;
	s5 =	simm.s32 $0xFFFFFFFF;
	p2 =	slt.u32 s8, $0xFFFFF086  }
0x1c: {  	p1 =	slt.u32 s9, $0xF7A;
	s5 =	simm.s32 @!p2 $0x0  }
0x1d: {  	s5 =	simm.s32 @p1 $0x1;
	p0 =	seq.s32 s7, s2  }
0x1e: {  	s7 =	smul.u32 @!p0 $0xF7A, s2;
	p2 =	seq.s32 @!p0 s5, $0x0  }
0x1f: {  	s9 =	smul.u32 $0xF7A, s1;
	s8 =	simm.s32 @!p0 $0x1BF5;
	p2 =	por !p2, p0  }
0x20: {  	[sflag:s8] =	ssyncset.s32 @!p0 $0xFFFFF086;
	s6 =	sadd.s32 @!p0 s3, s7;
	s7 =	simm.s32 @!p0 $0x108  }
0x21: {  	s3 =	sadd.s32 s3, s9;
	s6 =	sadd.s32 @!p0 $0x88, s6;
	s7 =	simm.s32 @p2 $0x1082  }
0x22: {  	[simem:s7], [sflag:s8] =	dma.local @!p0 [hbm:s6], $0xF7A  }
0x23: {  	s9 =	sor.u32 $0xD0000000, s2;
	s6 =	simm.s32 $0x108;
	_ =	swait.ge @!p0 [sflag:s8], $0x0  }
0x24: {  	s3 =	sadd.s32 $0x88, s3;
	s6 =	simm.s32 @!p1 $0x1082;
	[sflag:s4] =	ssyncset.s32 $0xFFFFF086  }
0x25: {  	[simem:s6], [sflag:s4] =	dma.local [hbm:s3], $0xF7A  }
0x26: {  	[smem:$0x3F99] =	sst s1;
	(tag) =	ssettag s2;
	_ =	strace s9  }
0x27: {  	s1 =	sld [smem:$0x3FA9]  }
0x28: {  	s2 =	sld [smem:$0x3FAA]  }
0x29: {  	s4 =	sld [smem:$0x3FAC]  }
0x2a: {  	p0 =	seq.s32 s5, $0x0;
	s5 =	sld [smem:$0x3FAD]  }
0x2b: {  	s6 =	sld [smem:$0x3FAE]  }
0x2c: {  	s7 =	sld [smem:$0x3FAF]  }
0x2d: {  	s3 =	simm.s32 $0x108;
	s8 =	sld [smem:$0x3FB0]  }
0x2e: {  	s3 =	simm.s32 @!p0 $0x1082;
	s9 =	sld [smem:$0x3FB1]  }
0x2f: {  	lr =	sadd.s32 s0, s3;
	s0 =	sld [smem:$0x3FA8]  }
0x30: {  	s3 =	sld [smem:$0x3FAB]  }
0x31: {  	[smem:$0x3FB4] =	sst s10  }
0x32: {  	s10 =	sld [smem:$0x3FB2];
	_ =	sdelay $0x3  }
0x33: {  	p0 =	seq.s32 s10, $0x1;
	s10 =	sld [smem:$0x3FB4];
	_ =	sdelay $0x3  }
0x34: {  	[smem:$0x3FB4] =	sst s10  }
0x35: {  	s10 =	sld [smem:$0x3FB3];
	_ =	sdelay $0x3  }
0x36: {  	p1 =	seq.s32 s10, $0x1;
	s10 =	sld [smem:$0x3FB4];
	_ =	sdelay $0x3  }
0x37: {  	[smem:$0x3FB4] =	sst s10  }
0x38: {  	s10 =	sld [smem:$0x3FB5]  }
0x39: {  	_ = 	snop;
	(pc) =	sbr.ind lr, $3  }
0x3a: {  	_ = 	snop  }
0x3b: {  	_ = 	snop  }
0x3c: {  	p2 =	seq.s32 s10, $0x1;
	s10 =	sld [smem:$0x3FB4]  }
0x3d: {  	_ =	shalt  }
0x3e: {  	_ =	shalt  }
0x3f: {  	_ =	shalt  }
0x40: {  	_ =	shalt  }
0x41: {  	_ =	shalt  }
0x42: {  	_ =	shalt  }
0x43: {  	_ =	shalt  }
0x44: {  	_ =	shalt  }
0x45: {  	_ =	shalt  }
0x46: {  	_ =	shalt  }
0x47: {  	_ =	shalt  }
0x48: {  	_ =	shalt  }
0x49: {  	_ =	shalt  }
0x4a: {  	_ =	shalt  }
0x4b: {  	_ =	shalt  }
0x4c: {  	_ =	shalt  }
0x4d: {  	_ =	shalt  }
0x4e: {  	_ =	shalt  }
0x4f: {  	_ =	shalt  }
0x50: {  	_ =	shalt  }
0x51: {  	_ =	shalt  }
0x52: {  	_ =	shalt  }
0x53: {  	_ =	shalt  }
0x54: {  	_ =	shalt  }
0x55: {  	_ =	shalt  }
0x56: {  	_ =	shalt  }
0x57: {  	_ =	shalt  }
0x58: {  	_ =	shalt  }
0x59: {  	_ =	shalt  }
0x5a: {  	_ =	shalt  }
0x5b: {  	_ =	shalt  }
0x5c: {  	_ =	shalt  }
0x5d: {  	_ =	shalt  }
0x5e: {  	_ =	shalt  }
0x5f: {  	_ =	shalt  }
0x60: {  	_ =	shalt  }
0x61: {  	_ =	shalt  }
0x62: {  	_ =	shalt  }
0x63: {  	_ =	shalt  }
0x64: {  	_ =	shalt  }
0x65: {  	_ =	shalt  }
0x66: {  	_ =	shalt  }
0x67: {  	_ =	shalt  }
0x68: {  	_ =	shalt  }
0x69: {  	_ =	shalt  }
0x6a: {  	_ =	shalt  }
0x6b: {  	_ =	shalt  }
0x6c: {  	_ =	shalt  }
0x6d: {  	_ =	shalt  }
0x6e: {  	_ =	shalt  }
0x6f: {  	_ =	shalt  }
0x70: {  	_ =	shalt  }
0x71: {  	_ =	shalt  }
0x72: {  	_ =	shalt  }
0x73: {  	_ =	shalt  }
0x74: {  	_ =	shalt  }
0x75: {  	_ =	shalt  }
0x76: {  	_ =	shalt  }
0x77: {  	_ =	shalt  }
0x78: {  	_ =	shalt  }
0x79: {  	_ =	shalt  }
0x7a: {  	_ =	shalt  }
0x7b: {  	_ =	shalt  }
0x7c: {  	_ =	shalt  }
0x7d: {  	_ =	shalt  }
0x7e: {  	_ =	shalt  }
0x7f: {  	_ =	shalt  }
0x80: {  	_ =	shalt  }
0x81: {  	_ =	shalt  }
0x82: {  	_ =	shalt  }
0x83: {  	_ =	shalt  }
0x84: {  	_ =	shalt  }
0x85: {  	_ =	shalt  }
0x86: {  	_ =	shalt  }
0x87: {  	_ =	shalt  }
.Lfunc_end0:
.L_simem_size_0:
called_computation_lowered:
.L_overlay_start_0:
0x88: {  	s2 =	sld [smem:$0x3FD9]  }
0x89: {  	s3 =	sld [smem:$0x3FFE];
	_ =	sdelay $0x1  }
0x8a: {  	s1 =	srdreg.scid  }
0x8b: {  	s0 =	sand.u32 $0x1, s1  }
0x8c: {  	s17 =	sshll.u32 s0, $0xA;
	s2 =	sadd.s32 s3, s2  }
0x8d: {  	s2 =	sadd.s32 s2, s17  }
0x8e: {  	[smem:$0x3FC0] =	sst s2  }
0x8f: {  	_ = 	snop  }
0x90: {  	s2 =	sld [smem:$0x3FD0];
	(tm) =	ssettm $0x1  }
0x91: {  	s18 =	sld [smem:$0x3FFB];
	_ =	sdelay $0x3  }
0x92: {  	_ =	strace s18  }
0x93: {  	s3 =	sld [smem:$0x3FFC];
	_ =	sdelay $0x3  }
0x94: {  	_ =	strace s3  }
0x95: {  	s3 =	sld [smem:$0x3FFD];
	_ =	sdelay $0x3  }
0x96: {  	_ =	strace s3  }
0x97: {  	_ =	strace $0x8FFFFFFF  }
0x98: {  	s19 =	sld [smem:$0x3FDB];
	_ =	sdelay $0x1  }
0x99: {  	s4 =	simm.s32 $_scs_section_size  }
0x9a: {  	s5 =	simm.s32 $_size__tile_overlayer_lowered;
	s6 =	simm.s32 $_tile_overlayer_lowered  }
0x9b: {  	s22 =	simm.s32 $0x1BFF;
	s21 =	sshll.u32 s6, $0x1;
	s3 =	sadd.s32 s4, s19  }
0x9c: {  	s7 =	simm.s32 $0x0;
	s20 =	sshll.u32 s5, $0x1;
	s5 =	sadd.s32 s21, s3  }
0x9d: {  	[timem:s7], [sflag:s22] =	dma.local [hbm:s5], s20  }
0x9e: {  	_ =	swait.ge [sflag:s22], s20  }
0x9f: {  	s4 =	ssub.s32 $0x0, s20;
	[sflag:s22] =	ssyncset.done $0x0  }
0xa0: {  	[sflag:s22] =	ssyncadd.s32 s4;
	_ =	sdelay $0x1  }
0xa1: {  	s23 =	simm.s32 $0x1B8B  }
0xa2: {  	_ =	swait.ge [sflag:s23], $0x1  }
0xa3: {  	[sflag:s23] =	ssyncset.done $0x0  }
0xa4: {  	s25 =	simm.s32 $0x1B8E;
	s24 =	sld [smem:$0x3FFE];
	[sflag:s23] =	ssyncadd.s32 $0xFFFFFFFF  }
0xa5: {  	s26 =	simm.s32 $execute0_lowered;
	[smem:$0x3FD2] =	sst s25  }
0xa6: {  	s5 =	sshll.u32 s26, $0x1;
	_ =	strace $0x80000046;
	[dreg:$0x1] =	wrdreg $0xFFFFFFFF  }
0xa7: {  	s28 =	simm.s32 $_size_execute0_lowered;
	s3 =	sadd.s32 s3, s5;
	[dreg:$0x0] =	wrdreg $0x0  }
0xa8: {  	s5 =	sshll.u32 s28, $0x1;
	[dreg:$0x2] =	wrdreg s3  }
0xa9: {  	[dreg:$0x3] =	wrdreg s5  }
0xaa: {  	[dreg:$0x4] =	wrdreg $0xC0  }
0xab: {  	_ =	task [dreg:s7], $0x5FFFF  }
0xac: {  	[dreg:$0x1] =	wrdreg $0xFFFFFFFF  }
0xad: {  	[dreg:$0x0] =	wrdreg $0x60  }
0xae: {  	[dreg:$0x2] =	wrdreg s2  }
0xaf: {  	[dreg:$0x3] =	wrdreg s24  }
0xb0: {  	[dreg:$0x4] =	wrdreg $0x52800  }
0xb1: {  	[dreg:$0x5] =	wrdreg $0x9  }
0xb2: {  	_ =	task.clear_ibuf [dreg:s7], $0x6FFFF;
	_ =	strace $0x90000046  }
0xb3: {  	s29 =	simm.s32 $0x9;
	_ =	strace $0x80000048  }
0xb4: {  	_ =	swait.ge [sflag:s29], $0x1  }
0xb5: {  	[sflag:s29] =	ssyncadd.s32 $0xFFFFFFFF  }
0xb6: {  	_ =	strace $0x90000048  }
0xb7: {  	_ =	sfence  }
0xb8: {  	s30 =	sld [smem:$0x0];
	_ =	sdelay $0x2  }
0xb9: {  	s31 =	sshll.u32 s1, $0xD;
	s1 =	sshrl.u32 s1, $0x2  }
0xba: {  	s3 =	sand.u32 $0x4000, s31;
	s1 =	sadd.s32 s1, s30  }
0xbb: {  	s0 =	sor.u32 s3, s0;
	s1 =	sshll.u32 s1, $0x11  }
0xbc: {  	s0 =	sor.u32 s1, s0  }
0xbd: {  	s0 =	sadd.s32 $0x8F2B, s0  }
0xbe: {  	[sflag:s0] =	ssyncadd.remote.s32 $0x1  }
0xbf: {  	_ =	sfence.sel $0xFFFF  }
0xc0: {  	[dreg:$0x0] =	wrdreg $0xFFFFFFFF;
	(pc) =	sbr.abs _section_cstart, $3  }
0xc1: {  	[dreg:$0x1] =	wrdreg $0xFFFFFFFF  }
0xc2: {  	_ =	task.clear_ibuf [dreg:s7], $0x2FFFF;
	_ =	strace $0x9FFFFFFF  }
0xc3: {  	(tm) =	ssettm $0x7FFFFFFF  }
tec
execute0_lowered:
.L_overlay_start_1:
0x0: {  	(tag) =	ssettag $0x1  }
0x1: {  	s3 =	rddreg [dreg:$0x0]  }
0x2: {  	s4 =	rddreg [dreg:$0x1];
	s1 =	srdreg.scid  }
0x3: {  	s0 =	stileid.u32;
	s5 =	rddreg [dreg:$0x2]  }
0x4: {  	s2 =	simm.s32 $0x0;
	s11 =	simm.s32 $0x400;
	s12 =	simm.s32 $0x5000  }
0x5: {  	s13 =	simm.s32 $0x100;
	s6 =	sand.u32 $0x1, s1;
	s1 =	rddreg [dreg:$0x3]  }
0x6: {  	s14 =	simm.s32 $0x0;
	s7 =	smul.u32 $0x500, s0;
	[smem:$0x7FF] =	sst s2  }
0x7: {  	s28 =	sshrl.u32 s0, $0x3;
	s10 =	sshll.u32 s0, $0x1;
	s30 =	smul.u32 $0x5000, s0  }
0x8: {  	s31 =	sshll.u32 s0, $0x7;
	s8 =	sshll.u32 s6, $0x7;
	_ =	strace $0x80000047  }
0x9: {  	s26 =	ssub.s32 $0x2, s6;
	s29 =	sor.u32 s6, s10;
	s10 =	sand.u32 $0x380, s31  }
0xa: {  	s7 =	sor.u32 s8, s7;
	s9 =	sshrl.u32 s26, $0x1;
	s8 =	smul.u32 $0x50000, s28  }
0xb: {  	s6 =	sshrl.u32 s30, $0x2;
	s7 =	sshrl.u32 s7, $0x3;
	s9 =	ssub.s32 s26, s9  }
0xc: {  	s7 =	sadd.s32 s7, s4;
	s4 =	smul.u32 $0x500, s29;
	s8 =	sshrl.u32 s8, $0x2  }
0xd: {  	s8 =	sadd.s32 s8, s5;
	s5 =	sadd.s32 s6, s5;
	s6 =	sadd.s32 $0xD400, s7  }
0xe: {  	s7 =	smax.u32 s9, $0x1;
	s9 =	simm.s32 $0x2800;
	s3 =	sadd.s32 s3, s4  }
0xf: {  	v0 =	vimm.f32 $0.0e+00;
	v1 =	vimm.f32 $1.000000000e+00;
	s4 =	sadd.s32 s10, s8;
	s8 =	simm.s32 $0x1;
	s10 =	simm.s32 $0x80  }
.LBB2_1:
0x10: {  	[tilespmem:s2], [sflag:$0x1] =	stream.linear.gather [hbm4b:s3+s2], $0x2800, $0x38;
	[tilespmem:$0x7A80] =	vst v63  }
0x11: {  	_ =	swait.ge [sflag:s8], $0x2800  }
0x12: {  	[sflag:s8] =	ssyncset.done $0x0  }
0x13: {  	s15 =	simm.s32 $0x0;
	[sflag:s8] =	ssyncadd.s32 $0xFFFFD800  }
.LBB2_2:
0x14: {  	p0 =	sne.s32 s15, $0x9FC0  }
.Ltmp0:
0x15: {  	_ = 	snop;
	(pc) =	sbr.rel @p0 .LBB2_2-.Ltmp0, $3  }
0x16: {  	_ =	sdelay $0x1  }
0x17: {  	s16 =	sshra.s32 s15, $0x2  }
0x18: {  	s15 =	sadd.s32 $0x40, s15;
	[tilespmem:s16+$0x2800] =	vst v0  }
0x19: {  	s15 =	simm.s32 $0x0  }
0x1a: {  	s16 =	sand.u32 $0xFE00, s15  }
0x1b: {  	s15 =	sand.u32 $0x70, s15;
	s16 =	sshrl.u32 s16, $0x2  }
0x1c: {  	s15 =	sor.u32 s15, s16  }
0x1d: {  	v2 =	vld [tilespmem:s15+$0x0];
	_ =	sdelay $0x4  }
0x1e: {  	s17 =	simm.s32 $0x40  }
0x1f: {  	s17 =	sand.u32 $0xFE00, s17;
	s16 =	simm.s32 $0x80;
	s15 =	simm.s32 $0x10  }
.LBB2_4:
0x20: {  	p0 =	sne.s32 s16, $0x9FC0;
	s18 =	sand.u32 $0x70, s15;
	s17 =	sshrl.u32 s17, $0x2  }
0x21: {  	s17 =	sor.u32 s18, s17;
	[tilespmem:v2+s9+$0x0] =	vst.idx.add.f32.msk $0xffff, v1  }
0x22: {  	v2 =	vld [tilespmem:s17+$0x0];
	_ =	sdelay $0x1  }
.Ltmp1:
0x23: {  	(pc) =	sbr.rel @p0 .LBB2_4-.Ltmp1, $2  }
0x24: {  	_ =	sdelay $0x2  }
0x25: {  	s15 =	sadd.s32 $0x10, s15;
	s17 =	sand.u32 $0xFE00, s16;
	s16 =	sadd.s32 $0x40, s16  }
0x26: {  	_ =	sdelay $0x2  }
0x27: {  	s15 =	sand.u32 $0x70, s15;
	s16 =	sshrl.u32 s17, $0x2  }
0x28: {  	[tilespmem:v2+s9+$0x0] =	vst.idx.add.f32.msk $0xffff, v1;
	s15 =	sor.u32 s15, s16  }
0x29: {  	v2 =	vld [tilespmem:s15+$0x0];
	_ =	sdelay $0x7  }
0x2a: {  	s15 =	simm.s32 $0x1;
	[tilespmem:v2+s9+$0x0] =	vst.idx.add.f32.msk $0xffff, v1  }
0x2b: {  	[spmem:s4] =	stream.strided.scatter [tilespmem:s9], [sflag:$0x1], $0x2800, s11, s10, $0x38;
	[tilespmem:$0x7A80] =	vst v63  }
0x2c: {  	_ =	swait.ge [sflag:s15], $0x2800  }
0x2d: {  	[sflag:s15] =	ssyncset.done $0x0  }
0x2e: {  	[sflag:s15] =	ssyncadd.s32 $0xFFFFD800  }
0x2f: {  	[bflag:$0x0] =	sbarrier.arrive $0xFFFF  }
0x30: {  	[tilespmem:s12], [sflag:$0x1] =	stream.strided.gather [spmem:s5], $0x280, s11, s10, $0x38;
	[tilespmem:$0x7A80] =	vst v63  }
0x31: {  	_ =	swait.ge [sflag:s15], $0x280  }
0x32: {  	[sflag:s15] =	ssyncset.done $0x0  }
0x33: {  	[sflag:s15] =	ssyncadd.s32 $0xFFFFFD80  }
.LBB2_6:
0x34: {  	s16 =	sshrl.u32 s15, $0x3  }
0x35: {  	s16 =	smul.u32 $0x50000, s16;
	_ =	sdelay $0x1  }
0x36: {  	s17 =	sshll.u32 s15, $0x7;
	s16 =	sshra.s32 s16, $0x2  }
0x37: {  	s17 =	sand.u32 $0x380, s17;
	s16 =	sadd.s32 s16, s5  }
0x38: {  	s16 =	sadd.s32 s17, s16  }
0x39: {  	[tilespmem:s9], [sflag:$0x1] =	stream.strided.gather [spmem:s16], $0x280, s11, s10, $0x38;
	[tilespmem:$0x7A80] =	vst v63  }
0x3a: {  	_ =	swait.ge [sflag:s8], $0x280  }
0x3b: {  	[sflag:s8] =	ssyncset.done $0x0  }
0x3c: {  	s16 =	simm.s32 $0x0;
	[sflag:s8] =	ssyncadd.s32 $0xFFFFFD80  }
0x3d: {  	s17 =	simm.s32 $0x40;
	v2 =	vld [tilespmem:s16+$0x2800]  }
.LBB2_7:
0x3e: {  	p0 =	sne.s32 s17, $0x9C0;
	v3 =	vld [tilespmem:s16+$0x5000];
	_ =	sdelay $0x2  }
.Ltmp2:
0x3f: {  	(pc) =	sbr.rel @p0 .LBB2_7-.Ltmp2, $4  }
0x40: {  	_ = 	snop  }
0x41: {  	v3 =	vadd.f32 v2, v3  }
0x42: {  	s18 =	sshra.s32 s17, $0x2  }
0x43: {  	s17 =	sadd.s32 $0x40, s17;
	v2 =	vld [tilespmem:s18+$0x2800];
	[tilespmem:s16+$0x5000] =	vst v3;
	s16 =	smov.u32 s18  }
0x44: {  	v3 =	vld [tilespmem:s16+$0x5000]  }
0x45: {  	s15 =	sadd.s32 $0x1, s15  }
0x46: {  	p0 =	sne.s32 s15, $0x10  }
.Ltmp3:
0x47: {  	_ = 	snop;
	(pc) =	sbr.rel @p0 .LBB2_6-.Ltmp3, $3  }
0x48: {  	_ = 	snop  }
0x49: {  	v2 =	vadd.f32 v2, v3;
	_ =	sdelay $0x1  }
0x4a: {  	[tilespmem:s16+$0x5000] =	vst v2  }
0x4b: {  	s14 =	sadd.s32 $0x1, s14  }
0x4c: {  	p0 =	sne.s32 s14, s7  }
.Ltmp4:
0x4d: {  	_ = 	snop;
	(pc) =	sbr.rel @p0 .LBB2_1-.Ltmp4, $4  }
0x4e: {  	[hbm4b:s6+s10] =	stream.strided.scatter [tilespmem:s12], [sflag:$0x1], $0x280, s13, s10, $0x38;
	[tilespmem:$0x7A80] =	vst v63  }
0x4f: {  	_ =	swait.ge [sflag:s8], $0x280  }
0x50: {  	[sflag:s8] =	ssyncset.done $0x0  }
0x51: {  	[sflag:s8] =	ssyncadd.s32 $0xFFFFFD80  }
0x52: {  	_ =	sfence.sel $0x180000  }
0x53: {  	[bflag:$0x0] =	sbarrier.arrive $0xFFFF  }
0x54: {  	p0 =	sne.s32 s0, $0x0;
	_ =	strace $0x90000047  }
0x55: {  	s0 =	sadd.s32 @!p0 $0x100000, s1;
	[bflag:$0x2] =	sbarrier.arrive $0xFFFF  }
0x56: {  	[sflag:s0] =	ssyncadd.tile.s32 @!p0 $0x1;
	_ =	shalt  }
.Lfunc_end2:
_tile_overlayer_lowered:
.L_overlay_start_2:
0x57: {  	(tag) =	ssettag $0x2  }
0x58: {  	s0 =	rddreg [dreg:$0x0];
	s2 =	stileid.u32  }
0x59: {  	s1 =	rddreg [dreg:$0x1];
	p0 =	sne.s32 s2, $0x0  }
0x5a: {  	s3 =	rddreg [dreg:$0x2];
	[bflag:$0x3] =	sbarrier.arrive $0xFFFF;
	s2 =	simm.s32 @!p0 $0x1C01  }
0x5b: {  	[timem:s3], [sflag:s2] =	dma.local @!p0 [hbm:s0], s1  }
0x5c: {  	s0 =	simm.s32 @!p0 $0x1  }
0x5d: {  	_ =	swait.ge @!p0 [sflag:s0], s1  }
0x5e: {  	s1 =	ssub.s32 @!p0 $0x0, s1;
	[sflag:s0] =	ssyncset.done @!p0 $0x0  }
0x5f: {  	[sflag:s0] =	ssyncadd.s32 @!p0 s1  }
0x60: {  	[bflag:$0x3] =	sbarrier.arrive $0xFFFF  }
0x61: {  	_ =	shalt  }

// kernel: kernel.14.cloned.1.call-start
scs
__scs_entry_jumppad:
0x0: {  	(pc) =	sbr.rel $0x88, $3  }
0x1: {  	(tag) =	ssettag $0x0;
	lr =	simm.s32 $0x1  }
0x2: {  	[smem:$0x3F99] =	sst lr;
	_ =	strace $0xD0000000  }
0x3: {  	_ = 	snop  }
0x4: {  	_ = 	snop  }
0x5: {  	_ = 	snop  }
0x6: {  	_ = 	snop  }
0x7: {  	_ = 	snop  }
__scs_overlays_trampoline_lowered:
0x8: {  	[smem:$0x3FA8] =	sst s0  }
0x9: {  	[smem:$0x3FA9] =	sst s1  }
0xa: {  	[smem:$0x3FAA] =	sst s2  }
0xb: {  	[smem:$0x3FAB] =	sst s3  }
0xc: {  	[smem:$0x3FAC] =	sst s4  }
0xd: {  	[smem:$0x3FAD] =	sst s5  }
0xe: {  	[smem:$0x3FAE] =	sst s6  }
0xf: {  	[smem:$0x3FAF] =	sst s7  }
0x10: {  	[smem:$0x3FB0] =	sst s8  }
0x11: {  	[smem:$0x3FB1] =	sst s9;
	s0 =	simm.s32 @!p0 $0x0  }
0x12: {  	s1 =	sld [smem:$0x3F97];
	s0 =	simm.s32 @p0 $0x1  }
0x13: {  	[smem:$0x3FB2] =	sst s0;
	s0 =	simm.s32 @!p1 $0x0  }
0x14: {  	s2 =	sld [smem:$0x3F96];
	s0 =	simm.s32 @p1 $0x1  }
0x15: {  	[smem:$0x3FB3] =	sst s0;
	s0 =	simm.s32 @!p2 $0x0  }
0x16: {  	s3 =	sld [smem:$0x3FDB];
	s0 =	simm.s32 @p2 $0x1  }
0x17: {  	s4 =	simm.s32 $0x1BF5;
	[smem:$0x3FB5] =	sst s0  }
0x18: {  	s0 =	sld [smem:$0x3F98];
	_ =	swait.ge [sflag:s4], $0x0  }
0x19: {  	s7 =	sld [smem:$0x3F99]  }
0x1a: {  	s8 =	sadd.s32 $0xFFFFE003, lr  }
0x1b: {  	s9 =	sadd.s32 $0xFFFFFEF7, lr;
	s5 =	simm.s32 $0xFFFFFFFF;
	p2 =	slt.u32 s8, $0xFFFFF086  }
0x1c: {  	p1 =	slt.u32 s9, $0xF7A;
	s5 =	simm.s32 @!p2 $0x0  }
0x1d: {  	s5 =	simm.s32 @p1 $0x1;
	p0 =	seq.s32 s7, s2  }
0x1e: {  	s7 =	smul.u32 @!p0 $0xF7A, s2;
	p2 =	seq.s32 @!p0 s5, $0x0  }
0x1f: {  	s9 =	smul.u32 $0xF7A, s1;
	s8 =	simm.s32 @!p0 $0x1BF5;
	p2 =	por !p2, p0  }
0x20: {  	[sflag:s8] =	ssyncset.s32 @!p0 $0xFFFFF086;
	s6 =	sadd.s32 @!p0 s3, s7;
	s7 =	simm.s32 @!p0 $0x108  }
0x21: {  	s3 =	sadd.s32 s3, s9;
	s6 =	sadd.s32 @!p0 $0x88, s6;
	s7 =	simm.s32 @p2 $0x1082  }
0x22: {  	[simem:s7], [sflag:s8] =	dma.local @!p0 [hbm:s6], $0xF7A  }
0x23: {  	s9 =	sor.u32 $0xD0000000, s2;
	s6 =	simm.s32 $0x108;
	_ =	swait.ge @!p0 [sflag:s8], $0x0  }
0x24: {  	s3 =	sadd.s32 $0x88, s3;
	s6 =	simm.s32 @!p1 $0x1082;
	[sflag:s4] =	ssyncset.s32 $0xFFFFF086  }
0x25: {  	[simem:s6], [sflag:s4] =	dma.local [hbm:s3], $0xF7A  }
0x26: {  	[smem:$0x3F99] =	sst s1;
	(tag) =	ssettag s2;
	_ =	strace s9  }
0x27: {  	s1 =	sld [smem:$0x3FA9]  }
0x28: {  	s2 =	sld [smem:$0x3FAA]  }
0x29: {  	s4 =	sld [smem:$0x3FAC]  }
0x2a: {  	p0 =	seq.s32 s5, $0x0;
	s5 =	sld [smem:$0x3FAD]  }
0x2b: {  	s6 =	sld [smem:$0x3FAE]  }
0x2c: {  	s7 =	sld [smem:$0x3FAF]  }
0x2d: {  	s3 =	simm.s32 $0x108;
	s8 =	sld [smem:$0x3FB0]  }
0x2e: {  	s3 =	simm.s32 @!p0 $0x1082;
	s9 =	sld [smem:$0x3FB1]  }
0x2f: {  	lr =	sadd.s32 s0, s3;
	s0 =	sld [smem:$0x3FA8]  }
0x30: {  	s3 =	sld [smem:$0x3FAB]  }
0x31: {  	[smem:$0x3FB4] =	sst s10  }
0x32: {  	s10 =	sld [smem:$0x3FB2];
	_ =	sdelay $0x3  }
0x33: {  	p0 =	seq.s32 s10, $0x1;
	s10 =	sld [smem:$0x3FB4];
	_ =	sdelay $0x3  }
0x34: {  	[smem:$0x3FB4] =	sst s10  }
0x35: {  	s10 =	sld [smem:$0x3FB3];
	_ =	sdelay $0x3  }
0x36: {  	p1 =	seq.s32 s10, $0x1;
	s10 =	sld [smem:$0x3FB4];
	_ =	sdelay $0x3  }
0x37: {  	[smem:$0x3FB4] =	sst s10  }
0x38: {  	s10 =	sld [smem:$0x3FB5]  }
0x39: {  	_ = 	snop;
	(pc) =	sbr.ind lr, $3  }
0x3a: {  	_ = 	snop  }
0x3b: {  	_ = 	snop  }
0x3c: {  	p2 =	seq.s32 s10, $0x1;
	s10 =	sld [smem:$0x3FB4]  }
0x3d: {  	_ =	shalt  }
0x3e: {  	_ =	shalt  }
0x3f: {  	_ =	shalt  }
0x40: {  	_ =	shalt  }
0x41: {  	_ =	shalt  }
0x42: {  	_ =	shalt  }
0x43: {  	_ =	shalt  }
0x44: {  	_ =	shalt  }
0x45: {  	_ =	shalt  }
0x46: {  	_ =	shalt  }
0x47: {  	_ =	shalt  }
0x48: {  	_ =	shalt  }
0x49: {  	_ =	shalt  }
0x4a: {  	_ =	shalt  }
0x4b: {  	_ =	shalt  }
0x4c: {  	_ =	shalt  }
0x4d: {  	_ =	shalt  }
0x4e: {  	_ =	shalt  }
0x4f: {  	_ =	shalt  }
0x50: {  	_ =	shalt  }
0x51: {  	_ =	shalt  }
0x52: {  	_ =	shalt  }
0x53: {  	_ =	shalt  }
0x54: {  	_ =	shalt  }
0x55: {  	_ =	shalt  }
0x56: {  	_ =	shalt  }
0x57: {  	_ =	shalt  }
0x58: {  	_ =	shalt  }
0x59: {  	_ =	shalt  }
0x5a: {  	_ =	shalt  }
0x5b: {  	_ =	shalt  }
0x5c: {  	_ =	shalt  }
0x5d: {  	_ =	shalt  }
0x5e: {  	_ =	shalt  }
0x5f: {  	_ =	shalt  }
0x60: {  	_ =	shalt  }
0x61: {  	_ =	shalt  }
0x62: {  	_ =	shalt  }
0x63: {  	_ =	shalt  }
0x64: {  	_ =	shalt  }
0x65: {  	_ =	shalt  }
0x66: {  	_ =	shalt  }
0x67: {  	_ =	shalt  }
0x68: {  	_ =	shalt  }
0x69: {  	_ =	shalt  }
0x6a: {  	_ =	shalt  }
0x6b: {  	_ =	shalt  }
0x6c: {  	_ =	shalt  }
0x6d: {  	_ =	shalt  }
0x6e: {  	_ =	shalt  }
0x6f: {  	_ =	shalt  }
0x70: {  	_ =	shalt  }
0x71: {  	_ =	shalt  }
0x72: {  	_ =	shalt  }
0x73: {  	_ =	shalt  }
0x74: {  	_ =	shalt  }
0x75: {  	_ =	shalt  }
0x76: {  	_ =	shalt  }
0x77: {  	_ =	shalt  }
0x78: {  	_ =	shalt  }
0x79: {  	_ =	shalt  }
0x7a: {  	_ =	shalt  }
0x7b: {  	_ =	shalt  }
0x7c: {  	_ =	shalt  }
0x7d: {  	_ =	shalt  }
0x7e: {  	_ =	shalt  }
0x7f: {  	_ =	shalt  }
0x80: {  	_ =	shalt  }
0x81: {  	_ =	shalt  }
0x82: {  	_ =	shalt  }
0x83: {  	_ =	shalt  }
0x84: {  	_ =	shalt  }
0x85: {  	_ =	shalt  }
0x86: {  	_ =	shalt  }
0x87: {  	_ =	shalt  }
.Lfunc_end0:
.L_simem_size_0:
called_computation.1_lowered:
.L_overlay_start_0:
0x88: {  	s2 =	sld [smem:$0x3FD9]  }
0x89: {  	s3 =	sld [smem:$0x3FFE];
	_ =	sdelay $0x1  }
0x8a: {  	s1 =	srdreg.scid  }
0x8b: {  	s0 =	sand.u32 $0x1, s1  }
0x8c: {  	s17 =	sshll.u32 s0, $0xA;
	s2 =	sadd.s32 s3, s2  }
0x8d: {  	s2 =	sadd.s32 s2, s17  }
0x8e: {  	[smem:$0x3FC0] =	sst s2  }
0x8f: {  	_ = 	snop  }
0x90: {  	s2 =	sld [smem:$0x3FD0];
	(tm) =	ssettm $0x1  }
0x91: {  	s18 =	sld [smem:$0x3FFB];
	_ =	sdelay $0x3  }
0x92: {  	_ =	strace s18  }
0x93: {  	s3 =	sld [smem:$0x3FFC];
	_ =	sdelay $0x3  }
0x94: {  	_ =	strace s3  }
0x95: {  	s3 =	sld [smem:$0x3FFD];
	_ =	sdelay $0x3  }
0x96: {  	_ =	strace s3  }
0x97: {  	_ =	strace $0x8FFFFFFF  }
0x98: {  	s19 =	sld [smem:$0x3FDB];
	_ =	sdelay $0x1  }
0x99: {  	s4 =	simm.s32 $_scs_section_size  }
0x9a: {  	s5 =	simm.s32 $_size__tile_overlayer_lowered;
	s6 =	simm.s32 $_tile_overlayer_lowered  }
0x9b: {  	s22 =	simm.s32 $0x1BFF;
	s21 =	sshll.u32 s6, $0x1;
	s3 =	sadd.s32 s4, s19  }
0x9c: {  	s7 =	simm.s32 $0x0;
	s20 =	sshll.u32 s5, $0x1;
	s5 =	sadd.s32 s21, s3  }
0x9d: {  	[timem:s7], [sflag:s22] =	dma.local [hbm:s5], s20  }
0x9e: {  	_ =	swait.ge [sflag:s22], s20  }
0x9f: {  	s4 =	ssub.s32 $0x0, s20;
	[sflag:s22] =	ssyncset.done $0x0  }
0xa0: {  	[sflag:s22] =	ssyncadd.s32 s4;
	_ =	sdelay $0x1  }
0xa1: {  	s23 =	simm.s32 $0x1B8B  }
0xa2: {  	_ =	swait.ge [sflag:s23], $0x1  }
0xa3: {  	[sflag:s23] =	ssyncset.done $0x0  }
0xa4: {  	s25 =	simm.s32 $0x1B8E;
	s24 =	sld [smem:$0x3FFE];
	[sflag:s23] =	ssyncadd.s32 $0xFFFFFFFF  }
0xa5: {  	s26 =	simm.s32 $execute0_lowered;
	[smem:$0x3FD2] =	sst s25  }
0xa6: {  	s5 =	sshll.u32 s26, $0x1;
	_ =	strace $0x80000049;
	[dreg:$0x1] =	wrdreg $0xFFFFFFFF  }
0xa7: {  	s28 =	simm.s32 $_size_execute0_lowered;
	s3 =	sadd.s32 s3, s5;
	[dreg:$0x0] =	wrdreg $0x0  }
0xa8: {  	s5 =	sshll.u32 s28, $0x1;
	[dreg:$0x2] =	wrdreg s3  }
0xa9: {  	[dreg:$0x3] =	wrdreg s5  }
0xaa: {  	[dreg:$0x4] =	wrdreg $0xC0  }
0xab: {  	_ =	task [dreg:s7], $0x5FFFF  }
0xac: {  	[dreg:$0x1] =	wrdreg $0xFFFFFFFF  }
0xad: {  	[dreg:$0x0] =	wrdreg $0x60  }
0xae: {  	[dreg:$0x2] =	wrdreg s24  }
0xaf: {  	[dreg:$0x3] =	wrdreg s2  }
0xb0: {  	[dreg:$0x4] =	wrdreg $0xA8000  }
0xb1: {  	[dreg:$0x5] =	wrdreg $0x9  }
0xb2: {  	_ =	task.clear_ibuf [dreg:s7], $0x6FFFF;
	_ =	strace $0x90000049  }
0xb3: {  	s29 =	simm.s32 $0x9;
	_ =	strace $0x8000004B  }
0xb4: {  	_ =	swait.ge [sflag:s29], $0x1  }
0xb5: {  	[sflag:s29] =	ssyncadd.s32 $0xFFFFFFFF  }
0xb6: {  	_ =	strace $0x9000004B  }
0xb7: {  	_ =	sfence  }
0xb8: {  	s30 =	sld [smem:$0x0];
	_ =	sdelay $0x2  }
0xb9: {  	s31 =	sshll.u32 s1, $0xD;
	s1 =	sshrl.u32 s1, $0x2  }
0xba: {  	s3 =	sand.u32 $0x4000, s31;
	s1 =	sadd.s32 s1, s30  }
0xbb: {  	s0 =	sor.u32 s3, s0;
	s1 =	sshll.u32 s1, $0x11  }
0xbc: {  	s0 =	sor.u32 s1, s0  }
0xbd: {  	s0 =	sadd.s32 $0x8F2B, s0  }
0xbe: {  	[sflag:s0] =	ssyncadd.remote.s32 $0x1  }
0xbf: {  	_ =	sfence.sel $0xFFFF  }
0xc0: {  	[dreg:$0x0] =	wrdreg $0xFFFFFFFF;
	(pc) =	sbr.abs _section_cstart, $3  }
0xc1: {  	[dreg:$0x1] =	wrdreg $0xFFFFFFFF  }
0xc2: {  	_ =	task.clear_ibuf [dreg:s7], $0x2FFFF;
	_ =	strace $0x9FFFFFFF  }
0xc3: {  	(tm) =	ssettm $0x7FFFFFFF  }
tec
execute0_lowered:
.L_overlay_start_1:
0x0: {  	(tag) =	ssettag $0x1  }
0x1: {  	s0 =	rddreg [dreg:$0x0]  }
0x2: {  	s15 =	rddreg [dreg:$0x1]  }
0x3: {  	s1 =	rddreg [dreg:$0x2]  }
0x4: {  	s2 =	srdreg.scid;
	s3 =	simm.s32 $0x0;
	s21 =	stileid.u32  }
0x5: {  	s20 =	simm.s32 $0x1400;
	s28 =	simm.s32 $0x2700;
	s6 =	smul.u32 $0x14000, s21  }
0x6: {  	s29 =	simm.s32 $0x2780;
	s18 =	sand.u32 $0x1, s2;
	s11 =	smul.u32 $0x2800, s21  }
0x7: {  	[smem:$0x7FF] =	sst s3;
	s4 =	sadd.s32 $0xD400, s0;
	s7 =	smul.u32 $0x50000, s21  }
0x8: {  	s14 =	sadd.s32 $0x3400, s0;
	s16 =	smul.u32 $0x500, s21;
	s31 =	sshll.u32 s21, $0x6  }
0x9: {  	s21 =	simm.s32 $0x80;
	s5 =	smul.u32 $0x140000, s18;
	_ =	strace $0x8000004A  }
0xa: {  	s22 =	ssub.s32 $0x2, s18;
	p0 =	seq.s32 s18, $0x0;
	s18 =	sor.u32 $0x1C03, s31  }
0xb: {  	s8 =	sadd.s32 s11, s0;
	s23 =	sshrl.u32 s22, $0x1;
	s24 =	sshrl.u32 s7, $0x2  }
0xc: {  	s13 =	sshrl.u32 s11, $0x3;
	s11 =	sadd.s32 s4, s11;
	s12 =	sadd.s32 s14, s16  }
0xd: {  	s5 =	sadd.s32 s6, s5;
	s17 =	ssub.s32 s22, s23;
	s25 =	sadd.s32 $0x35400, s8  }
0xe: {  	s26 =	sadd.s32 $0x5000, s13;
	s10 =	sadd.s32 $0x5280, s13;
	s19 =	sadd.s32 $0x280, s13  }
0xf: {  	s13 =	sadd.s32 s15, s16;
	s22 =	simm.s32 $0x2800;
	s23 =	simm.s32 $0x6800  }
0x10: {  	s5 =	sshrl.u32 s5, $0x3;
	[dreg:$0x4] =	wrdreg s25;
	s30 =	sadd.s32 s14, s26  }
.Ltmp0:
0x11: {  	s8 =	sadd.s32 s15, s26;
	s9 =	sadd.s32 s14, s10;
	(pc) =	sbr.rel .LBB2_1-.Ltmp0, $4  }
0x12: {  	s10 =	sadd.s32 s15, s10;
	s14 =	sadd.s32 s14, s19;
	s15 =	sadd.s32 s15, s19  }
0x13: {  	s17 =	smax.u32 s17, $0x1;
	s19 =	simm.s32 $0x3;
	s25 =	simm.s32 $0x2  }
0x14: {  	s26 =	simm.s32 $0x1380;
	s0 =	sadd.s32 s5, s0;
	s5 =	sadd.s32 s24, s1  }
0x15: {  	[dreg:$0x5] =	wrdreg s30;
	s24 =	simm.s32 $0x1;
	s16 =	sadd.s32 $0x5D400, s0  }
.LBB2_11:
0x16: {  	s0 =	sadd.s32 $0x80, s31;
	[sflag:s19] =	ssyncadd.s32 $0xFFFFC000  }
0x17: {  	[tilespmem:s23], [sflag:$0x2] =	stream.indirect.gather [hbm4b:s4+s21], $0x80, s0, s21, $0xb8;
	[tilespmem:$0x1E800] =	vst v63  }
0x18: {  	_ =	swait.ge [sflag:s24], $0x4000  }
0x19: {  	[sflag:s24] =	ssyncset.done $0x0  }
0x1a: {  	s6 =	sadd.s32 $0x1400, s31;
	[sflag:s24] =	ssyncadd.s32 $0xFFFFC000  }
0x1b: {  	[spmem:s1] =	stream.indirect.scatter.add.f32 [tilespmem:s22], [sflag:$0x3], $0x80, s6, s21, $0xb8;
	[tilespmem:$0x1E800] =	vst v63  }
0x1c: {  	_ =	swait.ge [sflag:s19], $0x4000  }
0x1d: {  	[sflag:s19] =	ssyncset.done $0x0  }
0x1e: {  	s7 =	sadd.s32 $0x100, s31;
	[sflag:s19] =	ssyncadd.s32 $0xFFFFC000  }
0x1f: {  	[tilespmem:s22], [sflag:$0x1] =	stream.indirect.gather [hbm4b:s4+s21], $0x80, s7, s21, $0xb8;
	[tilespmem:$0x1E800] =	vst v63  }
0x20: {  	_ =	swait.ge [sflag:s25], $0x4000  }
0x21: {  	[sflag:s25] =	ssyncset.done $0x0  }
0x22: {  	s31 =	sadd.s32 $0x1480, s31;
	[sflag:s25] =	ssyncadd.s32 $0xFFFFC000  }
0x23: {  	[spmem:s1] =	stream.indirect.scatter.add.f32 [tilespmem:s23], [sflag:$0x3], $0x80, s31, s21, $0xb8;
	[tilespmem:$0x1E800] =	vst v63  }
0x24: {  	_ =	swait.ge [sflag:s19], $0x4000  }
0x25: {  	[sflag:s19] =	ssyncset.done $0x0  }
0x26: {  	[sflag:s19] =	ssyncadd.s32 $0xFFFFC000  }
.LBB2_12:
0x27: {  	[tilespmem:s23], [sflag:$0x2] =	stream.indirect.gather [hbm4b:s4+s21], $0x80, s26, s21, $0xb8;
	[tilespmem:$0x1E800] =	vst v63  }
0x28: {  	_ =	swait.ge [sflag:s24], $0x4000  }
0x29: {  	[sflag:s24] =	ssyncset.done $0x0  }
0x2a: {  	[sflag:s24] =	ssyncadd.s32 $0xFFFFC000  }
0x2b: {  	[spmem:s1] =	stream.indirect.scatter.add.f32 [tilespmem:s22], [sflag:$0x3], $0x80, s28, s21, $0xb8;
	[tilespmem:$0x1E800] =	vst v63  }
0x2c: {  	_ =	swait.ge [sflag:s19], $0x4000  }
0x2d: {  	[sflag:s19] =	ssyncset.done $0x0  }
0x2e: {  	[sflag:s19] =	ssyncadd.s32 $0xFFFFC000  }
0x2f: {  	_ =	swait.ge [sflag:s25], $0x4000  }
0x30: {  	[sflag:s25] =	ssyncset.done $0x0  }
0x31: {  	[sflag:s25] =	ssyncadd.s32 $0xFFFFC000  }
0x32: {  	[spmem:s1] =	stream.indirect.scatter.add.f32 [tilespmem:s23], [sflag:$0x3], $0x80, s29, s21, $0xb8;
	[tilespmem:$0x1E800] =	vst v63  }
0x33: {  	_ =	swait.ge [sflag:s19], $0x4000  }
0x34: {  	s3 =	sadd.s32 $0x1, s3;
	[sflag:s19] =	ssyncset.done $0x0  }
0x35: {  	p1 =	sne.s32 s3, s17;
	[sflag:s19] =	ssyncadd.s32 $0xFFFFC000  }
.Ltmp1:
0x36: {  	[bflag:$0x0] =	sbarrier.arrive $0xFFFF;
	(pc) =	sbr.rel @!p1 .LBB2_13-.Ltmp1, $4  }
0x37: {  	[hbm:s16], [sflag:s18] =	dma.local [spmem:s30], $0x2800  }
0x38: {  	_ =	swait.ge [sflag:s19], $0x2800  }
0x39: {  	[sflag:s19] =	ssyncset.done $0x0  }
0x3a: {  	[sflag:s19] =	ssyncadd.s32 $0xFFFFD800  }
.LBB2_1:
.Ltmp2:
0x3b: {  	(pc) =	sbr.rel @!p0 .LBB2_2-.Ltmp2, $2  }
0x3c: {  	_ =	sdelay $0x2  }
0x3d: {  	s30 =	sshrl.u32 s5, $0x3  }
0x3e: {  	[spmem:s30], [sflag:s18] =	dma.local [hbm:s11], $0x2800  }
0x3f: {  	_ =	swait.ge [sflag:s19], $0x2800  }
0x40: {  	[sflag:s19] =	ssyncset.done $0x0  }
0x41: {  	[sflag:s19] =	ssyncadd.s32 $0xFFFFD800  }
0x42: {  	s0 =	simm.s32 $0x0;
	[bflag:$0x0] =	sbarrier.arrive $0xFFFF  }
0x43: {  	[tilespmem:s0], [sflag:$0x3] =	stream.linear.gather [hbm4b:s12+s0], $0x1400, $0x38;
	[tilespmem:$0x1E800] =	vst v63  }
0x44: {  	_ =	swait.ge [sflag:s19], $0x1400  }
0x45: {  	[sflag:s19] =	ssyncset.done $0x0  }
0x46: {  	[sflag:s19] =	ssyncadd.s32 $0xFFFFEC00  }
0x47: {  	[tilespmem:s20], [sflag:$0x3] =	stream.linear.gather [hbm4b:s13+s0], $0x1400, $0x38;
	[tilespmem:$0x1E800] =	vst v63  }
0x48: {  	_ =	swait.ge [sflag:s19], $0x1400  }
0x49: {  	[sflag:s19] =	ssyncset.done $0x0  }
0x4a: {  	[sflag:s19] =	ssyncadd.s32 $0xFFFFEC00  }
0x4b: {  	[tilespmem:s22], [sflag:$0x1] =	stream.indirect.gather [hbm4b:s4+s21], $0x80, s0, s21, $0xb8;
	[tilespmem:$0x1E800] =	vst v63  }
0x4c: {  	s7 =	simm.s32 $0x80  }
0x4d: {  	[tilespmem:s23], [sflag:$0x2] =	stream.indirect.gather [hbm4b:s4+s21], $0x80, s7, s21, $0xb8;
	[tilespmem:$0x1E800] =	vst v63  }
0x4e: {  	_ =	swait.ge [sflag:s24], $0x4000  }
0x4f: {  	[sflag:s24] =	ssyncset.done $0x0  }
0x50: {  	s2 =	simm.s32 $0x1400;
	[sflag:s24] =	ssyncadd.s32 $0xFFFFC000  }
0x51: {  	[spmem:s1] =	stream.indirect.scatter.add.f32 [tilespmem:s22], [sflag:$0x3], $0x80, s2, s21, $0xb8;
	[tilespmem:$0x1E800] =	vst v63  }
0x52: {  	_ =	swait.ge [sflag:s19], $0x4000  }
0x53: {  	[sflag:s19] =	ssyncset.done $0x0  }
0x54: {  	s6 =	simm.s32 $0x100;
	[sflag:s19] =	ssyncadd.s32 $0xFFFFC000  }
0x55: {  	[tilespmem:s22], [sflag:$0x1] =	stream.indirect.gather [hbm4b:s4+s21], $0x80, s6, s21, $0xb8;
	[tilespmem:$0x1E800] =	vst v63  }
0x56: {  	_ =	swait.ge [sflag:s25], $0x4000  }
0x57: {  	[sflag:s25] =	ssyncset.done $0x0  }
0x58: {  	s7 =	simm.s32 $0x1480;
	[sflag:s25] =	ssyncadd.s32 $0xFFFFC000  }
0x59: {  	[spmem:s1] =	stream.indirect.scatter.add.f32 [tilespmem:s23], [sflag:$0x3], $0x80, s7, s21, $0xb8;
	[tilespmem:$0x1E800] =	vst v63  }
0x5a: {  	_ =	swait.ge [sflag:s19], $0x4000  }
0x5b: {  	s31 =	simm.s32 $0x100;
	s0 =	simm.s32 $0x800;
	[sflag:s19] =	ssyncset.done $0x0  }
.LBB2_8:
0x5c: {  	s2 =	sadd.s32 $0x80, s31  }
0x5d: {  	[sflag:s19] =	ssyncadd.s32 $0xFFFFC000;
	s6 =	smov.u32 s0;
	s7 =	sadd.s32 $0x400, s0  }
0x5e: {  	[tilespmem:s23], [sflag:$0x2] =	stream.indirect.gather [hbm4b:s4+s21], $0x80, s2, s21, $0xb8;
	[tilespmem:$0x1E800] =	vst v63  }
0x5f: {  	p1 =	sne.s32 s0, $0x4800;
	_ =	swait.ge [sflag:s24], $0x4000  }
0x60: {  	[sflag:s24] =	ssyncset.done $0x0  }
0x61: {  	s0 =	sadd.s32 $0x1400, s31;
	[sflag:s24] =	ssyncadd.s32 $0xFFFFC000  }
0x62: {  	[spmem:s1] =	stream.indirect.scatter.add.f32 [tilespmem:s22], [sflag:$0x3], $0x80, s0, s21, $0xb8;
	[tilespmem:$0x1E800] =	vst v63  }
0x63: {  	_ =	swait.ge [sflag:s19], $0x4000  }
0x64: {  	[sflag:s19] =	ssyncset.done $0x0  }
0x65: {  	s0 =	sadd.s32 $0x100, s31;
	[sflag:s19] =	ssyncadd.s32 $0xFFFFC000  }
0x66: {  	[tilespmem:s22], [sflag:$0x1] =	stream.indirect.gather [hbm4b:s4+s21], $0x80, s0, s21, $0xb8;
	[tilespmem:$0x1E800] =	vst v63  }
0x67: {  	_ =	swait.ge [sflag:s25], $0x4000  }
.Ltmp3:
0x68: {  	[sflag:s25] =	ssyncset.done $0x0;
	(pc) =	sbr.rel @p1 .LBB2_8-.Ltmp3, $4  }
0x69: {  	s0 =	sadd.s32 $0x1480, s31;
	[sflag:s25] =	ssyncadd.s32 $0xFFFFC000  }
0x6a: {  	[spmem:s1] =	stream.indirect.scatter.add.f32 [tilespmem:s23], [sflag:$0x3], $0x80, s0, s21, $0xb8;
	[tilespmem:$0x1E800] =	vst v63  }
0x6b: {  	_ =	swait.ge [sflag:s19], $0x4000  }
0x6c: {  	s31 =	sshra.s32 s6, $0x2;
	s0 =	smov.u32 s7;
	[sflag:s19] =	ssyncset.done $0x0  }
0x6d: {  	s0 =	sadd.s32 $0x80, s31;
	[sflag:s19] =	ssyncadd.s32 $0xFFFFC000  }
0x6e: {  	[tilespmem:s23], [sflag:$0x2] =	stream.indirect.gather [hbm4b:s4+s21], $0x80, s0, s21, $0xb8;
	[tilespmem:$0x1E800] =	vst v63  }
0x6f: {  	_ =	swait.ge [sflag:s24], $0x4000  }
0x70: {  	[sflag:s24] =	ssyncset.done $0x0  }
0x71: {  	s6 =	sadd.s32 $0x1400, s31;
	[sflag:s24] =	ssyncadd.s32 $0xFFFFC000  }
0x72: {  	[spmem:s1] =	stream.indirect.scatter.add.f32 [tilespmem:s22], [sflag:$0x3], $0x80, s6, s21, $0xb8;
	[tilespmem:$0x1E800] =	vst v63  }
0x73: {  	_ =	swait.ge [sflag:s19], $0x4000  }
0x74: {  	[sflag:s19] =	ssyncset.done $0x0  }
0x75: {  	s7 =	sadd.s32 $0x100, s31;
	[sflag:s19] =	ssyncadd.s32 $0xFFFFC000  }
0x76: {  	[tilespmem:s22], [sflag:$0x1] =	stream.indirect.gather [hbm4b:s4+s21], $0x80, s7, s21, $0xb8;
	[tilespmem:$0x1E800] =	vst v63  }
0x77: {  	_ =	swait.ge [sflag:s25], $0x4000  }
0x78: {  	[sflag:s25] =	ssyncset.done $0x0  }
0x79: {  	s2 =	sadd.s32 $0x1480, s31;
	[sflag:s25] =	ssyncadd.s32 $0xFFFFC000  }
0x7a: {  	[spmem:s1] =	stream.indirect.scatter.add.f32 [tilespmem:s23], [sflag:$0x3], $0x80, s2, s21, $0xb8;
	[tilespmem:$0x1E800] =	vst v63  }
0x7b: {  	_ =	swait.ge [sflag:s19], $0x4000  }
0x7c: {  	[sflag:s19] =	ssyncset.done $0x0  }
0x7d: {  	[sflag:s19] =	ssyncadd.s32 $0xFFFFC000  }
0x7e: {  	[tilespmem:s23], [sflag:$0x2] =	stream.indirect.gather [hbm4b:s4+s21], $0x80, s26, s21, $0xb8;
	[tilespmem:$0x1E800] =	vst v63  }
0x7f: {  	_ =	swait.ge [sflag:s24], $0x4000  }
0x80: {  	[sflag:s24] =	ssyncset.done $0x0  }
0x81: {  	[sflag:s24] =	ssyncadd.s32 $0xFFFFC000  }
0x82: {  	[spmem:s1] =	stream.indirect.scatter.add.f32 [tilespmem:s22], [sflag:$0x3], $0x80, s28, s21, $0xb8;
	[tilespmem:$0x1E800] =	vst v63  }
0x83: {  	_ =	swait.ge [sflag:s19], $0x4000  }
0x84: {  	[sflag:s19] =	ssyncset.done $0x0  }
0x85: {  	[sflag:s19] =	ssyncadd.s32 $0xFFFFC000  }
0x86: {  	_ =	swait.ge [sflag:s25], $0x4000  }
0x87: {  	[sflag:s25] =	ssyncset.done $0x0  }
0x88: {  	[sflag:s25] =	ssyncadd.s32 $0xFFFFC000  }
0x89: {  	[spmem:s1] =	stream.indirect.scatter.add.f32 [tilespmem:s23], [sflag:$0x3], $0x80, s29, s21, $0xb8;
	[tilespmem:$0x1E800] =	vst v63  }
0x8a: {  	_ =	swait.ge [sflag:s19], $0x4000  }
0x8b: {  	[sflag:s19] =	ssyncset.done $0x0  }
0x8c: {  	s6 =	simm.s32 $0x0;
	[sflag:s19] =	ssyncadd.s32 $0xFFFFC000  }
0x8d: {  	[tilespmem:s6], [sflag:$0x3] =	stream.linear.gather [hbm4b:s14+s6], $0x1400, $0x38;
	[tilespmem:$0x1E800] =	vst v63  }
0x8e: {  	_ =	swait.ge [sflag:s19], $0x1400  }
0x8f: {  	[sflag:s19] =	ssyncset.done $0x0  }
0x90: {  	[sflag:s19] =	ssyncadd.s32 $0xFFFFEC00  }
0x91: {  	[tilespmem:s20], [sflag:$0x3] =	stream.linear.gather [hbm4b:s15+s6], $0x1400, $0x38;
	[tilespmem:$0x1E800] =	vst v63  }
0x92: {  	_ =	swait.ge [sflag:s19], $0x1400  }
0x93: {  	[sflag:s19] =	ssyncset.done $0x0  }
0x94: {  	[sflag:s19] =	ssyncadd.s32 $0xFFFFEC00  }
0x95: {  	[tilespmem:s22], [sflag:$0x1] =	stream.indirect.gather [hbm4b:s4+s21], $0x80, s6, s21, $0xb8;
	[tilespmem:$0x1E800] =	vst v63  }
0x96: {  	s7 =	simm.s32 $0x80  }
0x97: {  	[tilespmem:s23], [sflag:$0x2] =	stream.indirect.gather [hbm4b:s4+s21], $0x80, s7, s21, $0xb8;
	[tilespmem:$0x1E800] =	vst v63  }
0x98: {  	_ =	swait.ge [sflag:s24], $0x4000  }
0x99: {  	[sflag:s24] =	ssyncset.done $0x0  }
0x9a: {  	s2 =	simm.s32 $0x1400;
	[sflag:s24] =	ssyncadd.s32 $0xFFFFC000  }
0x9b: {  	[spmem:s1] =	stream.indirect.scatter.add.f32 [tilespmem:s22], [sflag:$0x3], $0x80, s2, s21, $0xb8;
	[tilespmem:$0x1E800] =	vst v63  }
0x9c: {  	_ =	swait.ge [sflag:s19], $0x4000  }
0x9d: {  	[sflag:s19] =	ssyncset.done $0x0  }
0x9e: {  	s6 =	simm.s32 $0x100;
	[sflag:s19] =	ssyncadd.s32 $0xFFFFC000  }
0x9f: {  	[tilespmem:s22], [sflag:$0x1] =	stream.indirect.gather [hbm4b:s4+s21], $0x80, s6, s21, $0xb8;
	[tilespmem:$0x1E800] =	vst v63  }
0xa0: {  	_ =	swait.ge [sflag:s25], $0x4000  }
0xa1: {  	[sflag:s25] =	ssyncset.done $0x0  }
0xa2: {  	s7 =	simm.s32 $0x1480;
	[sflag:s25] =	ssyncadd.s32 $0xFFFFC000  }
0xa3: {  	[spmem:s1] =	stream.indirect.scatter.add.f32 [tilespmem:s23], [sflag:$0x3], $0x80, s7, s21, $0xb8;
	[tilespmem:$0x1E800] =	vst v63  }
0xa4: {  	_ =	swait.ge [sflag:s19], $0x4000  }
0xa5: {  	s31 =	simm.s32 $0x100;
	s0 =	simm.s32 $0x800;
	[sflag:s19] =	ssyncset.done $0x0  }
.LBB2_10:
0xa6: {  	s2 =	sadd.s32 $0x80, s31  }
0xa7: {  	[sflag:s19] =	ssyncadd.s32 $0xFFFFC000;
	s6 =	smov.u32 s0;
	s7 =	sadd.s32 $0x400, s0  }
0xa8: {  	[tilespmem:s23], [sflag:$0x2] =	stream.indirect.gather [hbm4b:s4+s21], $0x80, s2, s21, $0xb8;
	[tilespmem:$0x1E800] =	vst v63  }
0xa9: {  	p1 =	seq.s32 s0, $0x4800;
	_ =	swait.ge [sflag:s24], $0x4000  }
0xaa: {  	[sflag:s24] =	ssyncset.done $0x0  }
0xab: {  	s0 =	sadd.s32 $0x1400, s31;
	[sflag:s24] =	ssyncadd.s32 $0xFFFFC000  }
0xac: {  	[spmem:s1] =	stream.indirect.scatter.add.f32 [tilespmem:s22], [sflag:$0x3], $0x80, s0, s21, $0xb8;
	[tilespmem:$0x1E800] =	vst v63  }
0xad: {  	_ =	swait.ge [sflag:s19], $0x4000  }
0xae: {  	[sflag:s19] =	ssyncset.done $0x0  }
0xaf: {  	s0 =	sadd.s32 $0x100, s31;
	[sflag:s19] =	ssyncadd.s32 $0xFFFFC000  }
0xb0: {  	[tilespmem:s22], [sflag:$0x1] =	stream.indirect.gather [hbm4b:s4+s21], $0x80, s0, s21, $0xb8;
	[tilespmem:$0x1E800] =	vst v63  }
0xb1: {  	_ =	swait.ge [sflag:s25], $0x4000  }
.Ltmp4:
0xb2: {  	[sflag:s25] =	ssyncset.done $0x0;
	(pc) =	sbr.rel @!p1 .LBB2_10-.Ltmp4, $4  }
0xb3: {  	s0 =	sadd.s32 $0x1480, s31;
	[sflag:s25] =	ssyncadd.s32 $0xFFFFC000  }
0xb4: {  	[spmem:s1] =	stream.indirect.scatter.add.f32 [tilespmem:s23], [sflag:$0x3], $0x80, s0, s21, $0xb8;
	[tilespmem:$0x1E800] =	vst v63  }
0xb5: {  	_ =	swait.ge [sflag:s19], $0x4000  }
0xb6: {  	s31 =	sshra.s32 s6, $0x2;
	s0 =	smov.u32 s7;
	[sflag:s19] =	ssyncset.done $0x0  }
.Ltmp5:
0xb7: {  	_ = 	snop;
	(pc) =	sbr.rel .LBB2_11-.Ltmp5, $1  }
0xb8: {  	_ =	sdelay $0x3  }
.LBB2_2:
0xb9: {  	s0 =	rddreg [dreg:$0x4]  }
0xba: {  	[spmem:s30], [sflag:s18] =	dma.local [hbm:s0], $0x2800  }
0xbb: {  	_ =	swait.ge [sflag:s19], $0x2800  }
0xbc: {  	[sflag:s19] =	ssyncset.done $0x0  }
0xbd: {  	[sflag:s19] =	ssyncadd.s32 $0xFFFFD800  }
0xbe: {  	[bflag:$0x0] =	sbarrier.arrive $0xFFFF  }
0xbf: {  	s6 =	simm.s32 $0x0;
	s2 =	rddreg [dreg:$0x5]  }
0xc0: {  	[tilespmem:s6], [sflag:$0x3] =	stream.linear.gather [hbm4b:s2+s6], $0x1400, $0x38;
	[tilespmem:$0x1E800] =	vst v63  }
0xc1: {  	_ =	swait.ge [sflag:s19], $0x1400  }
0xc2: {  	[sflag:s19] =	ssyncset.done $0x0  }
0xc3: {  	[sflag:s19] =	ssyncadd.s32 $0xFFFFEC00  }
0xc4: {  	[tilespmem:s20], [sflag:$0x3] =	stream.linear.gather [hbm4b:s8+s6], $0x1400, $0x38;
	[tilespmem:$0x1E800] =	vst v63  }
0xc5: {  	_ =	swait.ge [sflag:s19], $0x1400  }
0xc6: {  	[sflag:s19] =	ssyncset.done $0x0  }
0xc7: {  	[sflag:s19] =	ssyncadd.s32 $0xFFFFEC00  }
0xc8: {  	[tilespmem:s22], [sflag:$0x1] =	stream.indirect.gather [hbm4b:s4+s21], $0x80, s6, s21, $0xb8;
	[tilespmem:$0x1E800] =	vst v63  }
0xc9: {  	s7 =	simm.s32 $0x80  }
0xca: {  	[tilespmem:s23], [sflag:$0x2] =	stream.indirect.gather [hbm4b:s4+s21], $0x80, s7, s21, $0xb8;
	[tilespmem:$0x1E800] =	vst v63  }
0xcb: {  	_ =	swait.ge [sflag:s24], $0x4000  }
0xcc: {  	[sflag:s24] =	ssyncset.done $0x0  }
0xcd: {  	s2 =	simm.s32 $0x1400;
	[sflag:s24] =	ssyncadd.s32 $0xFFFFC000  }
0xce: {  	[spmem:s1] =	stream.indirect.scatter.add.f32 [tilespmem:s22], [sflag:$0x3], $0x80, s2, s21, $0xb8;
	[tilespmem:$0x1E800] =	vst v63  }
0xcf: {  	_ =	swait.ge [sflag:s19], $0x4000  }
0xd0: {  	[sflag:s19] =	ssyncset.done $0x0  }
0xd1: {  	s6 =	simm.s32 $0x100;
	[sflag:s19] =	ssyncadd.s32 $0xFFFFC000  }
0xd2: {  	[tilespmem:s22], [sflag:$0x1] =	stream.indirect.gather [hbm4b:s4+s21], $0x80, s6, s21, $0xb8;
	[tilespmem:$0x1E800] =	vst v63  }
0xd3: {  	_ =	swait.ge [sflag:s25], $0x4000  }
0xd4: {  	[sflag:s25] =	ssyncset.done $0x0  }
0xd5: {  	s7 =	simm.s32 $0x1480;
	[sflag:s25] =	ssyncadd.s32 $0xFFFFC000  }
0xd6: {  	[spmem:s1] =	stream.indirect.scatter.add.f32 [tilespmem:s23], [sflag:$0x3], $0x80, s7, s21, $0xb8;
	[tilespmem:$0x1E800] =	vst v63  }
0xd7: {  	_ =	swait.ge [sflag:s19], $0x4000  }
0xd8: {  	s31 =	simm.s32 $0x100;
	s0 =	simm.s32 $0x800;
	[sflag:s19] =	ssyncset.done $0x0  }
.LBB2_3:
0xd9: {  	s2 =	sadd.s32 $0x80, s31  }
0xda: {  	[sflag:s19] =	ssyncadd.s32 $0xFFFFC000;
	s6 =	smov.u32 s0;
	s7 =	sadd.s32 $0x400, s0  }
0xdb: {  	[tilespmem:s23], [sflag:$0x2] =	stream.indirect.gather [hbm4b:s4+s21], $0x80, s2, s21, $0xb8;
	[tilespmem:$0x1E800] =	vst v63  }
0xdc: {  	p1 =	sne.s32 s0, $0x4800;
	_ =	swait.ge [sflag:s24], $0x4000  }
0xdd: {  	[sflag:s24] =	ssyncset.done $0x0  }
0xde: {  	s0 =	sadd.s32 $0x1400, s31;
	[sflag:s24] =	ssyncadd.s32 $0xFFFFC000  }
0xdf: {  	[spmem:s1] =	stream.indirect.scatter.add.f32 [tilespmem:s22], [sflag:$0x3], $0x80, s0, s21, $0xb8;
	[tilespmem:$0x1E800] =	vst v63  }
0xe0: {  	_ =	swait.ge [sflag:s19], $0x4000  }
0xe1: {  	[sflag:s19] =	ssyncset.done $0x0  }
0xe2: {  	s0 =	sadd.s32 $0x100, s31;
	[sflag:s19] =	ssyncadd.s32 $0xFFFFC000  }
0xe3: {  	[tilespmem:s22], [sflag:$0x1] =	stream.indirect.gather [hbm4b:s4+s21], $0x80, s0, s21, $0xb8;
	[tilespmem:$0x1E800] =	vst v63  }
0xe4: {  	_ =	swait.ge [sflag:s25], $0x4000  }
.Ltmp6:
0xe5: {  	[sflag:s25] =	ssyncset.done $0x0;
	(pc) =	sbr.rel @p1 .LBB2_3-.Ltmp6, $4  }
0xe6: {  	s0 =	sadd.s32 $0x1480, s31;
	[sflag:s25] =	ssyncadd.s32 $0xFFFFC000  }
0xe7: {  	[spmem:s1] =	stream.indirect.scatter.add.f32 [tilespmem:s23], [sflag:$0x3], $0x80, s0, s21, $0xb8;
	[tilespmem:$0x1E800] =	vst v63  }
0xe8: {  	_ =	swait.ge [sflag:s19], $0x4000  }
0xe9: {  	s31 =	sshra.s32 s6, $0x2;
	s0 =	smov.u32 s7;
	[sflag:s19] =	ssyncset.done $0x0  }
0xea: {  	s0 =	sadd.s32 $0x80, s31;
	[sflag:s19] =	ssyncadd.s32 $0xFFFFC000  }
0xeb: {  	[tilespmem:s23], [sflag:$0x2] =	stream.indirect.gather [hbm4b:s4+s21], $0x80, s0, s21, $0xb8;
	[tilespmem:$0x1E800] =	vst v63  }
0xec: {  	_ =	swait.ge [sflag:s24], $0x4000  }
0xed: {  	[sflag:s24] =	ssyncset.done $0x0  }
0xee: {  	s6 =	sadd.s32 $0x1400, s31;
	[sflag:s24] =	ssyncadd.s32 $0xFFFFC000  }
0xef: {  	[spmem:s1] =	stream.indirect.scatter.add.f32 [tilespmem:s22], [sflag:$0x3], $0x80, s6, s21, $0xb8;
	[tilespmem:$0x1E800] =	vst v63  }
0xf0: {  	_ =	swait.ge [sflag:s19], $0x4000  }
0xf1: {  	[sflag:s19] =	ssyncset.done $0x0  }
0xf2: {  	s7 =	sadd.s32 $0x100, s31;
	[sflag:s19] =	ssyncadd.s32 $0xFFFFC000  }
0xf3: {  	[tilespmem:s22], [sflag:$0x1] =	stream.indirect.gather [hbm4b:s4+s21], $0x80, s7, s21, $0xb8;
	[tilespmem:$0x1E800] =	vst v63  }
0xf4: {  	_ =	swait.ge [sflag:s25], $0x4000  }
0xf5: {  	[sflag:s25] =	ssyncset.done $0x0  }
0xf6: {  	s2 =	sadd.s32 $0x1480, s31;
	[sflag:s25] =	ssyncadd.s32 $0xFFFFC000  }
0xf7: {  	[spmem:s1] =	stream.indirect.scatter.add.f32 [tilespmem:s23], [sflag:$0x3], $0x80, s2, s21, $0xb8;
	[tilespmem:$0x1E800] =	vst v63  }
0xf8: {  	_ =	swait.ge [sflag:s19], $0x4000  }
0xf9: {  	[sflag:s19] =	ssyncset.done $0x0  }
0xfa: {  	[sflag:s19] =	ssyncadd.s32 $0xFFFFC000  }
0xfb: {  	[tilespmem:s23], [sflag:$0x2] =	stream.indirect.gather [hbm4b:s4+s21], $0x80, s26, s21, $0xb8;
	[tilespmem:$0x1E800] =	vst v63  }
0xfc: {  	_ =	swait.ge [sflag:s24], $0x4000  }
0xfd: {  	[sflag:s24] =	ssyncset.done $0x0  }
0xfe: {  	[sflag:s24] =	ssyncadd.s32 $0xFFFFC000  }
0xff: {  	[spmem:s1] =	stream.indirect.scatter.add.f32 [tilespmem:s22], [sflag:$0x3], $0x80, s28, s21, $0xb8;
	[tilespmem:$0x1E800] =	vst v63  }
0x100: {  	_ =	swait.ge [sflag:s19], $0x4000  }
0x101: {  	[sflag:s19] =	ssyncset.done $0x0  }
0x102: {  	[sflag:s19] =	ssyncadd.s32 $0xFFFFC000  }
0x103: {  	_ =	swait.ge [sflag:s25], $0x4000  }
0x104: {  	[sflag:s25] =	ssyncset.done $0x0  }
0x105: {  	[sflag:s25] =	ssyncadd.s32 $0xFFFFC000  }
0x106: {  	[spmem:s1] =	stream.indirect.scatter.add.f32 [tilespmem:s23], [sflag:$0x3], $0x80, s29, s21, $0xb8;
	[tilespmem:$0x1E800] =	vst v63  }
0x107: {  	_ =	swait.ge [sflag:s19], $0x4000  }
0x108: {  	[sflag:s19] =	ssyncset.done $0x0  }
0x109: {  	s6 =	simm.s32 $0x0;
	[sflag:s19] =	ssyncadd.s32 $0xFFFFC000  }
0x10a: {  	[tilespmem:s6], [sflag:$0x3] =	stream.linear.gather [hbm4b:s9+s6], $0x1400, $0x38;
	[tilespmem:$0x1E800] =	vst v63  }
0x10b: {  	_ =	swait.ge [sflag:s19], $0x1400  }
0x10c: {  	[sflag:s19] =	ssyncset.done $0x0  }
0x10d: {  	[sflag:s19] =	ssyncadd.s32 $0xFFFFEC00  }
0x10e: {  	[tilespmem:s20], [sflag:$0x3] =	stream.linear.gather [hbm4b:s10+s6], $0x1400, $0x38;
	[tilespmem:$0x1E800] =	vst v63  }
0x10f: {  	_ =	swait.ge [sflag:s19], $0x1400  }
0x110: {  	[sflag:s19] =	ssyncset.done $0x0  }
0x111: {  	[sflag:s19] =	ssyncadd.s32 $0xFFFFEC00  }
0x112: {  	[tilespmem:s22], [sflag:$0x1] =	stream.indirect.gather [hbm4b:s4+s21], $0x80, s6, s21, $0xb8;
	[tilespmem:$0x1E800] =	vst v63  }
0x113: {  	s7 =	simm.s32 $0x80  }
0x114: {  	[tilespmem:s23], [sflag:$0x2] =	stream.indirect.gather [hbm4b:s4+s21], $0x80, s7, s21, $0xb8;
	[tilespmem:$0x1E800] =	vst v63  }
0x115: {  	_ =	swait.ge [sflag:s24], $0x4000  }
0x116: {  	[sflag:s24] =	ssyncset.done $0x0  }
0x117: {  	s2 =	simm.s32 $0x1400;
	[sflag:s24] =	ssyncadd.s32 $0xFFFFC000  }
0x118: {  	[spmem:s1] =	stream.indirect.scatter.add.f32 [tilespmem:s22], [sflag:$0x3], $0x80, s2, s21, $0xb8;
	[tilespmem:$0x1E800] =	vst v63  }
0x119: {  	_ =	swait.ge [sflag:s19], $0x4000  }
0x11a: {  	[sflag:s19] =	ssyncset.done $0x0  }
0x11b: {  	s6 =	simm.s32 $0x100;
	[sflag:s19] =	ssyncadd.s32 $0xFFFFC000  }
0x11c: {  	[tilespmem:s22], [sflag:$0x1] =	stream.indirect.gather [hbm4b:s4+s21], $0x80, s6, s21, $0xb8;
	[tilespmem:$0x1E800] =	vst v63  }
0x11d: {  	_ =	swait.ge [sflag:s25], $0x4000  }
0x11e: {  	[sflag:s25] =	ssyncset.done $0x0  }
0x11f: {  	s7 =	simm.s32 $0x1480;
	[sflag:s25] =	ssyncadd.s32 $0xFFFFC000  }
0x120: {  	[spmem:s1] =	stream.indirect.scatter.add.f32 [tilespmem:s23], [sflag:$0x3], $0x80, s7, s21, $0xb8;
	[tilespmem:$0x1E800] =	vst v63  }
0x121: {  	_ =	swait.ge [sflag:s19], $0x4000  }
0x122: {  	s31 =	simm.s32 $0x100;
	s0 =	simm.s32 $0x800;
	[sflag:s19] =	ssyncset.done $0x0  }
.LBB2_5:
0x123: {  	s2 =	sadd.s32 $0x80, s31  }
0x124: {  	[sflag:s19] =	ssyncadd.s32 $0xFFFFC000;
	s6 =	smov.u32 s0;
	s7 =	sadd.s32 $0x400, s0  }
0x125: {  	[tilespmem:s23], [sflag:$0x2] =	stream.indirect.gather [hbm4b:s4+s21], $0x80, s2, s21, $0xb8;
	[tilespmem:$0x1E800] =	vst v63  }
0x126: {  	p1 =	sne.s32 s0, $0x4800;
	_ =	swait.ge [sflag:s24], $0x4000  }
0x127: {  	[sflag:s24] =	ssyncset.done $0x0  }
0x128: {  	s0 =	sadd.s32 $0x1400, s31;
	[sflag:s24] =	ssyncadd.s32 $0xFFFFC000  }
0x129: {  	[spmem:s1] =	stream.indirect.scatter.add.f32 [tilespmem:s22], [sflag:$0x3], $0x80, s0, s21, $0xb8;
	[tilespmem:$0x1E800] =	vst v63  }
0x12a: {  	_ =	swait.ge [sflag:s19], $0x4000  }
0x12b: {  	[sflag:s19] =	ssyncset.done $0x0  }
0x12c: {  	s0 =	sadd.s32 $0x100, s31;
	[sflag:s19] =	ssyncadd.s32 $0xFFFFC000  }
0x12d: {  	[tilespmem:s22], [sflag:$0x1] =	stream.indirect.gather [hbm4b:s4+s21], $0x80, s0, s21, $0xb8;
	[tilespmem:$0x1E800] =	vst v63  }
0x12e: {  	_ =	swait.ge [sflag:s25], $0x4000  }
.Ltmp7:
0x12f: {  	[sflag:s25] =	ssyncset.done $0x0;
	(pc) =	sbr.rel @p1 .LBB2_5-.Ltmp7, $4  }
0x130: {  	s0 =	sadd.s32 $0x1480, s31;
	[sflag:s25] =	ssyncadd.s32 $0xFFFFC000  }
0x131: {  	[spmem:s1] =	stream.indirect.scatter.add.f32 [tilespmem:s23], [sflag:$0x3], $0x80, s0, s21, $0xb8;
	[tilespmem:$0x1E800] =	vst v63  }
0x132: {  	_ =	swait.ge [sflag:s19], $0x4000  }
0x133: {  	s31 =	sshra.s32 s6, $0x2;
	s0 =	smov.u32 s7;
	[sflag:s19] =	ssyncset.done $0x0  }
0x134: {  	s0 =	sadd.s32 $0x80, s31;
	[sflag:s19] =	ssyncadd.s32 $0xFFFFC000  }
0x135: {  	[tilespmem:s23], [sflag:$0x2] =	stream.indirect.gather [hbm4b:s4+s21], $0x80, s0, s21, $0xb8;
	[tilespmem:$0x1E800] =	vst v63  }
0x136: {  	_ =	swait.ge [sflag:s24], $0x4000  }
0x137: {  	[sflag:s24] =	ssyncset.done $0x0  }
0x138: {  	s6 =	sadd.s32 $0x1400, s31;
	[sflag:s24] =	ssyncadd.s32 $0xFFFFC000  }
0x139: {  	[spmem:s1] =	stream.indirect.scatter.add.f32 [tilespmem:s22], [sflag:$0x3], $0x80, s6, s21, $0xb8;
	[tilespmem:$0x1E800] =	vst v63  }
0x13a: {  	_ =	swait.ge [sflag:s19], $0x4000  }
0x13b: {  	[sflag:s19] =	ssyncset.done $0x0  }
0x13c: {  	s7 =	sadd.s32 $0x100, s31;
	[sflag:s19] =	ssyncadd.s32 $0xFFFFC000  }
0x13d: {  	[tilespmem:s22], [sflag:$0x1] =	stream.indirect.gather [hbm4b:s4+s21], $0x80, s7, s21, $0xb8;
	[tilespmem:$0x1E800] =	vst v63  }
0x13e: {  	_ =	swait.ge [sflag:s25], $0x4000  }
0x13f: {  	[sflag:s25] =	ssyncset.done $0x0  }
.Ltmp8:
0x140: {  	s31 =	sadd.s32 $0x1480, s31;
	[sflag:s25] =	ssyncadd.s32 $0xFFFFC000;
	(pc) =	sbr.rel .LBB2_12-.Ltmp8, $4  }
0x141: {  	[spmem:s1] =	stream.indirect.scatter.add.f32 [tilespmem:s23], [sflag:$0x3], $0x80, s31, s21, $0xb8;
	[tilespmem:$0x1E800] =	vst v63  }
0x142: {  	_ =	swait.ge [sflag:s19], $0x4000  }
0x143: {  	[sflag:s19] =	ssyncset.done $0x0  }
0x144: {  	[sflag:s19] =	ssyncadd.s32 $0xFFFFC000  }
.LBB2_13:
0x145: {  	_ =	sfence.sel $0x180000  }
0x146: {  	[bflag:$0x0] =	sbarrier.arrive $0xFFFF  }
0x147: {  	_ =	strace $0x9000004A  }
0x148: {  	s0 =	stileid.u32;
	[bflag:$0x2] =	sbarrier.arrive $0xFFFF  }
0x149: {  	p0 =	sne.s32 s0, $0x0;
	s0 =	rddreg [dreg:$0x3]  }
0x14a: {  	s0 =	sadd.s32 @!p0 $0x100000, s0  }
0x14b: {  	[sflag:s0] =	ssyncadd.tile.s32 @!p0 $0x1;
	_ =	shalt  }
.Lfunc_end2:
_tile_overlayer_lowered:
.L_overlay_start_2:
0x14c: {  	(tag) =	ssettag $0x2  }
0x14d: {  	s0 =	rddreg [dreg:$0x0];
	s2 =	stileid.u32  }
0x14e: {  	s1 =	rddreg [dreg:$0x1];
	p0 =	sne.s32 s2, $0x0  }
0x14f: {  	s3 =	rddreg [dreg:$0x2];
	[bflag:$0x3] =	sbarrier.arrive $0xFFFF;
	s2 =	simm.s32 @!p0 $0x1C03  }
0x150: {  	[timem:s3], [sflag:s2] =	dma.local @!p0 [hbm:s0], s1  }
0x151: {  	s0 =	simm.s32 @!p0 $0x3  }
0x152: {  	_ =	swait.ge @!p0 [sflag:s0], s1  }
0x153: {  	s1 =	ssub.s32 @!p0 $0x0, s1;
	[sflag:s0] =	ssyncset.done @!p0 $0x0  }
0x154: {  	[sflag:s0] =	ssyncadd.s32 @!p0 s1  }
0x155: {  	[bflag:$0x3] =	sbarrier.arrive $0xFFFF  }
0x156: {  	_ =	shalt  }

// kernel: kernel.17.cloned.1.call-start
scs
__scs_entry_jumppad:
0x0: {  	(pc) =	sbr.rel $0x88, $3  }
0x1: {  	(tag) =	ssettag $0x0;
	lr =	simm.s32 $0x1  }
0x2: {  	[smem:$0x3F99] =	sst lr;
	_ =	strace $0xD0000000  }
0x3: {  	_ = 	snop  }
0x4: {  	_ = 	snop  }
0x5: {  	_ = 	snop  }
0x6: {  	_ = 	snop  }
0x7: {  	_ = 	snop  }
__scs_overlays_trampoline_lowered:
0x8: {  	[smem:$0x3FA8] =	sst s0  }
0x9: {  	[smem:$0x3FA9] =	sst s1  }
0xa: {  	[smem:$0x3FAA] =	sst s2  }
0xb: {  	[smem:$0x3FAB] =	sst s3  }
0xc: {  	[smem:$0x3FAC] =	sst s4  }
0xd: {  	[smem:$0x3FAD] =	sst s5  }
0xe: {  	[smem:$0x3FAE] =	sst s6  }
0xf: {  	[smem:$0x3FAF] =	sst s7  }
0x10: {  	[smem:$0x3FB0] =	sst s8  }
0x11: {  	[smem:$0x3FB1] =	sst s9;
	s0 =	simm.s32 @!p0 $0x0  }
0x12: {  	s1 =	sld [smem:$0x3F97];
	s0 =	simm.s32 @p0 $0x1  }
0x13: {  	[smem:$0x3FB2] =	sst s0;
	s0 =	simm.s32 @!p1 $0x0  }
0x14: {  	s2 =	sld [smem:$0x3F96];
	s0 =	simm.s32 @p1 $0x1  }
0x15: {  	[smem:$0x3FB3] =	sst s0;
	s0 =	simm.s32 @!p2 $0x0  }
0x16: {  	s3 =	sld [smem:$0x3FDB];
	s0 =	simm.s32 @p2 $0x1  }
0x17: {  	s4 =	simm.s32 $0x1BF5;
	[smem:$0x3FB5] =	sst s0  }
0x18: {  	s0 =	sld [smem:$0x3F98];
	_ =	swait.ge [sflag:s4], $0x0  }
0x19: {  	s7 =	sld [smem:$0x3F99]  }
0x1a: {  	s8 =	sadd.s32 $0xFFFFE003, lr  }
0x1b: {  	s9 =	sadd.s32 $0xFFFFFEF7, lr;
	s5 =	simm.s32 $0xFFFFFFFF;
	p2 =	slt.u32 s8, $0xFFFFF086  }
0x1c: {  	p1 =	slt.u32 s9, $0xF7A;
	s5 =	simm.s32 @!p2 $0x0  }
0x1d: {  	s5 =	simm.s32 @p1 $0x1;
	p0 =	seq.s32 s7, s2  }
0x1e: {  	s7 =	smul.u32 @!p0 $0xF7A, s2;
	p2 =	seq.s32 @!p0 s5, $0x0  }
0x1f: {  	s9 =	smul.u32 $0xF7A, s1;
	s8 =	simm.s32 @!p0 $0x1BF5;
	p2 =	por !p2, p0  }
0x20: {  	[sflag:s8] =	ssyncset.s32 @!p0 $0xFFFFF086;
	s6 =	sadd.s32 @!p0 s3, s7;
	s7 =	simm.s32 @!p0 $0x108  }
0x21: {  	s3 =	sadd.s32 s3, s9;
	s6 =	sadd.s32 @!p0 $0x88, s6;
	s7 =	simm.s32 @p2 $0x1082  }
0x22: {  	[simem:s7], [sflag:s8] =	dma.local @!p0 [hbm:s6], $0xF7A  }
0x23: {  	s9 =	sor.u32 $0xD0000000, s2;
	s6 =	simm.s32 $0x108;
	_ =	swait.ge @!p0 [sflag:s8], $0x0  }
0x24: {  	s3 =	sadd.s32 $0x88, s3;
	s6 =	simm.s32 @!p1 $0x1082;
	[sflag:s4] =	ssyncset.s32 $0xFFFFF086  }
0x25: {  	[simem:s6], [sflag:s4] =	dma.local [hbm:s3], $0xF7A  }
0x26: {  	[smem:$0x3F99] =	sst s1;
	(tag) =	ssettag s2;
	_ =	strace s9  }
0x27: {  	s1 =	sld [smem:$0x3FA9]  }
0x28: {  	s2 =	sld [smem:$0x3FAA]  }
0x29: {  	s4 =	sld [smem:$0x3FAC]  }
0x2a: {  	p0 =	seq.s32 s5, $0x0;
	s5 =	sld [smem:$0x3FAD]  }
0x2b: {  	s6 =	sld [smem:$0x3FAE]  }
0x2c: {  	s7 =	sld [smem:$0x3FAF]  }
0x2d: {  	s3 =	simm.s32 $0x108;
	s8 =	sld [smem:$0x3FB0]  }
0x2e: {  	s3 =	simm.s32 @!p0 $0x1082;
	s9 =	sld [smem:$0x3FB1]  }
0x2f: {  	lr =	sadd.s32 s0, s3;
	s0 =	sld [smem:$0x3FA8]  }
0x30: {  	s3 =	sld [smem:$0x3FAB]  }
0x31: {  	[smem:$0x3FB4] =	sst s10  }
0x32: {  	s10 =	sld [smem:$0x3FB2];
	_ =	sdelay $0x3  }
0x33: {  	p0 =	seq.s32 s10, $0x1;
	s10 =	sld [smem:$0x3FB4];
	_ =	sdelay $0x3  }
0x34: {  	[smem:$0x3FB4] =	sst s10  }
0x35: {  	s10 =	sld [smem:$0x3FB3];
	_ =	sdelay $0x3  }
0x36: {  	p1 =	seq.s32 s10, $0x1;
	s10 =	sld [smem:$0x3FB4];
	_ =	sdelay $0x3  }
0x37: {  	[smem:$0x3FB4] =	sst s10  }
0x38: {  	s10 =	sld [smem:$0x3FB5]  }
0x39: {  	_ = 	snop;
	(pc) =	sbr.ind lr, $3  }
0x3a: {  	_ = 	snop  }
0x3b: {  	_ = 	snop  }
0x3c: {  	p2 =	seq.s32 s10, $0x1;
	s10 =	sld [smem:$0x3FB4]  }
0x3d: {  	_ =	shalt  }
0x3e: {  	_ =	shalt  }
0x3f: {  	_ =	shalt  }
0x40: {  	_ =	shalt  }
0x41: {  	_ =	shalt  }
0x42: {  	_ =	shalt  }
0x43: {  	_ =	shalt  }
0x44: {  	_ =	shalt  }
0x45: {  	_ =	shalt  }
0x46: {  	_ =	shalt  }
0x47: {  	_ =	shalt  }
0x48: {  	_ =	shalt  }
0x49: {  	_ =	shalt  }
0x4a: {  	_ =	shalt  }
0x4b: {  	_ =	shalt  }
0x4c: {  	_ =	shalt  }
0x4d: {  	_ =	shalt  }
0x4e: {  	_ =	shalt  }
0x4f: {  	_ =	shalt  }
0x50: {  	_ =	shalt  }
0x51: {  	_ =	shalt  }
0x52: {  	_ =	shalt  }
0x53: {  	_ =	shalt  }
0x54: {  	_ =	shalt  }
0x55: {  	_ =	shalt  }
0x56: {  	_ =	shalt  }
0x57: {  	_ =	shalt  }
0x58: {  	_ =	shalt  }
0x59: {  	_ =	shalt  }
0x5a: {  	_ =	shalt  }
0x5b: {  	_ =	shalt  }
0x5c: {  	_ =	shalt  }
0x5d: {  	_ =	shalt  }
0x5e: {  	_ =	shalt  }
0x5f: {  	_ =	shalt  }
0x60: {  	_ =	shalt  }
0x61: {  	_ =	shalt  }
0x62: {  	_ =	shalt  }
0x63: {  	_ =	shalt  }
0x64: {  	_ =	shalt  }
0x65: {  	_ =	shalt  }
0x66: {  	_ =	shalt  }
0x67: {  	_ =	shalt  }
0x68: {  	_ =	shalt  }
0x69: {  	_ =	shalt  }
0x6a: {  	_ =	shalt  }
0x6b: {  	_ =	shalt  }
0x6c: {  	_ =	shalt  }
0x6d: {  	_ =	shalt  }
0x6e: {  	_ =	shalt  }
0x6f: {  	_ =	shalt  }
0x70: {  	_ =	shalt  }
0x71: {  	_ =	shalt  }
0x72: {  	_ =	shalt  }
0x73: {  	_ =	shalt  }
0x74: {  	_ =	shalt  }
0x75: {  	_ =	shalt  }
0x76: {  	_ =	shalt  }
0x77: {  	_ =	shalt  }
0x78: {  	_ =	shalt  }
0x79: {  	_ =	shalt  }
0x7a: {  	_ =	shalt  }
0x7b: {  	_ =	shalt  }
0x7c: {  	_ =	shalt  }
0x7d: {  	_ =	shalt  }
0x7e: {  	_ =	shalt  }
0x7f: {  	_ =	shalt  }
0x80: {  	_ =	shalt  }
0x81: {  	_ =	shalt  }
0x82: {  	_ =	shalt  }
0x83: {  	_ =	shalt  }
0x84: {  	_ =	shalt  }
0x85: {  	_ =	shalt  }
0x86: {  	_ =	shalt  }
0x87: {  	_ =	shalt  }
.Lfunc_end0:
.L_simem_size_0:
called_computation.2_lowered:
.L_overlay_start_0:
0x88: {  	s2 =	sld [smem:$0x3FD9]  }
0x89: {  	s3 =	sld [smem:$0x3FFE];
	_ =	sdelay $0x1  }
0x8a: {  	s1 =	srdreg.scid  }
0x8b: {  	s0 =	sand.u32 $0x1, s1  }
0x8c: {  	s17 =	sshll.u32 s0, $0xA;
	s2 =	sadd.s32 s3, s2  }
0x8d: {  	s2 =	sadd.s32 s2, s17  }
0x8e: {  	[smem:$0x3FC0] =	sst s2  }
0x8f: {  	_ = 	snop  }
0x90: {  	s2 =	sld [smem:$0x3FD0];
	(tm) =	ssettm $0x1  }
0x91: {  	s18 =	sld [smem:$0x3FFB];
	_ =	sdelay $0x3  }
0x92: {  	_ =	strace s18  }
0x93: {  	s3 =	sld [smem:$0x3FFC];
	_ =	sdelay $0x3  }
0x94: {  	_ =	strace s3  }
0x95: {  	s3 =	sld [smem:$0x3FFD];
	_ =	sdelay $0x3  }
0x96: {  	_ =	strace s3  }
0x97: {  	_ =	strace $0x8FFFFFFF  }
0x98: {  	s19 =	sld [smem:$0x3FDB];
	_ =	sdelay $0x1  }
0x99: {  	s4 =	simm.s32 $_scs_section_size  }
0x9a: {  	s5 =	simm.s32 $_size__tile_overlayer_lowered;
	s6 =	simm.s32 $_tile_overlayer_lowered  }
0x9b: {  	s22 =	simm.s32 $0x1BFF;
	s21 =	sshll.u32 s6, $0x1;
	s3 =	sadd.s32 s4, s19  }
0x9c: {  	s7 =	simm.s32 $0x0;
	s20 =	sshll.u32 s5, $0x1;
	s5 =	sadd.s32 s21, s3  }
0x9d: {  	[timem:s7], [sflag:s22] =	dma.local [hbm:s5], s20  }
0x9e: {  	_ =	swait.ge [sflag:s22], s20  }
0x9f: {  	s4 =	ssub.s32 $0x0, s20;
	[sflag:s22] =	ssyncset.done $0x0  }
0xa0: {  	[sflag:s22] =	ssyncadd.s32 s4;
	_ =	sdelay $0x1  }
0xa1: {  	s23 =	simm.s32 $0x1B8B  }
0xa2: {  	_ =	swait.ge [sflag:s23], $0x1  }
0xa3: {  	[sflag:s23] =	ssyncset.done $0x0  }
0xa4: {  	s25 =	simm.s32 $0x1B8E;
	s24 =	sld [smem:$0x3FFE];
	[sflag:s23] =	ssyncadd.s32 $0xFFFFFFFF  }
0xa5: {  	s26 =	simm.s32 $execute0_lowered;
	[smem:$0x3FD2] =	sst s25  }
0xa6: {  	s5 =	sshll.u32 s26, $0x1;
	_ =	strace $0x8000004C;
	[dreg:$0x1] =	wrdreg $0xFFFFFFFF  }
0xa7: {  	s28 =	simm.s32 $_size_execute0_lowered;
	s3 =	sadd.s32 s3, s5;
	[dreg:$0x0] =	wrdreg $0x0  }
0xa8: {  	s5 =	sshll.u32 s28, $0x1;
	[dreg:$0x2] =	wrdreg s3  }
0xa9: {  	[dreg:$0x3] =	wrdreg s5  }
0xaa: {  	[dreg:$0x4] =	wrdreg $0xC0  }
0xab: {  	_ =	task [dreg:s7], $0x5FFFF  }
0xac: {  	[dreg:$0x1] =	wrdreg $0xFFFFFFFF  }
0xad: {  	[dreg:$0x0] =	wrdreg $0x60  }
0xae: {  	[dreg:$0x2] =	wrdreg s24  }
0xaf: {  	[dreg:$0x3] =	wrdreg s2  }
0xb0: {  	[dreg:$0x4] =	wrdreg $0xA8000  }
0xb1: {  	[dreg:$0x5] =	wrdreg $0x9  }
0xb2: {  	_ =	task.clear_ibuf [dreg:s7], $0x6FFFF;
	_ =	strace $0x9000004C  }
0xb3: {  	s29 =	simm.s32 $0x9;
	_ =	strace $0x8000004E  }
0xb4: {  	_ =	swait.ge [sflag:s29], $0x1  }
0xb5: {  	[sflag:s29] =	ssyncadd.s32 $0xFFFFFFFF  }
0xb6: {  	_ =	strace $0x9000004E  }
0xb7: {  	_ =	sfence  }
0xb8: {  	s30 =	sld [smem:$0x0];
	_ =	sdelay $0x2  }
0xb9: {  	s31 =	sshll.u32 s1, $0xD;
	s1 =	sshrl.u32 s1, $0x2  }
0xba: {  	s3 =	sand.u32 $0x4000, s31;
	s1 =	sadd.s32 s1, s30  }
0xbb: {  	s0 =	sor.u32 s3, s0;
	s1 =	sshll.u32 s1, $0x11  }
0xbc: {  	s0 =	sor.u32 s1, s0  }
0xbd: {  	s0 =	sadd.s32 $0x8F2B, s0  }
0xbe: {  	[sflag:s0] =	ssyncadd.remote.s32 $0x1  }
0xbf: {  	_ =	sfence.sel $0xFFFF  }
0xc0: {  	[dreg:$0x0] =	wrdreg $0xFFFFFFFF;
	(pc) =	sbr.abs _section_cstart, $3  }
0xc1: {  	[dreg:$0x1] =	wrdreg $0xFFFFFFFF  }
0xc2: {  	_ =	task.clear_ibuf [dreg:s7], $0x2FFFF;
	_ =	strace $0x9FFFFFFF  }
0xc3: {  	(tm) =	ssettm $0x7FFFFFFF  }
tec
execute0_lowered:
.L_overlay_start_1:
0x0: {  	(tag) =	ssettag $0x1  }
0x1: {  	s0 =	rddreg [dreg:$0x0]  }
0x2: {  	s15 =	rddreg [dreg:$0x1]  }
0x3: {  	s1 =	rddreg [dreg:$0x2]  }
0x4: {  	s2 =	srdreg.scid;
	s3 =	simm.s32 $0x0;
	s21 =	stileid.u32  }
0x5: {  	s20 =	simm.s32 $0x1400;
	s28 =	simm.s32 $0x2700;
	s6 =	smul.u32 $0x14000, s21  }
0x6: {  	s29 =	simm.s32 $0x2780;
	s18 =	sand.u32 $0x1, s2;
	s11 =	smul.u32 $0x2800, s21  }
0x7: {  	[smem:$0x7FF] =	sst s3;
	s4 =	sadd.s32 $0xD400, s0;
	s7 =	smul.u32 $0x50000, s21  }
0x8: {  	s14 =	sadd.s32 $0x3400, s0;
	s16 =	smul.u32 $0x500, s21;
	s31 =	sshll.u32 s21, $0x6  }
0x9: {  	s21 =	simm.s32 $0x80;
	s5 =	smul.u32 $0x140000, s18;
	_ =	strace $0x8000004D  }
0xa: {  	s22 =	ssub.s32 $0x2, s18;
	p0 =	seq.s32 s18, $0x0;
	s18 =	sor.u32 $0x1C03, s31  }
0xb: {  	s8 =	sadd.s32 s11, s0;
	s23 =	sshrl.u32 s22, $0x1;
	s24 =	sshrl.u32 s7, $0x2  }
0xc: {  	s13 =	sshrl.u32 s11, $0x3;
	s11 =	sadd.s32 s4, s11;
	s12 =	sadd.s32 s14, s16  }
0xd: {  	s5 =	sadd.s32 s6, s5;
	s17 =	ssub.s32 s22, s23;
	s25 =	sadd.s32 $0x35400, s8  }
0xe: {  	s26 =	sadd.s32 $0x5000, s13;
	s10 =	sadd.s32 $0x5280, s13;
	s19 =	sadd.s32 $0x280, s13  }
0xf: {  	s13 =	sadd.s32 s15, s16;
	s22 =	simm.s32 $0x2800;
	s23 =	simm.s32 $0x6800  }
0x10: {  	s5 =	sshrl.u32 s5, $0x3;
	[dreg:$0x4] =	wrdreg s25;
	s30 =	sadd.s32 s14, s26  }
.Ltmp0:
0x11: {  	s8 =	sadd.s32 s15, s26;
	s9 =	sadd.s32 s14, s10;
	(pc) =	sbr.rel .LBB2_1-.Ltmp0, $4  }
0x12: {  	s10 =	sadd.s32 s15, s10;
	s14 =	sadd.s32 s14, s19;
	s15 =	sadd.s32 s15, s19  }
0x13: {  	s17 =	smax.u32 s17, $0x1;
	s19 =	simm.s32 $0x3;
	s25 =	simm.s32 $0x2  }
0x14: {  	s26 =	simm.s32 $0x1380;
	s0 =	sadd.s32 s5, s0;
	s5 =	sadd.s32 s24, s1  }
0x15: {  	[dreg:$0x5] =	wrdreg s30;
	s24 =	simm.s32 $0x1;
	s16 =	sadd.s32 $0x5D400, s0  }
.LBB2_11:
0x16: {  	s0 =	sadd.s32 $0x80, s31;
	[sflag:s19] =	ssyncadd.s32 $0xFFFFC000  }
0x17: {  	[tilespmem:s23], [sflag:$0x2] =	stream.indirect.gather [hbm4b:s4+s21], $0x80, s0, s21, $0xb8;
	[tilespmem:$0x1E800] =	vst v63  }
0x18: {  	_ =	swait.ge [sflag:s24], $0x4000  }
0x19: {  	[sflag:s24] =	ssyncset.done $0x0  }
0x1a: {  	s6 =	sadd.s32 $0x1400, s31;
	[sflag:s24] =	ssyncadd.s32 $0xFFFFC000  }
0x1b: {  	[spmem:s1] =	stream.indirect.scatter.add.f32 [tilespmem:s22], [sflag:$0x3], $0x80, s6, s21, $0xb8;
	[tilespmem:$0x1E800] =	vst v63  }
0x1c: {  	_ =	swait.ge [sflag:s19], $0x4000  }
0x1d: {  	[sflag:s19] =	ssyncset.done $0x0  }
0x1e: {  	s7 =	sadd.s32 $0x100, s31;
	[sflag:s19] =	ssyncadd.s32 $0xFFFFC000  }
0x1f: {  	[tilespmem:s22], [sflag:$0x1] =	stream.indirect.gather [hbm4b:s4+s21], $0x80, s7, s21, $0xb8;
	[tilespmem:$0x1E800] =	vst v63  }
0x20: {  	_ =	swait.ge [sflag:s25], $0x4000  }
0x21: {  	[sflag:s25] =	ssyncset.done $0x0  }
0x22: {  	s31 =	sadd.s32 $0x1480, s31;
	[sflag:s25] =	ssyncadd.s32 $0xFFFFC000  }
0x23: {  	[spmem:s1] =	stream.indirect.scatter.add.f32 [tilespmem:s23], [sflag:$0x3], $0x80, s31, s21, $0xb8;
	[tilespmem:$0x1E800] =	vst v63  }
0x24: {  	_ =	swait.ge [sflag:s19], $0x4000  }
0x25: {  	[sflag:s19] =	ssyncset.done $0x0  }
0x26: {  	[sflag:s19] =	ssyncadd.s32 $0xFFFFC000  }
.LBB2_12:
0x27: {  	[tilespmem:s23], [sflag:$0x2] =	stream.indirect.gather [hbm4b:s4+s21], $0x80, s26, s21, $0xb8;
	[tilespmem:$0x1E800] =	vst v63  }
0x28: {  	_ =	swait.ge [sflag:s24], $0x4000  }
0x29: {  	[sflag:s24] =	ssyncset.done $0x0  }
0x2a: {  	[sflag:s24] =	ssyncadd.s32 $0xFFFFC000  }
0x2b: {  	[spmem:s1] =	stream.indirect.scatter.add.f32 [tilespmem:s22], [sflag:$0x3], $0x80, s28, s21, $0xb8;
	[tilespmem:$0x1E800] =	vst v63  }
0x2c: {  	_ =	swait.ge [sflag:s19], $0x4000  }
0x2d: {  	[sflag:s19] =	ssyncset.done $0x0  }
0x2e: {  	[sflag:s19] =	ssyncadd.s32 $0xFFFFC000  }
0x2f: {  	_ =	swait.ge [sflag:s25], $0x4000  }
0x30: {  	[sflag:s25] =	ssyncset.done $0x0  }
0x31: {  	[sflag:s25] =	ssyncadd.s32 $0xFFFFC000  }
0x32: {  	[spmem:s1] =	stream.indirect.scatter.add.f32 [tilespmem:s23], [sflag:$0x3], $0x80, s29, s21, $0xb8;
	[tilespmem:$0x1E800] =	vst v63  }
0x33: {  	_ =	swait.ge [sflag:s19], $0x4000  }
0x34: {  	s3 =	sadd.s32 $0x1, s3;
	[sflag:s19] =	ssyncset.done $0x0  }
0x35: {  	p1 =	sne.s32 s3, s17;
	[sflag:s19] =	ssyncadd.s32 $0xFFFFC000  }
.Ltmp1:
0x36: {  	[bflag:$0x0] =	sbarrier.arrive $0xFFFF;
	(pc) =	sbr.rel @!p1 .LBB2_13-.Ltmp1, $4  }
0x37: {  	[hbm:s16], [sflag:s18] =	dma.local [spmem:s30], $0x2800  }
0x38: {  	_ =	swait.ge [sflag:s19], $0x2800  }
0x39: {  	[sflag:s19] =	ssyncset.done $0x0  }
0x3a: {  	[sflag:s19] =	ssyncadd.s32 $0xFFFFD800  }
.LBB2_1:
.Ltmp2:
0x3b: {  	(pc) =	sbr.rel @!p0 .LBB2_2-.Ltmp2, $2  }
0x3c: {  	_ =	sdelay $0x2  }
0x3d: {  	s30 =	sshrl.u32 s5, $0x3  }
0x3e: {  	[spmem:s30], [sflag:s18] =	dma.local [hbm:s11], $0x2800  }
0x3f: {  	_ =	swait.ge [sflag:s19], $0x2800  }
0x40: {  	[sflag:s19] =	ssyncset.done $0x0  }
0x41: {  	[sflag:s19] =	ssyncadd.s32 $0xFFFFD800  }
0x42: {  	s0 =	simm.s32 $0x0;
	[bflag:$0x0] =	sbarrier.arrive $0xFFFF  }
0x43: {  	[tilespmem:s0], [sflag:$0x3] =	stream.linear.gather [hbm4b:s12+s0], $0x1400, $0x38;
	[tilespmem:$0x1E800] =	vst v63  }
0x44: {  	_ =	swait.ge [sflag:s19], $0x1400  }
0x45: {  	[sflag:s19] =	ssyncset.done $0x0  }
0x46: {  	[sflag:s19] =	ssyncadd.s32 $0xFFFFEC00  }
0x47: {  	[tilespmem:s20], [sflag:$0x3] =	stream.linear.gather [hbm4b:s13+s0], $0x1400, $0x38;
	[tilespmem:$0x1E800] =	vst v63  }
0x48: {  	_ =	swait.ge [sflag:s19], $0x1400  }
0x49: {  	[sflag:s19] =	ssyncset.done $0x0  }
0x4a: {  	[sflag:s19] =	ssyncadd.s32 $0xFFFFEC00  }
0x4b: {  	[tilespmem:s22], [sflag:$0x1] =	stream.indirect.gather [hbm4b:s4+s21], $0x80, s0, s21, $0xb8;
	[tilespmem:$0x1E800] =	vst v63  }
0x4c: {  	s7 =	simm.s32 $0x80  }
0x4d: {  	[tilespmem:s23], [sflag:$0x2] =	stream.indirect.gather [hbm4b:s4+s21], $0x80, s7, s21, $0xb8;
	[tilespmem:$0x1E800] =	vst v63  }
0x4e: {  	_ =	swait.ge [sflag:s24], $0x4000  }
0x4f: {  	[sflag:s24] =	ssyncset.done $0x0  }
0x50: {  	s2 =	simm.s32 $0x1400;
	[sflag:s24] =	ssyncadd.s32 $0xFFFFC000  }
0x51: {  	[spmem:s1] =	stream.indirect.scatter.add.f32 [tilespmem:s22], [sflag:$0x3], $0x80, s2, s21, $0xb8;
	[tilespmem:$0x1E800] =	vst v63  }
0x52: {  	_ =	swait.ge [sflag:s19], $0x4000  }
0x53: {  	[sflag:s19] =	ssyncset.done $0x0  }
0x54: {  	s6 =	simm.s32 $0x100;
	[sflag:s19] =	ssyncadd.s32 $0xFFFFC000  }
0x55: {  	[tilespmem:s22], [sflag:$0x1] =	stream.indirect.gather [hbm4b:s4+s21], $0x80, s6, s21, $0xb8;
	[tilespmem:$0x1E800] =	vst v63  }
0x56: {  	_ =	swait.ge [sflag:s25], $0x4000  }
0x57: {  	[sflag:s25] =	ssyncset.done $0x0  }
0x58: {  	s7 =	simm.s32 $0x1480;
	[sflag:s25] =	ssyncadd.s32 $0xFFFFC000  }
0x59: {  	[spmem:s1] =	stream.indirect.scatter.add.f32 [tilespmem:s23], [sflag:$0x3], $0x80, s7, s21, $0xb8;
	[tilespmem:$0x1E800] =	vst v63  }
0x5a: {  	_ =	swait.ge [sflag:s19], $0x4000  }
0x5b: {  	s31 =	simm.s32 $0x100;
	s0 =	simm.s32 $0x800;
	[sflag:s19] =	ssyncset.done $0x0  }
.LBB2_8:
0x5c: {  	s2 =	sadd.s32 $0x80, s31  }
0x5d: {  	[sflag:s19] =	ssyncadd.s32 $0xFFFFC000;
	s6 =	smov.u32 s0;
	s7 =	sadd.s32 $0x400, s0  }
0x5e: {  	[tilespmem:s23], [sflag:$0x2] =	stream.indirect.gather [hbm4b:s4+s21], $0x80, s2, s21, $0xb8;
	[tilespmem:$0x1E800] =	vst v63  }
0x5f: {  	p1 =	sne.s32 s0, $0x4800;
	_ =	swait.ge [sflag:s24], $0x4000  }
0x60: {  	[sflag:s24] =	ssyncset.done $0x0  }
0x61: {  	s0 =	sadd.s32 $0x1400, s31;
	[sflag:s24] =	ssyncadd.s32 $0xFFFFC000  }
0x62: {  	[spmem:s1] =	stream.indirect.scatter.add.f32 [tilespmem:s22], [sflag:$0x3], $0x80, s0, s21, $0xb8;
	[tilespmem:$0x1E800] =	vst v63  }
0x63: {  	_ =	swait.ge [sflag:s19], $0x4000  }
0x64: {  	[sflag:s19] =	ssyncset.done $0x0  }
0x65: {  	s0 =	sadd.s32 $0x100, s31;
	[sflag:s19] =	ssyncadd.s32 $0xFFFFC000  }
0x66: {  	[tilespmem:s22], [sflag:$0x1] =	stream.indirect.gather [hbm4b:s4+s21], $0x80, s0, s21, $0xb8;
	[tilespmem:$0x1E800] =	vst v63  }
0x67: {  	_ =	swait.ge [sflag:s25], $0x4000  }
.Ltmp3:
0x68: {  	[sflag:s25] =	ssyncset.done $0x0;
	(pc) =	sbr.rel @p1 .LBB2_8-.Ltmp3, $4  }
0x69: {  	s0 =	sadd.s32 $0x1480, s31;
	[sflag:s25] =	ssyncadd.s32 $0xFFFFC000  }
0x6a: {  	[spmem:s1] =	stream.indirect.scatter.add.f32 [tilespmem:s23], [sflag:$0x3], $0x80, s0, s21, $0xb8;
	[tilespmem:$0x1E800] =	vst v63  }
0x6b: {  	_ =	swait.ge [sflag:s19], $0x4000  }
0x6c: {  	s31 =	sshra.s32 s6, $0x2;
	s0 =	smov.u32 s7;
	[sflag:s19] =	ssyncset.done $0x0  }
0x6d: {  	s0 =	sadd.s32 $0x80, s31;
	[sflag:s19] =	ssyncadd.s32 $0xFFFFC000  }
0x6e: {  	[tilespmem:s23], [sflag:$0x2] =	stream.indirect.gather [hbm4b:s4+s21], $0x80, s0, s21, $0xb8;
	[tilespmem:$0x1E800] =	vst v63  }
0x6f: {  	_ =	swait.ge [sflag:s24], $0x4000  }
0x70: {  	[sflag:s24] =	ssyncset.done $0x0  }
0x71: {  	s6 =	sadd.s32 $0x1400, s31;
	[sflag:s24] =	ssyncadd.s32 $0xFFFFC000  }
0x72: {  	[spmem:s1] =	stream.indirect.scatter.add.f32 [tilespmem:s22], [sflag:$0x3], $0x80, s6, s21, $0xb8;
	[tilespmem:$0x1E800] =	vst v63  }
0x73: {  	_ =	swait.ge [sflag:s19], $0x4000  }
0x74: {  	[sflag:s19] =	ssyncset.done $0x0  }
0x75: {  	s7 =	sadd.s32 $0x100, s31;
	[sflag:s19] =	ssyncadd.s32 $0xFFFFC000  }
0x76: {  	[tilespmem:s22], [sflag:$0x1] =	stream.indirect.gather [hbm4b:s4+s21], $0x80, s7, s21, $0xb8;
	[tilespmem:$0x1E800] =	vst v63  }
0x77: {  	_ =	swait.ge [sflag:s25], $0x4000  }
0x78: {  	[sflag:s25] =	ssyncset.done $0x0  }
0x79: {  	s2 =	sadd.s32 $0x1480, s31;
	[sflag:s25] =	ssyncadd.s32 $0xFFFFC000  }
0x7a: {  	[spmem:s1] =	stream.indirect.scatter.add.f32 [tilespmem:s23], [sflag:$0x3], $0x80, s2, s21, $0xb8;
	[tilespmem:$0x1E800] =	vst v63  }
0x7b: {  	_ =	swait.ge [sflag:s19], $0x4000  }
0x7c: {  	[sflag:s19] =	ssyncset.done $0x0  }
0x7d: {  	[sflag:s19] =	ssyncadd.s32 $0xFFFFC000  }
0x7e: {  	[tilespmem:s23], [sflag:$0x2] =	stream.indirect.gather [hbm4b:s4+s21], $0x80, s26, s21, $0xb8;
	[tilespmem:$0x1E800] =	vst v63  }
0x7f: {  	_ =	swait.ge [sflag:s24], $0x4000  }
0x80: {  	[sflag:s24] =	ssyncset.done $0x0  }
0x81: {  	[sflag:s24] =	ssyncadd.s32 $0xFFFFC000  }
0x82: {  	[spmem:s1] =	stream.indirect.scatter.add.f32 [tilespmem:s22], [sflag:$0x3], $0x80, s28, s21, $0xb8;
	[tilespmem:$0x1E800] =	vst v63  }
0x83: {  	_ =	swait.ge [sflag:s19], $0x4000  }
0x84: {  	[sflag:s19] =	ssyncset.done $0x0  }
0x85: {  	[sflag:s19] =	ssyncadd.s32 $0xFFFFC000  }
0x86: {  	_ =	swait.ge [sflag:s25], $0x4000  }
0x87: {  	[sflag:s25] =	ssyncset.done $0x0  }
0x88: {  	[sflag:s25] =	ssyncadd.s32 $0xFFFFC000  }
0x89: {  	[spmem:s1] =	stream.indirect.scatter.add.f32 [tilespmem:s23], [sflag:$0x3], $0x80, s29, s21, $0xb8;
	[tilespmem:$0x1E800] =	vst v63  }
0x8a: {  	_ =	swait.ge [sflag:s19], $0x4000  }
0x8b: {  	[sflag:s19] =	ssyncset.done $0x0  }
0x8c: {  	s6 =	simm.s32 $0x0;
	[sflag:s19] =	ssyncadd.s32 $0xFFFFC000  }
0x8d: {  	[tilespmem:s6], [sflag:$0x3] =	stream.linear.gather [hbm4b:s14+s6], $0x1400, $0x38;
	[tilespmem:$0x1E800] =	vst v63  }
0x8e: {  	_ =	swait.ge [sflag:s19], $0x1400  }
0x8f: {  	[sflag:s19] =	ssyncset.done $0x0  }
0x90: {  	[sflag:s19] =	ssyncadd.s32 $0xFFFFEC00  }
0x91: {  	[tilespmem:s20], [sflag:$0x3] =	stream.linear.gather [hbm4b:s15+s6], $0x1400, $0x38;
	[tilespmem:$0x1E800] =	vst v63  }
0x92: {  	_ =	swait.ge [sflag:s19], $0x1400  }
0x93: {  	[sflag:s19] =	ssyncset.done $0x0  }
0x94: {  	[sflag:s19] =	ssyncadd.s32 $0xFFFFEC00  }
0x95: {  	[tilespmem:s22], [sflag:$0x1] =	stream.indirect.gather [hbm4b:s4+s21], $0x80, s6, s21, $0xb8;
	[tilespmem:$0x1E800] =	vst v63  }
0x96: {  	s7 =	simm.s32 $0x80  }
0x97: {  	[tilespmem:s23], [sflag:$0x2] =	stream.indirect.gather [hbm4b:s4+s21], $0x80, s7, s21, $0xb8;
	[tilespmem:$0x1E800] =	vst v63  }
0x98: {  	_ =	swait.ge [sflag:s24], $0x4000  }
0x99: {  	[sflag:s24] =	ssyncset.done $0x0  }
0x9a: {  	s2 =	simm.s32 $0x1400;
	[sflag:s24] =	ssyncadd.s32 $0xFFFFC000  }
0x9b: {  	[spmem:s1] =	stream.indirect.scatter.add.f32 [tilespmem:s22], [sflag:$0x3], $0x80, s2, s21, $0xb8;
	[tilespmem:$0x1E800] =	vst v63  }
0x9c: {  	_ =	swait.ge [sflag:s19], $0x4000  }
0x9d: {  	[sflag:s19] =	ssyncset.done $0x0  }
0x9e: {  	s6 =	simm.s32 $0x100;
	[sflag:s19] =	ssyncadd.s32 $0xFFFFC000  }
0x9f: {  	[tilespmem:s22], [sflag:$0x1] =	stream.indirect.gather [hbm4b:s4+s21], $0x80, s6, s21, $0xb8;
	[tilespmem:$0x1E800] =	vst v63  }
0xa0: {  	_ =	swait.ge [sflag:s25], $0x4000  }
0xa1: {  	[sflag:s25] =	ssyncset.done $0x0  }
0xa2: {  	s7 =	simm.s32 $0x1480;
	[sflag:s25] =	ssyncadd.s32 $0xFFFFC000  }
0xa3: {  	[spmem:s1] =	stream.indirect.scatter.add.f32 [tilespmem:s23], [sflag:$0x3], $0x80, s7, s21, $0xb8;
	[tilespmem:$0x1E800] =	vst v63  }
0xa4: {  	_ =	swait.ge [sflag:s19], $0x4000  }
0xa5: {  	s31 =	simm.s32 $0x100;
	s0 =	simm.s32 $0x800;
	[sflag:s19] =	ssyncset.done $0x0  }
.LBB2_10:
0xa6: {  	s2 =	sadd.s32 $0x80, s31  }
0xa7: {  	[sflag:s19] =	ssyncadd.s32 $0xFFFFC000;
	s6 =	smov.u32 s0;
	s7 =	sadd.s32 $0x400, s0  }
0xa8: {  	[tilespmem:s23], [sflag:$0x2] =	stream.indirect.gather [hbm4b:s4+s21], $0x80, s2, s21, $0xb8;
	[tilespmem:$0x1E800] =	vst v63  }
0xa9: {  	p1 =	seq.s32 s0, $0x4800;
	_ =	swait.ge [sflag:s24], $0x4000  }
0xaa: {  	[sflag:s24] =	ssyncset.done $0x0  }
0xab: {  	s0 =	sadd.s32 $0x1400, s31;
	[sflag:s24] =	ssyncadd.s32 $0xFFFFC000  }
0xac: {  	[spmem:s1] =	stream.indirect.scatter.add.f32 [tilespmem:s22], [sflag:$0x3], $0x80, s0, s21, $0xb8;
	[tilespmem:$0x1E800] =	vst v63  }
0xad: {  	_ =	swait.ge [sflag:s19], $0x4000  }
0xae: {  	[sflag:s19] =	ssyncset.done $0x0  }
0xaf: {  	s0 =	sadd.s32 $0x100, s31;
	[sflag:s19] =	ssyncadd.s32 $0xFFFFC000  }
0xb0: {  	[tilespmem:s22], [sflag:$0x1] =	stream.indirect.gather [hbm4b:s4+s21], $0x80, s0, s21, $0xb8;
	[tilespmem:$0x1E800] =	vst v63  }
0xb1: {  	_ =	swait.ge [sflag:s25], $0x4000  }
.Ltmp4:
0xb2: {  	[sflag:s25] =	ssyncset.done $0x0;
	(pc) =	sbr.rel @!p1 .LBB2_10-.Ltmp4, $4  }
0xb3: {  	s0 =	sadd.s32 $0x1480, s31;
	[sflag:s25] =	ssyncadd.s32 $0xFFFFC000  }
0xb4: {  	[spmem:s1] =	stream.indirect.scatter.add.f32 [tilespmem:s23], [sflag:$0x3], $0x80, s0, s21, $0xb8;
	[tilespmem:$0x1E800] =	vst v63  }
0xb5: {  	_ =	swait.ge [sflag:s19], $0x4000  }
0xb6: {  	s31 =	sshra.s32 s6, $0x2;
	s0 =	smov.u32 s7;
	[sflag:s19] =	ssyncset.done $0x0  }
.Ltmp5:
0xb7: {  	_ = 	snop;
	(pc) =	sbr.rel .LBB2_11-.Ltmp5, $1  }
0xb8: {  	_ =	sdelay $0x3  }
.LBB2_2:
0xb9: {  	s0 =	rddreg [dreg:$0x4]  }
0xba: {  	[spmem:s30], [sflag:s18] =	dma.local [hbm:s0], $0x2800  }
0xbb: {  	_ =	swait.ge [sflag:s19], $0x2800  }
0xbc: {  	[sflag:s19] =	ssyncset.done $0x0  }
0xbd: {  	[sflag:s19] =	ssyncadd.s32 $0xFFFFD800  }
0xbe: {  	[bflag:$0x0] =	sbarrier.arrive $0xFFFF  }
0xbf: {  	s6 =	simm.s32 $0x0;
	s2 =	rddreg [dreg:$0x5]  }
0xc0: {  	[tilespmem:s6], [sflag:$0x3] =	stream.linear.gather [hbm4b:s2+s6], $0x1400, $0x38;
	[tilespmem:$0x1E800] =	vst v63  }
0xc1: {  	_ =	swait.ge [sflag:s19], $0x1400  }
0xc2: {  	[sflag:s19] =	ssyncset.done $0x0  }
0xc3: {  	[sflag:s19] =	ssyncadd.s32 $0xFFFFEC00  }
0xc4: {  	[tilespmem:s20], [sflag:$0x3] =	stream.linear.gather [hbm4b:s8+s6], $0x1400, $0x38;
	[tilespmem:$0x1E800] =	vst v63  }
0xc5: {  	_ =	swait.ge [sflag:s19], $0x1400  }
0xc6: {  	[sflag:s19] =	ssyncset.done $0x0  }
0xc7: {  	[sflag:s19] =	ssyncadd.s32 $0xFFFFEC00  }
0xc8: {  	[tilespmem:s22], [sflag:$0x1] =	stream.indirect.gather [hbm4b:s4+s21], $0x80, s6, s21, $0xb8;
	[tilespmem:$0x1E800] =	vst v63  }
0xc9: {  	s7 =	simm.s32 $0x80  }
0xca: {  	[tilespmem:s23], [sflag:$0x2] =	stream.indirect.gather [hbm4b:s4+s21], $0x80, s7, s21, $0xb8;
	[tilespmem:$0x1E800] =	vst v63  }
0xcb: {  	_ =	swait.ge [sflag:s24], $0x4000  }
0xcc: {  	[sflag:s24] =	ssyncset.done $0x0  }
0xcd: {  	s2 =	simm.s32 $0x1400;
	[sflag:s24] =	ssyncadd.s32 $0xFFFFC000  }
0xce: {  	[spmem:s1] =	stream.indirect.scatter.add.f32 [tilespmem:s22], [sflag:$0x3], $0x80, s2, s21, $0xb8;
	[tilespmem:$0x1E800] =	vst v63  }
0xcf: {  	_ =	swait.ge [sflag:s19], $0x4000  }
0xd0: {  	[sflag:s19] =	ssyncset.done $0x0  }
0xd1: {  	s6 =	simm.s32 $0x100;
	[sflag:s19] =	ssyncadd.s32 $0xFFFFC000  }
0xd2: {  	[tilespmem:s22], [sflag:$0x1] =	stream.indirect.gather [hbm4b:s4+s21], $0x80, s6, s21, $0xb8;
	[tilespmem:$0x1E800] =	vst v63  }
0xd3: {  	_ =	swait.ge [sflag:s25], $0x4000  }
0xd4: {  	[sflag:s25] =	ssyncset.done $0x0  }
0xd5: {  	s7 =	simm.s32 $0x1480;
	[sflag:s25] =	ssyncadd.s32 $0xFFFFC000  }
0xd6: {  	[spmem:s1] =	stream.indirect.scatter.add.f32 [tilespmem:s23], [sflag:$0x3], $0x80, s7, s21, $0xb8;
	[tilespmem:$0x1E800] =	vst v63  }
0xd7: {  	_ =	swait.ge [sflag:s19], $0x4000  }
0xd8: {  	s31 =	simm.s32 $0x100;
	s0 =	simm.s32 $0x800;
	[sflag:s19] =	ssyncset.done $0x0  }
.LBB2_3:
0xd9: {  	s2 =	sadd.s32 $0x80, s31  }
0xda: {  	[sflag:s19] =	ssyncadd.s32 $0xFFFFC000;
	s6 =	smov.u32 s0;
	s7 =	sadd.s32 $0x400, s0  }
0xdb: {  	[tilespmem:s23], [sflag:$0x2] =	stream.indirect.gather [hbm4b:s4+s21], $0x80, s2, s21, $0xb8;
	[tilespmem:$0x1E800] =	vst v63  }
0xdc: {  	p1 =	sne.s32 s0, $0x4800;
	_ =	swait.ge [sflag:s24], $0x4000  }
0xdd: {  	[sflag:s24] =	ssyncset.done $0x0  }
0xde: {  	s0 =	sadd.s32 $0x1400, s31;
	[sflag:s24] =	ssyncadd.s32 $0xFFFFC000  }
0xdf: {  	[spmem:s1] =	stream.indirect.scatter.add.f32 [tilespmem:s22], [sflag:$0x3], $0x80, s0, s21, $0xb8;
	[tilespmem:$0x1E800] =	vst v63  }
0xe0: {  	_ =	swait.ge [sflag:s19], $0x4000  }
0xe1: {  	[sflag:s19] =	ssyncset.done $0x0  }
0xe2: {  	s0 =	sadd.s32 $0x100, s31;
	[sflag:s19] =	ssyncadd.s32 $0xFFFFC000  }
0xe3: {  	[tilespmem:s22], [sflag:$0x1] =	stream.indirect.gather [hbm4b:s4+s21], $0x80, s0, s21, $0xb8;
	[tilespmem:$0x1E800] =	vst v63  }
0xe4: {  	_ =	swait.ge [sflag:s25], $0x4000  }
.Ltmp6:
0xe5: {  	[sflag:s25] =	ssyncset.done $0x0;
	(pc) =	sbr.rel @p1 .LBB2_3-.Ltmp6, $4  }
0xe6: {  	s0 =	sadd.s32 $0x1480, s31;
	[sflag:s25] =	ssyncadd.s32 $0xFFFFC000  }
0xe7: {  	[spmem:s1] =	stream.indirect.scatter.add.f32 [tilespmem:s23], [sflag:$0x3], $0x80, s0, s21, $0xb8;
	[tilespmem:$0x1E800] =	vst v63  }
0xe8: {  	_ =	swait.ge [sflag:s19], $0x4000  }
0xe9: {  	s31 =	sshra.s32 s6, $0x2;
	s0 =	smov.u32 s7;
	[sflag:s19] =	ssyncset.done $0x0  }
0xea: {  	s0 =	sadd.s32 $0x80, s31;
	[sflag:s19] =	ssyncadd.s32 $0xFFFFC000  }
0xeb: {  	[tilespmem:s23], [sflag:$0x2] =	stream.indirect.gather [hbm4b:s4+s21], $0x80, s0, s21, $0xb8;
	[tilespmem:$0x1E800] =	vst v63  }
0xec: {  	_ =	swait.ge [sflag:s24], $0x4000  }
0xed: {  	[sflag:s24] =	ssyncset.done $0x0  }
0xee: {  	s6 =	sadd.s32 $0x1400, s31;
	[sflag:s24] =	ssyncadd.s32 $0xFFFFC000  }
0xef: {  	[spmem:s1] =	stream.indirect.scatter.add.f32 [tilespmem:s22], [sflag:$0x3], $0x80, s6, s21, $0xb8;
	[tilespmem:$0x1E800] =	vst v63  }
0xf0: {  	_ =	swait.ge [sflag:s19], $0x4000  }
0xf1: {  	[sflag:s19] =	ssyncset.done $0x0  }
0xf2: {  	s7 =	sadd.s32 $0x100, s31;
	[sflag:s19] =	ssyncadd.s32 $0xFFFFC000  }
0xf3: {  	[tilespmem:s22], [sflag:$0x1] =	stream.indirect.gather [hbm4b:s4+s21], $0x80, s7, s21, $0xb8;
	[tilespmem:$0x1E800] =	vst v63  }
0xf4: {  	_ =	swait.ge [sflag:s25], $0x4000  }
0xf5: {  	[sflag:s25] =	ssyncset.done $0x0  }
0xf6: {  	s2 =	sadd.s32 $0x1480, s31;
	[sflag:s25] =	ssyncadd.s32 $0xFFFFC000  }
0xf7: {  	[spmem:s1] =	stream.indirect.scatter.add.f32 [tilespmem:s23], [sflag:$0x3], $0x80, s2, s21, $0xb8;
	[tilespmem:$0x1E800] =	vst v63  }
0xf8: {  	_ =	swait.ge [sflag:s19], $0x4000  }
0xf9: {  	[sflag:s19] =	ssyncset.done $0x0  }
0xfa: {  	[sflag:s19] =	ssyncadd.s32 $0xFFFFC000  }
0xfb: {  	[tilespmem:s23], [sflag:$0x2] =	stream.indirect.gather [hbm4b:s4+s21], $0x80, s26, s21, $0xb8;
	[tilespmem:$0x1E800] =	vst v63  }
0xfc: {  	_ =	swait.ge [sflag:s24], $0x4000  }
0xfd: {  	[sflag:s24] =	ssyncset.done $0x0  }
0xfe: {  	[sflag:s24] =	ssyncadd.s32 $0xFFFFC000  }
0xff: {  	[spmem:s1] =	stream.indirect.scatter.add.f32 [tilespmem:s22], [sflag:$0x3], $0x80, s28, s21, $0xb8;
	[tilespmem:$0x1E800] =	vst v63  }
0x100: {  	_ =	swait.ge [sflag:s19], $0x4000  }
0x101: {  	[sflag:s19] =	ssyncset.done $0x0  }
0x102: {  	[sflag:s19] =	ssyncadd.s32 $0xFFFFC000  }
0x103: {  	_ =	swait.ge [sflag:s25], $0x4000  }
0x104: {  	[sflag:s25] =	ssyncset.done $0x0  }
0x105: {  	[sflag:s25] =	ssyncadd.s32 $0xFFFFC000  }
0x106: {  	[spmem:s1] =	stream.indirect.scatter.add.f32 [tilespmem:s23], [sflag:$0x3], $0x80, s29, s21, $0xb8;
	[tilespmem:$0x1E800] =	vst v63  }
0x107: {  	_ =	swait.ge [sflag:s19], $0x4000  }
0x108: {  	[sflag:s19] =	ssyncset.done $0x0  }
0x109: {  	s6 =	simm.s32 $0x0;
	[sflag:s19] =	ssyncadd.s32 $0xFFFFC000  }
0x10a: {  	[tilespmem:s6], [sflag:$0x3] =	stream.linear.gather [hbm4b:s9+s6], $0x1400, $0x38;
	[tilespmem:$0x1E800] =	vst v63  }
0x10b: {  	_ =	swait.ge [sflag:s19], $0x1400  }
0x10c: {  	[sflag:s19] =	ssyncset.done $0x0  }
0x10d: {  	[sflag:s19] =	ssyncadd.s32 $0xFFFFEC00  }
0x10e: {  	[tilespmem:s20], [sflag:$0x3] =	stream.linear.gather [hbm4b:s10+s6], $0x1400, $0x38;
	[tilespmem:$0x1E800] =	vst v63  }
0x10f: {  	_ =	swait.ge [sflag:s19], $0x1400  }
0x110: {  	[sflag:s19] =	ssyncset.done $0x0  }
0x111: {  	[sflag:s19] =	ssyncadd.s32 $0xFFFFEC00  }
0x112: {  	[tilespmem:s22], [sflag:$0x1] =	stream.indirect.gather [hbm4b:s4+s21], $0x80, s6, s21, $0xb8;
	[tilespmem:$0x1E800] =	vst v63  }
0x113: {  	s7 =	simm.s32 $0x80  }
0x114: {  	[tilespmem:s23], [sflag:$0x2] =	stream.indirect.gather [hbm4b:s4+s21], $0x80, s7, s21, $0xb8;
	[tilespmem:$0x1E800] =	vst v63  }
0x115: {  	_ =	swait.ge [sflag:s24], $0x4000  }
0x116: {  	[sflag:s24] =	ssyncset.done $0x0  }
0x117: {  	s2 =	simm.s32 $0x1400;
	[sflag:s24] =	ssyncadd.s32 $0xFFFFC000  }
0x118: {  	[spmem:s1] =	stream.indirect.scatter.add.f32 [tilespmem:s22], [sflag:$0x3], $0x80, s2, s21, $0xb8;
	[tilespmem:$0x1E800] =	vst v63  }
0x119: {  	_ =	swait.ge [sflag:s19], $0x4000  }
0x11a: {  	[sflag:s19] =	ssyncset.done $0x0  }
0x11b: {  	s6 =	simm.s32 $0x100;
	[sflag:s19] =	ssyncadd.s32 $0xFFFFC000  }
0x11c: {  	[tilespmem:s22], [sflag:$0x1] =	stream.indirect.gather [hbm4b:s4+s21], $0x80, s6, s21, $0xb8;
	[tilespmem:$0x1E800] =	vst v63  }
0x11d: {  	_ =	swait.ge [sflag:s25], $0x4000  }
0x11e: {  	[sflag:s25] =	ssyncset.done $0x0  }
0x11f: {  	s7 =	simm.s32 $0x1480;
	[sflag:s25] =	ssyncadd.s32 $0xFFFFC000  }
0x120: {  	[spmem:s1] =	stream.indirect.scatter.add.f32 [tilespmem:s23], [sflag:$0x3], $0x80, s7, s21, $0xb8;
	[tilespmem:$0x1E800] =	vst v63  }
0x121: {  	_ =	swait.ge [sflag:s19], $0x4000  }
0x122: {  	s31 =	simm.s32 $0x100;
	s0 =	simm.s32 $0x800;
	[sflag:s19] =	ssyncset.done $0x0  }
.LBB2_5:
0x123: {  	s2 =	sadd.s32 $0x80, s31  }
0x124: {  	[sflag:s19] =	ssyncadd.s32 $0xFFFFC000;
	s6 =	smov.u32 s0;
	s7 =	sadd.s32 $0x400, s0  }
0x125: {  	[tilespmem:s23], [sflag:$0x2] =	stream.indirect.gather [hbm4b:s4+s21], $0x80, s2, s21, $0xb8;
	[tilespmem:$0x1E800] =	vst v63  }
0x126: {  	p1 =	sne.s32 s0, $0x4800;
	_ =	swait.ge [sflag:s24], $0x4000  }
0x127: {  	[sflag:s24] =	ssyncset.done $0x0  }
0x128: {  	s0 =	sadd.s32 $0x1400, s31;
	[sflag:s24] =	ssyncadd.s32 $0xFFFFC000  }
0x129: {  	[spmem:s1] =	stream.indirect.scatter.add.f32 [tilespmem:s22], [sflag:$0x3], $0x80, s0, s21, $0xb8;
	[tilespmem:$0x1E800] =	vst v63  }
0x12a: {  	_ =	swait.ge [sflag:s19], $0x4000  }
0x12b: {  	[sflag:s19] =	ssyncset.done $0x0  }
0x12c: {  	s0 =	sadd.s32 $0x100, s31;
	[sflag:s19] =	ssyncadd.s32 $0xFFFFC000  }
0x12d: {  	[tilespmem:s22], [sflag:$0x1] =	stream.indirect.gather [hbm4b:s4+s21], $0x80, s0, s21, $0xb8;
	[tilespmem:$0x1E800] =	vst v63  }
0x12e: {  	_ =	swait.ge [sflag:s25], $0x4000  }
.Ltmp7:
0x12f: {  	[sflag:s25] =	ssyncset.done $0x0;
	(pc) =	sbr.rel @p1 .LBB2_5-.Ltmp7, $4  }
0x130: {  	s0 =	sadd.s32 $0x1480, s31;
	[sflag:s25] =	ssyncadd.s32 $0xFFFFC000  }
0x131: {  	[spmem:s1] =	stream.indirect.scatter.add.f32 [tilespmem:s23], [sflag:$0x3], $0x80, s0, s21, $0xb8;
	[tilespmem:$0x1E800] =	vst v63  }
0x132: {  	_ =	swait.ge [sflag:s19], $0x4000  }
0x133: {  	s31 =	sshra.s32 s6, $0x2;
	s0 =	smov.u32 s7;
	[sflag:s19] =	ssyncset.done $0x0  }
0x134: {  	s0 =	sadd.s32 $0x80, s31;
	[sflag:s19] =	ssyncadd.s32 $0xFFFFC000  }
0x135: {  	[tilespmem:s23], [sflag:$0x2] =	stream.indirect.gather [hbm4b:s4+s21], $0x80, s0, s21, $0xb8;
	[tilespmem:$0x1E800] =	vst v63  }
0x136: {  	_ =	swait.ge [sflag:s24], $0x4000  }
0x137: {  	[sflag:s24] =	ssyncset.done $0x0  }
0x138: {  	s6 =	sadd.s32 $0x1400, s31;
	[sflag:s24] =	ssyncadd.s32 $0xFFFFC000  }
0x139: {  	[spmem:s1] =	stream.indirect.scatter.add.f32 [tilespmem:s22], [sflag:$0x3], $0x80, s6, s21, $0xb8;
	[tilespmem:$0x1E800] =	vst v63  }
0x13a: {  	_ =	swait.ge [sflag:s19], $0x4000  }
0x13b: {  	[sflag:s19] =	ssyncset.done $0x0  }
0x13c: {  	s7 =	sadd.s32 $0x100, s31;
	[sflag:s19] =	ssyncadd.s32 $0xFFFFC000  }
0x13d: {  	[tilespmem:s22], [sflag:$0x1] =	stream.indirect.gather [hbm4b:s4+s21], $0x80, s7, s21, $0xb8;
	[tilespmem:$0x1E800] =	vst v63  }
0x13e: {  	_ =	swait.ge [sflag:s25], $0x4000  }
0x13f: {  	[sflag:s25] =	ssyncset.done $0x0  }
.Ltmp8:
0x140: {  	s31 =	sadd.s32 $0x1480, s31;
	[sflag:s25] =	ssyncadd.s32 $0xFFFFC000;
	(pc) =	sbr.rel .LBB2_12-.Ltmp8, $4  }
0x141: {  	[spmem:s1] =	stream.indirect.scatter.add.f32 [tilespmem:s23], [sflag:$0x3], $0x80, s31, s21, $0xb8;
	[tilespmem:$0x1E800] =	vst v63  }
0x142: {  	_ =	swait.ge [sflag:s19], $0x4000  }
0x143: {  	[sflag:s19] =	ssyncset.done $0x0  }
0x144: {  	[sflag:s19] =	ssyncadd.s32 $0xFFFFC000  }
.LBB2_13:
0x145: {  	_ =	sfence.sel $0x180000  }
0x146: {  	[bflag:$0x0] =	sbarrier.arrive $0xFFFF  }
0x147: {  	_ =	strace $0x9000004D  }
0x148: {  	s0 =	stileid.u32;
	[bflag:$0x2] =	sbarrier.arrive $0xFFFF  }
0x149: {  	p0 =	sne.s32 s0, $0x0;
	s0 =	rddreg [dreg:$0x3]  }
0x14a: {  	s0 =	sadd.s32 @!p0 $0x100000, s0  }
0x14b: {  	[sflag:s0] =	ssyncadd.tile.s32 @!p0 $0x1;
	_ =	shalt  }
.Lfunc_end2:
_tile_overlayer_lowered:
.L_overlay_start_2:
0x14c: {  	(tag) =	ssettag $0x2  }
0x14d: {  	s0 =	rddreg [dreg:$0x0];
	s2 =	stileid.u32  }
0x14e: {  	s1 =	rddreg [dreg:$0x1];
	p0 =	sne.s32 s2, $0x0  }
0x14f: {  	s3 =	rddreg [dreg:$0x2];
	[bflag:$0x3] =	sbarrier.arrive $0xFFFF;
	s2 =	simm.s32 @!p0 $0x1C03  }
0x150: {  	[timem:s3], [sflag:s2] =	dma.local @!p0 [hbm:s0], s1  }
0x151: {  	s0 =	simm.s32 @!p0 $0x3  }
0x152: {  	_ =	swait.ge @!p0 [sflag:s0], s1  }
0x153: {  	s1 =	ssub.s32 @!p0 $0x0, s1;
	[sflag:s0] =	ssyncset.done @!p0 $0x0  }
0x154: {  	[sflag:s0] =	ssyncadd.s32 @!p0 s1  }
0x155: {  	[bflag:$0x3] =	sbarrier.arrive $0xFFFF  }
0x156: {  	_ =	shalt  }

// kernel: kernel.20.cloned.1.call-start
scs
__scs_entry_jumppad:
0x0: {  	(pc) =	sbr.rel $0x88, $3  }
0x1: {  	(tag) =	ssettag $0x0;
	lr =	simm.s32 $0x1  }
0x2: {  	[smem:$0x3F99] =	sst lr;
	_ =	strace $0xD0000000  }
0x3: {  	_ = 	snop  }
0x4: {  	_ = 	snop  }
0x5: {  	_ = 	snop  }
0x6: {  	_ = 	snop  }
0x7: {  	_ = 	snop  }
__scs_overlays_trampoline_lowered:
0x8: {  	[smem:$0x3FA8] =	sst s0  }
0x9: {  	[smem:$0x3FA9] =	sst s1  }
0xa: {  	[smem:$0x3FAA] =	sst s2  }
0xb: {  	[smem:$0x3FAB] =	sst s3  }
0xc: {  	[smem:$0x3FAC] =	sst s4  }
0xd: {  	[smem:$0x3FAD] =	sst s5  }
0xe: {  	[smem:$0x3FAE] =	sst s6  }
0xf: {  	[smem:$0x3FAF] =	sst s7  }
0x10: {  	[smem:$0x3FB0] =	sst s8  }
0x11: {  	[smem:$0x3FB1] =	sst s9;
	s0 =	simm.s32 @!p0 $0x0  }
0x12: {  	s1 =	sld [smem:$0x3F97];
	s0 =	simm.s32 @p0 $0x1  }
0x13: {  	[smem:$0x3FB2] =	sst s0;
	s0 =	simm.s32 @!p1 $0x0  }
0x14: {  	s2 =	sld [smem:$0x3F96];
	s0 =	simm.s32 @p1 $0x1  }
0x15: {  	[smem:$0x3FB3] =	sst s0;
	s0 =	simm.s32 @!p2 $0x0  }
0x16: {  	s3 =	sld [smem:$0x3FDB];
	s0 =	simm.s32 @p2 $0x1  }
0x17: {  	s4 =	simm.s32 $0x1BF5;
	[smem:$0x3FB5] =	sst s0  }
0x18: {  	s0 =	sld [smem:$0x3F98];
	_ =	swait.ge [sflag:s4], $0x0  }
0x19: {  	s7 =	sld [smem:$0x3F99]  }
0x1a: {  	s8 =	sadd.s32 $0xFFFFE003, lr  }
0x1b: {  	s9 =	sadd.s32 $0xFFFFFEF7, lr;
	s5 =	simm.s32 $0xFFFFFFFF;
	p2 =	slt.u32 s8, $0xFFFFF086  }
0x1c: {  	p1 =	slt.u32 s9, $0xF7A;
	s5 =	simm.s32 @!p2 $0x0  }
0x1d: {  	s5 =	simm.s32 @p1 $0x1;
	p0 =	seq.s32 s7, s2  }
0x1e: {  	s7 =	smul.u32 @!p0 $0xF7A, s2;
	p2 =	seq.s32 @!p0 s5, $0x0  }
0x1f: {  	s9 =	smul.u32 $0xF7A, s1;
	s8 =	simm.s32 @!p0 $0x1BF5;
	p2 =	por !p2, p0  }
0x20: {  	[sflag:s8] =	ssyncset.s32 @!p0 $0xFFFFF086;
	s6 =	sadd.s32 @!p0 s3, s7;
	s7 =	simm.s32 @!p0 $0x108  }
0x21: {  	s3 =	sadd.s32 s3, s9;
	s6 =	sadd.s32 @!p0 $0x88, s6;
	s7 =	simm.s32 @p2 $0x1082  }
0x22: {  	[simem:s7], [sflag:s8] =	dma.local @!p0 [hbm:s6], $0xF7A  }
0x23: {  	s9 =	sor.u32 $0xD0000000, s2;
	s6 =	simm.s32 $0x108;
	_ =	swait.ge @!p0 [sflag:s8], $0x0  }
0x24: {  	s3 =	sadd.s32 $0x88, s3;
	s6 =	simm.s32 @!p1 $0x1082;
	[sflag:s4] =	ssyncset.s32 $0xFFFFF086  }
0x25: {  	[simem:s6], [sflag:s4] =	dma.local [hbm:s3], $0xF7A  }
0x26: {  	[smem:$0x3F99] =	sst s1;
	(tag) =	ssettag s2;
	_ =	strace s9  }
0x27: {  	s1 =	sld [smem:$0x3FA9]  }
0x28: {  	s2 =	sld [smem:$0x3FAA]  }
0x29: {  	s4 =	sld [smem:$0x3FAC]  }
0x2a: {  	p0 =	seq.s32 s5, $0x0;
	s5 =	sld [smem:$0x3FAD]  }
0x2b: {  	s6 =	sld [smem:$0x3FAE]  }
0x2c: {  	s7 =	sld [smem:$0x3FAF]  }
0x2d: {  	s3 =	simm.s32 $0x108;
	s8 =	sld [smem:$0x3FB0]  }
0x2e: {  	s3 =	simm.s32 @!p0 $0x1082;
	s9 =	sld [smem:$0x3FB1]  }
0x2f: {  	lr =	sadd.s32 s0, s3;
	s0 =	sld [smem:$0x3FA8]  }
0x30: {  	s3 =	sld [smem:$0x3FAB]  }
0x31: {  	[smem:$0x3FB4] =	sst s10  }
0x32: {  	s10 =	sld [smem:$0x3FB2];
	_ =	sdelay $0x3  }
0x33: {  	p0 =	seq.s32 s10, $0x1;
	s10 =	sld [smem:$0x3FB4];
	_ =	sdelay $0x3  }
0x34: {  	[smem:$0x3FB4] =	sst s10  }
0x35: {  	s10 =	sld [smem:$0x3FB3];
	_ =	sdelay $0x3  }
0x36: {  	p1 =	seq.s32 s10, $0x1;
	s10 =	sld [smem:$0x3FB4];
	_ =	sdelay $0x3  }
0x37: {  	[smem:$0x3FB4] =	sst s10  }
0x38: {  	s10 =	sld [smem:$0x3FB5]  }
0x39: {  	_ = 	snop;
	(pc) =	sbr.ind lr, $3  }
0x3a: {  	_ = 	snop  }
0x3b: {  	_ = 	snop  }
0x3c: {  	p2 =	seq.s32 s10, $0x1;
	s10 =	sld [smem:$0x3FB4]  }
0x3d: {  	_ =	shalt  }
0x3e: {  	_ =	shalt  }
0x3f: {  	_ =	shalt  }
0x40: {  	_ =	shalt  }
0x41: {  	_ =	shalt  }
0x42: {  	_ =	shalt  }
0x43: {  	_ =	shalt  }
0x44: {  	_ =	shalt  }
0x45: {  	_ =	shalt  }
0x46: {  	_ =	shalt  }
0x47: {  	_ =	shalt  }
0x48: {  	_ =	shalt  }
0x49: {  	_ =	shalt  }
0x4a: {  	_ =	shalt  }
0x4b: {  	_ =	shalt  }
0x4c: {  	_ =	shalt  }
0x4d: {  	_ =	shalt  }
0x4e: {  	_ =	shalt  }
0x4f: {  	_ =	shalt  }
0x50: {  	_ =	shalt  }
0x51: {  	_ =	shalt  }
0x52: {  	_ =	shalt  }
0x53: {  	_ =	shalt  }
0x54: {  	_ =	shalt  }
0x55: {  	_ =	shalt  }
0x56: {  	_ =	shalt  }
0x57: {  	_ =	shalt  }
0x58: {  	_ =	shalt  }
0x59: {  	_ =	shalt  }
0x5a: {  	_ =	shalt  }
0x5b: {  	_ =	shalt  }
0x5c: {  	_ =	shalt  }
0x5d: {  	_ =	shalt  }
0x5e: {  	_ =	shalt  }
0x5f: {  	_ =	shalt  }
0x60: {  	_ =	shalt  }
0x61: {  	_ =	shalt  }
0x62: {  	_ =	shalt  }
0x63: {  	_ =	shalt  }
0x64: {  	_ =	shalt  }
0x65: {  	_ =	shalt  }
0x66: {  	_ =	shalt  }
0x67: {  	_ =	shalt  }
0x68: {  	_ =	shalt  }
0x69: {  	_ =	shalt  }
0x6a: {  	_ =	shalt  }
0x6b: {  	_ =	shalt  }
0x6c: {  	_ =	shalt  }
0x6d: {  	_ =	shalt  }
0x6e: {  	_ =	shalt  }
0x6f: {  	_ =	shalt  }
0x70: {  	_ =	shalt  }
0x71: {  	_ =	shalt  }
0x72: {  	_ =	shalt  }
0x73: {  	_ =	shalt  }
0x74: {  	_ =	shalt  }
0x75: {  	_ =	shalt  }
0x76: {  	_ =	shalt  }
0x77: {  	_ =	shalt  }
0x78: {  	_ =	shalt  }
0x79: {  	_ =	shalt  }
0x7a: {  	_ =	shalt  }
0x7b: {  	_ =	shalt  }
0x7c: {  	_ =	shalt  }
0x7d: {  	_ =	shalt  }
0x7e: {  	_ =	shalt  }
0x7f: {  	_ =	shalt  }
0x80: {  	_ =	shalt  }
0x81: {  	_ =	shalt  }
0x82: {  	_ =	shalt  }
0x83: {  	_ =	shalt  }
0x84: {  	_ =	shalt  }
0x85: {  	_ =	shalt  }
0x86: {  	_ =	shalt  }
0x87: {  	_ =	shalt  }
.Lfunc_end0:
.L_simem_size_0:
called_computation.3_lowered:
.L_overlay_start_0:
0x88: {  	s2 =	sld [smem:$0x3FD9]  }
0x89: {  	s3 =	sld [smem:$0x3FFE];
	_ =	sdelay $0x1  }
0x8a: {  	s1 =	srdreg.scid  }
0x8b: {  	s0 =	sand.u32 $0x1, s1  }
0x8c: {  	s17 =	sshll.u32 s0, $0xA;
	s2 =	sadd.s32 s3, s2  }
0x8d: {  	s2 =	sadd.s32 s2, s17  }
0x8e: {  	[smem:$0x3FC0] =	sst s2  }
0x8f: {  	_ = 	snop  }
0x90: {  	s2 =	sld [smem:$0x3FD0];
	(tm) =	ssettm $0x1  }
0x91: {  	s18 =	sld [smem:$0x3FFB];
	_ =	sdelay $0x3  }
0x92: {  	_ =	strace s18  }
0x93: {  	s3 =	sld [smem:$0x3FFC];
	_ =	sdelay $0x3  }
0x94: {  	_ =	strace s3  }
0x95: {  	s3 =	sld [smem:$0x3FFD];
	_ =	sdelay $0x3  }
0x96: {  	_ =	strace s3  }
0x97: {  	_ =	strace $0x8FFFFFFF  }
0x98: {  	s19 =	sld [smem:$0x3FDB];
	_ =	sdelay $0x1  }
0x99: {  	s4 =	simm.s32 $_scs_section_size  }
0x9a: {  	s5 =	simm.s32 $_size__tile_overlayer_lowered;
	s6 =	simm.s32 $_tile_overlayer_lowered  }
0x9b: {  	s22 =	simm.s32 $0x1BFF;
	s21 =	sshll.u32 s6, $0x1;
	s3 =	sadd.s32 s4, s19  }
0x9c: {  	s7 =	simm.s32 $0x0;
	s20 =	sshll.u32 s5, $0x1;
	s5 =	sadd.s32 s21, s3  }
0x9d: {  	[timem:s7], [sflag:s22] =	dma.local [hbm:s5], s20  }
0x9e: {  	_ =	swait.ge [sflag:s22], s20  }
0x9f: {  	s4 =	ssub.s32 $0x0, s20;
	[sflag:s22] =	ssyncset.done $0x0  }
0xa0: {  	[sflag:s22] =	ssyncadd.s32 s4;
	_ =	sdelay $0x1  }
0xa1: {  	s23 =	simm.s32 $0x1B8B  }
0xa2: {  	_ =	swait.ge [sflag:s23], $0x1  }
0xa3: {  	[sflag:s23] =	ssyncset.done $0x0  }
0xa4: {  	s25 =	simm.s32 $0x1B8E;
	s24 =	sld [smem:$0x3FFE];
	[sflag:s23] =	ssyncadd.s32 $0xFFFFFFFF  }
0xa5: {  	s26 =	simm.s32 $execute0_lowered;
	[smem:$0x3FD2] =	sst s25  }
0xa6: {  	s5 =	sshll.u32 s26, $0x1;
	_ =	strace $0x8000004F;
	[dreg:$0x1] =	wrdreg $0xFFFFFFFF  }
0xa7: {  	s28 =	simm.s32 $_size_execute0_lowered;
	s3 =	sadd.s32 s3, s5;
	[dreg:$0x0] =	wrdreg $0x0  }
0xa8: {  	s5 =	sshll.u32 s28, $0x1;
	[dreg:$0x2] =	wrdreg s3  }
0xa9: {  	[dreg:$0x3] =	wrdreg s5  }
0xaa: {  	[dreg:$0x4] =	wrdreg $0xC0  }
0xab: {  	_ =	task [dreg:s7], $0x5FFFF  }
0xac: {  	[dreg:$0x1] =	wrdreg $0xFFFFFFFF  }
0xad: {  	[dreg:$0x0] =	wrdreg $0x60  }
0xae: {  	[dreg:$0x2] =	wrdreg s24  }
0xaf: {  	[dreg:$0x3] =	wrdreg s2  }
0xb0: {  	[dreg:$0x4] =	wrdreg $0xA8000  }
0xb1: {  	[dreg:$0x5] =	wrdreg $0x9  }
0xb2: {  	_ =	task.clear_ibuf [dreg:s7], $0x6FFFF;
	_ =	strace $0x9000004F  }
0xb3: {  	s29 =	simm.s32 $0x9;
	_ =	strace $0x80000051  }
0xb4: {  	_ =	swait.ge [sflag:s29], $0x1  }
0xb5: {  	[sflag:s29] =	ssyncadd.s32 $0xFFFFFFFF  }
0xb6: {  	_ =	strace $0x90000051  }
0xb7: {  	_ =	sfence  }
0xb8: {  	s30 =	sld [smem:$0x0];
	_ =	sdelay $0x2  }
0xb9: {  	s31 =	sshll.u32 s1, $0xD;
	s1 =	sshrl.u32 s1, $0x2  }
0xba: {  	s3 =	sand.u32 $0x4000, s31;
	s1 =	sadd.s32 s1, s30  }
0xbb: {  	s0 =	sor.u32 s3, s0;
	s1 =	sshll.u32 s1, $0x11  }
0xbc: {  	s0 =	sor.u32 s1, s0  }
0xbd: {  	s0 =	sadd.s32 $0x8F2B, s0  }
0xbe: {  	[sflag:s0] =	ssyncadd.remote.s32 $0x1  }
0xbf: {  	_ =	sfence.sel $0xFFFF  }
0xc0: {  	[dreg:$0x0] =	wrdreg $0xFFFFFFFF;
	(pc) =	sbr.abs _section_cstart, $3  }
0xc1: {  	[dreg:$0x1] =	wrdreg $0xFFFFFFFF  }
0xc2: {  	_ =	task.clear_ibuf [dreg:s7], $0x2FFFF;
	_ =	strace $0x9FFFFFFF  }
0xc3: {  	(tm) =	ssettm $0x7FFFFFFF  }
tec
execute0_lowered:
.L_overlay_start_1:
0x0: {  	(tag) =	ssettag $0x1  }
0x1: {  	s0 =	rddreg [dreg:$0x0]  }
0x2: {  	s15 =	rddreg [dreg:$0x1]  }
0x3: {  	s1 =	rddreg [dreg:$0x2]  }
0x4: {  	s2 =	srdreg.scid;
	s3 =	simm.s32 $0x0;
	s21 =	stileid.u32  }
0x5: {  	s20 =	simm.s32 $0x1400;
	s28 =	simm.s32 $0x2700;
	s6 =	smul.u32 $0x14000, s21  }
0x6: {  	s29 =	simm.s32 $0x2780;
	s18 =	sand.u32 $0x1, s2;
	s11 =	smul.u32 $0x2800, s21  }
0x7: {  	[smem:$0x7FF] =	sst s3;
	s4 =	sadd.s32 $0xD400, s0;
	s7 =	smul.u32 $0x50000, s21  }
0x8: {  	s14 =	sadd.s32 $0x3400, s0;
	s16 =	smul.u32 $0x500, s21;
	s31 =	sshll.u32 s21, $0x6  }
0x9: {  	s21 =	simm.s32 $0x80;
	s5 =	smul.u32 $0x140000, s18;
	_ =	strace $0x80000050  }
0xa: {  	s22 =	ssub.s32 $0x2, s18;
	p0 =	seq.s32 s18, $0x0;
	s18 =	sor.u32 $0x1C03, s31  }
0xb: {  	s8 =	sadd.s32 s11, s0;
	s23 =	sshrl.u32 s22, $0x1;
	s24 =	sshrl.u32 s7, $0x2  }
0xc: {  	s13 =	sshrl.u32 s11, $0x3;
	s11 =	sadd.s32 s4, s11;
	s12 =	sadd.s32 s14, s16  }
0xd: {  	s5 =	sadd.s32 s6, s5;
	s17 =	ssub.s32 s22, s23;
	s25 =	sadd.s32 $0x35400, s8  }
0xe: {  	s26 =	sadd.s32 $0x5000, s13;
	s10 =	sadd.s32 $0x5280, s13;
	s19 =	sadd.s32 $0x280, s13  }
0xf: {  	s13 =	sadd.s32 s15, s16;
	s22 =	simm.s32 $0x2800;
	s23 =	simm.s32 $0x6800  }
0x10: {  	s5 =	sshrl.u32 s5, $0x3;
	[dreg:$0x4] =	wrdreg s25;
	s30 =	sadd.s32 s14, s26  }
.Ltmp0:
0x11: {  	s8 =	sadd.s32 s15, s26;
	s9 =	sadd.s32 s14, s10;
	(pc) =	sbr.rel .LBB2_1-.Ltmp0, $4  }
0x12: {  	s10 =	sadd.s32 s15, s10;
	s14 =	sadd.s32 s14, s19;
	s15 =	sadd.s32 s15, s19  }
0x13: {  	s17 =	smax.u32 s17, $0x1;
	s19 =	simm.s32 $0x3;
	s25 =	simm.s32 $0x2  }
0x14: {  	s26 =	simm.s32 $0x1380;
	s0 =	sadd.s32 s5, s0;
	s5 =	sadd.s32 s24, s1  }
0x15: {  	[dreg:$0x5] =	wrdreg s30;
	s24 =	simm.s32 $0x1;
	s16 =	sadd.s32 $0x5D400, s0  }
.LBB2_11:
0x16: {  	s0 =	sadd.s32 $0x80, s31;
	[sflag:s19] =	ssyncadd.s32 $0xFFFFC000  }
0x17: {  	[tilespmem:s23], [sflag:$0x2] =	stream.indirect.gather [hbm4b:s4+s21], $0x80, s0, s21, $0xb8;
	[tilespmem:$0x1E800] =	vst v63  }
0x18: {  	_ =	swait.ge [sflag:s24], $0x4000  }
0x19: {  	[sflag:s24] =	ssyncset.done $0x0  }
0x1a: {  	s6 =	sadd.s32 $0x1400, s31;
	[sflag:s24] =	ssyncadd.s32 $0xFFFFC000  }
0x1b: {  	[spmem:s1] =	stream.indirect.scatter.add.f32 [tilespmem:s22], [sflag:$0x3], $0x80, s6, s21, $0xb8;
	[tilespmem:$0x1E800] =	vst v63  }
0x1c: {  	_ =	swait.ge [sflag:s19], $0x4000  }
0x1d: {  	[sflag:s19] =	ssyncset.done $0x0  }
0x1e: {  	s7 =	sadd.s32 $0x100, s31;
	[sflag:s19] =	ssyncadd.s32 $0xFFFFC000  }
0x1f: {  	[tilespmem:s22], [sflag:$0x1] =	stream.indirect.gather [hbm4b:s4+s21], $0x80, s7, s21, $0xb8;
	[tilespmem:$0x1E800] =	vst v63  }
0x20: {  	_ =	swait.ge [sflag:s25], $0x4000  }
0x21: {  	[sflag:s25] =	ssyncset.done $0x0  }
0x22: {  	s31 =	sadd.s32 $0x1480, s31;
	[sflag:s25] =	ssyncadd.s32 $0xFFFFC000  }
0x23: {  	[spmem:s1] =	stream.indirect.scatter.add.f32 [tilespmem:s23], [sflag:$0x3], $0x80, s31, s21, $0xb8;
	[tilespmem:$0x1E800] =	vst v63  }
0x24: {  	_ =	swait.ge [sflag:s19], $0x4000  }
0x25: {  	[sflag:s19] =	ssyncset.done $0x0  }
0x26: {  	[sflag:s19] =	ssyncadd.s32 $0xFFFFC000  }
.LBB2_12:
0x27: {  	[tilespmem:s23], [sflag:$0x2] =	stream.indirect.gather [hbm4b:s4+s21], $0x80, s26, s21, $0xb8;
	[tilespmem:$0x1E800] =	vst v63  }
0x28: {  	_ =	swait.ge [sflag:s24], $0x4000  }
0x29: {  	[sflag:s24] =	ssyncset.done $0x0  }
0x2a: {  	[sflag:s24] =	ssyncadd.s32 $0xFFFFC000  }
0x2b: {  	[spmem:s1] =	stream.indirect.scatter.add.f32 [tilespmem:s22], [sflag:$0x3], $0x80, s28, s21, $0xb8;
	[tilespmem:$0x1E800] =	vst v63  }
0x2c: {  	_ =	swait.ge [sflag:s19], $0x4000  }
0x2d: {  	[sflag:s19] =	ssyncset.done $0x0  }
0x2e: {  	[sflag:s19] =	ssyncadd.s32 $0xFFFFC000  }
0x2f: {  	_ =	swait.ge [sflag:s25], $0x4000  }
0x30: {  	[sflag:s25] =	ssyncset.done $0x0  }
0x31: {  	[sflag:s25] =	ssyncadd.s32 $0xFFFFC000  }
0x32: {  	[spmem:s1] =	stream.indirect.scatter.add.f32 [tilespmem:s23], [sflag:$0x3], $0x80, s29, s21, $0xb8;
	[tilespmem:$0x1E800] =	vst v63  }
0x33: {  	_ =	swait.ge [sflag:s19], $0x4000  }
0x34: {  	s3 =	sadd.s32 $0x1, s3;
	[sflag:s19] =	ssyncset.done $0x0  }
0x35: {  	p1 =	sne.s32 s3, s17;
	[sflag:s19] =	ssyncadd.s32 $0xFFFFC000  }
.Ltmp1:
0x36: {  	[bflag:$0x0] =	sbarrier.arrive $0xFFFF;
	(pc) =	sbr.rel @!p1 .LBB2_13-.Ltmp1, $4  }
0x37: {  	[hbm:s16], [sflag:s18] =	dma.local [spmem:s30], $0x2800  }
0x38: {  	_ =	swait.ge [sflag:s19], $0x2800  }
0x39: {  	[sflag:s19] =	ssyncset.done $0x0  }
0x3a: {  	[sflag:s19] =	ssyncadd.s32 $0xFFFFD800  }
.LBB2_1:
.Ltmp2:
0x3b: {  	(pc) =	sbr.rel @!p0 .LBB2_2-.Ltmp2, $2  }
0x3c: {  	_ =	sdelay $0x2  }
0x3d: {  	s30 =	sshrl.u32 s5, $0x3  }
0x3e: {  	[spmem:s30], [sflag:s18] =	dma.local [hbm:s11], $0x2800  }
0x3f: {  	_ =	swait.ge [sflag:s19], $0x2800  }
0x40: {  	[sflag:s19] =	ssyncset.done $0x0  }
0x41: {  	[sflag:s19] =	ssyncadd.s32 $0xFFFFD800  }
0x42: {  	s0 =	simm.s32 $0x0;
	[bflag:$0x0] =	sbarrier.arrive $0xFFFF  }
0x43: {  	[tilespmem:s0], [sflag:$0x3] =	stream.linear.gather [hbm4b:s12+s0], $0x1400, $0x38;
	[tilespmem:$0x1E800] =	vst v63  }
0x44: {  	_ =	swait.ge [sflag:s19], $0x1400  }
0x45: {  	[sflag:s19] =	ssyncset.done $0x0  }
0x46: {  	[sflag:s19] =	ssyncadd.s32 $0xFFFFEC00  }
0x47: {  	[tilespmem:s20], [sflag:$0x3] =	stream.linear.gather [hbm4b:s13+s0], $0x1400, $0x38;
	[tilespmem:$0x1E800] =	vst v63  }
0x48: {  	_ =	swait.ge [sflag:s19], $0x1400  }
0x49: {  	[sflag:s19] =	ssyncset.done $0x0  }
0x4a: {  	[sflag:s19] =	ssyncadd.s32 $0xFFFFEC00  }
0x4b: {  	[tilespmem:s22], [sflag:$0x1] =	stream.indirect.gather [hbm4b:s4+s21], $0x80, s0, s21, $0xb8;
	[tilespmem:$0x1E800] =	vst v63  }
0x4c: {  	s7 =	simm.s32 $0x80  }
0x4d: {  	[tilespmem:s23], [sflag:$0x2] =	stream.indirect.gather [hbm4b:s4+s21], $0x80, s7, s21, $0xb8;
	[tilespmem:$0x1E800] =	vst v63  }
0x4e: {  	_ =	swait.ge [sflag:s24], $0x4000  }
0x4f: {  	[sflag:s24] =	ssyncset.done $0x0  }
0x50: {  	s2 =	simm.s32 $0x1400;
	[sflag:s24] =	ssyncadd.s32 $0xFFFFC000  }
0x51: {  	[spmem:s1] =	stream.indirect.scatter.add.f32 [tilespmem:s22], [sflag:$0x3], $0x80, s2, s21, $0xb8;
	[tilespmem:$0x1E800] =	vst v63  }
0x52: {  	_ =	swait.ge [sflag:s19], $0x4000  }
0x53: {  	[sflag:s19] =	ssyncset.done $0x0  }
0x54: {  	s6 =	simm.s32 $0x100;
	[sflag:s19] =	ssyncadd.s32 $0xFFFFC000  }
0x55: {  	[tilespmem:s22], [sflag:$0x1] =	stream.indirect.gather [hbm4b:s4+s21], $0x80, s6, s21, $0xb8;
	[tilespmem:$0x1E800] =	vst v63  }
0x56: {  	_ =	swait.ge [sflag:s25], $0x4000  }
0x57: {  	[sflag:s25] =	ssyncset.done $0x0  }
0x58: {  	s7 =	simm.s32 $0x1480;
	[sflag:s25] =	ssyncadd.s32 $0xFFFFC000  }
0x59: {  	[spmem:s1] =	stream.indirect.scatter.add.f32 [tilespmem:s23], [sflag:$0x3], $0x80, s7, s21, $0xb8;
	[tilespmem:$0x1E800] =	vst v63  }
0x5a: {  	_ =	swait.ge [sflag:s19], $0x4000  }
0x5b: {  	s31 =	simm.s32 $0x100;
	s0 =	simm.s32 $0x800;
	[sflag:s19] =	ssyncset.done $0x0  }
.LBB2_8:
0x5c: {  	s2 =	sadd.s32 $0x80, s31  }
0x5d: {  	[sflag:s19] =	ssyncadd.s32 $0xFFFFC000;
	s6 =	smov.u32 s0;
	s7 =	sadd.s32 $0x400, s0  }
0x5e: {  	[tilespmem:s23], [sflag:$0x2] =	stream.indirect.gather [hbm4b:s4+s21], $0x80, s2, s21, $0xb8;
	[tilespmem:$0x1E800] =	vst v63  }
0x5f: {  	p1 =	sne.s32 s0, $0x4800;
	_ =	swait.ge [sflag:s24], $0x4000  }
0x60: {  	[sflag:s24] =	ssyncset.done $0x0  }
0x61: {  	s0 =	sadd.s32 $0x1400, s31;
	[sflag:s24] =	ssyncadd.s32 $0xFFFFC000  }
0x62: {  	[spmem:s1] =	stream.indirect.scatter.add.f32 [tilespmem:s22], [sflag:$0x3], $0x80, s0, s21, $0xb8;
	[tilespmem:$0x1E800] =	vst v63  }
0x63: {  	_ =	swait.ge [sflag:s19], $0x4000  }
0x64: {  	[sflag:s19] =	ssyncset.done $0x0  }
0x65: {  	s0 =	sadd.s32 $0x100, s31;
	[sflag:s19] =	ssyncadd.s32 $0xFFFFC000  }
0x66: {  	[tilespmem:s22], [sflag:$0x1] =	stream.indirect.gather [hbm4b:s4+s21], $0x80, s0, s21, $0xb8;
	[tilespmem:$0x1E800] =	vst v63  }
0x67: {  	_ =	swait.ge [sflag:s25], $0x4000  }
.Ltmp3:
0x68: {  	[sflag:s25] =	ssyncset.done $0x0;
	(pc) =	sbr.rel @p1 .LBB2_8-.Ltmp3, $4  }
0x69: {  	s0 =	sadd.s32 $0x1480, s31;
	[sflag:s25] =	ssyncadd.s32 $0xFFFFC000  }
0x6a: {  	[spmem:s1] =	stream.indirect.scatter.add.f32 [tilespmem:s23], [sflag:$0x3], $0x80, s0, s21, $0xb8;
	[tilespmem:$0x1E800] =	vst v63  }
0x6b: {  	_ =	swait.ge [sflag:s19], $0x4000  }
0x6c: {  	s31 =	sshra.s32 s6, $0x2;
	s0 =	smov.u32 s7;
	[sflag:s19] =	ssyncset.done $0x0  }
0x6d: {  	s0 =	sadd.s32 $0x80, s31;
	[sflag:s19] =	ssyncadd.s32 $0xFFFFC000  }
0x6e: {  	[tilespmem:s23], [sflag:$0x2] =	stream.indirect.gather [hbm4b:s4+s21], $0x80, s0, s21, $0xb8;
	[tilespmem:$0x1E800] =	vst v63  }
0x6f: {  	_ =	swait.ge [sflag:s24], $0x4000  }
0x70: {  	[sflag:s24] =	ssyncset.done $0x0  }
0x71: {  	s6 =	sadd.s32 $0x1400, s31;
	[sflag:s24] =	ssyncadd.s32 $0xFFFFC000  }
0x72: {  	[spmem:s1] =	stream.indirect.scatter.add.f32 [tilespmem:s22], [sflag:$0x3], $0x80, s6, s21, $0xb8;
	[tilespmem:$0x1E800] =	vst v63  }
0x73: {  	_ =	swait.ge [sflag:s19], $0x4000  }
0x74: {  	[sflag:s19] =	ssyncset.done $0x0  }
0x75: {  	s7 =	sadd.s32 $0x100, s31;
	[sflag:s19] =	ssyncadd.s32 $0xFFFFC000  }
0x76: {  	[tilespmem:s22], [sflag:$0x1] =	stream.indirect.gather [hbm4b:s4+s21], $0x80, s7, s21, $0xb8;
	[tilespmem:$0x1E800] =	vst v63  }
0x77: {  	_ =	swait.ge [sflag:s25], $0x4000  }
0x78: {  	[sflag:s25] =	ssyncset.done $0x0  }
0x79: {  	s2 =	sadd.s32 $0x1480, s31;
	[sflag:s25] =	ssyncadd.s32 $0xFFFFC000  }
0x7a: {  	[spmem:s1] =	stream.indirect.scatter.add.f32 [tilespmem:s23], [sflag:$0x3], $0x80, s2, s21, $0xb8;
	[tilespmem:$0x1E800] =	vst v63  }
0x7b: {  	_ =	swait.ge [sflag:s19], $0x4000  }
0x7c: {  	[sflag:s19] =	ssyncset.done $0x0  }
0x7d: {  	[sflag:s19] =	ssyncadd.s32 $0xFFFFC000  }
0x7e: {  	[tilespmem:s23], [sflag:$0x2] =	stream.indirect.gather [hbm4b:s4+s21], $0x80, s26, s21, $0xb8;
	[tilespmem:$0x1E800] =	vst v63  }
0x7f: {  	_ =	swait.ge [sflag:s24], $0x4000  }
0x80: {  	[sflag:s24] =	ssyncset.done $0x0  }
0x81: {  	[sflag:s24] =	ssyncadd.s32 $0xFFFFC000  }
0x82: {  	[spmem:s1] =	stream.indirect.scatter.add.f32 [tilespmem:s22], [sflag:$0x3], $0x80, s28, s21, $0xb8;
	[tilespmem:$0x1E800] =	vst v63  }
0x83: {  	_ =	swait.ge [sflag:s19], $0x4000  }
0x84: {  	[sflag:s19] =	ssyncset.done $0x0  }
0x85: {  	[sflag:s19] =	ssyncadd.s32 $0xFFFFC000  }
0x86: {  	_ =	swait.ge [sflag:s25], $0x4000  }
0x87: {  	[sflag:s25] =	ssyncset.done $0x0  }
0x88: {  	[sflag:s25] =	ssyncadd.s32 $0xFFFFC000  }
0x89: {  	[spmem:s1] =	stream.indirect.scatter.add.f32 [tilespmem:s23], [sflag:$0x3], $0x80, s29, s21, $0xb8;
	[tilespmem:$0x1E800] =	vst v63  }
0x8a: {  	_ =	swait.ge [sflag:s19], $0x4000  }
0x8b: {  	[sflag:s19] =	ssyncset.done $0x0  }
0x8c: {  	s6 =	simm.s32 $0x0;
	[sflag:s19] =	ssyncadd.s32 $0xFFFFC000  }
0x8d: {  	[tilespmem:s6], [sflag:$0x3] =	stream.linear.gather [hbm4b:s14+s6], $0x1400, $0x38;
	[tilespmem:$0x1E800] =	vst v63  }
0x8e: {  	_ =	swait.ge [sflag:s19], $0x1400  }
0x8f: {  	[sflag:s19] =	ssyncset.done $0x0  }
0x90: {  	[sflag:s19] =	ssyncadd.s32 $0xFFFFEC00  }
0x91: {  	[tilespmem:s20], [sflag:$0x3] =	stream.linear.gather [hbm4b:s15+s6], $0x1400, $0x38;
	[tilespmem:$0x1E800] =	vst v63  }
0x92: {  	_ =	swait.ge [sflag:s19], $0x1400  }
0x93: {  	[sflag:s19] =	ssyncset.done $0x0  }
0x94: {  	[sflag:s19] =	ssyncadd.s32 $0xFFFFEC00  }
0x95: {  	[tilespmem:s22], [sflag:$0x1] =	stream.indirect.gather [hbm4b:s4+s21], $0x80, s6, s21, $0xb8;
	[tilespmem:$0x1E800] =	vst v63  }
0x96: {  	s7 =	simm.s32 $0x80  }
0x97: {  	[tilespmem:s23], [sflag:$0x2] =	stream.indirect.gather [hbm4b:s4+s21], $0x80, s7, s21, $0xb8;
	[tilespmem:$0x1E800] =	vst v63  }
0x98: {  	_ =	swait.ge [sflag:s24], $0x4000  }
0x99: {  	[sflag:s24] =	ssyncset.done $0x0  }
0x9a: {  	s2 =	simm.s32 $0x1400;
	[sflag:s24] =	ssyncadd.s32 $0xFFFFC000  }
0x9b: {  	[spmem:s1] =	stream.indirect.scatter.add.f32 [tilespmem:s22], [sflag:$0x3], $0x80, s2, s21, $0xb8;
	[tilespmem:$0x1E800] =	vst v63  }
0x9c: {  	_ =	swait.ge [sflag:s19], $0x4000  }
0x9d: {  	[sflag:s19] =	ssyncset.done $0x0  }
0x9e: {  	s6 =	simm.s32 $0x100;
	[sflag:s19] =	ssyncadd.s32 $0xFFFFC000  }
0x9f: {  	[tilespmem:s22], [sflag:$0x1] =	stream.indirect.gather [hbm4b:s4+s21], $0x80, s6, s21, $0xb8;
	[tilespmem:$0x1E800] =	vst v63  }
0xa0: {  	_ =	swait.ge [sflag:s25], $0x4000  }
0xa1: {  	[sflag:s25] =	ssyncset.done $0x0  }
0xa2: {  	s7 =	simm.s32 $0x1480;
	[sflag:s25] =	ssyncadd.s32 $0xFFFFC000  }
0xa3: {  	[spmem:s1] =	stream.indirect.scatter.add.f32 [tilespmem:s23], [sflag:$0x3], $0x80, s7, s21, $0xb8;
	[tilespmem:$0x1E800] =	vst v63  }
0xa4: {  	_ =	swait.ge [sflag:s19], $0x4000  }
0xa5: {  	s31 =	simm.s32 $0x100;
	s0 =	simm.s32 $0x800;
	[sflag:s19] =	ssyncset.done $0x0  }
.LBB2_10:
0xa6: {  	s2 =	sadd.s32 $0x80, s31  }
0xa7: {  	[sflag:s19] =	ssyncadd.s32 $0xFFFFC000;
	s6 =	smov.u32 s0;
	s7 =	sadd.s32 $0x400, s0  }
0xa8: {  	[tilespmem:s23], [sflag:$0x2] =	stream.indirect.gather [hbm4b:s4+s21], $0x80, s2, s21, $0xb8;
	[tilespmem:$0x1E800] =	vst v63  }
0xa9: {  	p1 =	seq.s32 s0, $0x4800;
	_ =	swait.ge [sflag:s24], $0x4000  }
0xaa: {  	[sflag:s24] =	ssyncset.done $0x0  }
0xab: {  	s0 =	sadd.s32 $0x1400, s31;
	[sflag:s24] =	ssyncadd.s32 $0xFFFFC000  }
0xac: {  	[spmem:s1] =	stream.indirect.scatter.add.f32 [tilespmem:s22], [sflag:$0x3], $0x80, s0, s21, $0xb8;
	[tilespmem:$0x1E800] =	vst v63  }
0xad: {  	_ =	swait.ge [sflag:s19], $0x4000  }
0xae: {  	[sflag:s19] =	ssyncset.done $0x0  }
0xaf: {  	s0 =	sadd.s32 $0x100, s31;
	[sflag:s19] =	ssyncadd.s32 $0xFFFFC000  }
0xb0: {  	[tilespmem:s22], [sflag:$0x1] =	stream.indirect.gather [hbm4b:s4+s21], $0x80, s0, s21, $0xb8;
	[tilespmem:$0x1E800] =	vst v63  }
0xb1: {  	_ =	swait.ge [sflag:s25], $0x4000  }
.Ltmp4:
0xb2: {  	[sflag:s25] =	ssyncset.done $0x0;
	(pc) =	sbr.rel @!p1 .LBB2_10-.Ltmp4, $4  }
0xb3: {  	s0 =	sadd.s32 $0x1480, s31;
	[sflag:s25] =	ssyncadd.s32 $0xFFFFC000  }
0xb4: {  	[spmem:s1] =	stream.indirect.scatter.add.f32 [tilespmem:s23], [sflag:$0x3], $0x80, s0, s21, $0xb8;
	[tilespmem:$0x1E800] =	vst v63  }
0xb5: {  	_ =	swait.ge [sflag:s19], $0x4000  }
0xb6: {  	s31 =	sshra.s32 s6, $0x2;
	s0 =	smov.u32 s7;
	[sflag:s19] =	ssyncset.done $0x0  }
.Ltmp5:
0xb7: {  	_ = 	snop;
	(pc) =	sbr.rel .LBB2_11-.Ltmp5, $1  }
0xb8: {  	_ =	sdelay $0x3  }
.LBB2_2:
0xb9: {  	s0 =	rddreg [dreg:$0x4]  }
0xba: {  	[spmem:s30], [sflag:s18] =	dma.local [hbm:s0], $0x2800  }
0xbb: {  	_ =	swait.ge [sflag:s19], $0x2800  }
0xbc: {  	[sflag:s19] =	ssyncset.done $0x0  }
0xbd: {  	[sflag:s19] =	ssyncadd.s32 $0xFFFFD800  }
0xbe: {  	[bflag:$0x0] =	sbarrier.arrive $0xFFFF  }
0xbf: {  	s6 =	simm.s32 $0x0;
	s2 =	rddreg [dreg:$0x5]  }
0xc0: {  	[tilespmem:s6], [sflag:$0x3] =	stream.linear.gather [hbm4b:s2+s6], $0x1400, $0x38;
	[tilespmem:$0x1E800] =	vst v63  }
0xc1: {  	_ =	swait.ge [sflag:s19], $0x1400  }
0xc2: {  	[sflag:s19] =	ssyncset.done $0x0  }
0xc3: {  	[sflag:s19] =	ssyncadd.s32 $0xFFFFEC00  }
0xc4: {  	[tilespmem:s20], [sflag:$0x3] =	stream.linear.gather [hbm4b:s8+s6], $0x1400, $0x38;
	[tilespmem:$0x1E800] =	vst v63  }
0xc5: {  	_ =	swait.ge [sflag:s19], $0x1400  }
0xc6: {  	[sflag:s19] =	ssyncset.done $0x0  }
0xc7: {  	[sflag:s19] =	ssyncadd.s32 $0xFFFFEC00  }
0xc8: {  	[tilespmem:s22], [sflag:$0x1] =	stream.indirect.gather [hbm4b:s4+s21], $0x80, s6, s21, $0xb8;
	[tilespmem:$0x1E800] =	vst v63  }
0xc9: {  	s7 =	simm.s32 $0x80  }
0xca: {  	[tilespmem:s23], [sflag:$0x2] =	stream.indirect.gather [hbm4b:s4+s21], $0x80, s7, s21, $0xb8;
	[tilespmem:$0x1E800] =	vst v63  }
0xcb: {  	_ =	swait.ge [sflag:s24], $0x4000  }
0xcc: {  	[sflag:s24] =	ssyncset.done $0x0  }
0xcd: {  	s2 =	simm.s32 $0x1400;
	[sflag:s24] =	ssyncadd.s32 $0xFFFFC000  }
0xce: {  	[spmem:s1] =	stream.indirect.scatter.add.f32 [tilespmem:s22], [sflag:$0x3], $0x80, s2, s21, $0xb8;
	[tilespmem:$0x1E800] =	vst v63  }
0xcf: {  	_ =	swait.ge [sflag:s19], $0x4000  }
0xd0: {  	[sflag:s19] =	ssyncset.done $0x0  }
0xd1: {  	s6 =	simm.s32 $0x100;
	[sflag:s19] =	ssyncadd.s32 $0xFFFFC000  }
0xd2: {  	[tilespmem:s22], [sflag:$0x1] =	stream.indirect.gather [hbm4b:s4+s21], $0x80, s6, s21, $0xb8;
	[tilespmem:$0x1E800] =	vst v63  }
0xd3: {  	_ =	swait.ge [sflag:s25], $0x4000  }
0xd4: {  	[sflag:s25] =	ssyncset.done $0x0  }
0xd5: {  	s7 =	simm.s32 $0x1480;
	[sflag:s25] =	ssyncadd.s32 $0xFFFFC000  }
0xd6: {  	[spmem:s1] =	stream.indirect.scatter.add.f32 [tilespmem:s23], [sflag:$0x3], $0x80, s7, s21, $0xb8;
	[tilespmem:$0x1E800] =	vst v63  }
0xd7: {  	_ =	swait.ge [sflag:s19], $0x4000  }
0xd8: {  	s31 =	simm.s32 $0x100;
	s0 =	simm.s32 $0x800;
	[sflag:s19] =	ssyncset.done $0x0  }
.LBB2_3:
0xd9: {  	s2 =	sadd.s32 $0x80, s31  }
0xda: {  	[sflag:s19] =	ssyncadd.s32 $0xFFFFC000;
	s6 =	smov.u32 s0;
	s7 =	sadd.s32 $0x400, s0  }
0xdb: {  	[tilespmem:s23], [sflag:$0x2] =	stream.indirect.gather [hbm4b:s4+s21], $0x80, s2, s21, $0xb8;
	[tilespmem:$0x1E800] =	vst v63  }
0xdc: {  	p1 =	sne.s32 s0, $0x4800;
	_ =	swait.ge [sflag:s24], $0x4000  }
0xdd: {  	[sflag:s24] =	ssyncset.done $0x0  }
0xde: {  	s0 =	sadd.s32 $0x1400, s31;
	[sflag:s24] =	ssyncadd.s32 $0xFFFFC000  }
0xdf: {  	[spmem:s1] =	stream.indirect.scatter.add.f32 [tilespmem:s22], [sflag:$0x3], $0x80, s0, s21, $0xb8;
	[tilespmem:$0x1E800] =	vst v63  }
0xe0: {  	_ =	swait.ge [sflag:s19], $0x4000  }
0xe1: {  	[sflag:s19] =	ssyncset.done $0x0  }
0xe2: {  	s0 =	sadd.s32 $0x100, s31;
	[sflag:s19] =	ssyncadd.s32 $0xFFFFC000  }
0xe3: {  	[tilespmem:s22], [sflag:$0x1] =	stream.indirect.gather [hbm4b:s4+s21], $0x80, s0, s21, $0xb8;
	[tilespmem:$0x1E800] =	vst v63  }
0xe4: {  	_ =	swait.ge [sflag:s25], $0x4000  }
.Ltmp6:
0xe5: {  	[sflag:s25] =	ssyncset.done $0x0;
	(pc) =	sbr.rel @p1 .LBB2_3-.Ltmp6, $4  }
0xe6: {  	s0 =	sadd.s32 $0x1480, s31;
	[sflag:s25] =	ssyncadd.s32 $0xFFFFC000  }
0xe7: {  	[spmem:s1] =	stream.indirect.scatter.add.f32 [tilespmem:s23], [sflag:$0x3], $0x80, s0, s21, $0xb8;
	[tilespmem:$0x1E800] =	vst v63  }
0xe8: {  	_ =	swait.ge [sflag:s19], $0x4000  }
0xe9: {  	s31 =	sshra.s32 s6, $0x2;
	s0 =	smov.u32 s7;
	[sflag:s19] =	ssyncset.done $0x0  }
0xea: {  	s0 =	sadd.s32 $0x80, s31;
	[sflag:s19] =	ssyncadd.s32 $0xFFFFC000  }
0xeb: {  	[tilespmem:s23], [sflag:$0x2] =	stream.indirect.gather [hbm4b:s4+s21], $0x80, s0, s21, $0xb8;
	[tilespmem:$0x1E800] =	vst v63  }
0xec: {  	_ =	swait.ge [sflag:s24], $0x4000  }
0xed: {  	[sflag:s24] =	ssyncset.done $0x0  }
0xee: {  	s6 =	sadd.s32 $0x1400, s31;
	[sflag:s24] =	ssyncadd.s32 $0xFFFFC000  }
0xef: {  	[spmem:s1] =	stream.indirect.scatter.add.f32 [tilespmem:s22], [sflag:$0x3], $0x80, s6, s21, $0xb8;
	[tilespmem:$0x1E800] =	vst v63  }
0xf0: {  	_ =	swait.ge [sflag:s19], $0x4000  }
0xf1: {  	[sflag:s19] =	ssyncset.done $0x0  }
0xf2: {  	s7 =	sadd.s32 $0x100, s31;
	[sflag:s19] =	ssyncadd.s32 $0xFFFFC000  }
0xf3: {  	[tilespmem:s22], [sflag:$0x1] =	stream.indirect.gather [hbm4b:s4+s21], $0x80, s7, s21, $0xb8;
	[tilespmem:$0x1E800] =	vst v63  }
0xf4: {  	_ =	swait.ge [sflag:s25], $0x4000  }
0xf5: {  	[sflag:s25] =	ssyncset.done $0x0  }
0xf6: {  	s2 =	sadd.s32 $0x1480, s31;
	[sflag:s25] =	ssyncadd.s32 $0xFFFFC000  }
0xf7: {  	[spmem:s1] =	stream.indirect.scatter.add.f32 [tilespmem:s23], [sflag:$0x3], $0x80, s2, s21, $0xb8;
	[tilespmem:$0x1E800] =	vst v63  }
0xf8: {  	_ =	swait.ge [sflag:s19], $0x4000  }
0xf9: {  	[sflag:s19] =	ssyncset.done $0x0  }
0xfa: {  	[sflag:s19] =	ssyncadd.s32 $0xFFFFC000  }
0xfb: {  	[tilespmem:s23], [sflag:$0x2] =	stream.indirect.gather [hbm4b:s4+s21], $0x80, s26, s21, $0xb8;
	[tilespmem:$0x1E800] =	vst v63  }
0xfc: {  	_ =	swait.ge [sflag:s24], $0x4000  }
0xfd: {  	[sflag:s24] =	ssyncset.done $0x0  }
0xfe: {  	[sflag:s24] =	ssyncadd.s32 $0xFFFFC000  }
0xff: {  	[spmem:s1] =	stream.indirect.scatter.add.f32 [tilespmem:s22], [sflag:$0x3], $0x80, s28, s21, $0xb8;
	[tilespmem:$0x1E800] =	vst v63  }
0x100: {  	_ =	swait.ge [sflag:s19], $0x4000  }
0x101: {  	[sflag:s19] =	ssyncset.done $0x0  }
0x102: {  	[sflag:s19] =	ssyncadd.s32 $0xFFFFC000  }
0x103: {  	_ =	swait.ge [sflag:s25], $0x4000  }
0x104: {  	[sflag:s25] =	ssyncset.done $0x0  }
0x105: {  	[sflag:s25] =	ssyncadd.s32 $0xFFFFC000  }
0x106: {  	[spmem:s1] =	stream.indirect.scatter.add.f32 [tilespmem:s23], [sflag:$0x3], $0x80, s29, s21, $0xb8;
	[tilespmem:$0x1E800] =	vst v63  }
0x107: {  	_ =	swait.ge [sflag:s19], $0x4000  }
0x108: {  	[sflag:s19] =	ssyncset.done $0x0  }
0x109: {  	s6 =	simm.s32 $0x0;
	[sflag:s19] =	ssyncadd.s32 $0xFFFFC000  }
0x10a: {  	[tilespmem:s6], [sflag:$0x3] =	stream.linear.gather [hbm4b:s9+s6], $0x1400, $0x38;
	[tilespmem:$0x1E800] =	vst v63  }
0x10b: {  	_ =	swait.ge [sflag:s19], $0x1400  }
0x10c: {  	[sflag:s19] =	ssyncset.done $0x0  }
0x10d: {  	[sflag:s19] =	ssyncadd.s32 $0xFFFFEC00  }
0x10e: {  	[tilespmem:s20], [sflag:$0x3] =	stream.linear.gather [hbm4b:s10+s6], $0x1400, $0x38;
	[tilespmem:$0x1E800] =	vst v63  }
0x10f: {  	_ =	swait.ge [sflag:s19], $0x1400  }
0x110: {  	[sflag:s19] =	ssyncset.done $0x0  }
0x111: {  	[sflag:s19] =	ssyncadd.s32 $0xFFFFEC00  }
0x112: {  	[tilespmem:s22], [sflag:$0x1] =	stream.indirect.gather [hbm4b:s4+s21], $0x80, s6, s21, $0xb8;
	[tilespmem:$0x1E800] =	vst v63  }
0x113: {  	s7 =	simm.s32 $0x80  }
0x114: {  	[tilespmem:s23], [sflag:$0x2] =	stream.indirect.gather [hbm4b:s4+s21], $0x80, s7, s21, $0xb8;
	[tilespmem:$0x1E800] =	vst v63  }
0x115: {  	_ =	swait.ge [sflag:s24], $0x4000  }
0x116: {  	[sflag:s24] =	ssyncset.done $0x0  }
0x117: {  	s2 =	simm.s32 $0x1400;
	[sflag:s24] =	ssyncadd.s32 $0xFFFFC000  }
0x118: {  	[spmem:s1] =	stream.indirect.scatter.add.f32 [tilespmem:s22], [sflag:$0x3], $0x80, s2, s21, $0xb8;
	[tilespmem:$0x1E800] =	vst v63  }
0x119: {  	_ =	swait.ge [sflag:s19], $0x4000  }
0x11a: {  	[sflag:s19] =	ssyncset.done $0x0  }
0x11b: {  	s6 =	simm.s32 $0x100;
	[sflag:s19] =	ssyncadd.s32 $0xFFFFC000  }
0x11c: {  	[tilespmem:s22], [sflag:$0x1] =	stream.indirect.gather [hbm4b:s4+s21], $0x80, s6, s21, $0xb8;
	[tilespmem:$0x1E800] =	vst v63  }
0x11d: {  	_ =	swait.ge [sflag:s25], $0x4000  }
0x11e: {  	[sflag:s25] =	ssyncset.done $0x0  }
0x11f: {  	s7 =	simm.s32 $0x1480;
	[sflag:s25] =	ssyncadd.s32 $0xFFFFC000  }
0x120: {  	[spmem:s1] =	stream.indirect.scatter.add.f32 [tilespmem:s23], [sflag:$0x3], $0x80, s7, s21, $0xb8;
	[tilespmem:$0x1E800] =	vst v63  }
0x121: {  	_ =	swait.ge [sflag:s19], $0x4000  }
0x122: {  	s31 =	simm.s32 $0x100;
	s0 =	simm.s32 $0x800;
	[sflag:s19] =	ssyncset.done $0x0  }
.LBB2_5:
0x123: {  	s2 =	sadd.s32 $0x80, s31  }
0x124: {  	[sflag:s19] =	ssyncadd.s32 $0xFFFFC000;
	s6 =	smov.u32 s0;
	s7 =	sadd.s32 $0x400, s0  }
0x125: {  	[tilespmem:s23], [sflag:$0x2] =	stream.indirect.gather [hbm4b:s4+s21], $0x80, s2, s21, $0xb8;
	[tilespmem:$0x1E800] =	vst v63  }
0x126: {  	p1 =	sne.s32 s0, $0x4800;
	_ =	swait.ge [sflag:s24], $0x4000  }
0x127: {  	[sflag:s24] =	ssyncset.done $0x0  }
0x128: {  	s0 =	sadd.s32 $0x1400, s31;
	[sflag:s24] =	ssyncadd.s32 $0xFFFFC000  }
0x129: {  	[spmem:s1] =	stream.indirect.scatter.add.f32 [tilespmem:s22], [sflag:$0x3], $0x80, s0, s21, $0xb8;
	[tilespmem:$0x1E800] =	vst v63  }
0x12a: {  	_ =	swait.ge [sflag:s19], $0x4000  }
0x12b: {  	[sflag:s19] =	ssyncset.done $0x0  }
0x12c: {  	s0 =	sadd.s32 $0x100, s31;
	[sflag:s19] =	ssyncadd.s32 $0xFFFFC000  }
0x12d: {  	[tilespmem:s22], [sflag:$0x1] =	stream.indirect.gather [hbm4b:s4+s21], $0x80, s0, s21, $0xb8;
	[tilespmem:$0x1E800] =	vst v63  }
0x12e: {  	_ =	swait.ge [sflag:s25], $0x4000  }
.Ltmp7:
0x12f: {  	[sflag:s25] =	ssyncset.done $0x0;
	(pc) =	sbr.rel @p1 .LBB2_5-.Ltmp7, $4  }
0x130: {  	s0 =	sadd.s32 $0x1480, s31;
	[sflag:s25] =	ssyncadd.s32 $0xFFFFC000  }
0x131: {  	[spmem:s1] =	stream.indirect.scatter.add.f32 [tilespmem:s23], [sflag:$0x3], $0x80, s0, s21, $0xb8;
	[tilespmem:$0x1E800] =	vst v63  }
0x132: {  	_ =	swait.ge [sflag:s19], $0x4000  }
0x133: {  	s31 =	sshra.s32 s6, $0x2;
	s0 =	smov.u32 s7;
	[sflag:s19] =	ssyncset.done $0x0  }
0x134: {  	s0 =	sadd.s32 $0x80, s31;
	[sflag:s19] =	ssyncadd.s32 $0xFFFFC000  }
0x135: {  	[tilespmem:s23], [sflag:$0x2] =	stream.indirect.gather [hbm4b:s4+s21], $0x80, s0, s21, $0xb8;
	[tilespmem:$0x1E800] =	vst v63  }
0x136: {  	_ =	swait.ge [sflag:s24], $0x4000  }
0x137: {  	[sflag:s24] =	ssyncset.done $0x0  }
0x138: {  	s6 =	sadd.s32 $0x1400, s31;
	[sflag:s24] =	ssyncadd.s32 $0xFFFFC000  }
0x139: {  	[spmem:s1] =	stream.indirect.scatter.add.f32 [tilespmem:s22], [sflag:$0x3], $0x80, s6, s21, $0xb8;
	[tilespmem:$0x1E800] =	vst v63  }
0x13a: {  	_ =	swait.ge [sflag:s19], $0x4000  }
0x13b: {  	[sflag:s19] =	ssyncset.done $0x0  }
0x13c: {  	s7 =	sadd.s32 $0x100, s31;
	[sflag:s19] =	ssyncadd.s32 $0xFFFFC000  }
0x13d: {  	[tilespmem:s22], [sflag:$0x1] =	stream.indirect.gather [hbm4b:s4+s21], $0x80, s7, s21, $0xb8;
	[tilespmem:$0x1E800] =	vst v63  }
0x13e: {  	_ =	swait.ge [sflag:s25], $0x4000  }
0x13f: {  	[sflag:s25] =	ssyncset.done $0x0  }
.Ltmp8:
0x140: {  	s31 =	sadd.s32 $0x1480, s31;
	[sflag:s25] =	ssyncadd.s32 $0xFFFFC000;
	(pc) =	sbr.rel .LBB2_12-.Ltmp8, $4  }
0x141: {  	[spmem:s1] =	stream.indirect.scatter.add.f32 [tilespmem:s23], [sflag:$0x3], $0x80, s31, s21, $0xb8;
	[tilespmem:$0x1E800] =	vst v63  }
0x142: {  	_ =	swait.ge [sflag:s19], $0x4000  }
0x143: {  	[sflag:s19] =	ssyncset.done $0x0  }
0x144: {  	[sflag:s19] =	ssyncadd.s32 $0xFFFFC000  }
.LBB2_13:
0x145: {  	_ =	sfence.sel $0x180000  }
0x146: {  	[bflag:$0x0] =	sbarrier.arrive $0xFFFF  }
0x147: {  	_ =	strace $0x90000050  }
0x148: {  	s0 =	stileid.u32;
	[bflag:$0x2] =	sbarrier.arrive $0xFFFF  }
0x149: {  	p0 =	sne.s32 s0, $0x0;
	s0 =	rddreg [dreg:$0x3]  }
0x14a: {  	s0 =	sadd.s32 @!p0 $0x100000, s0  }
0x14b: {  	[sflag:s0] =	ssyncadd.tile.s32 @!p0 $0x1;
	_ =	shalt  }
.Lfunc_end2:
_tile_overlayer_lowered:
.L_overlay_start_2:
0x14c: {  	(tag) =	ssettag $0x2  }
0x14d: {  	s0 =	rddreg [dreg:$0x0];
	s2 =	stileid.u32  }
0x14e: {  	s1 =	rddreg [dreg:$0x1];
	p0 =	sne.s32 s2, $0x0  }
0x14f: {  	s3 =	rddreg [dreg:$0x2];
	[bflag:$0x3] =	sbarrier.arrive $0xFFFF;
	s2 =	simm.s32 @!p0 $0x1C03  }
0x150: {  	[timem:s3], [sflag:s2] =	dma.local @!p0 [hbm:s0], s1  }
0x151: {  	s0 =	simm.s32 @!p0 $0x3  }
0x152: {  	_ =	swait.ge @!p0 [sflag:s0], s1  }
0x153: {  	s1 =	ssub.s32 @!p0 $0x0, s1;
	[sflag:s0] =	ssyncset.done @!p0 $0x0  }
0x154: {  	[sflag:s0] =	ssyncadd.s32 @!p0 s1  }
0x155: {  	[bflag:$0x3] =	sbarrier.arrive $0xFFFF  }
0x156: {  	_ =	shalt  }

</sc_bundles>
